<compile_context>
chip_gen: v7x
topology: tpu7x:2x2x1
jax: 0.10.2.dev20260603
libtpu: 0.0.44.dev20260713+nightly
codegen_flags: <defaults>
</compile_context>

<pallas_src>
import functools

import jax
import jax.numpy as jnp
from jax import lax
from jax.experimental import pallas as pl
from jax.experimental.pallas import tpu as pltpu
from jax.experimental.pallas import tpu_sc as plsc

NN = 10000
D = 128
DH = D // 2
NG = 16
NCLS = 10
NP = 10240
NC, NS = 2, 16
NW = NC * NS
CHUNK = 128
EP = 327680
ROWS_S = EP // NS // CHUNK
ROWS_W = EP // NW // CHUNK
STRIPE = NP // NS

_mesh = plsc.VectorSubcoreMesh(core_axis_name="c", subcore_axis_name="s")


@functools.partial(
    pl.kernel,
    out_type=jax.ShapeDtypeStruct((NC, NP, 16), jnp.float32),
    mesh=_mesh,
    compiler_params=pltpu.CompilerParams(use_tc_tiling_on_sc=False),
    scratch_types=[
        pltpu.VMEM((ROWS_W, CHUNK), jnp.int32),
        pltpu.VMEM((CHUNK, 16), jnp.float32),
        pltpu.VMEM_SHARED((NP, 16), jnp.float32),
    ],
)
def _sc_degree(dst2d, ones, zeros16, degp, didx, ones_v, deg_sh):
    c = lax.axis_index("c")
    s = lax.axis_index("s")
    wid = c * NS + s
    pltpu.sync_copy(zeros16, deg_sh.at[pl.ds(s * STRIPE, STRIPE)])
    pltpu.sync_copy(ones, ones_v)
    pltpu.sync_copy(dst2d.at[pl.ds(wid * ROWS_W, ROWS_W)], didx)
    plsc.subcore_barrier()

    @pl.loop(0, ROWS_W)
    def _(k):
        pltpu.sync_copy(ones_v, deg_sh.at[didx.at[k]], add=True)

    plsc.subcore_barrier()
    pltpu.sync_copy(deg_sh.at[pl.ds(s * STRIPE, STRIPE)],
                    degp.at[c, pl.ds(s * STRIPE, STRIPE)])


NBUF = 5


@functools.partial(
    pl.kernel,
    out_type=jax.ShapeDtypeStruct((NC, NP, DH), jnp.float32),
    mesh=_mesh,
    compiler_params=pltpu.CompilerParams(use_tc_tiling_on_sc=False),
    scratch_types=[
        pltpu.VMEM((ROWS_S, CHUNK), jnp.int32),
        pltpu.VMEM((ROWS_S, CHUNK), jnp.int32),
        [pltpu.VMEM((CHUNK, DH), jnp.float32) for _ in range(NBUF)],
        pltpu.VMEM_SHARED((NP, DH), jnp.float32),
        [pltpu.SemaphoreType.DMA for _ in range(NBUF)],
        [pltpu.SemaphoreType.DMA for _ in range(NBUF)],
    ],
)
def _sc_agg(src2d, dst2d, hs_a, hs_b, zeros, part, sidx, didx, bufs, agg_sh,
            sems_g, sems_s):
    c = lax.axis_index("c")
    s = lax.axis_index("s")
    pltpu.sync_copy(zeros, agg_sh.at[pl.ds(s * STRIPE, STRIPE)])
    pltpu.sync_copy(src2d.at[pl.ds(s * ROWS_S, ROWS_S)], sidx)
    pltpu.sync_copy(dst2d.at[pl.ds(s * ROWS_S, ROWS_S)], didx)
    plsc.subcore_barrier()

    def edge_loop(tbl):
        for j in range(NBUF):
            pltpu.async_copy(tbl.at[sidx.at[j]], bufs[j], sems_g[j])

        @pl.loop(0, ROWS_S, step=NBUF)
        def _(k):
            descs = []
            for j in range(NBUF):
                pltpu.make_async_copy(
                    tbl.at[sidx.at[k + j]], bufs[j], sems_g[j]).wait()
                descs.append(pltpu.async_copy(
                    bufs[j], agg_sh.at[didx.at[k + j]], sems_s[j], add=True))
            for j in range(NBUF):
                descs[j].wait()

                @pl.when(k + j + NBUF < ROWS_S)
                def _():
                    pltpu.async_copy(
                        tbl.at[sidx.at[k + j + NBUF]], bufs[j], sems_g[j])

    @pl.when(c == 0)
    def _():
        edge_loop(hs_a)

    @pl.when(c == 1)
    def _():
        edge_loop(hs_b)

    plsc.subcore_barrier()
    pltpu.sync_copy(agg_sh.at[pl.ds(s * STRIPE, STRIPE)],
                    part.at[c, pl.ds(s * STRIPE, STRIPE)])


def _tc_prep_body(x_ref, we_ref, be_ref, degp_ref, hsa_ref, hsb_ref,
                  dinv_ref):
    x = x_ref[...]
    h = jnp.maximum(
        jnp.dot(x, we_ref[...], preferred_element_type=jnp.float32)
        + be_ref[...], 0.0)
    deg = degp_ref[0, :, 0] + degp_ref[1, :, 0] + 1.0
    dinv = lax.rsqrt(jnp.maximum(deg, 1.0))
    dinv_col = dinv[:, None]
    dinv_ref[...] = dinv_col
    hs = h * dinv_col[0:NN, :]
    hsa_ref[0:NN, :] = hs[:, 0:DH]
    hsa_ref[NN:NP, :] = jnp.zeros((NP - NN, DH), jnp.float32)
    hsb_ref[0:NN, :] = hs[:, DH:D]
    hsb_ref[NN:NP, :] = jnp.zeros((NP - NN, DH), jnp.float32)


def _tc_conv_body(part_ref, hsa_ref, hsb_ref, dinv_ref, w_ref, b_ref, g_ref,
                  be_ref, outa_ref, outb_ref):
    dinv = dinv_ref[...]
    ssum = jnp.concatenate(
        [part_ref[0] + hsa_ref[...], part_ref[1] + hsb_ref[...]], axis=1)
    agg = ssum[0:NN] * dinv[0:NN]
    z = jnp.dot(agg, w_ref[...], preferred_element_type=jnp.float32) + b_ref[...]
    mu = jnp.mean(z, axis=0, keepdims=True)
    zc = z - mu
    var = jnp.mean(zc * zc, axis=0, keepdims=True)
    h = jnp.maximum(zc * lax.rsqrt(var + 1e-5) * g_ref[...] + be_ref[...], 0.0)
    hs = h * dinv[0:NN]
    outa_ref[0:NN, :] = hs[:, 0:DH]
    outa_ref[NN:NP, :] = jnp.zeros((NP - NN, DH), jnp.float32)
    outb_ref[0:NN, :] = hs[:, DH:D]
    outb_ref[NN:NP, :] = jnp.zeros((NP - NN, DH), jnp.float32)


def _tc_final_body(part_ref, hsa_ref, hsb_ref, dinv_ref, w3_ref, b3_ref,
                   batch_ref, wd1_ref, bd1_ref, wd2_ref, bd2_ref, out_ref):
    dinv = dinv_ref[...]
    ssum = jnp.concatenate(
        [part_ref[0] + hsa_ref[...], part_ref[1] + hsb_ref[...]], axis=1)
    agg = ssum[0:NN] * dinv[0:NN]
    z = jnp.dot(agg, w3_ref[...], preferred_element_type=jnp.float32) + b3_ref[...]
    b = batch_ref[...]
    gi = lax.broadcasted_iota(jnp.int32, (NG, NN), 0)
    oh = jnp.where(b == gi, 1.0, 0.0)
    ssel = jnp.dot(oh, z, preferred_element_type=jnp.float32)
    cnt = jnp.sum(oh, axis=1, keepdims=True)
    pooled = ssel / jnp.maximum(cnt, 1.0)
    t = jnp.maximum(
        jnp.dot(pooled, wd1_ref[...], preferred_element_type=jnp.float32)
        + bd1_ref[...], 0.0)
    out_ref[...] = (jnp.dot(t, wd2_ref[...], preferred_element_type=jnp.float32)
                    + bd2_ref[...])


def _f32(shape):
    return jax.ShapeDtypeStruct(shape, jnp.float32)


@jax.jit
def _impl(x, edge_index, batch, W_enc, b_enc, W1, b1, g1, be1, W2, b2, g2,
          be2, W3, b3, Wd1, bd1, Wd2, bd2):
    src = edge_index[0]
    dst = edge_index[1]
    e = src.shape[0]
    pad = EP - e
    src2 = jnp.concatenate(
        [src, jnp.full((pad,), NN, jnp.int32)]).reshape(EP // CHUNK, CHUNK)
    dst2 = jnp.concatenate(
        [dst, jnp.full((pad,), NN, jnp.int32)]).reshape(EP // CHUNK, CHUNK)
    zeros = jnp.zeros((STRIPE, DH), jnp.float32)
    zeros16 = jnp.zeros((STRIPE, 16), jnp.float32)
    ones16 = jnp.ones((CHUNK, 16), jnp.float32)

    degp = _sc_degree(dst2, ones16, zeros16)
    hsa, hsb, dinv = pl.pallas_call(
        _tc_prep_body,
        out_shape=[_f32((NP, DH)), _f32((NP, DH)), _f32((NP, 1))],
    )(x, W_enc, b_enc.reshape(1, D), degp)

    for (W, bb, g, be) in ((W1, b1, g1, be1), (W2, b2, g2, be2)):
        part = _sc_agg(src2, dst2, hsa, hsb, zeros)
        hsa, hsb = pl.pallas_call(
            _tc_conv_body,
            out_shape=[_f32((NP, DH)), _f32((NP, DH))],
        )(part, hsa, hsb, dinv, W, bb.reshape(1, D), g.reshape(1, D),
          be.reshape(1, D))

    part = _sc_agg(src2, dst2, hsa, hsb, zeros)
    out = pl.pallas_call(
        _tc_final_body,
        out_shape=_f32((NG, NCLS)),
    )(part, hsa, hsb, dinv, W3, b3.reshape(1, D), batch.reshape(1, NN), Wd1,
      bd1.reshape(1, D), Wd2, bd2.reshape(1, NCLS))
    return out


def kernel(x, edge_index, batch, W_enc, b_enc, W1, b1, g1, be1, W2, b2, g2,
           be2, W3, b3, Wd1, bd1, Wd2, bd2):
    return _impl(x, edge_index, batch, W_enc, b_enc, W1, b1, g1, be1, W2, b2,
                 g2, be2, W3, b3, Wd1, bd1, Wd2, bd2)

# --- scband reference (transcript-rebuilt; emitter-appended) ---
"""Pipeline reference for scband-mesh-processing-network-72249939853831 (READ-ONLY COPY).

The authoritative reference and input builder live on the scoring server;
editing this copy changes nothing except your own understanding.
"""

import jax, jax.numpy as jnp
import numpy as np

N = 10000
E = 320000
D = 128
NUM_GRAPHS = 16
NUM_CLASSES = 10


def setup_inputs(seed: int = 0) -> dict:
    key = jax.random.key(seed)
    ks = jax.random.split(key, 24)
    x = jax.random.normal(ks[0], (N, D), dtype=jnp.float32)
    edge_index = jax.random.randint(ks[1], (2, E), 0, N, dtype=jnp.int32)
    batch = jnp.sort(jax.random.randint(ks[2], (N,), 0, NUM_GRAPHS, dtype=jnp.int32))
    s = 1.0 / np.sqrt(D)
    inp = {
        'x': x,
        'edge_index': edge_index,
        'batch': batch,
        'W_enc': jax.random.normal(ks[3], (D, D), jnp.float32) * s,
        'b_enc': jnp.zeros((D,), jnp.float32),
        'W1': jax.random.normal(ks[4], (D, D), jnp.float32) * s,
        'b1': jnp.zeros((D,), jnp.float32),
        'g1': jnp.ones((D,), jnp.float32),
        'be1': jnp.zeros((D,), jnp.float32),
        'W2': jax.random.normal(ks[5], (D, D), jnp.float32) * s,
        'b2': jnp.zeros((D,), jnp.float32),
        'g2': jnp.ones((D,), jnp.float32),
        'be2': jnp.zeros((D,), jnp.float32),
        'W3': jax.random.normal(ks[6], (D, D), jnp.float32) * s,
        'b3': jnp.zeros((D,), jnp.float32),
        'Wd1': jax.random.normal(ks[7], (D, D), jnp.float32) * s,
        'bd1': jnp.zeros((D,), jnp.float32),
        'Wd2': jax.random.normal(ks[8], (D, NUM_CLASSES), jnp.float32) * s,
        'bd2': jnp.zeros((NUM_CLASSES,), jnp.float32),
    }
    return inp


def reference(x, edge_index, batch, W_enc, b_enc, W1, b1, g1, be1, W2, b2, g2, be2, W3, b3, Wd1, bd1, Wd2, bd2):
    # input encoder MLP: Linear + ReLU (output_activation=ReLU)
    h = jax.nn.relu(x @ W_enc + b_enc)
    # GCN normalization with self-loops (GCNConv semantics)
    loop = jnp.arange(N, dtype=edge_index.dtype)
    src = jnp.concatenate([edge_index[0], loop])
    dst = jnp.concatenate([edge_index[1], loop])
    deg = jnp.zeros((N,), jnp.float32).at[dst].add(1.0)
    dinv = jax.lax.rsqrt(jnp.maximum(deg, 1.0))
    coef = (dinv[src] * dinv[dst])[:, None]

    def conv(z, W, b):
        msg = z[src] * coef
        agg = jnp.zeros((N, z.shape[1]), z.dtype).at[dst].add(msg)
        return agg @ W + b

    def bn(z, g, be):
        mu = z.mean(axis=0)
        var = z.var(axis=0)
        return (z - mu) * jax.lax.rsqrt(var + 1e-5) * g + be

    h = jax.nn.relu(bn(conv(h, W1, b1), g1, be1))
    h = jax.nn.relu(bn(conv(h, W2, b2), g2, be2))
    h = conv(h, W3, b3)
    # scatter_mean over graph ids
    s = jax.ops.segment_sum(h, batch, num_segments=NUM_GRAPHS)
    cnt = jax.ops.segment_sum(jnp.ones((N, 1), jnp.float32), batch, num_segments=NUM_GRAPHS)
    pooled = s / jnp.maximum(cnt, 1.0)
    # final projection MLP: Linear+ReLU, Linear
    out = jax.nn.relu(pooled @ Wd1 + bd1) @ Wd2 + bd2
    return out

if __name__ == "__main__":
    import jax
    _d = setup_inputs()
    print(jax.jit(kernel)(*tuple(_d.values())))

</pallas_src>

<mosaic_0001>
#map = affine_map<(d0, d1) -> (0, 0)>
#map1 = affine_map<(d0, d1) -> (0, 0, 0)>
module attributes {stable_mosaic.version = 14 : i64} {
  func.func @_sc_degree(%arg0: i32, %arg1: i32, %arg2: memref<2560x128xi32, #tpu.memory_space<hbm>>, %arg3: memref<128x16xf32, #tpu.memory_space<hbm>>, %arg4: memref<640x16xf32, #tpu.memory_space<hbm>>, %arg5: memref<2x10240x16xf32, #tpu.memory_space<hbm>>, %arg6: memref<80x128xi32, #tpu.memory_space<vmem>>, %arg7: memref<128x16xf32, #tpu.memory_space<vmem>>, %arg8: memref<10240x16xf32, #tpu.memory_space<vmem_shared>>) attributes {dimension_semantics = [#tpu.dimension_semantics<core_parallel>, #tpu.dimension_semantics<subcore_parallel>], iteration_bounds = array<i64: 2, 16>, scalar_prefetch = 0 : i64, scratch_operands = 3 : i64, tpu.core_type = #tpu.core_type<sc_vector_subcore>, window_params = [{transform_indices = #map}, {transform_indices = #map}, {transform_indices = #map}, {transform_indices = #map1}]} {
    %mul3A = arith.constant 16 : i32
    %mul3A_0 = arith.muli %arg0, %mul3A : i32
    %add3A = arith.addi %mul3A_0, %arg1 : i32
    %mul3A_1 = arith.constant 640 : i32
    %mul3A_2 = arith.muli %arg1, %mul3A_1 : i32
    "tpu.region"() ({
      %run_scoped3A = tpu.sem_alloc : memref<!tpu.dma_semaphore, #tpu.memory_space<semaphore_mem>>
      %dma_start3A = arith.constant 0 : i32
      %dma_start3A_14 = tpu.memref_slice %arg8[%mul3A_2, %dma_start3A] : memref<10240x16xf32, #tpu.memory_space<vmem_shared>> -> memref<640x16xf32, #tpu.memory_space<vmem_shared>>
      tpu.enqueue_dma source(%arg4 : memref<640x16xf32, #tpu.memory_space<hbm>>) target(%dma_start3A_14 : memref<640x16xf32, #tpu.memory_space<vmem_shared>>) target_semaphore(%run_scoped3A : memref<!tpu.dma_semaphore, #tpu.memory_space<semaphore_mem>>)
      %dma_wait3A = arith.constant 0 : i32
      %dma_wait3A_15 = tpu.memref_slice %arg8[%mul3A_2, %dma_wait3A] : memref<10240x16xf32, #tpu.memory_space<vmem_shared>> -> memref<640x16xf32, #tpu.memory_space<vmem_shared>>
      tpu.wait_dma2 semaphore(%run_scoped3A : memref<!tpu.dma_semaphore, #tpu.memory_space<semaphore_mem>>) src(%arg4 : memref<640x16xf32, #tpu.memory_space<hbm>>) dst(%dma_wait3A_15 : memref<640x16xf32, #tpu.memory_space<vmem_shared>>)
      tpu.yield
    }) : () -> ()
    "tpu.region"() ({
      %run_scoped3A = tpu.sem_alloc : memref<!tpu.dma_semaphore, #tpu.memory_space<semaphore_mem>>
      tpu.enqueue_dma source(%arg3 : memref<128x16xf32, #tpu.memory_space<hbm>>) target(%arg7 : memref<128x16xf32, #tpu.memory_space<vmem>>) target_semaphore(%run_scoped3A : memref<!tpu.dma_semaphore, #tpu.memory_space<semaphore_mem>>)
      tpu.wait_dma2 semaphore(%run_scoped3A : memref<!tpu.dma_semaphore, #tpu.memory_space<semaphore_mem>>) src(%arg3 : memref<128x16xf32, #tpu.memory_space<hbm>>) dst(%arg7 : memref<128x16xf32, #tpu.memory_space<vmem>>)
      tpu.yield
    }) : () -> ()
    %mul3A_3 = arith.constant 80 : i32
    %mul3A_4 = arith.muli %add3A, %mul3A_3 : i32
    "tpu.region"() ({
      %run_scoped3A = tpu.sem_alloc : memref<!tpu.dma_semaphore, #tpu.memory_space<semaphore_mem>>
      %dma_start3A = arith.constant 0 : i32
      %dma_start3A_14 = tpu.memref_slice %arg2[%mul3A_4, %dma_start3A] : memref<2560x128xi32, #tpu.memory_space<hbm>> -> memref<80x128xi32, #tpu.memory_space<hbm>>
      %dma_start3A_15 = arith.constant 0 : i32
      %dma_start3A_16 = tpu.memref_slice %arg2[%mul3A_4, %dma_start3A_15] : memref<2560x128xi32, #tpu.memory_space<hbm>> -> memref<80x128xi32, #tpu.memory_space<hbm>>
      tpu.enqueue_dma source(%dma_start3A_16 : memref<80x128xi32, #tpu.memory_space<hbm>>) target(%arg6 : memref<80x128xi32, #tpu.memory_space<vmem>>) target_semaphore(%run_scoped3A : memref<!tpu.dma_semaphore, #tpu.memory_space<semaphore_mem>>)
      %dma_wait3A = arith.constant 0 : i32
      %dma_wait3A_17 = tpu.memref_slice %arg2[%mul3A_4, %dma_wait3A] : memref<2560x128xi32, #tpu.memory_space<hbm>> -> memref<80x128xi32, #tpu.memory_space<hbm>>
      %dma_wait3A_18 = arith.constant 0 : i32
      %dma_wait3A_19 = tpu.memref_slice %arg2[%mul3A_4, %dma_wait3A_18] : memref<2560x128xi32, #tpu.memory_space<hbm>> -> memref<80x128xi32, #tpu.memory_space<hbm>>
      tpu.wait_dma2 semaphore(%run_scoped3A : memref<!tpu.dma_semaphore, #tpu.memory_space<semaphore_mem>>) src(%dma_wait3A_19 : memref<80x128xi32, #tpu.memory_space<hbm>>) dst(%arg6 : memref<80x128xi32, #tpu.memory_space<vmem>>)
      tpu.yield
    }) : () -> ()
    %barrier3A = arith.constant 0 : index
    tpu.barrier barrier_id(%barrier3A)
    %scan3A = arith.constant 0 : i32
    %scan3A_5 = arith.constant 80 : i32
    %scan3A_6 = arith.addi %scan3A, %scan3A_5 : i32
    %scan3A_7 = arith.constant 1 : i32
    scf.for %scan3A_14 = %scan3A to %scan3A_6 step %scan3A_7  : i32 {
      %mul3A_15 = arith.constant 1 : i32
      %mul3A_16 = arith.muli %scan3A_14, %mul3A_15 : i32
      %add3A_17 = arith.constant 0 : i32
      %add3A_18 = arith.addi %add3A_17, %mul3A_16 : i32
      "tpu.region"() ({
        %run_scoped3A = tpu.sem_alloc : memref<!tpu.dma_semaphore, #tpu.memory_space<semaphore_mem>>
        %dma_start3A = arith.constant 0 : i32
        %dma_start3A_19 = tpu.memref_slice %arg6[%add3A_18, %dma_start3A] : memref<80x128xi32, #tpu.memory_space<vmem>> -> memref<1x128xi32, #tpu.memory_space<vmem>>
        %dma_start3A_20 = tpu.memref_squeeze %dma_start3A_19 : memref<1x128xi32, #tpu.memory_space<vmem>> -> memref<128xi32, #tpu.memory_space<vmem>>
        %dma_start3A_21 = arith.constant 0 : i32
        %dma_start3A_22 = arith.constant 0 : i32
        %dma_start3A_23 = tpu.memref_slice %arg8[%dma_start3A_21, %dma_start3A_22] : memref<10240x16xf32, #tpu.memory_space<vmem_shared>> -> memref<10240x16xf32, #tpu.memory_space<vmem_shared>>
        tpu.enqueue_indirect_dma source(%arg7 : memref<128x16xf32, #tpu.memory_space<vmem>>) target(%dma_start3A_23 : memref<10240x16xf32, #tpu.memory_space<vmem_shared>>) offsets(%dma_start3A_20 : memref<128xi32, #tpu.memory_space<vmem>>) semaphore(%run_scoped3A : memref<!tpu.dma_semaphore, #tpu.memory_space<semaphore_mem>>) {add = true}
        %dma_wait3A = arith.constant 0 : i32
        %dma_wait3A_24 = tpu.memref_slice %arg6[%add3A_18, %dma_wait3A] : memref<80x128xi32, #tpu.memory_space<vmem>> -> memref<1x128xi32, #tpu.memory_space<vmem>>
        %dma_wait3A_25 = tpu.memref_squeeze %dma_wait3A_24 : memref<1x128xi32, #tpu.memory_space<vmem>> -> memref<128xi32, #tpu.memory_space<vmem>>
        %dma_wait3A_26 = arith.constant 0 : i32
        %dma_wait3A_27 = arith.constant 0 : i32
        %dma_wait3A_28 = tpu.memref_slice %arg8[%dma_wait3A_26, %dma_wait3A_27] : memref<10240x16xf32, #tpu.memory_space<vmem_shared>> -> memref<10240x16xf32, #tpu.memory_space<vmem_shared>>
        tpu.wait_indirect_dma semaphore(%run_scoped3A : memref<!tpu.dma_semaphore, #tpu.memory_space<semaphore_mem>>) src(%arg7 : memref<128x16xf32, #tpu.memory_space<vmem>>) dst(%dma_wait3A_28 : memref<10240x16xf32, #tpu.memory_space<vmem_shared>>)
        tpu.yield
      }) : () -> ()
    }
    %scan3A_8 = arith.constant 80 : i32
    %barrier3A_9 = arith.constant 0 : index
    tpu.barrier barrier_id(%barrier3A_9)
    %mul3A_10 = arith.constant 640 : i32
    %mul3A_11 = arith.muli %arg1, %mul3A_10 : i32
    %mul3A_12 = arith.constant 640 : i32
    %mul3A_13 = arith.muli %arg1, %mul3A_12 : i32
    "tpu.region"() ({
      %run_scoped3A = tpu.sem_alloc : memref<!tpu.dma_semaphore, #tpu.memory_space<semaphore_mem>>
      %dma_start3A = arith.constant 0 : i32
      %dma_start3A_14 = tpu.memref_slice %arg5[%arg0, %mul3A_13, %dma_start3A] : memref<2x10240x16xf32, #tpu.memory_space<hbm>> -> memref<1x640x16xf32, #tpu.memory_space<hbm>>
      %dma_start3A_15 = tpu.memref_squeeze %dma_start3A_14 : memref<1x640x16xf32, #tpu.memory_space<hbm>> -> memref<640x16xf32, #tpu.memory_space<hbm>>
      %dma_start3A_16 = arith.constant 0 : i32
      %dma_start3A_17 = tpu.memref_slice %arg8[%mul3A_11, %dma_start3A_16] : memref<10240x16xf32, #tpu.memory_space<vmem_shared>> -> memref<640x16xf32, #tpu.memory_space<vmem_shared>>
      tpu.enqueue_dma source(%dma_start3A_17 : memref<640x16xf32, #tpu.memory_space<vmem_shared>>) target(%dma_start3A_15 : memref<640x16xf32, #tpu.memory_space<hbm>>) target_semaphore(%run_scoped3A : memref<!tpu.dma_semaphore, #tpu.memory_space<semaphore_mem>>)
      %dma_wait3A = arith.constant 0 : i32
      %dma_wait3A_18 = tpu.memref_slice %arg5[%arg0, %mul3A_13, %dma_wait3A] : memref<2x10240x16xf32, #tpu.memory_space<hbm>> -> memref<1x640x16xf32, #tpu.memory_space<hbm>>
      %dma_wait3A_19 = tpu.memref_squeeze %dma_wait3A_18 : memref<1x640x16xf32, #tpu.memory_space<hbm>> -> memref<640x16xf32, #tpu.memory_space<hbm>>
      %dma_wait3A_20 = arith.constant 0 : i32
      %dma_wait3A_21 = tpu.memref_slice %arg8[%mul3A_11, %dma_wait3A_20] : memref<10240x16xf32, #tpu.memory_space<vmem_shared>> -> memref<640x16xf32, #tpu.memory_space<vmem_shared>>
      tpu.wait_dma2 semaphore(%run_scoped3A : memref<!tpu.dma_semaphore, #tpu.memory_space<semaphore_mem>>) src(%dma_wait3A_21 : memref<640x16xf32, #tpu.memory_space<vmem_shared>>) dst(%dma_wait3A_19 : memref<640x16xf32, #tpu.memory_space<hbm>>)
      tpu.yield
    }) : () -> ()
    return
  }
}

#map = affine_map<(d0, d1) -> (0, 0)>
#map1 = affine_map<(d0, d1) -> (0, 0, 0)>
module attributes {stable_mosaic.version = 14 : i64} {
  func.func @_sc_agg(%arg0: i32, %arg1: i32, %arg2: memref<2560x128xi32, #tpu.memory_space<hbm>>, %arg3: memref<2560x128xi32, #tpu.memory_space<hbm>>, %arg4: memref<10240x64xf32, #tpu.memory_space<hbm>>, %arg5: memref<10240x64xf32, #tpu.memory_space<hbm>>, %arg6: memref<640x64xf32, #tpu.memory_space<hbm>>, %arg7: memref<2x10240x64xf32, #tpu.memory_space<hbm>>, %arg8: memref<160x128xi32, #tpu.memory_space<vmem>>, %arg9: memref<160x128xi32, #tpu.memory_space<vmem>>, %arg10: memref<128x64xf32, #tpu.memory_space<vmem>>, %arg11: memref<128x64xf32, #tpu.memory_space<vmem>>, %arg12: memref<128x64xf32, #tpu.memory_space<vmem>>, %arg13: memref<128x64xf32, #tpu.memory_space<vmem>>, %arg14: memref<128x64xf32, #tpu.memory_space<vmem>>, %arg15: memref<10240x64xf32, #tpu.memory_space<vmem_shared>>, %arg16: memref<!tpu.dma_semaphore, #tpu.memory_space<semaphore_mem>>, %arg17: memref<!tpu.dma_semaphore, #tpu.memory_space<semaphore_mem>>, %arg18: memref<!tpu.dma_semaphore, #tpu.memory_space<semaphore_mem>>, %arg19: memref<!tpu.dma_semaphore, #tpu.memory_space<semaphore_mem>>, %arg20: memref<!tpu.dma_semaphore, #tpu.memory_space<semaphore_mem>>, %arg21: memref<!tpu.dma_semaphore, #tpu.memory_space<semaphore_mem>>, %arg22: memref<!tpu.dma_semaphore, #tpu.memory_space<semaphore_mem>>, %arg23: memref<!tpu.dma_semaphore, #tpu.memory_space<semaphore_mem>>, %arg24: memref<!tpu.dma_semaphore, #tpu.memory_space<semaphore_mem>>, %arg25: memref<!tpu.dma_semaphore, #tpu.memory_space<semaphore_mem>>) attributes {dimension_semantics = [#tpu.dimension_semantics<core_parallel>, #tpu.dimension_semantics<subcore_parallel>], iteration_bounds = array<i64: 2, 16>, scalar_prefetch = 0 : i64, scratch_operands = 18 : i64, tpu.core_type = #tpu.core_type<sc_vector_subcore>, window_params = [{transform_indices = #map}, {transform_indices = #map}, {transform_indices = #map}, {transform_indices = #map}, {transform_indices = #map}, {transform_indices = #map1}]} {
    %mul3A = arith.constant 640 : i32
    %mul3A_0 = arith.muli %arg1, %mul3A : i32
    "tpu.region"() ({
      %run_scoped3A = tpu.sem_alloc : memref<!tpu.dma_semaphore, #tpu.memory_space<semaphore_mem>>
      %dma_start3A = arith.constant 0 : i32
      %dma_start3A_17 = tpu.memref_slice %arg15[%mul3A_0, %dma_start3A] : memref<10240x64xf32, #tpu.memory_space<vmem_shared>> -> memref<640x64xf32, #tpu.memory_space<vmem_shared>>
      tpu.enqueue_dma source(%arg6 : memref<640x64xf32, #tpu.memory_space<hbm>>) target(%dma_start3A_17 : memref<640x64xf32, #tpu.memory_space<vmem_shared>>) target_semaphore(%run_scoped3A : memref<!tpu.dma_semaphore, #tpu.memory_space<semaphore_mem>>)
      %dma_wait3A = arith.constant 0 : i32
      %dma_wait3A_18 = tpu.memref_slice %arg15[%mul3A_0, %dma_wait3A] : memref<10240x64xf32, #tpu.memory_space<vmem_shared>> -> memref<640x64xf32, #tpu.memory_space<vmem_shared>>
      tpu.wait_dma2 semaphore(%run_scoped3A : memref<!tpu.dma_semaphore, #tpu.memory_space<semaphore_mem>>) src(%arg6 : memref<640x64xf32, #tpu.memory_space<hbm>>) dst(%dma_wait3A_18 : memref<640x64xf32, #tpu.memory_space<vmem_shared>>)
      tpu.yield
    }) : () -> ()
    %mul3A_1 = arith.constant 160 : i32
    %mul3A_2 = arith.muli %arg1, %mul3A_1 : i32
    "tpu.region"() ({
      %run_scoped3A = tpu.sem_alloc : memref<!tpu.dma_semaphore, #tpu.memory_space<semaphore_mem>>
      %dma_start3A = arith.constant 0 : i32
      %dma_start3A_17 = tpu.memref_slice %arg2[%mul3A_2, %dma_start3A] : memref<2560x128xi32, #tpu.memory_space<hbm>> -> memref<160x128xi32, #tpu.memory_space<hbm>>
      %dma_start3A_18 = arith.constant 0 : i32
      %dma_start3A_19 = tpu.memref_slice %arg2[%mul3A_2, %dma_start3A_18] : memref<2560x128xi32, #tpu.memory_space<hbm>> -> memref<160x128xi32, #tpu.memory_space<hbm>>
      tpu.enqueue_dma source(%dma_start3A_19 : memref<160x128xi32, #tpu.memory_space<hbm>>) target(%arg8 : memref<160x128xi32, #tpu.memory_space<vmem>>) target_semaphore(%run_scoped3A : memref<!tpu.dma_semaphore, #tpu.memory_space<semaphore_mem>>)
      %dma_wait3A = arith.constant 0 : i32
      %dma_wait3A_20 = tpu.memref_slice %arg2[%mul3A_2, %dma_wait3A] : memref<2560x128xi32, #tpu.memory_space<hbm>> -> memref<160x128xi32, #tpu.memory_space<hbm>>
      %dma_wait3A_21 = arith.constant 0 : i32
      %dma_wait3A_22 = tpu.memref_slice %arg2[%mul3A_2, %dma_wait3A_21] : memref<2560x128xi32, #tpu.memory_space<hbm>> -> memref<160x128xi32, #tpu.memory_space<hbm>>
      tpu.wait_dma2 semaphore(%run_scoped3A : memref<!tpu.dma_semaphore, #tpu.memory_space<semaphore_mem>>) src(%dma_wait3A_22 : memref<160x128xi32, #tpu.memory_space<hbm>>) dst(%arg8 : memref<160x128xi32, #tpu.memory_space<vmem>>)
      tpu.yield
    }) : () -> ()
    %mul3A_3 = arith.constant 160 : i32
    %mul3A_4 = arith.muli %arg1, %mul3A_3 : i32
    "tpu.region"() ({
      %run_scoped3A = tpu.sem_alloc : memref<!tpu.dma_semaphore, #tpu.memory_space<semaphore_mem>>
      %dma_start3A = arith.constant 0 : i32
      %dma_start3A_17 = tpu.memref_slice %arg3[%mul3A_4, %dma_start3A] : memref<2560x128xi32, #tpu.memory_space<hbm>> -> memref<160x128xi32, #tpu.memory_space<hbm>>
      %dma_start3A_18 = arith.constant 0 : i32
      %dma_start3A_19 = tpu.memref_slice %arg3[%mul3A_4, %dma_start3A_18] : memref<2560x128xi32, #tpu.memory_space<hbm>> -> memref<160x128xi32, #tpu.memory_space<hbm>>
      tpu.enqueue_dma source(%dma_start3A_19 : memref<160x128xi32, #tpu.memory_space<hbm>>) target(%arg9 : memref<160x128xi32, #tpu.memory_space<vmem>>) target_semaphore(%run_scoped3A : memref<!tpu.dma_semaphore, #tpu.memory_space<semaphore_mem>>)
      %dma_wait3A = arith.constant 0 : i32
      %dma_wait3A_20 = tpu.memref_slice %arg3[%mul3A_4, %dma_wait3A] : memref<2560x128xi32, #tpu.memory_space<hbm>> -> memref<160x128xi32, #tpu.memory_space<hbm>>
      %dma_wait3A_21 = arith.constant 0 : i32
      %dma_wait3A_22 = tpu.memref_slice %arg3[%mul3A_4, %dma_wait3A_21] : memref<2560x128xi32, #tpu.memory_space<hbm>> -> memref<160x128xi32, #tpu.memory_space<hbm>>
      tpu.wait_dma2 semaphore(%run_scoped3A : memref<!tpu.dma_semaphore, #tpu.memory_space<semaphore_mem>>) src(%dma_wait3A_22 : memref<160x128xi32, #tpu.memory_space<hbm>>) dst(%arg9 : memref<160x128xi32, #tpu.memory_space<vmem>>)
      tpu.yield
    }) : () -> ()
    %barrier3A = arith.constant 0 : index
    tpu.barrier barrier_id(%barrier3A)
    %eq3A = arith.constant 0 : i32
    %eq3A_5 = arith.cmpi eq, %arg0, %eq3A : i32
    %convert_element_type3A = arith.extui %eq3A_5 : i1 to i32
    %cond3A = arith.constant 0 : i32
    %cond3A_6 = arith.cmpi ne, %convert_element_type3A, %cond3A : i32
    scf.if %cond3A_6 {
      %dma_start3A = arith.constant 0 : i32
      %dma_start3A_17 = arith.constant 0 : i32
      %dma_start3A_18 = tpu.memref_slice %arg8[%dma_start3A, %dma_start3A_17] : memref<160x128xi32, #tpu.memory_space<vmem>> -> memref<1x128xi32, #tpu.memory_space<vmem>>
      %dma_start3A_19 = tpu.memref_squeeze %dma_start3A_18 : memref<1x128xi32, #tpu.memory_space<vmem>> -> memref<128xi32, #tpu.memory_space<vmem>>
      %dma_start3A_20 = arith.constant 0 : i32
      %dma_start3A_21 = arith.constant 0 : i32
      %dma_start3A_22 = tpu.memref_slice %arg4[%dma_start3A_20, %dma_start3A_21] : memref<10240x64xf32, #tpu.memory_space<hbm>> -> memref<10240x64xf32, #tpu.memory_space<hbm>>
      tpu.enqueue_indirect_dma source(%dma_start3A_22 : memref<10240x64xf32, #tpu.memory_space<hbm>>) target(%arg10 : memref<128x64xf32, #tpu.memory_space<vmem>>) offsets(%dma_start3A_19 : memref<128xi32, #tpu.memory_space<vmem>>) semaphore(%arg16 : memref<!tpu.dma_semaphore, #tpu.memory_space<semaphore_mem>>)
      %dma_start3A_23 = arith.constant 1 : i32
      %dma_start3A_24 = arith.constant 0 : i32
      %dma_start3A_25 = tpu.memref_slice %arg8[%dma_start3A_23, %dma_start3A_24] : memref<160x128xi32, #tpu.memory_space<vmem>> -> memref<1x128xi32, #tpu.memory_space<vmem>>
      %dma_start3A_26 = tpu.memref_squeeze %dma_start3A_25 : memref<1x128xi32, #tpu.memory_space<vmem>> -> memref<128xi32, #tpu.memory_space<vmem>>
      %dma_start3A_27 = arith.constant 0 : i32
      %dma_start3A_28 = arith.constant 0 : i32
      %dma_start3A_29 = tpu.memref_slice %arg4[%dma_start3A_27, %dma_start3A_28] : memref<10240x64xf32, #tpu.memory_space<hbm>> -> memref<10240x64xf32, #tpu.memory_space<hbm>>
      tpu.enqueue_indirect_dma source(%dma_start3A_29 : memref<10240x64xf32, #tpu.memory_space<hbm>>) target(%arg11 : memref<128x64xf32, #tpu.memory_space<vmem>>) offsets(%dma_start3A_26 : memref<128xi32, #tpu.memory_space<vmem>>) semaphore(%arg17 : memref<!tpu.dma_semaphore, #tpu.memory_space<semaphore_mem>>)
      %dma_start3A_30 = arith.constant 2 : i32
      %dma_start3A_31 = arith.constant 0 : i32
      %dma_start3A_32 = tpu.memref_slice %arg8[%dma_start3A_30, %dma_start3A_31] : memref<160x128xi32, #tpu.memory_space<vmem>> -> memref<1x128xi32, #tpu.memory_space<vmem>>
      %dma_start3A_33 = tpu.memref_squeeze %dma_start3A_32 : memref<1x128xi32, #tpu.memory_space<vmem>> -> memref<128xi32, #tpu.memory_space<vmem>>
      %dma_start3A_34 = arith.constant 0 : i32
      %dma_start3A_35 = arith.constant 0 : i32
      %dma_start3A_36 = tpu.memref_slice %arg4[%dma_start3A_34, %dma_start3A_35] : memref<10240x64xf32, #tpu.memory_space<hbm>> -> memref<10240x64xf32, #tpu.memory_space<hbm>>
      tpu.enqueue_indirect_dma source(%dma_start3A_36 : memref<10240x64xf32, #tpu.memory_space<hbm>>) target(%arg12 : memref<128x64xf32, #tpu.memory_space<vmem>>) offsets(%dma_start3A_33 : memref<128xi32, #tpu.memory_space<vmem>>) semaphore(%arg18 : memref<!tpu.dma_semaphore, #tpu.memory_space<semaphore_mem>>)
      %dma_start3A_37 = arith.constant 3 : i32
      %dma_start3A_38 = arith.constant 0 : i32
      %dma_start3A_39 = tpu.memref_slice %arg8[%dma_start3A_37, %dma_start3A_38] : memref<160x128xi32, #tpu.memory_space<vmem>> -> memref<1x128xi32, #tpu.memory_space<vmem>>
      %dma_start3A_40 = tpu.memref_squeeze %dma_start3A_39 : memref<1x128xi32, #tpu.memory_space<vmem>> -> memref<128xi32, #tpu.memory_space<vmem>>
      %dma_start3A_41 = arith.constant 0 : i32
      %dma_start3A_42 = arith.constant 0 : i32
      %dma_start3A_43 = tpu.memref_slice %arg4[%dma_start3A_41, %dma_start3A_42] : memref<10240x64xf32, #tpu.memory_space<hbm>> -> memref<10240x64xf32, #tpu.memory_space<hbm>>
      tpu.enqueue_indirect_dma source(%dma_start3A_43 : memref<10240x64xf32, #tpu.memory_space<hbm>>) target(%arg13 : memref<128x64xf32, #tpu.memory_space<vmem>>) offsets(%dma_start3A_40 : memref<128xi32, #tpu.memory_space<vmem>>) semaphore(%arg19 : memref<!tpu.dma_semaphore, #tpu.memory_space<semaphore_mem>>)
      %dma_start3A_44 = arith.constant 4 : i32
      %dma_start3A_45 = arith.constant 0 : i32
      %dma_start3A_46 = tpu.memref_slice %arg8[%dma_start3A_44, %dma_start3A_45] : memref<160x128xi32, #tpu.memory_space<vmem>> -> memref<1x128xi32, #tpu.memory_space<vmem>>
      %dma_start3A_47 = tpu.memref_squeeze %dma_start3A_46 : memref<1x128xi32, #tpu.memory_space<vmem>> -> memref<128xi32, #tpu.memory_space<vmem>>
      %dma_start3A_48 = arith.constant 0 : i32
      %dma_start3A_49 = arith.constant 0 : i32
      %dma_start3A_50 = tpu.memref_slice %arg4[%dma_start3A_48, %dma_start3A_49] : memref<10240x64xf32, #tpu.memory_space<hbm>> -> memref<10240x64xf32, #tpu.memory_space<hbm>>
      tpu.enqueue_indirect_dma source(%dma_start3A_50 : memref<10240x64xf32, #tpu.memory_space<hbm>>) target(%arg14 : memref<128x64xf32, #tpu.memory_space<vmem>>) offsets(%dma_start3A_47 : memref<128xi32, #tpu.memory_space<vmem>>) semaphore(%arg20 : memref<!tpu.dma_semaphore, #tpu.memory_space<semaphore_mem>>)
      %scan3A = arith.constant 0 : i32
      %scan3A_51 = arith.constant 32 : i32
      %scan3A_52 = arith.addi %scan3A, %scan3A_51 : i32
      %scan3A_53 = arith.constant 1 : i32
      scf.for %scan3A_55 = %scan3A to %scan3A_52 step %scan3A_53  : i32 {
        %mul3A_56 = arith.constant 5 : i32
        %mul3A_57 = arith.muli %scan3A_55, %mul3A_56 : i32
        %add3A = arith.constant 0 : i32
        %add3A_58 = arith.addi %add3A, %mul3A_57 : i32
        %add3A_59 = arith.constant 0 : i32
        %add3A_60 = arith.addi %add3A_58, %add3A_59 : i32
        %dma_wait3A = arith.constant 0 : i32
        %dma_wait3A_61 = tpu.memref_slice %arg8[%add3A_60, %dma_wait3A] : memref<160x128xi32, #tpu.memory_space<vmem>> -> memref<1x128xi32, #tpu.memory_space<vmem>>
        %dma_wait3A_62 = tpu.memref_squeeze %dma_wait3A_61 : memref<1x128xi32, #tpu.memory_space<vmem>> -> memref<128xi32, #tpu.memory_space<vmem>>
        %dma_wait3A_63 = arith.constant 0 : i32
        %dma_wait3A_64 = arith.constant 0 : i32
        %dma_wait3A_65 = tpu.memref_slice %arg4[%dma_wait3A_63, %dma_wait3A_64] : memref<10240x64xf32, #tpu.memory_space<hbm>> -> memref<10240x64xf32, #tpu.memory_space<hbm>>
        tpu.wait_indirect_dma semaphore(%arg16 : memref<!tpu.dma_semaphore, #tpu.memory_space<semaphore_mem>>) src(%dma_wait3A_65 : memref<10240x64xf32, #tpu.memory_space<hbm>>) dst(%arg10 : memref<128x64xf32, #tpu.memory_space<vmem>>)
        %add3A_66 = arith.constant 0 : i32
        %add3A_67 = arith.addi %add3A_58, %add3A_66 : i32
        %dma_start3A_68 = arith.constant 0 : i32
        %dma_start3A_69 = tpu.memref_slice %arg9[%add3A_67, %dma_start3A_68] : memref<160x128xi32, #tpu.memory_space<vmem>> -> memref<1x128xi32, #tpu.memory_space<vmem>>
        %dma_start3A_70 = tpu.memref_squeeze %dma_start3A_69 : memref<1x128xi32, #tpu.memory_space<vmem>> -> memref<128xi32, #tpu.memory_space<vmem>>
        %dma_start3A_71 = arith.constant 0 : i32
        %dma_start3A_72 = arith.constant 0 : i32
        %dma_start3A_73 = tpu.memref_slice %arg15[%dma_start3A_71, %dma_start3A_72] : memref<10240x64xf32, #tpu.memory_space<vmem_shared>> -> memref<10240x64xf32, #tpu.memory_space<vmem_shared>>
        tpu.enqueue_indirect_dma source(%arg10 : memref<128x64xf32, #tpu.memory_space<vmem>>) target(%dma_start3A_73 : memref<10240x64xf32, #tpu.memory_space<vmem_shared>>) offsets(%dma_start3A_70 : memref<128xi32, #tpu.memory_space<vmem>>) semaphore(%arg21 : memref<!tpu.dma_semaphore, #tpu.memory_space<semaphore_mem>>) {add = true}
        %add3A_74 = arith.constant 1 : i32
        %add3A_75 = arith.addi %add3A_58, %add3A_74 : i32
        %dma_wait3A_76 = arith.constant 0 : i32
        %dma_wait3A_77 = tpu.memref_slice %arg8[%add3A_75, %dma_wait3A_76] : memref<160x128xi32, #tpu.memory_space<vmem>> -> memref<1x128xi32, #tpu.memory_space<vmem>>
        %dma_wait3A_78 = tpu.memref_squeeze %dma_wait3A_77 : memref<1x128xi32, #tpu.memory_space<vmem>> -> memref<128xi32, #tpu.memory_space<vmem>>
        %dma_wait3A_79 = arith.constant 0 : i32
        %dma_wait3A_80 = arith.constant 0 : i32
        %dma_wait3A_81 = tpu.memref_slice %arg4[%dma_wait3A_79, %dma_wait3A_80] : memref<10240x64xf32, #tpu.memory_space<hbm>> -> memref<10240x64xf32, #tpu.memory_space<hbm>>
        tpu.wait_indirect_dma semaphore(%arg17 : memref<!tpu.dma_semaphore, #tpu.memory_space<semaphore_mem>>) src(%dma_wait3A_81 : memref<10240x64xf32, #tpu.memory_space<hbm>>) dst(%arg11 : memref<128x64xf32, #tpu.memory_space<vmem>>)
        %add3A_82 = arith.constant 1 : i32
        %add3A_83 = arith.addi %add3A_58, %add3A_82 : i32
        %dma_start3A_84 = arith.constant 0 : i32
        %dma_start3A_85 = tpu.memref_slice %arg9[%add3A_83, %dma_start3A_84] : memref<160x128xi32, #tpu.memory_space<vmem>> -> memref<1x128xi32, #tpu.memory_space<vmem>>
        %dma_start3A_86 = tpu.memref_squeeze %dma_start3A_85 : memref<1x128xi32, #tpu.memory_space<vmem>> -> memref<128xi32, #tpu.memory_space<vmem>>
        %dma_start3A_87 = arith.constant 0 : i32
        %dma_start3A_88 = arith.constant 0 : i32
        %dma_start3A_89 = tpu.memref_slice %arg15[%dma_start3A_87, %dma_start3A_88] : memref<10240x64xf32, #tpu.memory_space<vmem_shared>> -> memref<10240x64xf32, #tpu.memory_space<vmem_shared>>
        tpu.enqueue_indirect_dma source(%arg11 : memref<128x64xf32, #tpu.memory_space<vmem>>) target(%dma_start3A_89 : memref<10240x64xf32, #tpu.memory_space<vmem_shared>>) offsets(%dma_start3A_86 : memref<128xi32, #tpu.memory_space<vmem>>) semaphore(%arg22 : memref<!tpu.dma_semaphore, #tpu.memory_space<semaphore_mem>>) {add = true}
        %add3A_90 = arith.constant 2 : i32
        %add3A_91 = arith.addi %add3A_58, %add3A_90 : i32
        %dma_wait3A_92 = arith.constant 0 : i32
        %dma_wait3A_93 = tpu.memref_slice %arg8[%add3A_91, %dma_wait3A_92] : memref<160x128xi32, #tpu.memory_space<vmem>> -> memref<1x128xi32, #tpu.memory_space<vmem>>
        %dma_wait3A_94 = tpu.memref_squeeze %dma_wait3A_93 : memref<1x128xi32, #tpu.memory_space<vmem>> -> memref<128xi32, #tpu.memory_space<vmem>>
        %dma_wait3A_95 = arith.constant 0 : i32
        %dma_wait3A_96 = arith.constant 0 : i32
        %dma_wait3A_97 = tpu.memref_slice %arg4[%dma_wait3A_95, %dma_wait3A_96] : memref<10240x64xf32, #tpu.memory_space<hbm>> -> memref<10240x64xf32, #tpu.memory_space<hbm>>
        tpu.wait_indirect_dma semaphore(%arg18 : memref<!tpu.dma_semaphore, #tpu.memory_space<semaphore_mem>>) src(%dma_wait3A_97 : memref<10240x64xf32, #tpu.memory_space<hbm>>) dst(%arg12 : memref<128x64xf32, #tpu.memory_space<vmem>>)
        %add3A_98 = arith.constant 2 : i32
        %add3A_99 = arith.addi %add3A_58, %add3A_98 : i32
        %dma_start3A_100 = arith.constant 0 : i32
        %dma_start3A_101 = tpu.memref_slice %arg9[%add3A_99, %dma_start3A_100] : memref<160x128xi32, #tpu.memory_space<vmem>> -> memref<1x128xi32, #tpu.memory_space<vmem>>
        %dma_start3A_102 = tpu.memref_squeeze %dma_start3A_101 : memref<1x128xi32, #tpu.memory_space<vmem>> -> memref<128xi32, #tpu.memory_space<vmem>>
        %dma_start3A_103 = arith.constant 0 : i32
        %dma_start3A_104 = arith.constant 0 : i32
        %dma_start3A_105 = tpu.memref_slice %arg15[%dma_start3A_103, %dma_start3A_104] : memref<10240x64xf32, #tpu.memory_space<vmem_shared>> -> memref<10240x64xf32, #tpu.memory_space<vmem_shared>>
        tpu.enqueue_indirect_dma source(%arg12 : memref<128x64xf32, #tpu.memory_space<vmem>>) target(%dma_start3A_105 : memref<10240x64xf32, #tpu.memory_space<vmem_shared>>) offsets(%dma_start3A_102 : memref<128xi32, #tpu.memory_space<vmem>>) semaphore(%arg23 : memref<!tpu.dma_semaphore, #tpu.memory_space<semaphore_mem>>) {add = true}
        %add3A_106 = arith.constant 3 : i32
        %add3A_107 = arith.addi %add3A_58, %add3A_106 : i32
        %dma_wait3A_108 = arith.constant 0 : i32
        %dma_wait3A_109 = tpu.memref_slice %arg8[%add3A_107, %dma_wait3A_108] : memref<160x128xi32, #tpu.memory_space<vmem>> -> memref<1x128xi32, #tpu.memory_space<vmem>>
        %dma_wait3A_110 = tpu.memref_squeeze %dma_wait3A_109 : memref<1x128xi32, #tpu.memory_space<vmem>> -> memref<128xi32, #tpu.memory_space<vmem>>
        %dma_wait3A_111 = arith.constant 0 : i32
        %dma_wait3A_112 = arith.constant 0 : i32
        %dma_wait3A_113 = tpu.memref_slice %arg4[%dma_wait3A_111, %dma_wait3A_112] : memref<10240x64xf32, #tpu.memory_space<hbm>> -> memref<10240x64xf32, #tpu.memory_space<hbm>>
        tpu.wait_indirect_dma semaphore(%arg19 : memref<!tpu.dma_semaphore, #tpu.memory_space<semaphore_mem>>) src(%dma_wait3A_113 : memref<10240x64xf32, #tpu.memory_space<hbm>>) dst(%arg13 : memref<128x64xf32, #tpu.memory_space<vmem>>)
        %add3A_114 = arith.constant 3 : i32
        %add3A_115 = arith.addi %add3A_58, %add3A_114 : i32
        %dma_start3A_116 = arith.constant 0 : i32
        %dma_start3A_117 = tpu.memref_slice %arg9[%add3A_115, %dma_start3A_116] : memref<160x128xi32, #tpu.memory_space<vmem>> -> memref<1x128xi32, #tpu.memory_space<vmem>>
        %dma_start3A_118 = tpu.memref_squeeze %dma_start3A_117 : memref<1x128xi32, #tpu.memory_space<vmem>> -> memref<128xi32, #tpu.memory_space<vmem>>
        %dma_start3A_119 = arith.constant 0 : i32
        %dma_start3A_120 = arith.constant 0 : i32
        %dma_start3A_121 = tpu.memref_slice %arg15[%dma_start3A_119, %dma_start3A_120] : memref<10240x64xf32, #tpu.memory_space<vmem_shared>> -> memref<10240x64xf32, #tpu.memory_space<vmem_shared>>
        tpu.enqueue_indirect_dma source(%arg13 : memref<128x64xf32, #tpu.memory_space<vmem>>) target(%dma_start3A_121 : memref<10240x64xf32, #tpu.memory_space<vmem_shared>>) offsets(%dma_start3A_118 : memref<128xi32, #tpu.memory_space<vmem>>) semaphore(%arg24 : memref<!tpu.dma_semaphore, #tpu.memory_space<semaphore_mem>>) {add = true}
        %add3A_122 = arith.constant 4 : i32
        %add3A_123 = arith.addi %add3A_58, %add3A_122 : i32
        %dma_wait3A_124 = arith.constant 0 : i32
        %dma_wait3A_125 = tpu.memref_slice %arg8[%add3A_123, %dma_wait3A_124] : memref<160x128xi32, #tpu.memory_space<vmem>> -> memref<1x128xi32, #tpu.memory_space<vmem>>
        %dma_wait3A_126 = tpu.memref_squeeze %dma_wait3A_125 : memref<1x128xi32, #tpu.memory_space<vmem>> -> memref<128xi32, #tpu.memory_space<vmem>>
        %dma_wait3A_127 = arith.constant 0 : i32
        %dma_wait3A_128 = arith.constant 0 : i32
        %dma_wait3A_129 = tpu.memref_slice %arg4[%dma_wait3A_127, %dma_wait3A_128] : memref<10240x64xf32, #tpu.memory_space<hbm>> -> memref<10240x64xf32, #tpu.memory_space<hbm>>
        tpu.wait_indirect_dma semaphore(%arg20 : memref<!tpu.dma_semaphore, #tpu.memory_space<semaphore_mem>>) src(%dma_wait3A_129 : memref<10240x64xf32, #tpu.memory_space<hbm>>) dst(%arg14 : memref<128x64xf32, #tpu.memory_space<vmem>>)
        %add3A_130 = arith.constant 4 : i32
        %add3A_131 = arith.addi %add3A_58, %add3A_130 : i32
        %dma_start3A_132 = arith.constant 0 : i32
        %dma_start3A_133 = tpu.memref_slice %arg9[%add3A_131, %dma_start3A_132] : memref<160x128xi32, #tpu.memory_space<vmem>> -> memref<1x128xi32, #tpu.memory_space<vmem>>
        %dma_start3A_134 = tpu.memref_squeeze %dma_start3A_133 : memref<1x128xi32, #tpu.memory_space<vmem>> -> memref<128xi32, #tpu.memory_space<vmem>>
        %dma_start3A_135 = arith.constant 0 : i32
        %dma_start3A_136 = arith.constant 0 : i32
        %dma_start3A_137 = tpu.memref_slice %arg15[%dma_start3A_135, %dma_start3A_136] : memref<10240x64xf32, #tpu.memory_space<vmem_shared>> -> memref<10240x64xf32, #tpu.memory_space<vmem_shared>>
        tpu.enqueue_indirect_dma source(%arg14 : memref<128x64xf32, #tpu.memory_space<vmem>>) target(%dma_start3A_137 : memref<10240x64xf32, #tpu.memory_space<vmem_shared>>) offsets(%dma_start3A_134 : memref<128xi32, #tpu.memory_space<vmem>>) semaphore(%arg25 : memref<!tpu.dma_semaphore, #tpu.memory_space<semaphore_mem>>) {add = true}
        %dma_wait3A_138 = arith.constant 0 : i32
        %dma_wait3A_139 = tpu.memref_slice %arg9[%add3A_67, %dma_wait3A_138] : memref<160x128xi32, #tpu.memory_space<vmem>> -> memref<1x128xi32, #tpu.memory_space<vmem>>
        %dma_wait3A_140 = tpu.memref_squeeze %dma_wait3A_139 : memref<1x128xi32, #tpu.memory_space<vmem>> -> memref<128xi32, #tpu.memory_space<vmem>>
        %dma_wait3A_141 = arith.constant 0 : i32
        %dma_wait3A_142 = arith.constant 0 : i32
        %dma_wait3A_143 = tpu.memref_slice %arg15[%dma_wait3A_141, %dma_wait3A_142] : memref<10240x64xf32, #tpu.memory_space<vmem_shared>> -> memref<10240x64xf32, #tpu.memory_space<vmem_shared>>
        tpu.wait_indirect_dma semaphore(%arg21 : memref<!tpu.dma_semaphore, #tpu.memory_space<semaphore_mem>>) src(%arg10 : memref<128x64xf32, #tpu.memory_space<vmem>>) dst(%dma_wait3A_143 : memref<10240x64xf32, #tpu.memory_space<vmem_shared>>)
        %add3A_144 = arith.constant 0 : i32
        %add3A_145 = arith.addi %add3A_58, %add3A_144 : i32
        %add3A_146 = arith.constant 5 : i32
        %add3A_147 = arith.addi %add3A_145, %add3A_146 : i32
        %lt3A = arith.constant 160 : i32
        %lt3A_148 = arith.cmpi slt, %add3A_147, %lt3A : i32
        %convert_element_type3A_149 = arith.extui %lt3A_148 : i1 to i32
        %cond3A_150 = arith.constant 0 : i32
        %cond3A_151 = arith.cmpi ne, %convert_element_type3A_149, %cond3A_150 : i32
        scf.if %cond3A_151 {
          %add3A_212 = arith.constant 0 : i32
          %add3A_213 = arith.addi %add3A_58, %add3A_212 : i32
          %add3A_214 = arith.constant 5 : i32
          %add3A_215 = arith.addi %add3A_213, %add3A_214 : i32
          %dma_start3A_216 = arith.constant 0 : i32
          %dma_start3A_217 = tpu.memref_slice %arg8[%add3A_215, %dma_start3A_216] : memref<160x128xi32, #tpu.memory_space<vmem>> -> memref<1x128xi32, #tpu.memory_space<vmem>>
          %dma_start3A_218 = tpu.memref_squeeze %dma_start3A_217 : memref<1x128xi32, #tpu.memory_space<vmem>> -> memref<128xi32, #tpu.memory_space<vmem>>
          %dma_start3A_219 = arith.constant 0 : i32
          %dma_start3A_220 = arith.constant 0 : i32
          %dma_start3A_221 = tpu.memref_slice %arg4[%dma_start3A_219, %dma_start3A_220] : memref<10240x64xf32, #tpu.memory_space<hbm>> -> memref<10240x64xf32, #tpu.memory_space<hbm>>
          tpu.enqueue_indirect_dma source(%dma_start3A_221 : memref<10240x64xf32, #tpu.memory_space<hbm>>) target(%arg10 : memref<128x64xf32, #tpu.memory_space<vmem>>) offsets(%dma_start3A_218 : memref<128xi32, #tpu.memory_space<vmem>>) semaphore(%arg16 : memref<!tpu.dma_semaphore, #tpu.memory_space<semaphore_mem>>)
        } else {
        }
        %dma_wait3A_152 = arith.constant 0 : i32
        %dma_wait3A_153 = tpu.memref_slice %arg9[%add3A_83, %dma_wait3A_152] : memref<160x128xi32, #tpu.memory_space<vmem>> -> memref<1x128xi32, #tpu.memory_space<vmem>>
        %dma_wait3A_154 = tpu.memref_squeeze %dma_wait3A_153 : memref<1x128xi32, #tpu.memory_space<vmem>> -> memref<128xi32, #tpu.memory_space<vmem>>
        %dma_wait3A_155 = arith.constant 0 : i32
        %dma_wait3A_156 = arith.constant 0 : i32
        %dma_wait3A_157 = tpu.memref_slice %arg15[%dma_wait3A_155, %dma_wait3A_156] : memref<10240x64xf32, #tpu.memory_space<vmem_shared>> -> memref<10240x64xf32, #tpu.memory_space<vmem_shared>>
        tpu.wait_indirect_dma semaphore(%arg22 : memref<!tpu.dma_semaphore, #tpu.memory_space<semaphore_mem>>) src(%arg11 : memref<128x64xf32, #tpu.memory_space<vmem>>) dst(%dma_wait3A_157 : memref<10240x64xf32, #tpu.memory_space<vmem_shared>>)
        %add3A_158 = arith.constant 1 : i32
        %add3A_159 = arith.addi %add3A_58, %add3A_158 : i32
        %add3A_160 = arith.constant 5 : i32
        %add3A_161 = arith.addi %add3A_159, %add3A_160 : i32
        %lt3A_162 = arith.constant 160 : i32
        %lt3A_163 = arith.cmpi slt, %add3A_161, %lt3A_162 : i32
        %convert_element_type3A_164 = arith.extui %lt3A_163 : i1 to i32
        %cond3A_165 = arith.constant 0 : i32
        %cond3A_166 = arith.cmpi ne, %convert_element_type3A_164, %cond3A_165 : i32
        scf.if %cond3A_166 {
          %add3A_212 = arith.constant 1 : i32
          %add3A_213 = arith.addi %add3A_58, %add3A_212 : i32
          %add3A_214 = arith.constant 5 : i32
          %add3A_215 = arith.addi %add3A_213, %add3A_214 : i32
          %dma_start3A_216 = arith.constant 0 : i32
          %dma_start3A_217 = tpu.memref_slice %arg8[%add3A_215, %dma_start3A_216] : memref<160x128xi32, #tpu.memory_space<vmem>> -> memref<1x128xi32, #tpu.memory_space<vmem>>
          %dma_start3A_218 = tpu.memref_squeeze %dma_start3A_217 : memref<1x128xi32, #tpu.memory_space<vmem>> -> memref<128xi32, #tpu.memory_space<vmem>>
          %dma_start3A_219 = arith.constant 0 : i32
          %dma_start3A_220 = arith.constant 0 : i32
          %dma_start3A_221 = tpu.memref_slice %arg4[%dma_start3A_219, %dma_start3A_220] : memref<10240x64xf32, #tpu.memory_space<hbm>> -> memref<10240x64xf32, #tpu.memory_space<hbm>>
          tpu.enqueue_indirect_dma source(%dma_start3A_221 : memref<10240x64xf32, #tpu.memory_space<hbm>>) target(%arg11 : memref<128x64xf32, #tpu.memory_space<vmem>>) offsets(%dma_start3A_218 : memref<128xi32, #tpu.memory_space<vmem>>) semaphore(%arg17 : memref<!tpu.dma_semaphore, #tpu.memory_space<semaphore_mem>>)
        } else {
        }
        %dma_wait3A_167 = arith.constant 0 : i32
        %dma_wait3A_168 = tpu.memref_slice %arg9[%add3A_99, %dma_wait3A_167] : memref<160x128xi32, #tpu.memory_space<vmem>> -> memref<1x128xi32, #tpu.memory_space<vmem>>
        %dma_wait3A_169 = tpu.memref_squeeze %dma_wait3A_168 : memref<1x128xi32, #tpu.memory_space<vmem>> -> memref<128xi32, #tpu.memory_space<vmem>>
        %dma_wait3A_170 = arith.constant 0 : i32
        %dma_wait3A_171 = arith.constant 0 : i32
        %dma_wait3A_172 = tpu.memref_slice %arg15[%dma_wait3A_170, %dma_wait3A_171] : memref<10240x64xf32, #tpu.memory_space<vmem_shared>> -> memref<10240x64xf32, #tpu.memory_space<vmem_shared>>
        tpu.wait_indirect_dma semaphore(%arg23 : memref<!tpu.dma_semaphore, #tpu.memory_space<semaphore_mem>>) src(%arg12 : memref<128x64xf32, #tpu.memory_space<vmem>>) dst(%dma_wait3A_172 : memref<10240x64xf32, #tpu.memory_space<vmem_shared>>)
        %add3A_173 = arith.constant 2 : i32
        %add3A_174 = arith.addi %add3A_58, %add3A_173 : i32
        %add3A_175 = arith.constant 5 : i32
        %add3A_176 = arith.addi %add3A_174, %add3A_175 : i32
        %lt3A_177 = arith.constant 160 : i32
        %lt3A_178 = arith.cmpi slt, %add3A_176, %lt3A_177 : i32
        %convert_element_type3A_179 = arith.extui %lt3A_178 : i1 to i32
        %cond3A_180 = arith.constant 0 : i32
        %cond3A_181 = arith.cmpi ne, %convert_element_type3A_179, %cond3A_180 : i32
        scf.if %cond3A_181 {
          %add3A_212 = arith.constant 2 : i32
          %add3A_213 = arith.addi %add3A_58, %add3A_212 : i32
          %add3A_214 = arith.constant 5 : i32
          %add3A_215 = arith.addi %add3A_213, %add3A_214 : i32
          %dma_start3A_216 = arith.constant 0 : i32
          %dma_start3A_217 = tpu.memref_slice %arg8[%add3A_215, %dma_start3A_216] : memref<160x128xi32, #tpu.memory_space<vmem>> -> memref<1x128xi32, #tpu.memory_space<vmem>>
          %dma_start3A_218 = tpu.memref_squeeze %dma_start3A_217 : memref<1x128xi32, #tpu.memory_space<vmem>> -> memref<128xi32, #tpu.memory_space<vmem>>
          %dma_start3A_219 = arith.constant 0 : i32
          %dma_start3A_220 = arith.constant 0 : i32
          %dma_start3A_221 = tpu.memref_slice %arg4[%dma_start3A_219, %dma_start3A_220] : memref<10240x64xf32, #tpu.memory_space<hbm>> -> memref<10240x64xf32, #tpu.memory_space<hbm>>
          tpu.enqueue_indirect_dma source(%dma_start3A_221 : memref<10240x64xf32, #tpu.memory_space<hbm>>) target(%arg12 : memref<128x64xf32, #tpu.memory_space<vmem>>) offsets(%dma_start3A_218 : memref<128xi32, #tpu.memory_space<vmem>>) semaphore(%arg18 : memref<!tpu.dma_semaphore, #tpu.memory_space<semaphore_mem>>)
        } else {
        }
        %dma_wait3A_182 = arith.constant 0 : i32
        %dma_wait3A_183 = tpu.memref_slice %arg9[%add3A_115, %dma_wait3A_182] : memref<160x128xi32, #tpu.memory_space<vmem>> -> memref<1x128xi32, #tpu.memory_space<vmem>>
        %dma_wait3A_184 = tpu.memref_squeeze %dma_wait3A_183 : memref<1x128xi32, #tpu.memory_space<vmem>> -> memref<128xi32, #tpu.memory_space<vmem>>
        %dma_wait3A_185 = arith.constant 0 : i32
        %dma_wait3A_186 = arith.constant 0 : i32
        %dma_wait3A_187 = tpu.memref_slice %arg15[%dma_wait3A_185, %dma_wait3A_186] : memref<10240x64xf32, #tpu.memory_space<vmem_shared>> -> memref<10240x64xf32, #tpu.memory_space<vmem_shared>>
        tpu.wait_indirect_dma semaphore(%arg24 : memref<!tpu.dma_semaphore, #tpu.memory_space<semaphore_mem>>) src(%arg13 : memref<128x64xf32, #tpu.memory_space<vmem>>) dst(%dma_wait3A_187 : memref<10240x64xf32, #tpu.memory_space<vmem_shared>>)
        %add3A_188 = arith.constant 3 : i32
        %add3A_189 = arith.addi %add3A_58, %add3A_188 : i32
        %add3A_190 = arith.constant 5 : i32
        %add3A_191 = arith.addi %add3A_189, %add3A_190 : i32
        %lt3A_192 = arith.constant 160 : i32
        %lt3A_193 = arith.cmpi slt, %add3A_191, %lt3A_192 : i32
        %convert_element_type3A_194 = arith.extui %lt3A_193 : i1 to i32
        %cond3A_195 = arith.constant 0 : i32
        %cond3A_196 = arith.cmpi ne, %convert_element_type3A_194, %cond3A_195 : i32
        scf.if %cond3A_196 {
          %add3A_212 = arith.constant 3 : i32
          %add3A_213 = arith.addi %add3A_58, %add3A_212 : i32
          %add3A_214 = arith.constant 5 : i32
          %add3A_215 = arith.addi %add3A_213, %add3A_214 : i32
          %dma_start3A_216 = arith.constant 0 : i32
          %dma_start3A_217 = tpu.memref_slice %arg8[%add3A_215, %dma_start3A_216] : memref<160x128xi32, #tpu.memory_space<vmem>> -> memref<1x128xi32, #tpu.memory_space<vmem>>
          %dma_start3A_218 = tpu.memref_squeeze %dma_start3A_217 : memref<1x128xi32, #tpu.memory_space<vmem>> -> memref<128xi32, #tpu.memory_space<vmem>>
          %dma_start3A_219 = arith.constant 0 : i32
          %dma_start3A_220 = arith.constant 0 : i32
          %dma_start3A_221 = tpu.memref_slice %arg4[%dma_start3A_219, %dma_start3A_220] : memref<10240x64xf32, #tpu.memory_space<hbm>> -> memref<10240x64xf32, #tpu.memory_space<hbm>>
          tpu.enqueue_indirect_dma source(%dma_start3A_221 : memref<10240x64xf32, #tpu.memory_space<hbm>>) target(%arg13 : memref<128x64xf32, #tpu.memory_space<vmem>>) offsets(%dma_start3A_218 : memref<128xi32, #tpu.memory_space<vmem>>) semaphore(%arg19 : memref<!tpu.dma_semaphore, #tpu.memory_space<semaphore_mem>>)
        } else {
        }
        %dma_wait3A_197 = arith.constant 0 : i32
        %dma_wait3A_198 = tpu.memref_slice %arg9[%add3A_131, %dma_wait3A_197] : memref<160x128xi32, #tpu.memory_space<vmem>> -> memref<1x128xi32, #tpu.memory_space<vmem>>
        %dma_wait3A_199 = tpu.memref_squeeze %dma_wait3A_198 : memref<1x128xi32, #tpu.memory_space<vmem>> -> memref<128xi32, #tpu.memory_space<vmem>>
        %dma_wait3A_200 = arith.constant 0 : i32
        %dma_wait3A_201 = arith.constant 0 : i32
        %dma_wait3A_202 = tpu.memref_slice %arg15[%dma_wait3A_200, %dma_wait3A_201] : memref<10240x64xf32, #tpu.memory_space<vmem_shared>> -> memref<10240x64xf32, #tpu.memory_space<vmem_shared>>
        tpu.wait_indirect_dma semaphore(%arg25 : memref<!tpu.dma_semaphore, #tpu.memory_space<semaphore_mem>>) src(%arg14 : memref<128x64xf32, #tpu.memory_space<vmem>>) dst(%dma_wait3A_202 : memref<10240x64xf32, #tpu.memory_space<vmem_shared>>)
        %add3A_203 = arith.constant 4 : i32
        %add3A_204 = arith.addi %add3A_58, %add3A_203 : i32
        %add3A_205 = arith.constant 5 : i32
        %add3A_206 = arith.addi %add3A_204, %add3A_205 : i32
        %lt3A_207 = arith.constant 160 : i32
        %lt3A_208 = arith.cmpi slt, %add3A_206, %lt3A_207 : i32
        %convert_element_type3A_209 = arith.extui %lt3A_208 : i1 to i32
        %cond3A_210 = arith.constant 0 : i32
        %cond3A_211 = arith.cmpi ne, %convert_element_type3A_209, %cond3A_210 : i32
        scf.if %cond3A_211 {
          %add3A_212 = arith.constant 4 : i32
          %add3A_213 = arith.addi %add3A_58, %add3A_212 : i32
          %add3A_214 = arith.constant 5 : i32
          %add3A_215 = arith.addi %add3A_213, %add3A_214 : i32
          %dma_start3A_216 = arith.constant 0 : i32
          %dma_start3A_217 = tpu.memref_slice %arg8[%add3A_215, %dma_start3A_216] : memref<160x128xi32, #tpu.memory_space<vmem>> -> memref<1x128xi32, #tpu.memory_space<vmem>>
          %dma_start3A_218 = tpu.memref_squeeze %dma_start3A_217 : memref<1x128xi32, #tpu.memory_space<vmem>> -> memref<128xi32, #tpu.memory_space<vmem>>
          %dma_start3A_219 = arith.constant 0 : i32
          %dma_start3A_220 = arith.constant 0 : i32
          %dma_start3A_221 = tpu.memref_slice %arg4[%dma_start3A_219, %dma_start3A_220] : memref<10240x64xf32, #tpu.memory_space<hbm>> -> memref<10240x64xf32, #tpu.memory_space<hbm>>
          tpu.enqueue_indirect_dma source(%dma_start3A_221 : memref<10240x64xf32, #tpu.memory_space<hbm>>) target(%arg14 : memref<128x64xf32, #tpu.memory_space<vmem>>) offsets(%dma_start3A_218 : memref<128xi32, #tpu.memory_space<vmem>>) semaphore(%arg20 : memref<!tpu.dma_semaphore, #tpu.memory_space<semaphore_mem>>)
        } else {
        }
      }
      %scan3A_54 = arith.constant 32 : i32
    } else {
    }
    %eq3A_7 = arith.constant 1 : i32
    %eq3A_8 = arith.cmpi eq, %arg0, %eq3A_7 : i32
    %convert_element_type3A_9 = arith.extui %eq3A_8 : i1 to i32
    %cond3A_10 = arith.constant 0 : i32
    %cond3A_11 = arith.cmpi ne, %convert_element_type3A_9, %cond3A_10 : i32
    scf.if %cond3A_11 {
      %dma_start3A = arith.constant 0 : i32
      %dma_start3A_17 = arith.constant 0 : i32
      %dma_start3A_18 = tpu.memref_slice %arg8[%dma_start3A, %dma_start3A_17] : memref<160x128xi32, #tpu.memory_space<vmem>> -> memref<1x128xi32, #tpu.memory_space<vmem>>
      %dma_start3A_19 = tpu.memref_squeeze %dma_start3A_18 : memref<1x128xi32, #tpu.memory_space<vmem>> -> memref<128xi32, #tpu.memory_space<vmem>>
      %dma_start3A_20 = arith.constant 0 : i32
      %dma_start3A_21 = arith.constant 0 : i32
      %dma_start3A_22 = tpu.memref_slice %arg5[%dma_start3A_20, %dma_start3A_21] : memref<10240x64xf32, #tpu.memory_space<hbm>> -> memref<10240x64xf32, #tpu.memory_space<hbm>>
      tpu.enqueue_indirect_dma source(%dma_start3A_22 : memref<10240x64xf32, #tpu.memory_space<hbm>>) target(%arg10 : memref<128x64xf32, #tpu.memory_space<vmem>>) offsets(%dma_start3A_19 : memref<128xi32, #tpu.memory_space<vmem>>) semaphore(%arg16 : memref<!tpu.dma_semaphore, #tpu.memory_space<semaphore_mem>>)
      %dma_start3A_23 = arith.constant 1 : i32
      %dma_start3A_24 = arith.constant 0 : i32
      %dma_start3A_25 = tpu.memref_slice %arg8[%dma_start3A_23, %dma_start3A_24] : memref<160x128xi32, #tpu.memory_space<vmem>> -> memref<1x128xi32, #tpu.memory_space<vmem>>
      %dma_start3A_26 = tpu.memref_squeeze %dma_start3A_25 : memref<1x128xi32, #tpu.memory_space<vmem>> -> memref<128xi32, #tpu.memory_space<vmem>>
      %dma_start3A_27 = arith.constant 0 : i32
      %dma_start3A_28 = arith.constant 0 : i32
      %dma_start3A_29 = tpu.memref_slice %arg5[%dma_start3A_27, %dma_start3A_28] : memref<10240x64xf32, #tpu.memory_space<hbm>> -> memref<10240x64xf32, #tpu.memory_space<hbm>>
      tpu.enqueue_indirect_dma source(%dma_start3A_29 : memref<10240x64xf32, #tpu.memory_space<hbm>>) target(%arg11 : memref<128x64xf32, #tpu.memory_space<vmem>>) offsets(%dma_start3A_26 : memref<128xi32, #tpu.memory_space<vmem>>) semaphore(%arg17 : memref<!tpu.dma_semaphore, #tpu.memory_space<semaphore_mem>>)
      %dma_start3A_30 = arith.constant 2 : i32
      %dma_start3A_31 = arith.constant 0 : i32
      %dma_start3A_32 = tpu.memref_slice %arg8[%dma_start3A_30, %dma_start3A_31] : memref<160x128xi32, #tpu.memory_space<vmem>> -> memref<1x128xi32, #tpu.memory_space<vmem>>
      %dma_start3A_33 = tpu.memref_squeeze %dma_start3A_32 : memref<1x128xi32, #tpu.memory_space<vmem>> -> memref<128xi32, #tpu.memory_space<vmem>>
      %dma_start3A_34 = arith.constant 0 : i32
      %dma_start3A_35 = arith.constant 0 : i32
      %dma_start3A_36 = tpu.memref_slice %arg5[%dma_start3A_34, %dma_start3A_35] : memref<10240x64xf32, #tpu.memory_space<hbm>> -> memref<10240x64xf32, #tpu.memory_space<hbm>>
      tpu.enqueue_indirect_dma source(%dma_start3A_36 : memref<10240x64xf32, #tpu.memory_space<hbm>>) target(%arg12 : memref<128x64xf32, #tpu.memory_space<vmem>>) offsets(%dma_start3A_33 : memref<128xi32, #tpu.memory_space<vmem>>) semaphore(%arg18 : memref<!tpu.dma_semaphore, #tpu.memory_space<semaphore_mem>>)
      %dma_start3A_37 = arith.constant 3 : i32
      %dma_start3A_38 = arith.constant 0 : i32
      %dma_start3A_39 = tpu.memref_slice %arg8[%dma_start3A_37, %dma_start3A_38] : memref<160x128xi32, #tpu.memory_space<vmem>> -> memref<1x128xi32, #tpu.memory_space<vmem>>
      %dma_start3A_40 = tpu.memref_squeeze %dma_start3A_39 : memref<1x128xi32, #tpu.memory_space<vmem>> -> memref<128xi32, #tpu.memory_space<vmem>>
      %dma_start3A_41 = arith.constant 0 : i32
      %dma_start3A_42 = arith.constant 0 : i32
      %dma_start3A_43 = tpu.memref_slice %arg5[%dma_start3A_41, %dma_start3A_42] : memref<10240x64xf32, #tpu.memory_space<hbm>> -> memref<10240x64xf32, #tpu.memory_space<hbm>>
      tpu.enqueue_indirect_dma source(%dma_start3A_43 : memref<10240x64xf32, #tpu.memory_space<hbm>>) target(%arg13 : memref<128x64xf32, #tpu.memory_space<vmem>>) offsets(%dma_start3A_40 : memref<128xi32, #tpu.memory_space<vmem>>) semaphore(%arg19 : memref<!tpu.dma_semaphore, #tpu.memory_space<semaphore_mem>>)
      %dma_start3A_44 = arith.constant 4 : i32
      %dma_start3A_45 = arith.constant 0 : i32
      %dma_start3A_46 = tpu.memref_slice %arg8[%dma_start3A_44, %dma_start3A_45] : memref<160x128xi32, #tpu.memory_space<vmem>> -> memref<1x128xi32, #tpu.memory_space<vmem>>
      %dma_start3A_47 = tpu.memref_squeeze %dma_start3A_46 : memref<1x128xi32, #tpu.memory_space<vmem>> -> memref<128xi32, #tpu.memory_space<vmem>>
      %dma_start3A_48 = arith.constant 0 : i32
      %dma_start3A_49 = arith.constant 0 : i32
      %dma_start3A_50 = tpu.memref_slice %arg5[%dma_start3A_48, %dma_start3A_49] : memref<10240x64xf32, #tpu.memory_space<hbm>> -> memref<10240x64xf32, #tpu.memory_space<hbm>>
      tpu.enqueue_indirect_dma source(%dma_start3A_50 : memref<10240x64xf32, #tpu.memory_space<hbm>>) target(%arg14 : memref<128x64xf32, #tpu.memory_space<vmem>>) offsets(%dma_start3A_47 : memref<128xi32, #tpu.memory_space<vmem>>) semaphore(%arg20 : memref<!tpu.dma_semaphore, #tpu.memory_space<semaphore_mem>>)
      %scan3A = arith.constant 0 : i32
      %scan3A_51 = arith.constant 32 : i32
      %scan3A_52 = arith.addi %scan3A, %scan3A_51 : i32
      %scan3A_53 = arith.constant 1 : i32
      scf.for %scan3A_55 = %scan3A to %scan3A_52 step %scan3A_53  : i32 {
        %mul3A_56 = arith.constant 5 : i32
        %mul3A_57 = arith.muli %scan3A_55, %mul3A_56 : i32
        %add3A = arith.constant 0 : i32
        %add3A_58 = arith.addi %add3A, %mul3A_57 : i32
        %add3A_59 = arith.constant 0 : i32
        %add3A_60 = arith.addi %add3A_58, %add3A_59 : i32
        %dma_wait3A = arith.constant 0 : i32
        %dma_wait3A_61 = tpu.memref_slice %arg8[%add3A_60, %dma_wait3A] : memref<160x128xi32, #tpu.memory_space<vmem>> -> memref<1x128xi32, #tpu.memory_space<vmem>>
        %dma_wait3A_62 = tpu.memref_squeeze %dma_wait3A_61 : memref<1x128xi32, #tpu.memory_space<vmem>> -> memref<128xi32, #tpu.memory_space<vmem>>
        %dma_wait3A_63 = arith.constant 0 : i32
        %dma_wait3A_64 = arith.constant 0 : i32
        %dma_wait3A_65 = tpu.memref_slice %arg5[%dma_wait3A_63, %dma_wait3A_64] : memref<10240x64xf32, #tpu.memory_space<hbm>> -> memref<10240x64xf32, #tpu.memory_space<hbm>>
        tpu.wait_indirect_dma semaphore(%arg16 : memref<!tpu.dma_semaphore, #tpu.memory_space<semaphore_mem>>) src(%dma_wait3A_65 : memref<10240x64xf32, #tpu.memory_space<hbm>>) dst(%arg10 : memref<128x64xf32, #tpu.memory_space<vmem>>)
        %add3A_66 = arith.constant 0 : i32
        %add3A_67 = arith.addi %add3A_58, %add3A_66 : i32
        %dma_start3A_68 = arith.constant 0 : i32
        %dma_start3A_69 = tpu.memref_slice %arg9[%add3A_67, %dma_start3A_68] : memref<160x128xi32, #tpu.memory_space<vmem>> -> memref<1x128xi32, #tpu.memory_space<vmem>>
        %dma_start3A_70 = tpu.memref_squeeze %dma_start3A_69 : memref<1x128xi32, #tpu.memory_space<vmem>> -> memref<128xi32, #tpu.memory_space<vmem>>
        %dma_start3A_71 = arith.constant 0 : i32
        %dma_start3A_72 = arith.constant 0 : i32
        %dma_start3A_73 = tpu.memref_slice %arg15[%dma_start3A_71, %dma_start3A_72] : memref<10240x64xf32, #tpu.memory_space<vmem_shared>> -> memref<10240x64xf32, #tpu.memory_space<vmem_shared>>
        tpu.enqueue_indirect_dma source(%arg10 : memref<128x64xf32, #tpu.memory_space<vmem>>) target(%dma_start3A_73 : memref<10240x64xf32, #tpu.memory_space<vmem_shared>>) offsets(%dma_start3A_70 : memref<128xi32, #tpu.memory_space<vmem>>) semaphore(%arg21 : memref<!tpu.dma_semaphore, #tpu.memory_space<semaphore_mem>>) {add = true}
        %add3A_74 = arith.constant 1 : i32
        %add3A_75 = arith.addi %add3A_58, %add3A_74 : i32
        %dma_wait3A_76 = arith.constant 0 : i32
        %dma_wait3A_77 = tpu.memref_slice %arg8[%add3A_75, %dma_wait3A_76] : memref<160x128xi32, #tpu.memory_space<vmem>> -> memref<1x128xi32, #tpu.memory_space<vmem>>
        %dma_wait3A_78 = tpu.memref_squeeze %dma_wait3A_77 : memref<1x128xi32, #tpu.memory_space<vmem>> -> memref<128xi32, #tpu.memory_space<vmem>>
        %dma_wait3A_79 = arith.constant 0 : i32
        %dma_wait3A_80 = arith.constant 0 : i32
        %dma_wait3A_81 = tpu.memref_slice %arg5[%dma_wait3A_79, %dma_wait3A_80] : memref<10240x64xf32, #tpu.memory_space<hbm>> -> memref<10240x64xf32, #tpu.memory_space<hbm>>
        tpu.wait_indirect_dma semaphore(%arg17 : memref<!tpu.dma_semaphore, #tpu.memory_space<semaphore_mem>>) src(%dma_wait3A_81 : memref<10240x64xf32, #tpu.memory_space<hbm>>) dst(%arg11 : memref<128x64xf32, #tpu.memory_space<vmem>>)
        %add3A_82 = arith.constant 1 : i32
        %add3A_83 = arith.addi %add3A_58, %add3A_82 : i32
        %dma_start3A_84 = arith.constant 0 : i32
        %dma_start3A_85 = tpu.memref_slice %arg9[%add3A_83, %dma_start3A_84] : memref<160x128xi32, #tpu.memory_space<vmem>> -> memref<1x128xi32, #tpu.memory_space<vmem>>
        %dma_start3A_86 = tpu.memref_squeeze %dma_start3A_85 : memref<1x128xi32, #tpu.memory_space<vmem>> -> memref<128xi32, #tpu.memory_space<vmem>>
        %dma_start3A_87 = arith.constant 0 : i32
        %dma_start3A_88 = arith.constant 0 : i32
        %dma_start3A_89 = tpu.memref_slice %arg15[%dma_start3A_87, %dma_start3A_88] : memref<10240x64xf32, #tpu.memory_space<vmem_shared>> -> memref<10240x64xf32, #tpu.memory_space<vmem_shared>>
        tpu.enqueue_indirect_dma source(%arg11 : memref<128x64xf32, #tpu.memory_space<vmem>>) target(%dma_start3A_89 : memref<10240x64xf32, #tpu.memory_space<vmem_shared>>) offsets(%dma_start3A_86 : memref<128xi32, #tpu.memory_space<vmem>>) semaphore(%arg22 : memref<!tpu.dma_semaphore, #tpu.memory_space<semaphore_mem>>) {add = true}
        %add3A_90 = arith.constant 2 : i32
        %add3A_91 = arith.addi %add3A_58, %add3A_90 : i32
        %dma_wait3A_92 = arith.constant 0 : i32
        %dma_wait3A_93 = tpu.memref_slice %arg8[%add3A_91, %dma_wait3A_92] : memref<160x128xi32, #tpu.memory_space<vmem>> -> memref<1x128xi32, #tpu.memory_space<vmem>>
        %dma_wait3A_94 = tpu.memref_squeeze %dma_wait3A_93 : memref<1x128xi32, #tpu.memory_space<vmem>> -> memref<128xi32, #tpu.memory_space<vmem>>
        %dma_wait3A_95 = arith.constant 0 : i32
        %dma_wait3A_96 = arith.constant 0 : i32
        %dma_wait3A_97 = tpu.memref_slice %arg5[%dma_wait3A_95, %dma_wait3A_96] : memref<10240x64xf32, #tpu.memory_space<hbm>> -> memref<10240x64xf32, #tpu.memory_space<hbm>>
        tpu.wait_indirect_dma semaphore(%arg18 : memref<!tpu.dma_semaphore, #tpu.memory_space<semaphore_mem>>) src(%dma_wait3A_97 : memref<10240x64xf32, #tpu.memory_space<hbm>>) dst(%arg12 : memref<128x64xf32, #tpu.memory_space<vmem>>)
        %add3A_98 = arith.constant 2 : i32
        %add3A_99 = arith.addi %add3A_58, %add3A_98 : i32
        %dma_start3A_100 = arith.constant 0 : i32
        %dma_start3A_101 = tpu.memref_slice %arg9[%add3A_99, %dma_start3A_100] : memref<160x128xi32, #tpu.memory_space<vmem>> -> memref<1x128xi32, #tpu.memory_space<vmem>>
        %dma_start3A_102 = tpu.memref_squeeze %dma_start3A_101 : memref<1x128xi32, #tpu.memory_space<vmem>> -> memref<128xi32, #tpu.memory_space<vmem>>
        %dma_start3A_103 = arith.constant 0 : i32
        %dma_start3A_104 = arith.constant 0 : i32
        %dma_start3A_105 = tpu.memref_slice %arg15[%dma_start3A_103, %dma_start3A_104] : memref<10240x64xf32, #tpu.memory_space<vmem_shared>> -> memref<10240x64xf32, #tpu.memory_space<vmem_shared>>
        tpu.enqueue_indirect_dma source(%arg12 : memref<128x64xf32, #tpu.memory_space<vmem>>) target(%dma_start3A_105 : memref<10240x64xf32, #tpu.memory_space<vmem_shared>>) offsets(%dma_start3A_102 : memref<128xi32, #tpu.memory_space<vmem>>) semaphore(%arg23 : memref<!tpu.dma_semaphore, #tpu.memory_space<semaphore_mem>>) {add = true}
        %add3A_106 = arith.constant 3 : i32
        %add3A_107 = arith.addi %add3A_58, %add3A_106 : i32
        %dma_wait3A_108 = arith.constant 0 : i32
        %dma_wait3A_109 = tpu.memref_slice %arg8[%add3A_107, %dma_wait3A_108] : memref<160x128xi32, #tpu.memory_space<vmem>> -> memref<1x128xi32, #tpu.memory_space<vmem>>
        %dma_wait3A_110 = tpu.memref_squeeze %dma_wait3A_109 : memref<1x128xi32, #tpu.memory_space<vmem>> -> memref<128xi32, #tpu.memory_space<vmem>>
        %dma_wait3A_111 = arith.constant 0 : i32
        %dma_wait3A_112 = arith.constant 0 : i32
        %dma_wait3A_113 = tpu.memref_slice %arg5[%dma_wait3A_111, %dma_wait3A_112] : memref<10240x64xf32, #tpu.memory_space<hbm>> -> memref<10240x64xf32, #tpu.memory_space<hbm>>
        tpu.wait_indirect_dma semaphore(%arg19 : memref<!tpu.dma_semaphore, #tpu.memory_space<semaphore_mem>>) src(%dma_wait3A_113 : memref<10240x64xf32, #tpu.memory_space<hbm>>) dst(%arg13 : memref<128x64xf32, #tpu.memory_space<vmem>>)
        %add3A_114 = arith.constant 3 : i32
        %add3A_115 = arith.addi %add3A_58, %add3A_114 : i32
        %dma_start3A_116 = arith.constant 0 : i32
        %dma_start3A_117 = tpu.memref_slice %arg9[%add3A_115, %dma_start3A_116] : memref<160x128xi32, #tpu.memory_space<vmem>> -> memref<1x128xi32, #tpu.memory_space<vmem>>
        %dma_start3A_118 = tpu.memref_squeeze %dma_start3A_117 : memref<1x128xi32, #tpu.memory_space<vmem>> -> memref<128xi32, #tpu.memory_space<vmem>>
        %dma_start3A_119 = arith.constant 0 : i32
        %dma_start3A_120 = arith.constant 0 : i32
        %dma_start3A_121 = tpu.memref_slice %arg15[%dma_start3A_119, %dma_start3A_120] : memref<10240x64xf32, #tpu.memory_space<vmem_shared>> -> memref<10240x64xf32, #tpu.memory_space<vmem_shared>>
        tpu.enqueue_indirect_dma source(%arg13 : memref<128x64xf32, #tpu.memory_space<vmem>>) target(%dma_start3A_121 : memref<10240x64xf32, #tpu.memory_space<vmem_shared>>) offsets(%dma_start3A_118 : memref<128xi32, #tpu.memory_space<vmem>>) semaphore(%arg24 : memref<!tpu.dma_semaphore, #tpu.memory_space<semaphore_mem>>) {add = true}
        %add3A_122 = arith.constant 4 : i32
        %add3A_123 = arith.addi %add3A_58, %add3A_122 : i32
        %dma_wait3A_124 = arith.constant 0 : i32
        %dma_wait3A_125 = tpu.memref_slice %arg8[%add3A_123, %dma_wait3A_124] : memref<160x128xi32, #tpu.memory_space<vmem>> -> memref<1x128xi32, #tpu.memory_space<vmem>>
        %dma_wait3A_126 = tpu.memref_squeeze %dma_wait3A_125 : memref<1x128xi32, #tpu.memory_space<vmem>> -> memref<128xi32, #tpu.memory_space<vmem>>
        %dma_wait3A_127 = arith.constant 0 : i32
        %dma_wait3A_128 = arith.constant 0 : i32
        %dma_wait3A_129 = tpu.memref_slice %arg5[%dma_wait3A_127, %dma_wait3A_128] : memref<10240x64xf32, #tpu.memory_space<hbm>> -> memref<10240x64xf32, #tpu.memory_space<hbm>>
        tpu.wait_indirect_dma semaphore(%arg20 : memref<!tpu.dma_semaphore, #tpu.memory_space<semaphore_mem>>) src(%dma_wait3A_129 : memref<10240x64xf32, #tpu.memory_space<hbm>>) dst(%arg14 : memref<128x64xf32, #tpu.memory_space<vmem>>)
        %add3A_130 = arith.constant 4 : i32
        %add3A_131 = arith.addi %add3A_58, %add3A_130 : i32
        %dma_start3A_132 = arith.constant 0 : i32
        %dma_start3A_133 = tpu.memref_slice %arg9[%add3A_131, %dma_start3A_132] : memref<160x128xi32, #tpu.memory_space<vmem>> -> memref<1x128xi32, #tpu.memory_space<vmem>>
        %dma_start3A_134 = tpu.memref_squeeze %dma_start3A_133 : memref<1x128xi32, #tpu.memory_space<vmem>> -> memref<128xi32, #tpu.memory_space<vmem>>
        %dma_start3A_135 = arith.constant 0 : i32
        %dma_start3A_136 = arith.constant 0 : i32
        %dma_start3A_137 = tpu.memref_slice %arg15[%dma_start3A_135, %dma_start3A_136] : memref<10240x64xf32, #tpu.memory_space<vmem_shared>> -> memref<10240x64xf32, #tpu.memory_space<vmem_shared>>
        tpu.enqueue_indirect_dma source(%arg14 : memref<128x64xf32, #tpu.memory_space<vmem>>) target(%dma_start3A_137 : memref<10240x64xf32, #tpu.memory_space<vmem_shared>>) offsets(%dma_start3A_134 : memref<128xi32, #tpu.memory_space<vmem>>) semaphore(%arg25 : memref<!tpu.dma_semaphore, #tpu.memory_space<semaphore_mem>>) {add = true}
        %dma_wait3A_138 = arith.constant 0 : i32
        %dma_wait3A_139 = tpu.memref_slice %arg9[%add3A_67, %dma_wait3A_138] : memref<160x128xi32, #tpu.memory_space<vmem>> -> memref<1x128xi32, #tpu.memory_space<vmem>>
        %dma_wait3A_140 = tpu.memref_squeeze %dma_wait3A_139 : memref<1x128xi32, #tpu.memory_space<vmem>> -> memref<128xi32, #tpu.memory_space<vmem>>
        %dma_wait3A_141 = arith.constant 0 : i32
        %dma_wait3A_142 = arith.constant 0 : i32
        %dma_wait3A_143 = tpu.memref_slice %arg15[%dma_wait3A_141, %dma_wait3A_142] : memref<10240x64xf32, #tpu.memory_space<vmem_shared>> -> memref<10240x64xf32, #tpu.memory_space<vmem_shared>>
        tpu.wait_indirect_dma semaphore(%arg21 : memref<!tpu.dma_semaphore, #tpu.memory_space<semaphore_mem>>) src(%arg10 : memref<128x64xf32, #tpu.memory_space<vmem>>) dst(%dma_wait3A_143 : memref<10240x64xf32, #tpu.memory_space<vmem_shared>>)
        %add3A_144 = arith.constant 0 : i32
        %add3A_145 = arith.addi %add3A_58, %add3A_144 : i32
        %add3A_146 = arith.constant 5 : i32
        %add3A_147 = arith.addi %add3A_145, %add3A_146 : i32
        %lt3A = arith.constant 160 : i32
        %lt3A_148 = arith.cmpi slt, %add3A_147, %lt3A : i32
        %convert_element_type3A_149 = arith.extui %lt3A_148 : i1 to i32
        %cond3A_150 = arith.constant 0 : i32
        %cond3A_151 = arith.cmpi ne, %convert_element_type3A_149, %cond3A_150 : i32
        scf.if %cond3A_151 {
          %add3A_212 = arith.constant 0 : i32
          %add3A_213 = arith.addi %add3A_58, %add3A_212 : i32
          %add3A_214 = arith.constant 5 : i32
          %add3A_215 = arith.addi %add3A_213, %add3A_214 : i32
          %dma_start3A_216 = arith.constant 0 : i32
          %dma_start3A_217 = tpu.memref_slice %arg8[%add3A_215, %dma_start3A_216] : memref<160x128xi32, #tpu.memory_space<vmem>> -> memref<1x128xi32, #tpu.memory_space<vmem>>
          %dma_start3A_218 = tpu.memref_squeeze %dma_start3A_217 : memref<1x128xi32, #tpu.memory_space<vmem>> -> memref<128xi32, #tpu.memory_space<vmem>>
          %dma_start3A_219 = arith.constant 0 : i32
          %dma_start3A_220 = arith.constant 0 : i32
          %dma_start3A_221 = tpu.memref_slice %arg5[%dma_start3A_219, %dma_start3A_220] : memref<10240x64xf32, #tpu.memory_space<hbm>> -> memref<10240x64xf32, #tpu.memory_space<hbm>>
          tpu.enqueue_indirect_dma source(%dma_start3A_221 : memref<10240x64xf32, #tpu.memory_space<hbm>>) target(%arg10 : memref<128x64xf32, #tpu.memory_space<vmem>>) offsets(%dma_start3A_218 : memref<128xi32, #tpu.memory_space<vmem>>) semaphore(%arg16 : memref<!tpu.dma_semaphore, #tpu.memory_space<semaphore_mem>>)
        } else {
        }
        %dma_wait3A_152 = arith.constant 0 : i32
        %dma_wait3A_153 = tpu.memref_slice %arg9[%add3A_83, %dma_wait3A_152] : memref<160x128xi32, #tpu.memory_space<vmem>> -> memref<1x128xi32, #tpu.memory_space<vmem>>
        %dma_wait3A_154 = tpu.memref_squeeze %dma_wait3A_153 : memref<1x128xi32, #tpu.memory_space<vmem>> -> memref<128xi32, #tpu.memory_space<vmem>>
        %dma_wait3A_155 = arith.constant 0 : i32
        %dma_wait3A_156 = arith.constant 0 : i32
        %dma_wait3A_157 = tpu.memref_slice %arg15[%dma_wait3A_155, %dma_wait3A_156] : memref<10240x64xf32, #tpu.memory_space<vmem_shared>> -> memref<10240x64xf32, #tpu.memory_space<vmem_shared>>
        tpu.wait_indirect_dma semaphore(%arg22 : memref<!tpu.dma_semaphore, #tpu.memory_space<semaphore_mem>>) src(%arg11 : memref<128x64xf32, #tpu.memory_space<vmem>>) dst(%dma_wait3A_157 : memref<10240x64xf32, #tpu.memory_space<vmem_shared>>)
        %add3A_158 = arith.constant 1 : i32
        %add3A_159 = arith.addi %add3A_58, %add3A_158 : i32
        %add3A_160 = arith.constant 5 : i32
        %add3A_161 = arith.addi %add3A_159, %add3A_160 : i32
        %lt3A_162 = arith.constant 160 : i32
        %lt3A_163 = arith.cmpi slt, %add3A_161, %lt3A_162 : i32
        %convert_element_type3A_164 = arith.extui %lt3A_163 : i1 to i32
        %cond3A_165 = arith.constant 0 : i32
        %cond3A_166 = arith.cmpi ne, %convert_element_type3A_164, %cond3A_165 : i32
        scf.if %cond3A_166 {
          %add3A_212 = arith.constant 1 : i32
          %add3A_213 = arith.addi %add3A_58, %add3A_212 : i32
          %add3A_214 = arith.constant 5 : i32
          %add3A_215 = arith.addi %add3A_213, %add3A_214 : i32
          %dma_start3A_216 = arith.constant 0 : i32
          %dma_start3A_217 = tpu.memref_slice %arg8[%add3A_215, %dma_start3A_216] : memref<160x128xi32, #tpu.memory_space<vmem>> -> memref<1x128xi32, #tpu.memory_space<vmem>>
          %dma_start3A_218 = tpu.memref_squeeze %dma_start3A_217 : memref<1x128xi32, #tpu.memory_space<vmem>> -> memref<128xi32, #tpu.memory_space<vmem>>
          %dma_start3A_219 = arith.constant 0 : i32
          %dma_start3A_220 = arith.constant 0 : i32
          %dma_start3A_221 = tpu.memref_slice %arg5[%dma_start3A_219, %dma_start3A_220] : memref<10240x64xf32, #tpu.memory_space<hbm>> -> memref<10240x64xf32, #tpu.memory_space<hbm>>
          tpu.enqueue_indirect_dma source(%dma_start3A_221 : memref<10240x64xf32, #tpu.memory_space<hbm>>) target(%arg11 : memref<128x64xf32, #tpu.memory_space<vmem>>) offsets(%dma_start3A_218 : memref<128xi32, #tpu.memory_space<vmem>>) semaphore(%arg17 : memref<!tpu.dma_semaphore, #tpu.memory_space<semaphore_mem>>)
        } else {
        }
        %dma_wait3A_167 = arith.constant 0 : i32
        %dma_wait3A_168 = tpu.memref_slice %arg9[%add3A_99, %dma_wait3A_167] : memref<160x128xi32, #tpu.memory_space<vmem>> -> memref<1x128xi32, #tpu.memory_space<vmem>>
        %dma_wait3A_169 = tpu.memref_squeeze %dma_wait3A_168 : memref<1x128xi32, #tpu.memory_space<vmem>> -> memref<128xi32, #tpu.memory_space<vmem>>
        %dma_wait3A_170 = arith.constant 0 : i32
        %dma_wait3A_171 = arith.constant 0 : i32
        %dma_wait3A_172 = tpu.memref_slice %arg15[%dma_wait3A_170, %dma_wait3A_171] : memref<10240x64xf32, #tpu.memory_space<vmem_shared>> -> memref<10240x64xf32, #tpu.memory_space<vmem_shared>>
        tpu.wait_indirect_dma semaphore(%arg23 : memref<!tpu.dma_semaphore, #tpu.memory_space<semaphore_mem>>) src(%arg12 : memref<128x64xf32, #tpu.memory_space<vmem>>) dst(%dma_wait3A_172 : memref<10240x64xf32, #tpu.memory_space<vmem_shared>>)
        %add3A_173 = arith.constant 2 : i32
        %add3A_174 = arith.addi %add3A_58, %add3A_173 : i32
        %add3A_175 = arith.constant 5 : i32
        %add3A_176 = arith.addi %add3A_174, %add3A_175 : i32
        %lt3A_177 = arith.constant 160 : i32
        %lt3A_178 = arith.cmpi slt, %add3A_176, %lt3A_177 : i32
        %convert_element_type3A_179 = arith.extui %lt3A_178 : i1 to i32
        %cond3A_180 = arith.constant 0 : i32
        %cond3A_181 = arith.cmpi ne, %convert_element_type3A_179, %cond3A_180 : i32
        scf.if %cond3A_181 {
          %add3A_212 = arith.constant 2 : i32
          %add3A_213 = arith.addi %add3A_58, %add3A_212 : i32
          %add3A_214 = arith.constant 5 : i32
          %add3A_215 = arith.addi %add3A_213, %add3A_214 : i32
          %dma_start3A_216 = arith.constant 0 : i32
          %dma_start3A_217 = tpu.memref_slice %arg8[%add3A_215, %dma_start3A_216] : memref<160x128xi32, #tpu.memory_space<vmem>> -> memref<1x128xi32, #tpu.memory_space<vmem>>
          %dma_start3A_218 = tpu.memref_squeeze %dma_start3A_217 : memref<1x128xi32, #tpu.memory_space<vmem>> -> memref<128xi32, #tpu.memory_space<vmem>>
          %dma_start3A_219 = arith.constant 0 : i32
          %dma_start3A_220 = arith.constant 0 : i32
          %dma_start3A_221 = tpu.memref_slice %arg5[%dma_start3A_219, %dma_start3A_220] : memref<10240x64xf32, #tpu.memory_space<hbm>> -> memref<10240x64xf32, #tpu.memory_space<hbm>>
          tpu.enqueue_indirect_dma source(%dma_start3A_221 : memref<10240x64xf32, #tpu.memory_space<hbm>>) target(%arg12 : memref<128x64xf32, #tpu.memory_space<vmem>>) offsets(%dma_start3A_218 : memref<128xi32, #tpu.memory_space<vmem>>) semaphore(%arg18 : memref<!tpu.dma_semaphore, #tpu.memory_space<semaphore_mem>>)
        } else {
        }
        %dma_wait3A_182 = arith.constant 0 : i32
        %dma_wait3A_183 = tpu.memref_slice %arg9[%add3A_115, %dma_wait3A_182] : memref<160x128xi32, #tpu.memory_space<vmem>> -> memref<1x128xi32, #tpu.memory_space<vmem>>
        %dma_wait3A_184 = tpu.memref_squeeze %dma_wait3A_183 : memref<1x128xi32, #tpu.memory_space<vmem>> -> memref<128xi32, #tpu.memory_space<vmem>>
        %dma_wait3A_185 = arith.constant 0 : i32
        %dma_wait3A_186 = arith.constant 0 : i32
        %dma_wait3A_187 = tpu.memref_slice %arg15[%dma_wait3A_185, %dma_wait3A_186] : memref<10240x64xf32, #tpu.memory_space<vmem_shared>> -> memref<10240x64xf32, #tpu.memory_space<vmem_shared>>
        tpu.wait_indirect_dma semaphore(%arg24 : memref<!tpu.dma_semaphore, #tpu.memory_space<semaphore_mem>>) src(%arg13 : memref<128x64xf32, #tpu.memory_space<vmem>>) dst(%dma_wait3A_187 : memref<10240x64xf32, #tpu.memory_space<vmem_shared>>)
        %add3A_188 = arith.constant 3 : i32
        %add3A_189 = arith.addi %add3A_58, %add3A_188 : i32
        %add3A_190 = arith.constant 5 : i32
        %add3A_191 = arith.addi %add3A_189, %add3A_190 : i32
        %lt3A_192 = arith.constant 160 : i32
        %lt3A_193 = arith.cmpi slt, %add3A_191, %lt3A_192 : i32
        %convert_element_type3A_194 = arith.extui %lt3A_193 : i1 to i32
        %cond3A_195 = arith.constant 0 : i32
        %cond3A_196 = arith.cmpi ne, %convert_element_type3A_194, %cond3A_195 : i32
        scf.if %cond3A_196 {
          %add3A_212 = arith.constant 3 : i32
          %add3A_213 = arith.addi %add3A_58, %add3A_212 : i32
          %add3A_214 = arith.constant 5 : i32
          %add3A_215 = arith.addi %add3A_213, %add3A_214 : i32
          %dma_start3A_216 = arith.constant 0 : i32
          %dma_start3A_217 = tpu.memref_slice %arg8[%add3A_215, %dma_start3A_216] : memref<160x128xi32, #tpu.memory_space<vmem>> -> memref<1x128xi32, #tpu.memory_space<vmem>>
          %dma_start3A_218 = tpu.memref_squeeze %dma_start3A_217 : memref<1x128xi32, #tpu.memory_space<vmem>> -> memref<128xi32, #tpu.memory_space<vmem>>
          %dma_start3A_219 = arith.constant 0 : i32
          %dma_start3A_220 = arith.constant 0 : i32
          %dma_start3A_221 = tpu.memref_slice %arg5[%dma_start3A_219, %dma_start3A_220] : memref<10240x64xf32, #tpu.memory_space<hbm>> -> memref<10240x64xf32, #tpu.memory_space<hbm>>
          tpu.enqueue_indirect_dma source(%dma_start3A_221 : memref<10240x64xf32, #tpu.memory_space<hbm>>) target(%arg13 : memref<128x64xf32, #tpu.memory_space<vmem>>) offsets(%dma_start3A_218 : memref<128xi32, #tpu.memory_space<vmem>>) semaphore(%arg19 : memref<!tpu.dma_semaphore, #tpu.memory_space<semaphore_mem>>)
        } else {
        }
        %dma_wait3A_197 = arith.constant 0 : i32
        %dma_wait3A_198 = tpu.memref_slice %arg9[%add3A_131, %dma_wait3A_197] : memref<160x128xi32, #tpu.memory_space<vmem>> -> memref<1x128xi32, #tpu.memory_space<vmem>>
        %dma_wait3A_199 = tpu.memref_squeeze %dma_wait3A_198 : memref<1x128xi32, #tpu.memory_space<vmem>> -> memref<128xi32, #tpu.memory_space<vmem>>
        %dma_wait3A_200 = arith.constant 0 : i32
        %dma_wait3A_201 = arith.constant 0 : i32
        %dma_wait3A_202 = tpu.memref_slice %arg15[%dma_wait3A_200, %dma_wait3A_201] : memref<10240x64xf32, #tpu.memory_space<vmem_shared>> -> memref<10240x64xf32, #tpu.memory_space<vmem_shared>>
        tpu.wait_indirect_dma semaphore(%arg25 : memref<!tpu.dma_semaphore, #tpu.memory_space<semaphore_mem>>) src(%arg14 : memref<128x64xf32, #tpu.memory_space<vmem>>) dst(%dma_wait3A_202 : memref<10240x64xf32, #tpu.memory_space<vmem_shared>>)
        %add3A_203 = arith.constant 4 : i32
        %add3A_204 = arith.addi %add3A_58, %add3A_203 : i32
        %add3A_205 = arith.constant 5 : i32
        %add3A_206 = arith.addi %add3A_204, %add3A_205 : i32
        %lt3A_207 = arith.constant 160 : i32
        %lt3A_208 = arith.cmpi slt, %add3A_206, %lt3A_207 : i32
        %convert_element_type3A_209 = arith.extui %lt3A_208 : i1 to i32
        %cond3A_210 = arith.constant 0 : i32
        %cond3A_211 = arith.cmpi ne, %convert_element_type3A_209, %cond3A_210 : i32
        scf.if %cond3A_211 {
          %add3A_212 = arith.constant 4 : i32
          %add3A_213 = arith.addi %add3A_58, %add3A_212 : i32
          %add3A_214 = arith.constant 5 : i32
          %add3A_215 = arith.addi %add3A_213, %add3A_214 : i32
          %dma_start3A_216 = arith.constant 0 : i32
          %dma_start3A_217 = tpu.memref_slice %arg8[%add3A_215, %dma_start3A_216] : memref<160x128xi32, #tpu.memory_space<vmem>> -> memref<1x128xi32, #tpu.memory_space<vmem>>
          %dma_start3A_218 = tpu.memref_squeeze %dma_start3A_217 : memref<1x128xi32, #tpu.memory_space<vmem>> -> memref<128xi32, #tpu.memory_space<vmem>>
          %dma_start3A_219 = arith.constant 0 : i32
          %dma_start3A_220 = arith.constant 0 : i32
          %dma_start3A_221 = tpu.memref_slice %arg5[%dma_start3A_219, %dma_start3A_220] : memref<10240x64xf32, #tpu.memory_space<hbm>> -> memref<10240x64xf32, #tpu.memory_space<hbm>>
          tpu.enqueue_indirect_dma source(%dma_start3A_221 : memref<10240x64xf32, #tpu.memory_space<hbm>>) target(%arg14 : memref<128x64xf32, #tpu.memory_space<vmem>>) offsets(%dma_start3A_218 : memref<128xi32, #tpu.memory_space<vmem>>) semaphore(%arg20 : memref<!tpu.dma_semaphore, #tpu.memory_space<semaphore_mem>>)
        } else {
        }
      }
      %scan3A_54 = arith.constant 32 : i32
    } else {
    }
    %barrier3A_12 = arith.constant 0 : index
    tpu.barrier barrier_id(%barrier3A_12)
    %mul3A_13 = arith.constant 640 : i32
    %mul3A_14 = arith.muli %arg1, %mul3A_13 : i32
    %mul3A_15 = arith.constant 640 : i32
    %mul3A_16 = arith.muli %arg1, %mul3A_15 : i32
    "tpu.region"() ({
      %run_scoped3A = tpu.sem_alloc : memref<!tpu.dma_semaphore, #tpu.memory_space<semaphore_mem>>
      %dma_start3A = arith.constant 0 : i32
      %dma_start3A_17 = tpu.memref_slice %arg7[%arg0, %mul3A_16, %dma_start3A] : memref<2x10240x64xf32, #tpu.memory_space<hbm>> -> memref<1x640x64xf32, #tpu.memory_space<hbm>>
      %dma_start3A_18 = tpu.memref_squeeze %dma_start3A_17 : memref<1x640x64xf32, #tpu.memory_space<hbm>> -> memref<640x64xf32, #tpu.memory_space<hbm>>
      %dma_start3A_19 = arith.constant 0 : i32
      %dma_start3A_20 = tpu.memref_slice %arg15[%mul3A_14, %dma_start3A_19] : memref<10240x64xf32, #tpu.memory_space<vmem_shared>> -> memref<640x64xf32, #tpu.memory_space<vmem_shared>>
      tpu.enqueue_dma source(%dma_start3A_20 : memref<640x64xf32, #tpu.memory_space<vmem_shared>>) target(%dma_start3A_18 : memref<640x64xf32, #tpu.memory_space<hbm>>) target_semaphore(%run_scoped3A : memref<!tpu.dma_semaphore, #tpu.memory_space<semaphore_mem>>)
      %dma_wait3A = arith.constant 0 : i32
      %dma_wait3A_21 = tpu.memref_slice %arg7[%arg0, %mul3A_16, %dma_wait3A] : memref<2x10240x64xf32, #tpu.memory_space<hbm>> -> memref<1x640x64xf32, #tpu.memory_space<hbm>>
      %dma_wait3A_22 = tpu.memref_squeeze %dma_wait3A_21 : memref<1x640x64xf32, #tpu.memory_space<hbm>> -> memref<640x64xf32, #tpu.memory_space<hbm>>
      %dma_wait3A_23 = arith.constant 0 : i32
      %dma_wait3A_24 = tpu.memref_slice %arg15[%mul3A_14, %dma_wait3A_23] : memref<10240x64xf32, #tpu.memory_space<vmem_shared>> -> memref<640x64xf32, #tpu.memory_space<vmem_shared>>
      tpu.wait_dma2 semaphore(%run_scoped3A : memref<!tpu.dma_semaphore, #tpu.memory_space<semaphore_mem>>) src(%dma_wait3A_24 : memref<640x64xf32, #tpu.memory_space<vmem_shared>>) dst(%dma_wait3A_22 : memref<640x64xf32, #tpu.memory_space<hbm>>)
      tpu.yield
    }) : () -> ()
    return
  }
}

#map = affine_map<(d0, d1) -> (0, 0)>
#map1 = affine_map<(d0, d1) -> (0, 0, 0)>
module attributes {stable_mosaic.version = 14 : i64} {
  func.func @_sc_agg(%arg0: i32, %arg1: i32, %arg2: memref<2560x128xi32, #tpu.memory_space<hbm>>, %arg3: memref<2560x128xi32, #tpu.memory_space<hbm>>, %arg4: memref<10240x64xf32, #tpu.memory_space<hbm>>, %arg5: memref<10240x64xf32, #tpu.memory_space<hbm>>, %arg6: memref<640x64xf32, #tpu.memory_space<hbm>>, %arg7: memref<2x10240x64xf32, #tpu.memory_space<hbm>>, %arg8: memref<160x128xi32, #tpu.memory_space<vmem>>, %arg9: memref<160x128xi32, #tpu.memory_space<vmem>>, %arg10: memref<128x64xf32, #tpu.memory_space<vmem>>, %arg11: memref<128x64xf32, #tpu.memory_space<vmem>>, %arg12: memref<128x64xf32, #tpu.memory_space<vmem>>, %arg13: memref<128x64xf32, #tpu.memory_space<vmem>>, %arg14: memref<128x64xf32, #tpu.memory_space<vmem>>, %arg15: memref<10240x64xf32, #tpu.memory_space<vmem_shared>>, %arg16: memref<!tpu.dma_semaphore, #tpu.memory_space<semaphore_mem>>, %arg17: memref<!tpu.dma_semaphore, #tpu.memory_space<semaphore_mem>>, %arg18: memref<!tpu.dma_semaphore, #tpu.memory_space<semaphore_mem>>, %arg19: memref<!tpu.dma_semaphore, #tpu.memory_space<semaphore_mem>>, %arg20: memref<!tpu.dma_semaphore, #tpu.memory_space<semaphore_mem>>, %arg21: memref<!tpu.dma_semaphore, #tpu.memory_space<semaphore_mem>>, %arg22: memref<!tpu.dma_semaphore, #tpu.memory_space<semaphore_mem>>, %arg23: memref<!tpu.dma_semaphore, #tpu.memory_space<semaphore_mem>>, %arg24: memref<!tpu.dma_semaphore, #tpu.memory_space<semaphore_mem>>, %arg25: memref<!tpu.dma_semaphore, #tpu.memory_space<semaphore_mem>>) attributes {dimension_semantics = [#tpu.dimension_semantics<core_parallel>, #tpu.dimension_semantics<subcore_parallel>], iteration_bounds = array<i64: 2, 16>, scalar_prefetch = 0 : i64, scratch_operands = 18 : i64, tpu.core_type = #tpu.core_type<sc_vector_subcore>, window_params = [{transform_indices = #map}, {transform_indices = #map}, {transform_indices = #map}, {transform_indices = #map}, {transform_indices = #map}, {transform_indices = #map1}]} {
    %mul3A = arith.constant 640 : i32
    %mul3A_0 = arith.muli %arg1, %mul3A : i32
    "tpu.region"() ({
      %run_scoped3A = tpu.sem_alloc : memref<!tpu.dma_semaphore, #tpu.memory_space<semaphore_mem>>
      %dma_start3A = arith.constant 0 : i32
      %dma_start3A_17 = tpu.memref_slice %arg15[%mul3A_0, %dma_start3A] : memref<10240x64xf32, #tpu.memory_space<vmem_shared>> -> memref<640x64xf32, #tpu.memory_space<vmem_shared>>
      tpu.enqueue_dma source(%arg6 : memref<640x64xf32, #tpu.memory_space<hbm>>) target(%dma_start3A_17 : memref<640x64xf32, #tpu.memory_space<vmem_shared>>) target_semaphore(%run_scoped3A : memref<!tpu.dma_semaphore, #tpu.memory_space<semaphore_mem>>)
      %dma_wait3A = arith.constant 0 : i32
      %dma_wait3A_18 = tpu.memref_slice %arg15[%mul3A_0, %dma_wait3A] : memref<10240x64xf32, #tpu.memory_space<vmem_shared>> -> memref<640x64xf32, #tpu.memory_space<vmem_shared>>
      tpu.wait_dma2 semaphore(%run_scoped3A : memref<!tpu.dma_semaphore, #tpu.memory_space<semaphore_mem>>) src(%arg6 : memref<640x64xf32, #tpu.memory_space<hbm>>) dst(%dma_wait3A_18 : memref<640x64xf32, #tpu.memory_space<vmem_shared>>)
      tpu.yield
    }) : () -> ()
    %mul3A_1 = arith.constant 160 : i32
    %mul3A_2 = arith.muli %arg1, %mul3A_1 : i32
    "tpu.region"() ({
      %run_scoped3A = tpu.sem_alloc : memref<!tpu.dma_semaphore, #tpu.memory_space<semaphore_mem>>
      %dma_start3A = arith.constant 0 : i32
      %dma_start3A_17 = tpu.memref_slice %arg2[%mul3A_2, %dma_start3A] : memref<2560x128xi32, #tpu.memory_space<hbm>> -> memref<160x128xi32, #tpu.memory_space<hbm>>
      %dma_start3A_18 = arith.constant 0 : i32
      %dma_start3A_19 = tpu.memref_slice %arg2[%mul3A_2, %dma_start3A_18] : memref<2560x128xi32, #tpu.memory_space<hbm>> -> memref<160x128xi32, #tpu.memory_space<hbm>>
      tpu.enqueue_dma source(%dma_start3A_19 : memref<160x128xi32, #tpu.memory_space<hbm>>) target(%arg8 : memref<160x128xi32, #tpu.memory_space<vmem>>) target_semaphore(%run_scoped3A : memref<!tpu.dma_semaphore, #tpu.memory_space<semaphore_mem>>)
      %dma_wait3A = arith.constant 0 : i32
      %dma_wait3A_20 = tpu.memref_slice %arg2[%mul3A_2, %dma_wait3A] : memref<2560x128xi32, #tpu.memory_space<hbm>> -> memref<160x128xi32, #tpu.memory_space<hbm>>
      %dma_wait3A_21 = arith.constant 0 : i32
      %dma_wait3A_22 = tpu.memref_slice %arg2[%mul3A_2, %dma_wait3A_21] : memref<2560x128xi32, #tpu.memory_space<hbm>> -> memref<160x128xi32, #tpu.memory_space<hbm>>
      tpu.wait_dma2 semaphore(%run_scoped3A : memref<!tpu.dma_semaphore, #tpu.memory_space<semaphore_mem>>) src(%dma_wait3A_22 : memref<160x128xi32, #tpu.memory_space<hbm>>) dst(%arg8 : memref<160x128xi32, #tpu.memory_space<vmem>>)
      tpu.yield
    }) : () -> ()
    %mul3A_3 = arith.constant 160 : i32
    %mul3A_4 = arith.muli %arg1, %mul3A_3 : i32
    "tpu.region"() ({
      %run_scoped3A = tpu.sem_alloc : memref<!tpu.dma_semaphore, #tpu.memory_space<semaphore_mem>>
      %dma_start3A = arith.constant 0 : i32
      %dma_start3A_17 = tpu.memref_slice %arg3[%mul3A_4, %dma_start3A] : memref<2560x128xi32, #tpu.memory_space<hbm>> -> memref<160x128xi32, #tpu.memory_space<hbm>>
      %dma_start3A_18 = arith.constant 0 : i32
      %dma_start3A_19 = tpu.memref_slice %arg3[%mul3A_4, %dma_start3A_18] : memref<2560x128xi32, #tpu.memory_space<hbm>> -> memref<160x128xi32, #tpu.memory_space<hbm>>
      tpu.enqueue_dma source(%dma_start3A_19 : memref<160x128xi32, #tpu.memory_space<hbm>>) target(%arg9 : memref<160x128xi32, #tpu.memory_space<vmem>>) target_semaphore(%run_scoped3A : memref<!tpu.dma_semaphore, #tpu.memory_space<semaphore_mem>>)
      %dma_wait3A = arith.constant 0 : i32
      %dma_wait3A_20 = tpu.memref_slice %arg3[%mul3A_4, %dma_wait3A] : memref<2560x128xi32, #tpu.memory_space<hbm>> -> memref<160x128xi32, #tpu.memory_space<hbm>>
      %dma_wait3A_21 = arith.constant 0 : i32
      %dma_wait3A_22 = tpu.memref_slice %arg3[%mul3A_4, %dma_wait3A_21] : memref<2560x128xi32, #tpu.memory_space<hbm>> -> memref<160x128xi32, #tpu.memory_space<hbm>>
      tpu.wait_dma2 semaphore(%run_scoped3A : memref<!tpu.dma_semaphore, #tpu.memory_space<semaphore_mem>>) src(%dma_wait3A_22 : memref<160x128xi32, #tpu.memory_space<hbm>>) dst(%arg9 : memref<160x128xi32, #tpu.memory_space<vmem>>)
      tpu.yield
    }) : () -> ()
    %barrier3A = arith.constant 0 : index
    tpu.barrier barrier_id(%barrier3A)
    %eq3A = arith.constant 0 : i32
    %eq3A_5 = arith.cmpi eq, %arg0, %eq3A : i32
    %convert_element_type3A = arith.extui %eq3A_5 : i1 to i32
    %cond3A = arith.constant 0 : i32
    %cond3A_6 = arith.cmpi ne, %convert_element_type3A, %cond3A : i32
    scf.if %cond3A_6 {
      %dma_start3A = arith.constant 0 : i32
      %dma_start3A_17 = arith.constant 0 : i32
      %dma_start3A_18 = tpu.memref_slice %arg8[%dma_start3A, %dma_start3A_17] : memref<160x128xi32, #tpu.memory_space<vmem>> -> memref<1x128xi32, #tpu.memory_space<vmem>>
      %dma_start3A_19 = tpu.memref_squeeze %dma_start3A_18 : memref<1x128xi32, #tpu.memory_space<vmem>> -> memref<128xi32, #tpu.memory_space<vmem>>
      %dma_start3A_20 = arith.constant 0 : i32
      %dma_start3A_21 = arith.constant 0 : i32
      %dma_start3A_22 = tpu.memref_slice %arg4[%dma_start3A_20, %dma_start3A_21] : memref<10240x64xf32, #tpu.memory_space<hbm>> -> memref<10240x64xf32, #tpu.memory_space<hbm>>
      tpu.enqueue_indirect_dma source(%dma_start3A_22 : memref<10240x64xf32, #tpu.memory_space<hbm>>) target(%arg10 : memref<128x64xf32, #tpu.memory_space<vmem>>) offsets(%dma_start3A_19 : memref<128xi32, #tpu.memory_space<vmem>>) semaphore(%arg16 : memref<!tpu.dma_semaphore, #tpu.memory_space<semaphore_mem>>)
      %dma_start3A_23 = arith.constant 1 : i32
      %dma_start3A_24 = arith.constant 0 : i32
      %dma_start3A_25 = tpu.memref_slice %arg8[%dma_start3A_23, %dma_start3A_24] : memref<160x128xi32, #tpu.memory_space<vmem>> -> memref<1x128xi32, #tpu.memory_space<vmem>>
      %dma_start3A_26 = tpu.memref_squeeze %dma_start3A_25 : memref<1x128xi32, #tpu.memory_space<vmem>> -> memref<128xi32, #tpu.memory_space<vmem>>
      %dma_start3A_27 = arith.constant 0 : i32
      %dma_start3A_28 = arith.constant 0 : i32
      %dma_start3A_29 = tpu.memref_slice %arg4[%dma_start3A_27, %dma_start3A_28] : memref<10240x64xf32, #tpu.memory_space<hbm>> -> memref<10240x64xf32, #tpu.memory_space<hbm>>
      tpu.enqueue_indirect_dma source(%dma_start3A_29 : memref<10240x64xf32, #tpu.memory_space<hbm>>) target(%arg11 : memref<128x64xf32, #tpu.memory_space<vmem>>) offsets(%dma_start3A_26 : memref<128xi32, #tpu.memory_space<vmem>>) semaphore(%arg17 : memref<!tpu.dma_semaphore, #tpu.memory_space<semaphore_mem>>)
      %dma_start3A_30 = arith.constant 2 : i32
      %dma_start3A_31 = arith.constant 0 : i32
      %dma_start3A_32 = tpu.memref_slice %arg8[%dma_start3A_30, %dma_start3A_31] : memref<160x128xi32, #tpu.memory_space<vmem>> -> memref<1x128xi32, #tpu.memory_space<vmem>>
      %dma_start3A_33 = tpu.memref_squeeze %dma_start3A_32 : memref<1x128xi32, #tpu.memory_space<vmem>> -> memref<128xi32, #tpu.memory_space<vmem>>
      %dma_start3A_34 = arith.constant 0 : i32
      %dma_start3A_35 = arith.constant 0 : i32
      %dma_start3A_36 = tpu.memref_slice %arg4[%dma_start3A_34, %dma_start3A_35] : memref<10240x64xf32, #tpu.memory_space<hbm>> -> memref<10240x64xf32, #tpu.memory_space<hbm>>
      tpu.enqueue_indirect_dma source(%dma_start3A_36 : memref<10240x64xf32, #tpu.memory_space<hbm>>) target(%arg12 : memref<128x64xf32, #tpu.memory_space<vmem>>) offsets(%dma_start3A_33 : memref<128xi32, #tpu.memory_space<vmem>>) semaphore(%arg18 : memref<!tpu.dma_semaphore, #tpu.memory_space<semaphore_mem>>)
      %dma_start3A_37 = arith.constant 3 : i32
      %dma_start3A_38 = arith.constant 0 : i32
      %dma_start3A_39 = tpu.memref_slice %arg8[%dma_start3A_37, %dma_start3A_38] : memref<160x128xi32, #tpu.memory_space<vmem>> -> memref<1x128xi32, #tpu.memory_space<vmem>>
      %dma_start3A_40 = tpu.memref_squeeze %dma_start3A_39 : memref<1x128xi32, #tpu.memory_space<vmem>> -> memref<128xi32, #tpu.memory_space<vmem>>
      %dma_start3A_41 = arith.constant 0 : i32
      %dma_start3A_42 = arith.constant 0 : i32
      %dma_start3A_43 = tpu.memref_slice %arg4[%dma_start3A_41, %dma_start3A_42] : memref<10240x64xf32, #tpu.memory_space<hbm>> -> memref<10240x64xf32, #tpu.memory_space<hbm>>
      tpu.enqueue_indirect_dma source(%dma_start3A_43 : memref<10240x64xf32, #tpu.memory_space<hbm>>) target(%arg13 : memref<128x64xf32, #tpu.memory_space<vmem>>) offsets(%dma_start3A_40 : memref<128xi32, #tpu.memory_space<vmem>>) semaphore(%arg19 : memref<!tpu.dma_semaphore, #tpu.memory_space<semaphore_mem>>)
      %dma_start3A_44 = arith.constant 4 : i32
      %dma_start3A_45 = arith.constant 0 : i32
      %dma_start3A_46 = tpu.memref_slice %arg8[%dma_start3A_44, %dma_start3A_45] : memref<160x128xi32, #tpu.memory_space<vmem>> -> memref<1x128xi32, #tpu.memory_space<vmem>>
      %dma_start3A_47 = tpu.memref_squeeze %dma_start3A_46 : memref<1x128xi32, #tpu.memory_space<vmem>> -> memref<128xi32, #tpu.memory_space<vmem>>
      %dma_start3A_48 = arith.constant 0 : i32
      %dma_start3A_49 = arith.constant 0 : i32
      %dma_start3A_50 = tpu.memref_slice %arg4[%dma_start3A_48, %dma_start3A_49] : memref<10240x64xf32, #tpu.memory_space<hbm>> -> memref<10240x64xf32, #tpu.memory_space<hbm>>
      tpu.enqueue_indirect_dma source(%dma_start3A_50 : memref<10240x64xf32, #tpu.memory_space<hbm>>) target(%arg14 : memref<128x64xf32, #tpu.memory_space<vmem>>) offsets(%dma_start3A_47 : memref<128xi32, #tpu.memory_space<vmem>>) semaphore(%arg20 : memref<!tpu.dma_semaphore, #tpu.memory_space<semaphore_mem>>)
      %scan3A = arith.constant 0 : i32
      %scan3A_51 = arith.constant 32 : i32
      %scan3A_52 = arith.addi %scan3A, %scan3A_51 : i32
      %scan3A_53 = arith.constant 1 : i32
      scf.for %scan3A_55 = %scan3A to %scan3A_52 step %scan3A_53  : i32 {
        %mul3A_56 = arith.constant 5 : i32
        %mul3A_57 = arith.muli %scan3A_55, %mul3A_56 : i32
        %add3A = arith.constant 0 : i32
        %add3A_58 = arith.addi %add3A, %mul3A_57 : i32
        %add3A_59 = arith.constant 0 : i32
        %add3A_60 = arith.addi %add3A_58, %add3A_59 : i32
        %dma_wait3A = arith.constant 0 : i32
        %dma_wait3A_61 = tpu.memref_slice %arg8[%add3A_60, %dma_wait3A] : memref<160x128xi32, #tpu.memory_space<vmem>> -> memref<1x128xi32, #tpu.memory_space<vmem>>
        %dma_wait3A_62 = tpu.memref_squeeze %dma_wait3A_61 : memref<1x128xi32, #tpu.memory_space<vmem>> -> memref<128xi32, #tpu.memory_space<vmem>>
        %dma_wait3A_63 = arith.constant 0 : i32
        %dma_wait3A_64 = arith.constant 0 : i32
        %dma_wait3A_65 = tpu.memref_slice %arg4[%dma_wait3A_63, %dma_wait3A_64] : memref<10240x64xf32, #tpu.memory_space<hbm>> -> memref<10240x64xf32, #tpu.memory_space<hbm>>
        tpu.wait_indirect_dma semaphore(%arg16 : memref<!tpu.dma_semaphore, #tpu.memory_space<semaphore_mem>>) src(%dma_wait3A_65 : memref<10240x64xf32, #tpu.memory_space<hbm>>) dst(%arg10 : memref<128x64xf32, #tpu.memory_space<vmem>>)
        %add3A_66 = arith.constant 0 : i32
        %add3A_67 = arith.addi %add3A_58, %add3A_66 : i32
        %dma_start3A_68 = arith.constant 0 : i32
        %dma_start3A_69 = tpu.memref_slice %arg9[%add3A_67, %dma_start3A_68] : memref<160x128xi32, #tpu.memory_space<vmem>> -> memref<1x128xi32, #tpu.memory_space<vmem>>
        %dma_start3A_70 = tpu.memref_squeeze %dma_start3A_69 : memref<1x128xi32, #tpu.memory_space<vmem>> -> memref<128xi32, #tpu.memory_space<vmem>>
        %dma_start3A_71 = arith.constant 0 : i32
        %dma_start3A_72 = arith.constant 0 : i32
        %dma_start3A_73 = tpu.memref_slice %arg15[%dma_start3A_71, %dma_start3A_72] : memref<10240x64xf32, #tpu.memory_space<vmem_shared>> -> memref<10240x64xf32, #tpu.memory_space<vmem_shared>>
        tpu.enqueue_indirect_dma source(%arg10 : memref<128x64xf32, #tpu.memory_space<vmem>>) target(%dma_start3A_73 : memref<10240x64xf32, #tpu.memory_space<vmem_shared>>) offsets(%dma_start3A_70 : memref<128xi32, #tpu.memory_space<vmem>>) semaphore(%arg21 : memref<!tpu.dma_semaphore, #tpu.memory_space<semaphore_mem>>) {add = true}
        %add3A_74 = arith.constant 1 : i32
        %add3A_75 = arith.addi %add3A_58, %add3A_74 : i32
        %dma_wait3A_76 = arith.constant 0 : i32
        %dma_wait3A_77 = tpu.memref_slice %arg8[%add3A_75, %dma_wait3A_76] : memref<160x128xi32, #tpu.memory_space<vmem>> -> memref<1x128xi32, #tpu.memory_space<vmem>>
        %dma_wait3A_78 = tpu.memref_squeeze %dma_wait3A_77 : memref<1x128xi32, #tpu.memory_space<vmem>> -> memref<128xi32, #tpu.memory_space<vmem>>
        %dma_wait3A_79 = arith.constant 0 : i32
        %dma_wait3A_80 = arith.constant 0 : i32
        %dma_wait3A_81 = tpu.memref_slice %arg4[%dma_wait3A_79, %dma_wait3A_80] : memref<10240x64xf32, #tpu.memory_space<hbm>> -> memref<10240x64xf32, #tpu.memory_space<hbm>>
        tpu.wait_indirect_dma semaphore(%arg17 : memref<!tpu.dma_semaphore, #tpu.memory_space<semaphore_mem>>) src(%dma_wait3A_81 : memref<10240x64xf32, #tpu.memory_space<hbm>>) dst(%arg11 : memref<128x64xf32, #tpu.memory_space<vmem>>)
        %add3A_82 = arith.constant 1 : i32
        %add3A_83 = arith.addi %add3A_58, %add3A_82 : i32
        %dma_start3A_84 = arith.constant 0 : i32
        %dma_start3A_85 = tpu.memref_slice %arg9[%add3A_83, %dma_start3A_84] : memref<160x128xi32, #tpu.memory_space<vmem>> -> memref<1x128xi32, #tpu.memory_space<vmem>>
        %dma_start3A_86 = tpu.memref_squeeze %dma_start3A_85 : memref<1x128xi32, #tpu.memory_space<vmem>> -> memref<128xi32, #tpu.memory_space<vmem>>
        %dma_start3A_87 = arith.constant 0 : i32
        %dma_start3A_88 = arith.constant 0 : i32
        %dma_start3A_89 = tpu.memref_slice %arg15[%dma_start3A_87, %dma_start3A_88] : memref<10240x64xf32, #tpu.memory_space<vmem_shared>> -> memref<10240x64xf32, #tpu.memory_space<vmem_shared>>
        tpu.enqueue_indirect_dma source(%arg11 : memref<128x64xf32, #tpu.memory_space<vmem>>) target(%dma_start3A_89 : memref<10240x64xf32, #tpu.memory_space<vmem_shared>>) offsets(%dma_start3A_86 : memref<128xi32, #tpu.memory_space<vmem>>) semaphore(%arg22 : memref<!tpu.dma_semaphore, #tpu.memory_space<semaphore_mem>>) {add = true}
        %add3A_90 = arith.constant 2 : i32
        %add3A_91 = arith.addi %add3A_58, %add3A_90 : i32
        %dma_wait3A_92 = arith.constant 0 : i32
        %dma_wait3A_93 = tpu.memref_slice %arg8[%add3A_91, %dma_wait3A_92] : memref<160x128xi32, #tpu.memory_space<vmem>> -> memref<1x128xi32, #tpu.memory_space<vmem>>
        %dma_wait3A_94 = tpu.memref_squeeze %dma_wait3A_93 : memref<1x128xi32, #tpu.memory_space<vmem>> -> memref<128xi32, #tpu.memory_space<vmem>>
        %dma_wait3A_95 = arith.constant 0 : i32
        %dma_wait3A_96 = arith.constant 0 : i32
        %dma_wait3A_97 = tpu.memref_slice %arg4[%dma_wait3A_95, %dma_wait3A_96] : memref<10240x64xf32, #tpu.memory_space<hbm>> -> memref<10240x64xf32, #tpu.memory_space<hbm>>
        tpu.wait_indirect_dma semaphore(%arg18 : memref<!tpu.dma_semaphore, #tpu.memory_space<semaphore_mem>>) src(%dma_wait3A_97 : memref<10240x64xf32, #tpu.memory_space<hbm>>) dst(%arg12 : memref<128x64xf32, #tpu.memory_space<vmem>>)
        %add3A_98 = arith.constant 2 : i32
        %add3A_99 = arith.addi %add3A_58, %add3A_98 : i32
        %dma_start3A_100 = arith.constant 0 : i32
        %dma_start3A_101 = tpu.memref_slice %arg9[%add3A_99, %dma_start3A_100] : memref<160x128xi32, #tpu.memory_space<vmem>> -> memref<1x128xi32, #tpu.memory_space<vmem>>
        %dma_start3A_102 = tpu.memref_squeeze %dma_start3A_101 : memref<1x128xi32, #tpu.memory_space<vmem>> -> memref<128xi32, #tpu.memory_space<vmem>>
        %dma_start3A_103 = arith.constant 0 : i32
        %dma_start3A_104 = arith.constant 0 : i32
        %dma_start3A_105 = tpu.memref_slice %arg15[%dma_start3A_103, %dma_start3A_104] : memref<10240x64xf32, #tpu.memory_space<vmem_shared>> -> memref<10240x64xf32, #tpu.memory_space<vmem_shared>>
        tpu.enqueue_indirect_dma source(%arg12 : memref<128x64xf32, #tpu.memory_space<vmem>>) target(%dma_start3A_105 : memref<10240x64xf32, #tpu.memory_space<vmem_shared>>) offsets(%dma_start3A_102 : memref<128xi32, #tpu.memory_space<vmem>>) semaphore(%arg23 : memref<!tpu.dma_semaphore, #tpu.memory_space<semaphore_mem>>) {add = true}
        %add3A_106 = arith.constant 3 : i32
        %add3A_107 = arith.addi %add3A_58, %add3A_106 : i32
        %dma_wait3A_108 = arith.constant 0 : i32
        %dma_wait3A_109 = tpu.memref_slice %arg8[%add3A_107, %dma_wait3A_108] : memref<160x128xi32, #tpu.memory_space<vmem>> -> memref<1x128xi32, #tpu.memory_space<vmem>>
        %dma_wait3A_110 = tpu.memref_squeeze %dma_wait3A_109 : memref<1x128xi32, #tpu.memory_space<vmem>> -> memref<128xi32, #tpu.memory_space<vmem>>
        %dma_wait3A_111 = arith.constant 0 : i32
        %dma_wait3A_112 = arith.constant 0 : i32
        %dma_wait3A_113 = tpu.memref_slice %arg4[%dma_wait3A_111, %dma_wait3A_112] : memref<10240x64xf32, #tpu.memory_space<hbm>> -> memref<10240x64xf32, #tpu.memory_space<hbm>>
        tpu.wait_indirect_dma semaphore(%arg19 : memref<!tpu.dma_semaphore, #tpu.memory_space<semaphore_mem>>) src(%dma_wait3A_113 : memref<10240x64xf32, #tpu.memory_space<hbm>>) dst(%arg13 : memref<128x64xf32, #tpu.memory_space<vmem>>)
        %add3A_114 = arith.constant 3 : i32
        %add3A_115 = arith.addi %add3A_58, %add3A_114 : i32
        %dma_start3A_116 = arith.constant 0 : i32
        %dma_start3A_117 = tpu.memref_slice %arg9[%add3A_115, %dma_start3A_116] : memref<160x128xi32, #tpu.memory_space<vmem>> -> memref<1x128xi32, #tpu.memory_space<vmem>>
        %dma_start3A_118 = tpu.memref_squeeze %dma_start3A_117 : memref<1x128xi32, #tpu.memory_space<vmem>> -> memref<128xi32, #tpu.memory_space<vmem>>
        %dma_start3A_119 = arith.constant 0 : i32
        %dma_start3A_120 = arith.constant 0 : i32
        %dma_start3A_121 = tpu.memref_slice %arg15[%dma_start3A_119, %dma_start3A_120] : memref<10240x64xf32, #tpu.memory_space<vmem_shared>> -> memref<10240x64xf32, #tpu.memory_space<vmem_shared>>
        tpu.enqueue_indirect_dma source(%arg13 : memref<128x64xf32, #tpu.memory_space<vmem>>) target(%dma_start3A_121 : memref<10240x64xf32, #tpu.memory_space<vmem_shared>>) offsets(%dma_start3A_118 : memref<128xi32, #tpu.memory_space<vmem>>) semaphore(%arg24 : memref<!tpu.dma_semaphore, #tpu.memory_space<semaphore_mem>>) {add = true}
        %add3A_122 = arith.constant 4 : i32
        %add3A_123 = arith.addi %add3A_58, %add3A_122 : i32
        %dma_wait3A_124 = arith.constant 0 : i32
        %dma_wait3A_125 = tpu.memref_slice %arg8[%add3A_123, %dma_wait3A_124] : memref<160x128xi32, #tpu.memory_space<vmem>> -> memref<1x128xi32, #tpu.memory_space<vmem>>
        %dma_wait3A_126 = tpu.memref_squeeze %dma_wait3A_125 : memref<1x128xi32, #tpu.memory_space<vmem>> -> memref<128xi32, #tpu.memory_space<vmem>>
        %dma_wait3A_127 = arith.constant 0 : i32
        %dma_wait3A_128 = arith.constant 0 : i32
        %dma_wait3A_129 = tpu.memref_slice %arg4[%dma_wait3A_127, %dma_wait3A_128] : memref<10240x64xf32, #tpu.memory_space<hbm>> -> memref<10240x64xf32, #tpu.memory_space<hbm>>
        tpu.wait_indirect_dma semaphore(%arg20 : memref<!tpu.dma_semaphore, #tpu.memory_space<semaphore_mem>>) src(%dma_wait3A_129 : memref<10240x64xf32, #tpu.memory_space<hbm>>) dst(%arg14 : memref<128x64xf32, #tpu.memory_space<vmem>>)
        %add3A_130 = arith.constant 4 : i32
        %add3A_131 = arith.addi %add3A_58, %add3A_130 : i32
        %dma_start3A_132 = arith.constant 0 : i32
        %dma_start3A_133 = tpu.memref_slice %arg9[%add3A_131, %dma_start3A_132] : memref<160x128xi32, #tpu.memory_space<vmem>> -> memref<1x128xi32, #tpu.memory_space<vmem>>
        %dma_start3A_134 = tpu.memref_squeeze %dma_start3A_133 : memref<1x128xi32, #tpu.memory_space<vmem>> -> memref<128xi32, #tpu.memory_space<vmem>>
        %dma_start3A_135 = arith.constant 0 : i32
        %dma_start3A_136 = arith.constant 0 : i32
        %dma_start3A_137 = tpu.memref_slice %arg15[%dma_start3A_135, %dma_start3A_136] : memref<10240x64xf32, #tpu.memory_space<vmem_shared>> -> memref<10240x64xf32, #tpu.memory_space<vmem_shared>>
        tpu.enqueue_indirect_dma source(%arg14 : memref<128x64xf32, #tpu.memory_space<vmem>>) target(%dma_start3A_137 : memref<10240x64xf32, #tpu.memory_space<vmem_shared>>) offsets(%dma_start3A_134 : memref<128xi32, #tpu.memory_space<vmem>>) semaphore(%arg25 : memref<!tpu.dma_semaphore, #tpu.memory_space<semaphore_mem>>) {add = true}
        %dma_wait3A_138 = arith.constant 0 : i32
        %dma_wait3A_139 = tpu.memref_slice %arg9[%add3A_67, %dma_wait3A_138] : memref<160x128xi32, #tpu.memory_space<vmem>> -> memref<1x128xi32, #tpu.memory_space<vmem>>
        %dma_wait3A_140 = tpu.memref_squeeze %dma_wait3A_139 : memref<1x128xi32, #tpu.memory_space<vmem>> -> memref<128xi32, #tpu.memory_space<vmem>>
        %dma_wait3A_141 = arith.constant 0 : i32
        %dma_wait3A_142 = arith.constant 0 : i32
        %dma_wait3A_143 = tpu.memref_slice %arg15[%dma_wait3A_141, %dma_wait3A_142] : memref<10240x64xf32, #tpu.memory_space<vmem_shared>> -> memref<10240x64xf32, #tpu.memory_space<vmem_shared>>
        tpu.wait_indirect_dma semaphore(%arg21 : memref<!tpu.dma_semaphore, #tpu.memory_space<semaphore_mem>>) src(%arg10 : memref<128x64xf32, #tpu.memory_space<vmem>>) dst(%dma_wait3A_143 : memref<10240x64xf32, #tpu.memory_space<vmem_shared>>)
        %add3A_144 = arith.constant 0 : i32
        %add3A_145 = arith.addi %add3A_58, %add3A_144 : i32
        %add3A_146 = arith.constant 5 : i32
        %add3A_147 = arith.addi %add3A_145, %add3A_146 : i32
        %lt3A = arith.constant 160 : i32
        %lt3A_148 = arith.cmpi slt, %add3A_147, %lt3A : i32
        %convert_element_type3A_149 = arith.extui %lt3A_148 : i1 to i32
        %cond3A_150 = arith.constant 0 : i32
        %cond3A_151 = arith.cmpi ne, %convert_element_type3A_149, %cond3A_150 : i32
        scf.if %cond3A_151 {
          %add3A_212 = arith.constant 0 : i32
          %add3A_213 = arith.addi %add3A_58, %add3A_212 : i32
          %add3A_214 = arith.constant 5 : i32
          %add3A_215 = arith.addi %add3A_213, %add3A_214 : i32
          %dma_start3A_216 = arith.constant 0 : i32
          %dma_start3A_217 = tpu.memref_slice %arg8[%add3A_215, %dma_start3A_216] : memref<160x128xi32, #tpu.memory_space<vmem>> -> memref<1x128xi32, #tpu.memory_space<vmem>>
          %dma_start3A_218 = tpu.memref_squeeze %dma_start3A_217 : memref<1x128xi32, #tpu.memory_space<vmem>> -> memref<128xi32, #tpu.memory_space<vmem>>
          %dma_start3A_219 = arith.constant 0 : i32
          %dma_start3A_220 = arith.constant 0 : i32
          %dma_start3A_221 = tpu.memref_slice %arg4[%dma_start3A_219, %dma_start3A_220] : memref<10240x64xf32, #tpu.memory_space<hbm>> -> memref<10240x64xf32, #tpu.memory_space<hbm>>
          tpu.enqueue_indirect_dma source(%dma_start3A_221 : memref<10240x64xf32, #tpu.memory_space<hbm>>) target(%arg10 : memref<128x64xf32, #tpu.memory_space<vmem>>) offsets(%dma_start3A_218 : memref<128xi32, #tpu.memory_space<vmem>>) semaphore(%arg16 : memref<!tpu.dma_semaphore, #tpu.memory_space<semaphore_mem>>)
        } else {
        }
        %dma_wait3A_152 = arith.constant 0 : i32
        %dma_wait3A_153 = tpu.memref_slice %arg9[%add3A_83, %dma_wait3A_152] : memref<160x128xi32, #tpu.memory_space<vmem>> -> memref<1x128xi32, #tpu.memory_space<vmem>>
        %dma_wait3A_154 = tpu.memref_squeeze %dma_wait3A_153 : memref<1x128xi32, #tpu.memory_space<vmem>> -> memref<128xi32, #tpu.memory_space<vmem>>
        %dma_wait3A_155 = arith.constant 0 : i32
        %dma_wait3A_156 = arith.constant 0 : i32
        %dma_wait3A_157 = tpu.memref_slice %arg15[%dma_wait3A_155, %dma_wait3A_156] : memref<10240x64xf32, #tpu.memory_space<vmem_shared>> -> memref<10240x64xf32, #tpu.memory_space<vmem_shared>>
        tpu.wait_indirect_dma semaphore(%arg22 : memref<!tpu.dma_semaphore, #tpu.memory_space<semaphore_mem>>) src(%arg11 : memref<128x64xf32, #tpu.memory_space<vmem>>) dst(%dma_wait3A_157 : memref<10240x64xf32, #tpu.memory_space<vmem_shared>>)
        %add3A_158 = arith.constant 1 : i32
        %add3A_159 = arith.addi %add3A_58, %add3A_158 : i32
        %add3A_160 = arith.constant 5 : i32
        %add3A_161 = arith.addi %add3A_159, %add3A_160 : i32
        %lt3A_162 = arith.constant 160 : i32
        %lt3A_163 = arith.cmpi slt, %add3A_161, %lt3A_162 : i32
        %convert_element_type3A_164 = arith.extui %lt3A_163 : i1 to i32
        %cond3A_165 = arith.constant 0 : i32
        %cond3A_166 = arith.cmpi ne, %convert_element_type3A_164, %cond3A_165 : i32
        scf.if %cond3A_166 {
          %add3A_212 = arith.constant 1 : i32
          %add3A_213 = arith.addi %add3A_58, %add3A_212 : i32
          %add3A_214 = arith.constant 5 : i32
          %add3A_215 = arith.addi %add3A_213, %add3A_214 : i32
          %dma_start3A_216 = arith.constant 0 : i32
          %dma_start3A_217 = tpu.memref_slice %arg8[%add3A_215, %dma_start3A_216] : memref<160x128xi32, #tpu.memory_space<vmem>> -> memref<1x128xi32, #tpu.memory_space<vmem>>
          %dma_start3A_218 = tpu.memref_squeeze %dma_start3A_217 : memref<1x128xi32, #tpu.memory_space<vmem>> -> memref<128xi32, #tpu.memory_space<vmem>>
          %dma_start3A_219 = arith.constant 0 : i32
          %dma_start3A_220 = arith.constant 0 : i32
          %dma_start3A_221 = tpu.memref_slice %arg4[%dma_start3A_219, %dma_start3A_220] : memref<10240x64xf32, #tpu.memory_space<hbm>> -> memref<10240x64xf32, #tpu.memory_space<hbm>>
          tpu.enqueue_indirect_dma source(%dma_start3A_221 : memref<10240x64xf32, #tpu.memory_space<hbm>>) target(%arg11 : memref<128x64xf32, #tpu.memory_space<vmem>>) offsets(%dma_start3A_218 : memref<128xi32, #tpu.memory_space<vmem>>) semaphore(%arg17 : memref<!tpu.dma_semaphore, #tpu.memory_space<semaphore_mem>>)
        } else {
        }
        %dma_wait3A_167 = arith.constant 0 : i32
        %dma_wait3A_168 = tpu.memref_slice %arg9[%add3A_99, %dma_wait3A_167] : memref<160x128xi32, #tpu.memory_space<vmem>> -> memref<1x128xi32, #tpu.memory_space<vmem>>
        %dma_wait3A_169 = tpu.memref_squeeze %dma_wait3A_168 : memref<1x128xi32, #tpu.memory_space<vmem>> -> memref<128xi32, #tpu.memory_space<vmem>>
        %dma_wait3A_170 = arith.constant 0 : i32
        %dma_wait3A_171 = arith.constant 0 : i32
        %dma_wait3A_172 = tpu.memref_slice %arg15[%dma_wait3A_170, %dma_wait3A_171] : memref<10240x64xf32, #tpu.memory_space<vmem_shared>> -> memref<10240x64xf32, #tpu.memory_space<vmem_shared>>
        tpu.wait_indirect_dma semaphore(%arg23 : memref<!tpu.dma_semaphore, #tpu.memory_space<semaphore_mem>>) src(%arg12 : memref<128x64xf32, #tpu.memory_space<vmem>>) dst(%dma_wait3A_172 : memref<10240x64xf32, #tpu.memory_space<vmem_shared>>)
        %add3A_173 = arith.constant 2 : i32
        %add3A_174 = arith.addi %add3A_58, %add3A_173 : i32
        %add3A_175 = arith.constant 5 : i32
        %add3A_176 = arith.addi %add3A_174, %add3A_175 : i32
        %lt3A_177 = arith.constant 160 : i32
        %lt3A_178 = arith.cmpi slt, %add3A_176, %lt3A_177 : i32
        %convert_element_type3A_179 = arith.extui %lt3A_178 : i1 to i32
        %cond3A_180 = arith.constant 0 : i32
        %cond3A_181 = arith.cmpi ne, %convert_element_type3A_179, %cond3A_180 : i32
        scf.if %cond3A_181 {
          %add3A_212 = arith.constant 2 : i32
          %add3A_213 = arith.addi %add3A_58, %add3A_212 : i32
          %add3A_214 = arith.constant 5 : i32
          %add3A_215 = arith.addi %add3A_213, %add3A_214 : i32
          %dma_start3A_216 = arith.constant 0 : i32
          %dma_start3A_217 = tpu.memref_slice %arg8[%add3A_215, %dma_start3A_216] : memref<160x128xi32, #tpu.memory_space<vmem>> -> memref<1x128xi32, #tpu.memory_space<vmem>>
          %dma_start3A_218 = tpu.memref_squeeze %dma_start3A_217 : memref<1x128xi32, #tpu.memory_space<vmem>> -> memref<128xi32, #tpu.memory_space<vmem>>
          %dma_start3A_219 = arith.constant 0 : i32
          %dma_start3A_220 = arith.constant 0 : i32
          %dma_start3A_221 = tpu.memref_slice %arg4[%dma_start3A_219, %dma_start3A_220] : memref<10240x64xf32, #tpu.memory_space<hbm>> -> memref<10240x64xf32, #tpu.memory_space<hbm>>
          tpu.enqueue_indirect_dma source(%dma_start3A_221 : memref<10240x64xf32, #tpu.memory_space<hbm>>) target(%arg12 : memref<128x64xf32, #tpu.memory_space<vmem>>) offsets(%dma_start3A_218 : memref<128xi32, #tpu.memory_space<vmem>>) semaphore(%arg18 : memref<!tpu.dma_semaphore, #tpu.memory_space<semaphore_mem>>)
        } else {
        }
        %dma_wait3A_182 = arith.constant 0 : i32
        %dma_wait3A_183 = tpu.memref_slice %arg9[%add3A_115, %dma_wait3A_182] : memref<160x128xi32, #tpu.memory_space<vmem>> -> memref<1x128xi32, #tpu.memory_space<vmem>>
        %dma_wait3A_184 = tpu.memref_squeeze %dma_wait3A_183 : memref<1x128xi32, #tpu.memory_space<vmem>> -> memref<128xi32, #tpu.memory_space<vmem>>
        %dma_wait3A_185 = arith.constant 0 : i32
        %dma_wait3A_186 = arith.constant 0 : i32
        %dma_wait3A_187 = tpu.memref_slice %arg15[%dma_wait3A_185, %dma_wait3A_186] : memref<10240x64xf32, #tpu.memory_space<vmem_shared>> -> memref<10240x64xf32, #tpu.memory_space<vmem_shared>>
        tpu.wait_indirect_dma semaphore(%arg24 : memref<!tpu.dma_semaphore, #tpu.memory_space<semaphore_mem>>) src(%arg13 : memref<128x64xf32, #tpu.memory_space<vmem>>) dst(%dma_wait3A_187 : memref<10240x64xf32, #tpu.memory_space<vmem_shared>>)
        %add3A_188 = arith.constant 3 : i32
        %add3A_189 = arith.addi %add3A_58, %add3A_188 : i32
        %add3A_190 = arith.constant 5 : i32
        %add3A_191 = arith.addi %add3A_189, %add3A_190 : i32
        %lt3A_192 = arith.constant 160 : i32
        %lt3A_193 = arith.cmpi slt, %add3A_191, %lt3A_192 : i32
        %convert_element_type3A_194 = arith.extui %lt3A_193 : i1 to i32
        %cond3A_195 = arith.constant 0 : i32
        %cond3A_196 = arith.cmpi ne, %convert_element_type3A_194, %cond3A_195 : i32
        scf.if %cond3A_196 {
          %add3A_212 = arith.constant 3 : i32
          %add3A_213 = arith.addi %add3A_58, %add3A_212 : i32
          %add3A_214 = arith.constant 5 : i32
          %add3A_215 = arith.addi %add3A_213, %add3A_214 : i32
          %dma_start3A_216 = arith.constant 0 : i32
          %dma_start3A_217 = tpu.memref_slice %arg8[%add3A_215, %dma_start3A_216] : memref<160x128xi32, #tpu.memory_space<vmem>> -> memref<1x128xi32, #tpu.memory_space<vmem>>
          %dma_start3A_218 = tpu.memref_squeeze %dma_start3A_217 : memref<1x128xi32, #tpu.memory_space<vmem>> -> memref<128xi32, #tpu.memory_space<vmem>>
          %dma_start3A_219 = arith.constant 0 : i32
          %dma_start3A_220 = arith.constant 0 : i32
          %dma_start3A_221 = tpu.memref_slice %arg4[%dma_start3A_219, %dma_start3A_220] : memref<10240x64xf32, #tpu.memory_space<hbm>> -> memref<10240x64xf32, #tpu.memory_space<hbm>>
          tpu.enqueue_indirect_dma source(%dma_start3A_221 : memref<10240x64xf32, #tpu.memory_space<hbm>>) target(%arg13 : memref<128x64xf32, #tpu.memory_space<vmem>>) offsets(%dma_start3A_218 : memref<128xi32, #tpu.memory_space<vmem>>) semaphore(%arg19 : memref<!tpu.dma_semaphore, #tpu.memory_space<semaphore_mem>>)
        } else {
        }
        %dma_wait3A_197 = arith.constant 0 : i32
        %dma_wait3A_198 = tpu.memref_slice %arg9[%add3A_131, %dma_wait3A_197] : memref<160x128xi32, #tpu.memory_space<vmem>> -> memref<1x128xi32, #tpu.memory_space<vmem>>
        %dma_wait3A_199 = tpu.memref_squeeze %dma_wait3A_198 : memref<1x128xi32, #tpu.memory_space<vmem>> -> memref<128xi32, #tpu.memory_space<vmem>>
        %dma_wait3A_200 = arith.constant 0 : i32
        %dma_wait3A_201 = arith.constant 0 : i32
        %dma_wait3A_202 = tpu.memref_slice %arg15[%dma_wait3A_200, %dma_wait3A_201] : memref<10240x64xf32, #tpu.memory_space<vmem_shared>> -> memref<10240x64xf32, #tpu.memory_space<vmem_shared>>
        tpu.wait_indirect_dma semaphore(%arg25 : memref<!tpu.dma_semaphore, #tpu.memory_space<semaphore_mem>>) src(%arg14 : memref<128x64xf32, #tpu.memory_space<vmem>>) dst(%dma_wait3A_202 : memref<10240x64xf32, #tpu.memory_space<vmem_shared>>)
        %add3A_203 = arith.constant 4 : i32
        %add3A_204 = arith.addi %add3A_58, %add3A_203 : i32
        %add3A_205 = arith.constant 5 : i32
        %add3A_206 = arith.addi %add3A_204, %add3A_205 : i32
        %lt3A_207 = arith.constant 160 : i32
        %lt3A_208 = arith.cmpi slt, %add3A_206, %lt3A_207 : i32
        %convert_element_type3A_209 = arith.extui %lt3A_208 : i1 to i32
        %cond3A_210 = arith.constant 0 : i32
        %cond3A_211 = arith.cmpi ne, %convert_element_type3A_209, %cond3A_210 : i32
        scf.if %cond3A_211 {
          %add3A_212 = arith.constant 4 : i32
          %add3A_213 = arith.addi %add3A_58, %add3A_212 : i32
          %add3A_214 = arith.constant 5 : i32
          %add3A_215 = arith.addi %add3A_213, %add3A_214 : i32
          %dma_start3A_216 = arith.constant 0 : i32
          %dma_start3A_217 = tpu.memref_slice %arg8[%add3A_215, %dma_start3A_216] : memref<160x128xi32, #tpu.memory_space<vmem>> -> memref<1x128xi32, #tpu.memory_space<vmem>>
          %dma_start3A_218 = tpu.memref_squeeze %dma_start3A_217 : memref<1x128xi32, #tpu.memory_space<vmem>> -> memref<128xi32, #tpu.memory_space<vmem>>
          %dma_start3A_219 = arith.constant 0 : i32
          %dma_start3A_220 = arith.constant 0 : i32
          %dma_start3A_221 = tpu.memref_slice %arg4[%dma_start3A_219, %dma_start3A_220] : memref<10240x64xf32, #tpu.memory_space<hbm>> -> memref<10240x64xf32, #tpu.memory_space<hbm>>
          tpu.enqueue_indirect_dma source(%dma_start3A_221 : memref<10240x64xf32, #tpu.memory_space<hbm>>) target(%arg14 : memref<128x64xf32, #tpu.memory_space<vmem>>) offsets(%dma_start3A_218 : memref<128xi32, #tpu.memory_space<vmem>>) semaphore(%arg20 : memref<!tpu.dma_semaphore, #tpu.memory_space<semaphore_mem>>)
        } else {
        }
      }
      %scan3A_54 = arith.constant 32 : i32
    } else {
    }
    %eq3A_7 = arith.constant 1 : i32
    %eq3A_8 = arith.cmpi eq, %arg0, %eq3A_7 : i32
    %convert_element_type3A_9 = arith.extui %eq3A_8 : i1 to i32
    %cond3A_10 = arith.constant 0 : i32
    %cond3A_11 = arith.cmpi ne, %convert_element_type3A_9, %cond3A_10 : i32
    scf.if %cond3A_11 {
      %dma_start3A = arith.constant 0 : i32
      %dma_start3A_17 = arith.constant 0 : i32
      %dma_start3A_18 = tpu.memref_slice %arg8[%dma_start3A, %dma_start3A_17] : memref<160x128xi32, #tpu.memory_space<vmem>> -> memref<1x128xi32, #tpu.memory_space<vmem>>
      %dma_start3A_19 = tpu.memref_squeeze %dma_start3A_18 : memref<1x128xi32, #tpu.memory_space<vmem>> -> memref<128xi32, #tpu.memory_space<vmem>>
      %dma_start3A_20 = arith.constant 0 : i32
      %dma_start3A_21 = arith.constant 0 : i32
      %dma_start3A_22 = tpu.memref_slice %arg5[%dma_start3A_20, %dma_start3A_21] : memref<10240x64xf32, #tpu.memory_space<hbm>> -> memref<10240x64xf32, #tpu.memory_space<hbm>>
      tpu.enqueue_indirect_dma source(%dma_start3A_22 : memref<10240x64xf32, #tpu.memory_space<hbm>>) target(%arg10 : memref<128x64xf32, #tpu.memory_space<vmem>>) offsets(%dma_start3A_19 : memref<128xi32, #tpu.memory_space<vmem>>) semaphore(%arg16 : memref<!tpu.dma_semaphore, #tpu.memory_space<semaphore_mem>>)
      %dma_start3A_23 = arith.constant 1 : i32
      %dma_start3A_24 = arith.constant 0 : i32
      %dma_start3A_25 = tpu.memref_slice %arg8[%dma_start3A_23, %dma_start3A_24] : memref<160x128xi32, #tpu.memory_space<vmem>> -> memref<1x128xi32, #tpu.memory_space<vmem>>
      %dma_start3A_26 = tpu.memref_squeeze %dma_start3A_25 : memref<1x128xi32, #tpu.memory_space<vmem>> -> memref<128xi32, #tpu.memory_space<vmem>>
      %dma_start3A_27 = arith.constant 0 : i32
      %dma_start3A_28 = arith.constant 0 : i32
      %dma_start3A_29 = tpu.memref_slice %arg5[%dma_start3A_27, %dma_start3A_28] : memref<10240x64xf32, #tpu.memory_space<hbm>> -> memref<10240x64xf32, #tpu.memory_space<hbm>>
      tpu.enqueue_indirect_dma source(%dma_start3A_29 : memref<10240x64xf32, #tpu.memory_space<hbm>>) target(%arg11 : memref<128x64xf32, #tpu.memory_space<vmem>>) offsets(%dma_start3A_26 : memref<128xi32, #tpu.memory_space<vmem>>) semaphore(%arg17 : memref<!tpu.dma_semaphore, #tpu.memory_space<semaphore_mem>>)
      %dma_start3A_30 = arith.constant 2 : i32
      %dma_start3A_31 = arith.constant 0 : i32
      %dma_start3A_32 = tpu.memref_slice %arg8[%dma_start3A_30, %dma_start3A_31] : memref<160x128xi32, #tpu.memory_space<vmem>> -> memref<1x128xi32, #tpu.memory_space<vmem>>
      %dma_start3A_33 = tpu.memref_squeeze %dma_start3A_32 : memref<1x128xi32, #tpu.memory_space<vmem>> -> memref<128xi32, #tpu.memory_space<vmem>>
      %dma_start3A_34 = arith.constant 0 : i32
      %dma_start3A_35 = arith.constant 0 : i32
      %dma_start3A_36 = tpu.memref_slice %arg5[%dma_start3A_34, %dma_start3A_35] : memref<10240x64xf32, #tpu.memory_space<hbm>> -> memref<10240x64xf32, #tpu.memory_space<hbm>>
      tpu.enqueue_indirect_dma source(%dma_start3A_36 : memref<10240x64xf32, #tpu.memory_space<hbm>>) target(%arg12 : memref<128x64xf32, #tpu.memory_space<vmem>>) offsets(%dma_start3A_33 : memref<128xi32, #tpu.memory_space<vmem>>) semaphore(%arg18 : memref<!tpu.dma_semaphore, #tpu.memory_space<semaphore_mem>>)
      %dma_start3A_37 = arith.constant 3 : i32
      %dma_start3A_38 = arith.constant 0 : i32
      %dma_start3A_39 = tpu.memref_slice %arg8[%dma_start3A_37, %dma_start3A_38] : memref<160x128xi32, #tpu.memory_space<vmem>> -> memref<1x128xi32, #tpu.memory_space<vmem>>
      %dma_start3A_40 = tpu.memref_squeeze %dma_start3A_39 : memref<1x128xi32, #tpu.memory_space<vmem>> -> memref<128xi32, #tpu.memory_space<vmem>>
      %dma_start3A_41 = arith.constant 0 : i32
      %dma_start3A_42 = arith.constant 0 : i32
      %dma_start3A_43 = tpu.memref_slice %arg5[%dma_start3A_41, %dma_start3A_42] : memref<10240x64xf32, #tpu.memory_space<hbm>> -> memref<10240x64xf32, #tpu.memory_space<hbm>>
      tpu.enqueue_indirect_dma source(%dma_start3A_43 : memref<10240x64xf32, #tpu.memory_space<hbm>>) target(%arg13 : memref<128x64xf32, #tpu.memory_space<vmem>>) offsets(%dma_start3A_40 : memref<128xi32, #tpu.memory_space<vmem>>) semaphore(%arg19 : memref<!tpu.dma_semaphore, #tpu.memory_space<semaphore_mem>>)
      %dma_start3A_44 = arith.constant 4 : i32
      %dma_start3A_45 = arith.constant 0 : i32
      %dma_start3A_46 = tpu.memref_slice %arg8[%dma_start3A_44, %dma_start3A_45] : memref<160x128xi32, #tpu.memory_space<vmem>> -> memref<1x128xi32, #tpu.memory_space<vmem>>
      %dma_start3A_47 = tpu.memref_squeeze %dma_start3A_46 : memref<1x128xi32, #tpu.memory_space<vmem>> -> memref<128xi32, #tpu.memory_space<vmem>>
      %dma_start3A_48 = arith.constant 0 : i32
      %dma_start3A_49 = arith.constant 0 : i32
      %dma_start3A_50 = tpu.memref_slice %arg5[%dma_start3A_48, %dma_start3A_49] : memref<10240x64xf32, #tpu.memory_space<hbm>> -> memref<10240x64xf32, #tpu.memory_space<hbm>>
      tpu.enqueue_indirect_dma source(%dma_start3A_50 : memref<10240x64xf32, #tpu.memory_space<hbm>>) target(%arg14 : memref<128x64xf32, #tpu.memory_space<vmem>>) offsets(%dma_start3A_47 : memref<128xi32, #tpu.memory_space<vmem>>) semaphore(%arg20 : memref<!tpu.dma_semaphore, #tpu.memory_space<semaphore_mem>>)
      %scan3A = arith.constant 0 : i32
      %scan3A_51 = arith.constant 32 : i32
      %scan3A_52 = arith.addi %scan3A, %scan3A_51 : i32
      %scan3A_53 = arith.constant 1 : i32
      scf.for %scan3A_55 = %scan3A to %scan3A_52 step %scan3A_53  : i32 {
        %mul3A_56 = arith.constant 5 : i32
        %mul3A_57 = arith.muli %scan3A_55, %mul3A_56 : i32
        %add3A = arith.constant 0 : i32
        %add3A_58 = arith.addi %add3A, %mul3A_57 : i32
        %add3A_59 = arith.constant 0 : i32
        %add3A_60 = arith.addi %add3A_58, %add3A_59 : i32
        %dma_wait3A = arith.constant 0 : i32
        %dma_wait3A_61 = tpu.memref_slice %arg8[%add3A_60, %dma_wait3A] : memref<160x128xi32, #tpu.memory_space<vmem>> -> memref<1x128xi32, #tpu.memory_space<vmem>>
        %dma_wait3A_62 = tpu.memref_squeeze %dma_wait3A_61 : memref<1x128xi32, #tpu.memory_space<vmem>> -> memref<128xi32, #tpu.memory_space<vmem>>
        %dma_wait3A_63 = arith.constant 0 : i32
        %dma_wait3A_64 = arith.constant 0 : i32
        %dma_wait3A_65 = tpu.memref_slice %arg5[%dma_wait3A_63, %dma_wait3A_64] : memref<10240x64xf32, #tpu.memory_space<hbm>> -> memref<10240x64xf32, #tpu.memory_space<hbm>>
        tpu.wait_indirect_dma semaphore(%arg16 : memref<!tpu.dma_semaphore, #tpu.memory_space<semaphore_mem>>) src(%dma_wait3A_65 : memref<10240x64xf32, #tpu.memory_space<hbm>>) dst(%arg10 : memref<128x64xf32, #tpu.memory_space<vmem>>)
        %add3A_66 = arith.constant 0 : i32
        %add3A_67 = arith.addi %add3A_58, %add3A_66 : i32
        %dma_start3A_68 = arith.constant 0 : i32
        %dma_start3A_69 = tpu.memref_slice %arg9[%add3A_67, %dma_start3A_68] : memref<160x128xi32, #tpu.memory_space<vmem>> -> memref<1x128xi32, #tpu.memory_space<vmem>>
        %dma_start3A_70 = tpu.memref_squeeze %dma_start3A_69 : memref<1x128xi32, #tpu.memory_space<vmem>> -> memref<128xi32, #tpu.memory_space<vmem>>
        %dma_start3A_71 = arith.constant 0 : i32
        %dma_start3A_72 = arith.constant 0 : i32
        %dma_start3A_73 = tpu.memref_slice %arg15[%dma_start3A_71, %dma_start3A_72] : memref<10240x64xf32, #tpu.memory_space<vmem_shared>> -> memref<10240x64xf32, #tpu.memory_space<vmem_shared>>
        tpu.enqueue_indirect_dma source(%arg10 : memref<128x64xf32, #tpu.memory_space<vmem>>) target(%dma_start3A_73 : memref<10240x64xf32, #tpu.memory_space<vmem_shared>>) offsets(%dma_start3A_70 : memref<128xi32, #tpu.memory_space<vmem>>) semaphore(%arg21 : memref<!tpu.dma_semaphore, #tpu.memory_space<semaphore_mem>>) {add = true}
        %add3A_74 = arith.constant 1 : i32
        %add3A_75 = arith.addi %add3A_58, %add3A_74 : i32
        %dma_wait3A_76 = arith.constant 0 : i32
        %dma_wait3A_77 = tpu.memref_slice %arg8[%add3A_75, %dma_wait3A_76] : memref<160x128xi32, #tpu.memory_space<vmem>> -> memref<1x128xi32, #tpu.memory_space<vmem>>
        %dma_wait3A_78 = tpu.memref_squeeze %dma_wait3A_77 : memref<1x128xi32, #tpu.memory_space<vmem>> -> memref<128xi32, #tpu.memory_space<vmem>>
        %dma_wait3A_79 = arith.constant 0 : i32
        %dma_wait3A_80 = arith.constant 0 : i32
        %dma_wait3A_81 = tpu.memref_slice %arg5[%dma_wait3A_79, %dma_wait3A_80] : memref<10240x64xf32, #tpu.memory_space<hbm>> -> memref<10240x64xf32, #tpu.memory_space<hbm>>
        tpu.wait_indirect_dma semaphore(%arg17 : memref<!tpu.dma_semaphore, #tpu.memory_space<semaphore_mem>>) src(%dma_wait3A_81 : memref<10240x64xf32, #tpu.memory_space<hbm>>) dst(%arg11 : memref<128x64xf32, #tpu.memory_space<vmem>>)
        %add3A_82 = arith.constant 1 : i32
        %add3A_83 = arith.addi %add3A_58, %add3A_82 : i32
        %dma_start3A_84 = arith.constant 0 : i32
        %dma_start3A_85 = tpu.memref_slice %arg9[%add3A_83, %dma_start3A_84] : memref<160x128xi32, #tpu.memory_space<vmem>> -> memref<1x128xi32, #tpu.memory_space<vmem>>
        %dma_start3A_86 = tpu.memref_squeeze %dma_start3A_85 : memref<1x128xi32, #tpu.memory_space<vmem>> -> memref<128xi32, #tpu.memory_space<vmem>>
        %dma_start3A_87 = arith.constant 0 : i32
        %dma_start3A_88 = arith.constant 0 : i32
        %dma_start3A_89 = tpu.memref_slice %arg15[%dma_start3A_87, %dma_start3A_88] : memref<10240x64xf32, #tpu.memory_space<vmem_shared>> -> memref<10240x64xf32, #tpu.memory_space<vmem_shared>>
        tpu.enqueue_indirect_dma source(%arg11 : memref<128x64xf32, #tpu.memory_space<vmem>>) target(%dma_start3A_89 : memref<10240x64xf32, #tpu.memory_space<vmem_shared>>) offsets(%dma_start3A_86 : memref<128xi32, #tpu.memory_space<vmem>>) semaphore(%arg22 : memref<!tpu.dma_semaphore, #tpu.memory_space<semaphore_mem>>) {add = true}
        %add3A_90 = arith.constant 2 : i32
        %add3A_91 = arith.addi %add3A_58, %add3A_90 : i32
        %dma_wait3A_92 = arith.constant 0 : i32
        %dma_wait3A_93 = tpu.memref_slice %arg8[%add3A_91, %dma_wait3A_92] : memref<160x128xi32, #tpu.memory_space<vmem>> -> memref<1x128xi32, #tpu.memory_space<vmem>>
        %dma_wait3A_94 = tpu.memref_squeeze %dma_wait3A_93 : memref<1x128xi32, #tpu.memory_space<vmem>> -> memref<128xi32, #tpu.memory_space<vmem>>
        %dma_wait3A_95 = arith.constant 0 : i32
        %dma_wait3A_96 = arith.constant 0 : i32
        %dma_wait3A_97 = tpu.memref_slice %arg5[%dma_wait3A_95, %dma_wait3A_96] : memref<10240x64xf32, #tpu.memory_space<hbm>> -> memref<10240x64xf32, #tpu.memory_space<hbm>>
        tpu.wait_indirect_dma semaphore(%arg18 : memref<!tpu.dma_semaphore, #tpu.memory_space<semaphore_mem>>) src(%dma_wait3A_97 : memref<10240x64xf32, #tpu.memory_space<hbm>>) dst(%arg12 : memref<128x64xf32, #tpu.memory_space<vmem>>)
        %add3A_98 = arith.constant 2 : i32
        %add3A_99 = arith.addi %add3A_58, %add3A_98 : i32
        %dma_start3A_100 = arith.constant 0 : i32
        %dma_start3A_101 = tpu.memref_slice %arg9[%add3A_99, %dma_start3A_100] : memref<160x128xi32, #tpu.memory_space<vmem>> -> memref<1x128xi32, #tpu.memory_space<vmem>>
        %dma_start3A_102 = tpu.memref_squeeze %dma_start3A_101 : memref<1x128xi32, #tpu.memory_space<vmem>> -> memref<128xi32, #tpu.memory_space<vmem>>
        %dma_start3A_103 = arith.constant 0 : i32
        %dma_start3A_104 = arith.constant 0 : i32
        %dma_start3A_105 = tpu.memref_slice %arg15[%dma_start3A_103, %dma_start3A_104] : memref<10240x64xf32, #tpu.memory_space<vmem_shared>> -> memref<10240x64xf32, #tpu.memory_space<vmem_shared>>
        tpu.enqueue_indirect_dma source(%arg12 : memref<128x64xf32, #tpu.memory_space<vmem>>) target(%dma_start3A_105 : memref<10240x64xf32, #tpu.memory_space<vmem_shared>>) offsets(%dma_start3A_102 : memref<128xi32, #tpu.memory_space<vmem>>) semaphore(%arg23 : memref<!tpu.dma_semaphore, #tpu.memory_space<semaphore_mem>>) {add = true}
        %add3A_106 = arith.constant 3 : i32
        %add3A_107 = arith.addi %add3A_58, %add3A_106 : i32
        %dma_wait3A_108 = arith.constant 0 : i32
        %dma_wait3A_109 = tpu.memref_slice %arg8[%add3A_107, %dma_wait3A_108] : memref<160x128xi32, #tpu.memory_space<vmem>> -> memref<1x128xi32, #tpu.memory_space<vmem>>
        %dma_wait3A_110 = tpu.memref_squeeze %dma_wait3A_109 : memref<1x128xi32, #tpu.memory_space<vmem>> -> memref<128xi32, #tpu.memory_space<vmem>>
        %dma_wait3A_111 = arith.constant 0 : i32
        %dma_wait3A_112 = arith.constant 0 : i32
        %dma_wait3A_113 = tpu.memref_slice %arg5[%dma_wait3A_111, %dma_wait3A_112] : memref<10240x64xf32, #tpu.memory_space<hbm>> -> memref<10240x64xf32, #tpu.memory_space<hbm>>
        tpu.wait_indirect_dma semaphore(%arg19 : memref<!tpu.dma_semaphore, #tpu.memory_space<semaphore_mem>>) src(%dma_wait3A_113 : memref<10240x64xf32, #tpu.memory_space<hbm>>) dst(%arg13 : memref<128x64xf32, #tpu.memory_space<vmem>>)
        %add3A_114 = arith.constant 3 : i32
        %add3A_115 = arith.addi %add3A_58, %add3A_114 : i32
        %dma_start3A_116 = arith.constant 0 : i32
        %dma_start3A_117 = tpu.memref_slice %arg9[%add3A_115, %dma_start3A_116] : memref<160x128xi32, #tpu.memory_space<vmem>> -> memref<1x128xi32, #tpu.memory_space<vmem>>
        %dma_start3A_118 = tpu.memref_squeeze %dma_start3A_117 : memref<1x128xi32, #tpu.memory_space<vmem>> -> memref<128xi32, #tpu.memory_space<vmem>>
        %dma_start3A_119 = arith.constant 0 : i32
        %dma_start3A_120 = arith.constant 0 : i32
        %dma_start3A_121 = tpu.memref_slice %arg15[%dma_start3A_119, %dma_start3A_120] : memref<10240x64xf32, #tpu.memory_space<vmem_shared>> -> memref<10240x64xf32, #tpu.memory_space<vmem_shared>>
        tpu.enqueue_indirect_dma source(%arg13 : memref<128x64xf32, #tpu.memory_space<vmem>>) target(%dma_start3A_121 : memref<10240x64xf32, #tpu.memory_space<vmem_shared>>) offsets(%dma_start3A_118 : memref<128xi32, #tpu.memory_space<vmem>>) semaphore(%arg24 : memref<!tpu.dma_semaphore, #tpu.memory_space<semaphore_mem>>) {add = true}
        %add3A_122 = arith.constant 4 : i32
        %add3A_123 = arith.addi %add3A_58, %add3A_122 : i32
        %dma_wait3A_124 = arith.constant 0 : i32
        %dma_wait3A_125 = tpu.memref_slice %arg8[%add3A_123, %dma_wait3A_124] : memref<160x128xi32, #tpu.memory_space<vmem>> -> memref<1x128xi32, #tpu.memory_space<vmem>>
        %dma_wait3A_126 = tpu.memref_squeeze %dma_wait3A_125 : memref<1x128xi32, #tpu.memory_space<vmem>> -> memref<128xi32, #tpu.memory_space<vmem>>
        %dma_wait3A_127 = arith.constant 0 : i32
        %dma_wait3A_128 = arith.constant 0 : i32
        %dma_wait3A_129 = tpu.memref_slice %arg5[%dma_wait3A_127, %dma_wait3A_128] : memref<10240x64xf32, #tpu.memory_space<hbm>> -> memref<10240x64xf32, #tpu.memory_space<hbm>>
        tpu.wait_indirect_dma semaphore(%arg20 : memref<!tpu.dma_semaphore, #tpu.memory_space<semaphore_mem>>) src(%dma_wait3A_129 : memref<10240x64xf32, #tpu.memory_space<hbm>>) dst(%arg14 : memref<128x64xf32, #tpu.memory_space<vmem>>)
        %add3A_130 = arith.constant 4 : i32
        %add3A_131 = arith.addi %add3A_58, %add3A_130 : i32
        %dma_start3A_132 = arith.constant 0 : i32
        %dma_start3A_133 = tpu.memref_slice %arg9[%add3A_131, %dma_start3A_132] : memref<160x128xi32, #tpu.memory_space<vmem>> -> memref<1x128xi32, #tpu.memory_space<vmem>>
        %dma_start3A_134 = tpu.memref_squeeze %dma_start3A_133 : memref<1x128xi32, #tpu.memory_space<vmem>> -> memref<128xi32, #tpu.memory_space<vmem>>
        %dma_start3A_135 = arith.constant 0 : i32
        %dma_start3A_136 = arith.constant 0 : i32
        %dma_start3A_137 = tpu.memref_slice %arg15[%dma_start3A_135, %dma_start3A_136] : memref<10240x64xf32, #tpu.memory_space<vmem_shared>> -> memref<10240x64xf32, #tpu.memory_space<vmem_shared>>
        tpu.enqueue_indirect_dma source(%arg14 : memref<128x64xf32, #tpu.memory_space<vmem>>) target(%dma_start3A_137 : memref<10240x64xf32, #tpu.memory_space<vmem_shared>>) offsets(%dma_start3A_134 : memref<128xi32, #tpu.memory_space<vmem>>) semaphore(%arg25 : memref<!tpu.dma_semaphore, #tpu.memory_space<semaphore_mem>>) {add = true}
        %dma_wait3A_138 = arith.constant 0 : i32
        %dma_wait3A_139 = tpu.memref_slice %arg9[%add3A_67, %dma_wait3A_138] : memref<160x128xi32, #tpu.memory_space<vmem>> -> memref<1x128xi32, #tpu.memory_space<vmem>>
        %dma_wait3A_140 = tpu.memref_squeeze %dma_wait3A_139 : memref<1x128xi32, #tpu.memory_space<vmem>> -> memref<128xi32, #tpu.memory_space<vmem>>
        %dma_wait3A_141 = arith.constant 0 : i32
        %dma_wait3A_142 = arith.constant 0 : i32
        %dma_wait3A_143 = tpu.memref_slice %arg15[%dma_wait3A_141, %dma_wait3A_142] : memref<10240x64xf32, #tpu.memory_space<vmem_shared>> -> memref<10240x64xf32, #tpu.memory_space<vmem_shared>>
        tpu.wait_indirect_dma semaphore(%arg21 : memref<!tpu.dma_semaphore, #tpu.memory_space<semaphore_mem>>) src(%arg10 : memref<128x64xf32, #tpu.memory_space<vmem>>) dst(%dma_wait3A_143 : memref<10240x64xf32, #tpu.memory_space<vmem_shared>>)
        %add3A_144 = arith.constant 0 : i32
        %add3A_145 = arith.addi %add3A_58, %add3A_144 : i32
        %add3A_146 = arith.constant 5 : i32
        %add3A_147 = arith.addi %add3A_145, %add3A_146 : i32
        %lt3A = arith.constant 160 : i32
        %lt3A_148 = arith.cmpi slt, %add3A_147, %lt3A : i32
        %convert_element_type3A_149 = arith.extui %lt3A_148 : i1 to i32
        %cond3A_150 = arith.constant 0 : i32
        %cond3A_151 = arith.cmpi ne, %convert_element_type3A_149, %cond3A_150 : i32
        scf.if %cond3A_151 {
          %add3A_212 = arith.constant 0 : i32
          %add3A_213 = arith.addi %add3A_58, %add3A_212 : i32
          %add3A_214 = arith.constant 5 : i32
          %add3A_215 = arith.addi %add3A_213, %add3A_214 : i32
          %dma_start3A_216 = arith.constant 0 : i32
          %dma_start3A_217 = tpu.memref_slice %arg8[%add3A_215, %dma_start3A_216] : memref<160x128xi32, #tpu.memory_space<vmem>> -> memref<1x128xi32, #tpu.memory_space<vmem>>
          %dma_start3A_218 = tpu.memref_squeeze %dma_start3A_217 : memref<1x128xi32, #tpu.memory_space<vmem>> -> memref<128xi32, #tpu.memory_space<vmem>>
          %dma_start3A_219 = arith.constant 0 : i32
          %dma_start3A_220 = arith.constant 0 : i32
          %dma_start3A_221 = tpu.memref_slice %arg5[%dma_start3A_219, %dma_start3A_220] : memref<10240x64xf32, #tpu.memory_space<hbm>> -> memref<10240x64xf32, #tpu.memory_space<hbm>>
          tpu.enqueue_indirect_dma source(%dma_start3A_221 : memref<10240x64xf32, #tpu.memory_space<hbm>>) target(%arg10 : memref<128x64xf32, #tpu.memory_space<vmem>>) offsets(%dma_start3A_218 : memref<128xi32, #tpu.memory_space<vmem>>) semaphore(%arg16 : memref<!tpu.dma_semaphore, #tpu.memory_space<semaphore_mem>>)
        } else {
        }
        %dma_wait3A_152 = arith.constant 0 : i32
        %dma_wait3A_153 = tpu.memref_slice %arg9[%add3A_83, %dma_wait3A_152] : memref<160x128xi32, #tpu.memory_space<vmem>> -> memref<1x128xi32, #tpu.memory_space<vmem>>
        %dma_wait3A_154 = tpu.memref_squeeze %dma_wait3A_153 : memref<1x128xi32, #tpu.memory_space<vmem>> -> memref<128xi32, #tpu.memory_space<vmem>>
        %dma_wait3A_155 = arith.constant 0 : i32
        %dma_wait3A_156 = arith.constant 0 : i32
        %dma_wait3A_157 = tpu.memref_slice %arg15[%dma_wait3A_155, %dma_wait3A_156] : memref<10240x64xf32, #tpu.memory_space<vmem_shared>> -> memref<10240x64xf32, #tpu.memory_space<vmem_shared>>
        tpu.wait_indirect_dma semaphore(%arg22 : memref<!tpu.dma_semaphore, #tpu.memory_space<semaphore_mem>>) src(%arg11 : memref<128x64xf32, #tpu.memory_space<vmem>>) dst(%dma_wait3A_157 : memref<10240x64xf32, #tpu.memory_space<vmem_shared>>)
        %add3A_158 = arith.constant 1 : i32
        %add3A_159 = arith.addi %add3A_58, %add3A_158 : i32
        %add3A_160 = arith.constant 5 : i32
        %add3A_161 = arith.addi %add3A_159, %add3A_160 : i32
        %lt3A_162 = arith.constant 160 : i32
        %lt3A_163 = arith.cmpi slt, %add3A_161, %lt3A_162 : i32
        %convert_element_type3A_164 = arith.extui %lt3A_163 : i1 to i32
        %cond3A_165 = arith.constant 0 : i32
        %cond3A_166 = arith.cmpi ne, %convert_element_type3A_164, %cond3A_165 : i32
        scf.if %cond3A_166 {
          %add3A_212 = arith.constant 1 : i32
          %add3A_213 = arith.addi %add3A_58, %add3A_212 : i32
          %add3A_214 = arith.constant 5 : i32
          %add3A_215 = arith.addi %add3A_213, %add3A_214 : i32
          %dma_start3A_216 = arith.constant 0 : i32
          %dma_start3A_217 = tpu.memref_slice %arg8[%add3A_215, %dma_start3A_216] : memref<160x128xi32, #tpu.memory_space<vmem>> -> memref<1x128xi32, #tpu.memory_space<vmem>>
          %dma_start3A_218 = tpu.memref_squeeze %dma_start3A_217 : memref<1x128xi32, #tpu.memory_space<vmem>> -> memref<128xi32, #tpu.memory_space<vmem>>
          %dma_start3A_219 = arith.constant 0 : i32
          %dma_start3A_220 = arith.constant 0 : i32
          %dma_start3A_221 = tpu.memref_slice %arg5[%dma_start3A_219, %dma_start3A_220] : memref<10240x64xf32, #tpu.memory_space<hbm>> -> memref<10240x64xf32, #tpu.memory_space<hbm>>
          tpu.enqueue_indirect_dma source(%dma_start3A_221 : memref<10240x64xf32, #tpu.memory_space<hbm>>) target(%arg11 : memref<128x64xf32, #tpu.memory_space<vmem>>) offsets(%dma_start3A_218 : memref<128xi32, #tpu.memory_space<vmem>>) semaphore(%arg17 : memref<!tpu.dma_semaphore, #tpu.memory_space<semaphore_mem>>)
        } else {
        }
        %dma_wait3A_167 = arith.constant 0 : i32
        %dma_wait3A_168 = tpu.memref_slice %arg9[%add3A_99, %dma_wait3A_167] : memref<160x128xi32, #tpu.memory_space<vmem>> -> memref<1x128xi32, #tpu.memory_space<vmem>>
        %dma_wait3A_169 = tpu.memref_squeeze %dma_wait3A_168 : memref<1x128xi32, #tpu.memory_space<vmem>> -> memref<128xi32, #tpu.memory_space<vmem>>
        %dma_wait3A_170 = arith.constant 0 : i32
        %dma_wait3A_171 = arith.constant 0 : i32
        %dma_wait3A_172 = tpu.memref_slice %arg15[%dma_wait3A_170, %dma_wait3A_171] : memref<10240x64xf32, #tpu.memory_space<vmem_shared>> -> memref<10240x64xf32, #tpu.memory_space<vmem_shared>>
        tpu.wait_indirect_dma semaphore(%arg23 : memref<!tpu.dma_semaphore, #tpu.memory_space<semaphore_mem>>) src(%arg12 : memref<128x64xf32, #tpu.memory_space<vmem>>) dst(%dma_wait3A_172 : memref<10240x64xf32, #tpu.memory_space<vmem_shared>>)
        %add3A_173 = arith.constant 2 : i32
        %add3A_174 = arith.addi %add3A_58, %add3A_173 : i32
        %add3A_175 = arith.constant 5 : i32
        %add3A_176 = arith.addi %add3A_174, %add3A_175 : i32
        %lt3A_177 = arith.constant 160 : i32
        %lt3A_178 = arith.cmpi slt, %add3A_176, %lt3A_177 : i32
        %convert_element_type3A_179 = arith.extui %lt3A_178 : i1 to i32
        %cond3A_180 = arith.constant 0 : i32
        %cond3A_181 = arith.cmpi ne, %convert_element_type3A_179, %cond3A_180 : i32
        scf.if %cond3A_181 {
          %add3A_212 = arith.constant 2 : i32
          %add3A_213 = arith.addi %add3A_58, %add3A_212 : i32
          %add3A_214 = arith.constant 5 : i32
          %add3A_215 = arith.addi %add3A_213, %add3A_214 : i32
          %dma_start3A_216 = arith.constant 0 : i32
          %dma_start3A_217 = tpu.memref_slice %arg8[%add3A_215, %dma_start3A_216] : memref<160x128xi32, #tpu.memory_space<vmem>> -> memref<1x128xi32, #tpu.memory_space<vmem>>
          %dma_start3A_218 = tpu.memref_squeeze %dma_start3A_217 : memref<1x128xi32, #tpu.memory_space<vmem>> -> memref<128xi32, #tpu.memory_space<vmem>>
          %dma_start3A_219 = arith.constant 0 : i32
          %dma_start3A_220 = arith.constant 0 : i32
          %dma_start3A_221 = tpu.memref_slice %arg5[%dma_start3A_219, %dma_start3A_220] : memref<10240x64xf32, #tpu.memory_space<hbm>> -> memref<10240x64xf32, #tpu.memory_space<hbm>>
          tpu.enqueue_indirect_dma source(%dma_start3A_221 : memref<10240x64xf32, #tpu.memory_space<hbm>>) target(%arg12 : memref<128x64xf32, #tpu.memory_space<vmem>>) offsets(%dma_start3A_218 : memref<128xi32, #tpu.memory_space<vmem>>) semaphore(%arg18 : memref<!tpu.dma_semaphore, #tpu.memory_space<semaphore_mem>>)
        } else {
        }
        %dma_wait3A_182 = arith.constant 0 : i32
        %dma_wait3A_183 = tpu.memref_slice %arg9[%add3A_115, %dma_wait3A_182] : memref<160x128xi32, #tpu.memory_space<vmem>> -> memref<1x128xi32, #tpu.memory_space<vmem>>
        %dma_wait3A_184 = tpu.memref_squeeze %dma_wait3A_183 : memref<1x128xi32, #tpu.memory_space<vmem>> -> memref<128xi32, #tpu.memory_space<vmem>>
        %dma_wait3A_185 = arith.constant 0 : i32
        %dma_wait3A_186 = arith.constant 0 : i32
        %dma_wait3A_187 = tpu.memref_slice %arg15[%dma_wait3A_185, %dma_wait3A_186] : memref<10240x64xf32, #tpu.memory_space<vmem_shared>> -> memref<10240x64xf32, #tpu.memory_space<vmem_shared>>
        tpu.wait_indirect_dma semaphore(%arg24 : memref<!tpu.dma_semaphore, #tpu.memory_space<semaphore_mem>>) src(%arg13 : memref<128x64xf32, #tpu.memory_space<vmem>>) dst(%dma_wait3A_187 : memref<10240x64xf32, #tpu.memory_space<vmem_shared>>)
        %add3A_188 = arith.constant 3 : i32
        %add3A_189 = arith.addi %add3A_58, %add3A_188 : i32
        %add3A_190 = arith.constant 5 : i32
        %add3A_191 = arith.addi %add3A_189, %add3A_190 : i32
        %lt3A_192 = arith.constant 160 : i32
        %lt3A_193 = arith.cmpi slt, %add3A_191, %lt3A_192 : i32
        %convert_element_type3A_194 = arith.extui %lt3A_193 : i1 to i32
        %cond3A_195 = arith.constant 0 : i32
        %cond3A_196 = arith.cmpi ne, %convert_element_type3A_194, %cond3A_195 : i32
        scf.if %cond3A_196 {
          %add3A_212 = arith.constant 3 : i32
          %add3A_213 = arith.addi %add3A_58, %add3A_212 : i32
          %add3A_214 = arith.constant 5 : i32
          %add3A_215 = arith.addi %add3A_213, %add3A_214 : i32
          %dma_start3A_216 = arith.constant 0 : i32
          %dma_start3A_217 = tpu.memref_slice %arg8[%add3A_215, %dma_start3A_216] : memref<160x128xi32, #tpu.memory_space<vmem>> -> memref<1x128xi32, #tpu.memory_space<vmem>>
          %dma_start3A_218 = tpu.memref_squeeze %dma_start3A_217 : memref<1x128xi32, #tpu.memory_space<vmem>> -> memref<128xi32, #tpu.memory_space<vmem>>
          %dma_start3A_219 = arith.constant 0 : i32
          %dma_start3A_220 = arith.constant 0 : i32
          %dma_start3A_221 = tpu.memref_slice %arg5[%dma_start3A_219, %dma_start3A_220] : memref<10240x64xf32, #tpu.memory_space<hbm>> -> memref<10240x64xf32, #tpu.memory_space<hbm>>
          tpu.enqueue_indirect_dma source(%dma_start3A_221 : memref<10240x64xf32, #tpu.memory_space<hbm>>) target(%arg13 : memref<128x64xf32, #tpu.memory_space<vmem>>) offsets(%dma_start3A_218 : memref<128xi32, #tpu.memory_space<vmem>>) semaphore(%arg19 : memref<!tpu.dma_semaphore, #tpu.memory_space<semaphore_mem>>)
        } else {
        }
        %dma_wait3A_197 = arith.constant 0 : i32
        %dma_wait3A_198 = tpu.memref_slice %arg9[%add3A_131, %dma_wait3A_197] : memref<160x128xi32, #tpu.memory_space<vmem>> -> memref<1x128xi32, #tpu.memory_space<vmem>>
        %dma_wait3A_199 = tpu.memref_squeeze %dma_wait3A_198 : memref<1x128xi32, #tpu.memory_space<vmem>> -> memref<128xi32, #tpu.memory_space<vmem>>
        %dma_wait3A_200 = arith.constant 0 : i32
        %dma_wait3A_201 = arith.constant 0 : i32
        %dma_wait3A_202 = tpu.memref_slice %arg15[%dma_wait3A_200, %dma_wait3A_201] : memref<10240x64xf32, #tpu.memory_space<vmem_shared>> -> memref<10240x64xf32, #tpu.memory_space<vmem_shared>>
        tpu.wait_indirect_dma semaphore(%arg25 : memref<!tpu.dma_semaphore, #tpu.memory_space<semaphore_mem>>) src(%arg14 : memref<128x64xf32, #tpu.memory_space<vmem>>) dst(%dma_wait3A_202 : memref<10240x64xf32, #tpu.memory_space<vmem_shared>>)
        %add3A_203 = arith.constant 4 : i32
        %add3A_204 = arith.addi %add3A_58, %add3A_203 : i32
        %add3A_205 = arith.constant 5 : i32
        %add3A_206 = arith.addi %add3A_204, %add3A_205 : i32
        %lt3A_207 = arith.constant 160 : i32
        %lt3A_208 = arith.cmpi slt, %add3A_206, %lt3A_207 : i32
        %convert_element_type3A_209 = arith.extui %lt3A_208 : i1 to i32
        %cond3A_210 = arith.constant 0 : i32
        %cond3A_211 = arith.cmpi ne, %convert_element_type3A_209, %cond3A_210 : i32
        scf.if %cond3A_211 {
          %add3A_212 = arith.constant 4 : i32
          %add3A_213 = arith.addi %add3A_58, %add3A_212 : i32
          %add3A_214 = arith.constant 5 : i32
          %add3A_215 = arith.addi %add3A_213, %add3A_214 : i32
          %dma_start3A_216 = arith.constant 0 : i32
          %dma_start3A_217 = tpu.memref_slice %arg8[%add3A_215, %dma_start3A_216] : memref<160x128xi32, #tpu.memory_space<vmem>> -> memref<1x128xi32, #tpu.memory_space<vmem>>
          %dma_start3A_218 = tpu.memref_squeeze %dma_start3A_217 : memref<1x128xi32, #tpu.memory_space<vmem>> -> memref<128xi32, #tpu.memory_space<vmem>>
          %dma_start3A_219 = arith.constant 0 : i32
          %dma_start3A_220 = arith.constant 0 : i32
          %dma_start3A_221 = tpu.memref_slice %arg5[%dma_start3A_219, %dma_start3A_220] : memref<10240x64xf32, #tpu.memory_space<hbm>> -> memref<10240x64xf32, #tpu.memory_space<hbm>>
          tpu.enqueue_indirect_dma source(%dma_start3A_221 : memref<10240x64xf32, #tpu.memory_space<hbm>>) target(%arg14 : memref<128x64xf32, #tpu.memory_space<vmem>>) offsets(%dma_start3A_218 : memref<128xi32, #tpu.memory_space<vmem>>) semaphore(%arg20 : memref<!tpu.dma_semaphore, #tpu.memory_space<semaphore_mem>>)
        } else {
        }
      }
      %scan3A_54 = arith.constant 32 : i32
    } else {
    }
    %barrier3A_12 = arith.constant 0 : index
    tpu.barrier barrier_id(%barrier3A_12)
    %mul3A_13 = arith.constant 640 : i32
    %mul3A_14 = arith.muli %arg1, %mul3A_13 : i32
    %mul3A_15 = arith.constant 640 : i32
    %mul3A_16 = arith.muli %arg1, %mul3A_15 : i32
    "tpu.region"() ({
      %run_scoped3A = tpu.sem_alloc : memref<!tpu.dma_semaphore, #tpu.memory_space<semaphore_mem>>
      %dma_start3A = arith.constant 0 : i32
      %dma_start3A_17 = tpu.memref_slice %arg7[%arg0, %mul3A_16, %dma_start3A] : memref<2x10240x64xf32, #tpu.memory_space<hbm>> -> memref<1x640x64xf32, #tpu.memory_space<hbm>>
      %dma_start3A_18 = tpu.memref_squeeze %dma_start3A_17 : memref<1x640x64xf32, #tpu.memory_space<hbm>> -> memref<640x64xf32, #tpu.memory_space<hbm>>
      %dma_start3A_19 = arith.constant 0 : i32
      %dma_start3A_20 = tpu.memref_slice %arg15[%mul3A_14, %dma_start3A_19] : memref<10240x64xf32, #tpu.memory_space<vmem_shared>> -> memref<640x64xf32, #tpu.memory_space<vmem_shared>>
      tpu.enqueue_dma source(%dma_start3A_20 : memref<640x64xf32, #tpu.memory_space<vmem_shared>>) target(%dma_start3A_18 : memref<640x64xf32, #tpu.memory_space<hbm>>) target_semaphore(%run_scoped3A : memref<!tpu.dma_semaphore, #tpu.memory_space<semaphore_mem>>)
      %dma_wait3A = arith.constant 0 : i32
      %dma_wait3A_21 = tpu.memref_slice %arg7[%arg0, %mul3A_16, %dma_wait3A] : memref<2x10240x64xf32, #tpu.memory_space<hbm>> -> memref<1x640x64xf32, #tpu.memory_space<hbm>>
      %dma_wait3A_22 = tpu.memref_squeeze %dma_wait3A_21 : memref<1x640x64xf32, #tpu.memory_space<hbm>> -> memref<640x64xf32, #tpu.memory_space<hbm>>
      %dma_wait3A_23 = arith.constant 0 : i32
      %dma_wait3A_24 = tpu.memref_slice %arg15[%mul3A_14, %dma_wait3A_23] : memref<10240x64xf32, #tpu.memory_space<vmem_shared>> -> memref<640x64xf32, #tpu.memory_space<vmem_shared>>
      tpu.wait_dma2 semaphore(%run_scoped3A : memref<!tpu.dma_semaphore, #tpu.memory_space<semaphore_mem>>) src(%dma_wait3A_24 : memref<640x64xf32, #tpu.memory_space<vmem_shared>>) dst(%dma_wait3A_22 : memref<640x64xf32, #tpu.memory_space<hbm>>)
      tpu.yield
    }) : () -> ()
    return
  }
}

#map = affine_map<(d0, d1) -> (0, 0)>
#map1 = affine_map<(d0, d1) -> (0, 0, 0)>
module attributes {stable_mosaic.version = 14 : i64} {
  func.func @_sc_agg(%arg0: i32, %arg1: i32, %arg2: memref<2560x128xi32, #tpu.memory_space<hbm>>, %arg3: memref<2560x128xi32, #tpu.memory_space<hbm>>, %arg4: memref<10240x64xf32, #tpu.memory_space<hbm>>, %arg5: memref<10240x64xf32, #tpu.memory_space<hbm>>, %arg6: memref<640x64xf32, #tpu.memory_space<hbm>>, %arg7: memref<2x10240x64xf32, #tpu.memory_space<hbm>>, %arg8: memref<160x128xi32, #tpu.memory_space<vmem>>, %arg9: memref<160x128xi32, #tpu.memory_space<vmem>>, %arg10: memref<128x64xf32, #tpu.memory_space<vmem>>, %arg11: memref<128x64xf32, #tpu.memory_space<vmem>>, %arg12: memref<128x64xf32, #tpu.memory_space<vmem>>, %arg13: memref<128x64xf32, #tpu.memory_space<vmem>>, %arg14: memref<128x64xf32, #tpu.memory_space<vmem>>, %arg15: memref<10240x64xf32, #tpu.memory_space<vmem_shared>>, %arg16: memref<!tpu.dma_semaphore, #tpu.memory_space<semaphore_mem>>, %arg17: memref<!tpu.dma_semaphore, #tpu.memory_space<semaphore_mem>>, %arg18: memref<!tpu.dma_semaphore, #tpu.memory_space<semaphore_mem>>, %arg19: memref<!tpu.dma_semaphore, #tpu.memory_space<semaphore_mem>>, %arg20: memref<!tpu.dma_semaphore, #tpu.memory_space<semaphore_mem>>, %arg21: memref<!tpu.dma_semaphore, #tpu.memory_space<semaphore_mem>>, %arg22: memref<!tpu.dma_semaphore, #tpu.memory_space<semaphore_mem>>, %arg23: memref<!tpu.dma_semaphore, #tpu.memory_space<semaphore_mem>>, %arg24: memref<!tpu.dma_semaphore, #tpu.memory_space<semaphore_mem>>, %arg25: memref<!tpu.dma_semaphore, #tpu.memory_space<semaphore_mem>>) attributes {dimension_semantics = [#tpu.dimension_semantics<core_parallel>, #tpu.dimension_semantics<subcore_parallel>], iteration_bounds = array<i64: 2, 16>, scalar_prefetch = 0 : i64, scratch_operands = 18 : i64, tpu.core_type = #tpu.core_type<sc_vector_subcore>, window_params = [{transform_indices = #map}, {transform_indices = #map}, {transform_indices = #map}, {transform_indices = #map}, {transform_indices = #map}, {transform_indices = #map1}]} {
    %mul3A = arith.constant 640 : i32
    %mul3A_0 = arith.muli %arg1, %mul3A : i32
    "tpu.region"() ({
      %run_scoped3A = tpu.sem_alloc : memref<!tpu.dma_semaphore, #tpu.memory_space<semaphore_mem>>
      %dma_start3A = arith.constant 0 : i32
      %dma_start3A_17 = tpu.memref_slice %arg15[%mul3A_0, %dma_start3A] : memref<10240x64xf32, #tpu.memory_space<vmem_shared>> -> memref<640x64xf32, #tpu.memory_space<vmem_shared>>
      tpu.enqueue_dma source(%arg6 : memref<640x64xf32, #tpu.memory_space<hbm>>) target(%dma_start3A_17 : memref<640x64xf32, #tpu.memory_space<vmem_shared>>) target_semaphore(%run_scoped3A : memref<!tpu.dma_semaphore, #tpu.memory_space<semaphore_mem>>)
      %dma_wait3A = arith.constant 0 : i32
      %dma_wait3A_18 = tpu.memref_slice %arg15[%mul3A_0, %dma_wait3A] : memref<10240x64xf32, #tpu.memory_space<vmem_shared>> -> memref<640x64xf32, #tpu.memory_space<vmem_shared>>
      tpu.wait_dma2 semaphore(%run_scoped3A : memref<!tpu.dma_semaphore, #tpu.memory_space<semaphore_mem>>) src(%arg6 : memref<640x64xf32, #tpu.memory_space<hbm>>) dst(%dma_wait3A_18 : memref<640x64xf32, #tpu.memory_space<vmem_shared>>)
      tpu.yield
    }) : () -> ()
    %mul3A_1 = arith.constant 160 : i32
    %mul3A_2 = arith.muli %arg1, %mul3A_1 : i32
    "tpu.region"() ({
      %run_scoped3A = tpu.sem_alloc : memref<!tpu.dma_semaphore, #tpu.memory_space<semaphore_mem>>
      %dma_start3A = arith.constant 0 : i32
      %dma_start3A_17 = tpu.memref_slice %arg2[%mul3A_2, %dma_start3A] : memref<2560x128xi32, #tpu.memory_space<hbm>> -> memref<160x128xi32, #tpu.memory_space<hbm>>
      %dma_start3A_18 = arith.constant 0 : i32
      %dma_start3A_19 = tpu.memref_slice %arg2[%mul3A_2, %dma_start3A_18] : memref<2560x128xi32, #tpu.memory_space<hbm>> -> memref<160x128xi32, #tpu.memory_space<hbm>>
      tpu.enqueue_dma source(%dma_start3A_19 : memref<160x128xi32, #tpu.memory_space<hbm>>) target(%arg8 : memref<160x128xi32, #tpu.memory_space<vmem>>) target_semaphore(%run_scoped3A : memref<!tpu.dma_semaphore, #tpu.memory_space<semaphore_mem>>)
      %dma_wait3A = arith.constant 0 : i32
      %dma_wait3A_20 = tpu.memref_slice %arg2[%mul3A_2, %dma_wait3A] : memref<2560x128xi32, #tpu.memory_space<hbm>> -> memref<160x128xi32, #tpu.memory_space<hbm>>
      %dma_wait3A_21 = arith.constant 0 : i32
      %dma_wait3A_22 = tpu.memref_slice %arg2[%mul3A_2, %dma_wait3A_21] : memref<2560x128xi32, #tpu.memory_space<hbm>> -> memref<160x128xi32, #tpu.memory_space<hbm>>
      tpu.wait_dma2 semaphore(%run_scoped3A : memref<!tpu.dma_semaphore, #tpu.memory_space<semaphore_mem>>) src(%dma_wait3A_22 : memref<160x128xi32, #tpu.memory_space<hbm>>) dst(%arg8 : memref<160x128xi32, #tpu.memory_space<vmem>>)
      tpu.yield
    }) : () -> ()
    %mul3A_3 = arith.constant 160 : i32
    %mul3A_4 = arith.muli %arg1, %mul3A_3 : i32
    "tpu.region"() ({
      %run_scoped3A = tpu.sem_alloc : memref<!tpu.dma_semaphore, #tpu.memory_space<semaphore_mem>>
      %dma_start3A = arith.constant 0 : i32
      %dma_start3A_17 = tpu.memref_slice %arg3[%mul3A_4, %dma_start3A] : memref<2560x128xi32, #tpu.memory_space<hbm>> -> memref<160x128xi32, #tpu.memory_space<hbm>>
      %dma_start3A_18 = arith.constant 0 : i32
      %dma_start3A_19 = tpu.memref_slice %arg3[%mul3A_4, %dma_start3A_18] : memref<2560x128xi32, #tpu.memory_space<hbm>> -> memref<160x128xi32, #tpu.memory_space<hbm>>
      tpu.enqueue_dma source(%dma_start3A_19 : memref<160x128xi32, #tpu.memory_space<hbm>>) target(%arg9 : memref<160x128xi32, #tpu.memory_space<vmem>>) target_semaphore(%run_scoped3A : memref<!tpu.dma_semaphore, #tpu.memory_space<semaphore_mem>>)
      %dma_wait3A = arith.constant 0 : i32
      %dma_wait3A_20 = tpu.memref_slice %arg3[%mul3A_4, %dma_wait3A] : memref<2560x128xi32, #tpu.memory_space<hbm>> -> memref<160x128xi32, #tpu.memory_space<hbm>>
      %dma_wait3A_21 = arith.constant 0 : i32
      %dma_wait3A_22 = tpu.memref_slice %arg3[%mul3A_4, %dma_wait3A_21] : memref<2560x128xi32, #tpu.memory_space<hbm>> -> memref<160x128xi32, #tpu.memory_space<hbm>>
      tpu.wait_dma2 semaphore(%run_scoped3A : memref<!tpu.dma_semaphore, #tpu.memory_space<semaphore_mem>>) src(%dma_wait3A_22 : memref<160x128xi32, #tpu.memory_space<hbm>>) dst(%arg9 : memref<160x128xi32, #tpu.memory_space<vmem>>)
      tpu.yield
    }) : () -> ()
    %barrier3A = arith.constant 0 : index
    tpu.barrier barrier_id(%barrier3A)
    %eq3A = arith.constant 0 : i32
    %eq3A_5 = arith.cmpi eq, %arg0, %eq3A : i32
    %convert_element_type3A = arith.extui %eq3A_5 : i1 to i32
    %cond3A = arith.constant 0 : i32
    %cond3A_6 = arith.cmpi ne, %convert_element_type3A, %cond3A : i32
    scf.if %cond3A_6 {
      %dma_start3A = arith.constant 0 : i32
      %dma_start3A_17 = arith.constant 0 : i32
      %dma_start3A_18 = tpu.memref_slice %arg8[%dma_start3A, %dma_start3A_17] : memref<160x128xi32, #tpu.memory_space<vmem>> -> memref<1x128xi32, #tpu.memory_space<vmem>>
      %dma_start3A_19 = tpu.memref_squeeze %dma_start3A_18 : memref<1x128xi32, #tpu.memory_space<vmem>> -> memref<128xi32, #tpu.memory_space<vmem>>
      %dma_start3A_20 = arith.constant 0 : i32
      %dma_start3A_21 = arith.constant 0 : i32
      %dma_start3A_22 = tpu.memref_slice %arg4[%dma_start3A_20, %dma_start3A_21] : memref<10240x64xf32, #tpu.memory_space<hbm>> -> memref<10240x64xf32, #tpu.memory_space<hbm>>
      tpu.enqueue_indirect_dma source(%dma_start3A_22 : memref<10240x64xf32, #tpu.memory_space<hbm>>) target(%arg10 : memref<128x64xf32, #tpu.memory_space<vmem>>) offsets(%dma_start3A_19 : memref<128xi32, #tpu.memory_space<vmem>>) semaphore(%arg16 : memref<!tpu.dma_semaphore, #tpu.memory_space<semaphore_mem>>)
      %dma_start3A_23 = arith.constant 1 : i32
      %dma_start3A_24 = arith.constant 0 : i32
      %dma_start3A_25 = tpu.memref_slice %arg8[%dma_start3A_23, %dma_start3A_24] : memref<160x128xi32, #tpu.memory_space<vmem>> -> memref<1x128xi32, #tpu.memory_space<vmem>>
      %dma_start3A_26 = tpu.memref_squeeze %dma_start3A_25 : memref<1x128xi32, #tpu.memory_space<vmem>> -> memref<128xi32, #tpu.memory_space<vmem>>
      %dma_start3A_27 = arith.constant 0 : i32
      %dma_start3A_28 = arith.constant 0 : i32
      %dma_start3A_29 = tpu.memref_slice %arg4[%dma_start3A_27, %dma_start3A_28] : memref<10240x64xf32, #tpu.memory_space<hbm>> -> memref<10240x64xf32, #tpu.memory_space<hbm>>
      tpu.enqueue_indirect_dma source(%dma_start3A_29 : memref<10240x64xf32, #tpu.memory_space<hbm>>) target(%arg11 : memref<128x64xf32, #tpu.memory_space<vmem>>) offsets(%dma_start3A_26 : memref<128xi32, #tpu.memory_space<vmem>>) semaphore(%arg17 : memref<!tpu.dma_semaphore, #tpu.memory_space<semaphore_mem>>)
      %dma_start3A_30 = arith.constant 2 : i32
      %dma_start3A_31 = arith.constant 0 : i32
      %dma_start3A_32 = tpu.memref_slice %arg8[%dma_start3A_30, %dma_start3A_31] : memref<160x128xi32, #tpu.memory_space<vmem>> -> memref<1x128xi32, #tpu.memory_space<vmem>>
      %dma_start3A_33 = tpu.memref_squeeze %dma_start3A_32 : memref<1x128xi32, #tpu.memory_space<vmem>> -> memref<128xi32, #tpu.memory_space<vmem>>
      %dma_start3A_34 = arith.constant 0 : i32
      %dma_start3A_35 = arith.constant 0 : i32
      %dma_start3A_36 = tpu.memref_slice %arg4[%dma_start3A_34, %dma_start3A_35] : memref<10240x64xf32, #tpu.memory_space<hbm>> -> memref<10240x64xf32, #tpu.memory_space<hbm>>
      tpu.enqueue_indirect_dma source(%dma_start3A_36 : memref<10240x64xf32, #tpu.memory_space<hbm>>) target(%arg12 : memref<128x64xf32, #tpu.memory_space<vmem>>) offsets(%dma_start3A_33 : memref<128xi32, #tpu.memory_space<vmem>>) semaphore(%arg18 : memref<!tpu.dma_semaphore, #tpu.memory_space<semaphore_mem>>)
      %dma_start3A_37 = arith.constant 3 : i32
      %dma_start3A_38 = arith.constant 0 : i32
      %dma_start3A_39 = tpu.memref_slice %arg8[%dma_start3A_37, %dma_start3A_38] : memref<160x128xi32, #tpu.memory_space<vmem>> -> memref<1x128xi32, #tpu.memory_space<vmem>>
      %dma_start3A_40 = tpu.memref_squeeze %dma_start3A_39 : memref<1x128xi32, #tpu.memory_space<vmem>> -> memref<128xi32, #tpu.memory_space<vmem>>
      %dma_start3A_41 = arith.constant 0 : i32
      %dma_start3A_42 = arith.constant 0 : i32
      %dma_start3A_43 = tpu.memref_slice %arg4[%dma_start3A_41, %dma_start3A_42] : memref<10240x64xf32, #tpu.memory_space<hbm>> -> memref<10240x64xf32, #tpu.memory_space<hbm>>
      tpu.enqueue_indirect_dma source(%dma_start3A_43 : memref<10240x64xf32, #tpu.memory_space<hbm>>) target(%arg13 : memref<128x64xf32, #tpu.memory_space<vmem>>) offsets(%dma_start3A_40 : memref<128xi32, #tpu.memory_space<vmem>>) semaphore(%arg19 : memref<!tpu.dma_semaphore, #tpu.memory_space<semaphore_mem>>)
      %dma_start3A_44 = arith.constant 4 : i32
      %dma_start3A_45 = arith.constant 0 : i32
      %dma_start3A_46 = tpu.memref_slice %arg8[%dma_start3A_44, %dma_start3A_45] : memref<160x128xi32, #tpu.memory_space<vmem>> -> memref<1x128xi32, #tpu.memory_space<vmem>>
      %dma_start3A_47 = tpu.memref_squeeze %dma_start3A_46 : memref<1x128xi32, #tpu.memory_space<vmem>> -> memref<128xi32, #tpu.memory_space<vmem>>
      %dma_start3A_48 = arith.constant 0 : i32
      %dma_start3A_49 = arith.constant 0 : i32
      %dma_start3A_50 = tpu.memref_slice %arg4[%dma_start3A_48, %dma_start3A_49] : memref<10240x64xf32, #tpu.memory_space<hbm>> -> memref<10240x64xf32, #tpu.memory_space<hbm>>
      tpu.enqueue_indirect_dma source(%dma_start3A_50 : memref<10240x64xf32, #tpu.memory_space<hbm>>) target(%arg14 : memref<128x64xf32, #tpu.memory_space<vmem>>) offsets(%dma_start3A_47 : memref<128xi32, #tpu.memory_space<vmem>>) semaphore(%arg20 : memref<!tpu.dma_semaphore, #tpu.memory_space<semaphore_mem>>)
      %scan3A = arith.constant 0 : i32
      %scan3A_51 = arith.constant 32 : i32
      %scan3A_52 = arith.addi %scan3A, %scan3A_51 : i32
      %scan3A_53 = arith.constant 1 : i32
      scf.for %scan3A_55 = %scan3A to %scan3A_52 step %scan3A_53  : i32 {
        %mul3A_56 = arith.constant 5 : i32
        %mul3A_57 = arith.muli %scan3A_55, %mul3A_56 : i32
        %add3A = arith.constant 0 : i32
        %add3A_58 = arith.addi %add3A, %mul3A_57 : i32
        %add3A_59 = arith.constant 0 : i32
        %add3A_60 = arith.addi %add3A_58, %add3A_59 : i32
        %dma_wait3A = arith.constant 0 : i32
        %dma_wait3A_61 = tpu.memref_slice %arg8[%add3A_60, %dma_wait3A] : memref<160x128xi32, #tpu.memory_space<vmem>> -> memref<1x128xi32, #tpu.memory_space<vmem>>
        %dma_wait3A_62 = tpu.memref_squeeze %dma_wait3A_61 : memref<1x128xi32, #tpu.memory_space<vmem>> -> memref<128xi32, #tpu.memory_space<vmem>>
        %dma_wait3A_63 = arith.constant 0 : i32
        %dma_wait3A_64 = arith.constant 0 : i32
        %dma_wait3A_65 = tpu.memref_slice %arg4[%dma_wait3A_63, %dma_wait3A_64] : memref<10240x64xf32, #tpu.memory_space<hbm>> -> memref<10240x64xf32, #tpu.memory_space<hbm>>
        tpu.wait_indirect_dma semaphore(%arg16 : memref<!tpu.dma_semaphore, #tpu.memory_space<semaphore_mem>>) src(%dma_wait3A_65 : memref<10240x64xf32, #tpu.memory_space<hbm>>) dst(%arg10 : memref<128x64xf32, #tpu.memory_space<vmem>>)
        %add3A_66 = arith.constant 0 : i32
        %add3A_67 = arith.addi %add3A_58, %add3A_66 : i32
        %dma_start3A_68 = arith.constant 0 : i32
        %dma_start3A_69 = tpu.memref_slice %arg9[%add3A_67, %dma_start3A_68] : memref<160x128xi32, #tpu.memory_space<vmem>> -> memref<1x128xi32, #tpu.memory_space<vmem>>
        %dma_start3A_70 = tpu.memref_squeeze %dma_start3A_69 : memref<1x128xi32, #tpu.memory_space<vmem>> -> memref<128xi32, #tpu.memory_space<vmem>>
        %dma_start3A_71 = arith.constant 0 : i32
        %dma_start3A_72 = arith.constant 0 : i32
        %dma_start3A_73 = tpu.memref_slice %arg15[%dma_start3A_71, %dma_start3A_72] : memref<10240x64xf32, #tpu.memory_space<vmem_shared>> -> memref<10240x64xf32, #tpu.memory_space<vmem_shared>>
        tpu.enqueue_indirect_dma source(%arg10 : memref<128x64xf32, #tpu.memory_space<vmem>>) target(%dma_start3A_73 : memref<10240x64xf32, #tpu.memory_space<vmem_shared>>) offsets(%dma_start3A_70 : memref<128xi32, #tpu.memory_space<vmem>>) semaphore(%arg21 : memref<!tpu.dma_semaphore, #tpu.memory_space<semaphore_mem>>) {add = true}
        %add3A_74 = arith.constant 1 : i32
        %add3A_75 = arith.addi %add3A_58, %add3A_74 : i32
        %dma_wait3A_76 = arith.constant 0 : i32
        %dma_wait3A_77 = tpu.memref_slice %arg8[%add3A_75, %dma_wait3A_76] : memref<160x128xi32, #tpu.memory_space<vmem>> -> memref<1x128xi32, #tpu.memory_space<vmem>>
        %dma_wait3A_78 = tpu.memref_squeeze %dma_wait3A_77 : memref<1x128xi32, #tpu.memory_space<vmem>> -> memref<128xi32, #tpu.memory_space<vmem>>
        %dma_wait3A_79 = arith.constant 0 : i32
        %dma_wait3A_80 = arith.constant 0 : i32
        %dma_wait3A_81 = tpu.memref_slice %arg4[%dma_wait3A_79, %dma_wait3A_80] : memref<10240x64xf32, #tpu.memory_space<hbm>> -> memref<10240x64xf32, #tpu.memory_space<hbm>>
        tpu.wait_indirect_dma semaphore(%arg17 : memref<!tpu.dma_semaphore, #tpu.memory_space<semaphore_mem>>) src(%dma_wait3A_81 : memref<10240x64xf32, #tpu.memory_space<hbm>>) dst(%arg11 : memref<128x64xf32, #tpu.memory_space<vmem>>)
        %add3A_82 = arith.constant 1 : i32
        %add3A_83 = arith.addi %add3A_58, %add3A_82 : i32
        %dma_start3A_84 = arith.constant 0 : i32
        %dma_start3A_85 = tpu.memref_slice %arg9[%add3A_83, %dma_start3A_84] : memref<160x128xi32, #tpu.memory_space<vmem>> -> memref<1x128xi32, #tpu.memory_space<vmem>>
        %dma_start3A_86 = tpu.memref_squeeze %dma_start3A_85 : memref<1x128xi32, #tpu.memory_space<vmem>> -> memref<128xi32, #tpu.memory_space<vmem>>
        %dma_start3A_87 = arith.constant 0 : i32
        %dma_start3A_88 = arith.constant 0 : i32
        %dma_start3A_89 = tpu.memref_slice %arg15[%dma_start3A_87, %dma_start3A_88] : memref<10240x64xf32, #tpu.memory_space<vmem_shared>> -> memref<10240x64xf32, #tpu.memory_space<vmem_shared>>
        tpu.enqueue_indirect_dma source(%arg11 : memref<128x64xf32, #tpu.memory_space<vmem>>) target(%dma_start3A_89 : memref<10240x64xf32, #tpu.memory_space<vmem_shared>>) offsets(%dma_start3A_86 : memref<128xi32, #tpu.memory_space<vmem>>) semaphore(%arg22 : memref<!tpu.dma_semaphore, #tpu.memory_space<semaphore_mem>>) {add = true}
        %add3A_90 = arith.constant 2 : i32
        %add3A_91 = arith.addi %add3A_58, %add3A_90 : i32
        %dma_wait3A_92 = arith.constant 0 : i32
        %dma_wait3A_93 = tpu.memref_slice %arg8[%add3A_91, %dma_wait3A_92] : memref<160x128xi32, #tpu.memory_space<vmem>> -> memref<1x128xi32, #tpu.memory_space<vmem>>
        %dma_wait3A_94 = tpu.memref_squeeze %dma_wait3A_93 : memref<1x128xi32, #tpu.memory_space<vmem>> -> memref<128xi32, #tpu.memory_space<vmem>>
        %dma_wait3A_95 = arith.constant 0 : i32
        %dma_wait3A_96 = arith.constant 0 : i32
        %dma_wait3A_97 = tpu.memref_slice %arg4[%dma_wait3A_95, %dma_wait3A_96] : memref<10240x64xf32, #tpu.memory_space<hbm>> -> memref<10240x64xf32, #tpu.memory_space<hbm>>
        tpu.wait_indirect_dma semaphore(%arg18 : memref<!tpu.dma_semaphore, #tpu.memory_space<semaphore_mem>>) src(%dma_wait3A_97 : memref<10240x64xf32, #tpu.memory_space<hbm>>) dst(%arg12 : memref<128x64xf32, #tpu.memory_space<vmem>>)
        %add3A_98 = arith.constant 2 : i32
        %add3A_99 = arith.addi %add3A_58, %add3A_98 : i32
        %dma_start3A_100 = arith.constant 0 : i32
        %dma_start3A_101 = tpu.memref_slice %arg9[%add3A_99, %dma_start3A_100] : memref<160x128xi32, #tpu.memory_space<vmem>> -> memref<1x128xi32, #tpu.memory_space<vmem>>
        %dma_start3A_102 = tpu.memref_squeeze %dma_start3A_101 : memref<1x128xi32, #tpu.memory_space<vmem>> -> memref<128xi32, #tpu.memory_space<vmem>>
        %dma_start3A_103 = arith.constant 0 : i32
        %dma_start3A_104 = arith.constant 0 : i32
        %dma_start3A_105 = tpu.memref_slice %arg15[%dma_start3A_103, %dma_start3A_104] : memref<10240x64xf32, #tpu.memory_space<vmem_shared>> -> memref<10240x64xf32, #tpu.memory_space<vmem_shared>>
        tpu.enqueue_indirect_dma source(%arg12 : memref<128x64xf32, #tpu.memory_space<vmem>>) target(%dma_start3A_105 : memref<10240x64xf32, #tpu.memory_space<vmem_shared>>) offsets(%dma_start3A_102 : memref<128xi32, #tpu.memory_space<vmem>>) semaphore(%arg23 : memref<!tpu.dma_semaphore, #tpu.memory_space<semaphore_mem>>) {add = true}
        %add3A_106 = arith.constant 3 : i32
        %add3A_107 = arith.addi %add3A_58, %add3A_106 : i32
        %dma_wait3A_108 = arith.constant 0 : i32
        %dma_wait3A_109 = tpu.memref_slice %arg8[%add3A_107, %dma_wait3A_108] : memref<160x128xi32, #tpu.memory_space<vmem>> -> memref<1x128xi32, #tpu.memory_space<vmem>>
        %dma_wait3A_110 = tpu.memref_squeeze %dma_wait3A_109 : memref<1x128xi32, #tpu.memory_space<vmem>> -> memref<128xi32, #tpu.memory_space<vmem>>
        %dma_wait3A_111 = arith.constant 0 : i32
        %dma_wait3A_112 = arith.constant 0 : i32
        %dma_wait3A_113 = tpu.memref_slice %arg4[%dma_wait3A_111, %dma_wait3A_112] : memref<10240x64xf32, #tpu.memory_space<hbm>> -> memref<10240x64xf32, #tpu.memory_space<hbm>>
        tpu.wait_indirect_dma semaphore(%arg19 : memref<!tpu.dma_semaphore, #tpu.memory_space<semaphore_mem>>) src(%dma_wait3A_113 : memref<10240x64xf32, #tpu.memory_space<hbm>>) dst(%arg13 : memref<128x64xf32, #tpu.memory_space<vmem>>)
        %add3A_114 = arith.constant 3 : i32
        %add3A_115 = arith.addi %add3A_58, %add3A_114 : i32
        %dma_start3A_116 = arith.constant 0 : i32
        %dma_start3A_117 = tpu.memref_slice %arg9[%add3A_115, %dma_start3A_116] : memref<160x128xi32, #tpu.memory_space<vmem>> -> memref<1x128xi32, #tpu.memory_space<vmem>>
        %dma_start3A_118 = tpu.memref_squeeze %dma_start3A_117 : memref<1x128xi32, #tpu.memory_space<vmem>> -> memref<128xi32, #tpu.memory_space<vmem>>
        %dma_start3A_119 = arith.constant 0 : i32
        %dma_start3A_120 = arith.constant 0 : i32
        %dma_start3A_121 = tpu.memref_slice %arg15[%dma_start3A_119, %dma_start3A_120] : memref<10240x64xf32, #tpu.memory_space<vmem_shared>> -> memref<10240x64xf32, #tpu.memory_space<vmem_shared>>
        tpu.enqueue_indirect_dma source(%arg13 : memref<128x64xf32, #tpu.memory_space<vmem>>) target(%dma_start3A_121 : memref<10240x64xf32, #tpu.memory_space<vmem_shared>>) offsets(%dma_start3A_118 : memref<128xi32, #tpu.memory_space<vmem>>) semaphore(%arg24 : memref<!tpu.dma_semaphore, #tpu.memory_space<semaphore_mem>>) {add = true}
        %add3A_122 = arith.constant 4 : i32
        %add3A_123 = arith.addi %add3A_58, %add3A_122 : i32
        %dma_wait3A_124 = arith.constant 0 : i32
        %dma_wait3A_125 = tpu.memref_slice %arg8[%add3A_123, %dma_wait3A_124] : memref<160x128xi32, #tpu.memory_space<vmem>> -> memref<1x128xi32, #tpu.memory_space<vmem>>
        %dma_wait3A_126 = tpu.memref_squeeze %dma_wait3A_125 : memref<1x128xi32, #tpu.memory_space<vmem>> -> memref<128xi32, #tpu.memory_space<vmem>>
        %dma_wait3A_127 = arith.constant 0 : i32
        %dma_wait3A_128 = arith.constant 0 : i32
        %dma_wait3A_129 = tpu.memref_slice %arg4[%dma_wait3A_127, %dma_wait3A_128] : memref<10240x64xf32, #tpu.memory_space<hbm>> -> memref<10240x64xf32, #tpu.memory_space<hbm>>
        tpu.wait_indirect_dma semaphore(%arg20 : memref<!tpu.dma_semaphore, #tpu.memory_space<semaphore_mem>>) src(%dma_wait3A_129 : memref<10240x64xf32, #tpu.memory_space<hbm>>) dst(%arg14 : memref<128x64xf32, #tpu.memory_space<vmem>>)
        %add3A_130 = arith.constant 4 : i32
        %add3A_131 = arith.addi %add3A_58, %add3A_130 : i32
        %dma_start3A_132 = arith.constant 0 : i32
        %dma_start3A_133 = tpu.memref_slice %arg9[%add3A_131, %dma_start3A_132] : memref<160x128xi32, #tpu.memory_space<vmem>> -> memref<1x128xi32, #tpu.memory_space<vmem>>
        %dma_start3A_134 = tpu.memref_squeeze %dma_start3A_133 : memref<1x128xi32, #tpu.memory_space<vmem>> -> memref<128xi32, #tpu.memory_space<vmem>>
        %dma_start3A_135 = arith.constant 0 : i32
        %dma_start3A_136 = arith.constant 0 : i32
        %dma_start3A_137 = tpu.memref_slice %arg15[%dma_start3A_135, %dma_start3A_136] : memref<10240x64xf32, #tpu.memory_space<vmem_shared>> -> memref<10240x64xf32, #tpu.memory_space<vmem_shared>>
        tpu.enqueue_indirect_dma source(%arg14 : memref<128x64xf32, #tpu.memory_space<vmem>>) target(%dma_start3A_137 : memref<10240x64xf32, #tpu.memory_space<vmem_shared>>) offsets(%dma_start3A_134 : memref<128xi32, #tpu.memory_space<vmem>>) semaphore(%arg25 : memref<!tpu.dma_semaphore, #tpu.memory_space<semaphore_mem>>) {add = true}
        %dma_wait3A_138 = arith.constant 0 : i32
        %dma_wait3A_139 = tpu.memref_slice %arg9[%add3A_67, %dma_wait3A_138] : memref<160x128xi32, #tpu.memory_space<vmem>> -> memref<1x128xi32, #tpu.memory_space<vmem>>
        %dma_wait3A_140 = tpu.memref_squeeze %dma_wait3A_139 : memref<1x128xi32, #tpu.memory_space<vmem>> -> memref<128xi32, #tpu.memory_space<vmem>>
        %dma_wait3A_141 = arith.constant 0 : i32
        %dma_wait3A_142 = arith.constant 0 : i32
        %dma_wait3A_143 = tpu.memref_slice %arg15[%dma_wait3A_141, %dma_wait3A_142] : memref<10240x64xf32, #tpu.memory_space<vmem_shared>> -> memref<10240x64xf32, #tpu.memory_space<vmem_shared>>
        tpu.wait_indirect_dma semaphore(%arg21 : memref<!tpu.dma_semaphore, #tpu.memory_space<semaphore_mem>>) src(%arg10 : memref<128x64xf32, #tpu.memory_space<vmem>>) dst(%dma_wait3A_143 : memref<10240x64xf32, #tpu.memory_space<vmem_shared>>)
        %add3A_144 = arith.constant 0 : i32
        %add3A_145 = arith.addi %add3A_58, %add3A_144 : i32
        %add3A_146 = arith.constant 5 : i32
        %add3A_147 = arith.addi %add3A_145, %add3A_146 : i32
        %lt3A = arith.constant 160 : i32
        %lt3A_148 = arith.cmpi slt, %add3A_147, %lt3A : i32
        %convert_element_type3A_149 = arith.extui %lt3A_148 : i1 to i32
        %cond3A_150 = arith.constant 0 : i32
        %cond3A_151 = arith.cmpi ne, %convert_element_type3A_149, %cond3A_150 : i32
        scf.if %cond3A_151 {
          %add3A_212 = arith.constant 0 : i32
          %add3A_213 = arith.addi %add3A_58, %add3A_212 : i32
          %add3A_214 = arith.constant 5 : i32
          %add3A_215 = arith.addi %add3A_213, %add3A_214 : i32
          %dma_start3A_216 = arith.constant 0 : i32
          %dma_start3A_217 = tpu.memref_slice %arg8[%add3A_215, %dma_start3A_216] : memref<160x128xi32, #tpu.memory_space<vmem>> -> memref<1x128xi32, #tpu.memory_space<vmem>>
          %dma_start3A_218 = tpu.memref_squeeze %dma_start3A_217 : memref<1x128xi32, #tpu.memory_space<vmem>> -> memref<128xi32, #tpu.memory_space<vmem>>
          %dma_start3A_219 = arith.constant 0 : i32
          %dma_start3A_220 = arith.constant 0 : i32
          %dma_start3A_221 = tpu.memref_slice %arg4[%dma_start3A_219, %dma_start3A_220] : memref<10240x64xf32, #tpu.memory_space<hbm>> -> memref<10240x64xf32, #tpu.memory_space<hbm>>
          tpu.enqueue_indirect_dma source(%dma_start3A_221 : memref<10240x64xf32, #tpu.memory_space<hbm>>) target(%arg10 : memref<128x64xf32, #tpu.memory_space<vmem>>) offsets(%dma_start3A_218 : memref<128xi32, #tpu.memory_space<vmem>>) semaphore(%arg16 : memref<!tpu.dma_semaphore, #tpu.memory_space<semaphore_mem>>)
        } else {
        }
        %dma_wait3A_152 = arith.constant 0 : i32
        %dma_wait3A_153 = tpu.memref_slice %arg9[%add3A_83, %dma_wait3A_152] : memref<160x128xi32, #tpu.memory_space<vmem>> -> memref<1x128xi32, #tpu.memory_space<vmem>>
        %dma_wait3A_154 = tpu.memref_squeeze %dma_wait3A_153 : memref<1x128xi32, #tpu.memory_space<vmem>> -> memref<128xi32, #tpu.memory_space<vmem>>
        %dma_wait3A_155 = arith.constant 0 : i32
        %dma_wait3A_156 = arith.constant 0 : i32
        %dma_wait3A_157 = tpu.memref_slice %arg15[%dma_wait3A_155, %dma_wait3A_156] : memref<10240x64xf32, #tpu.memory_space<vmem_shared>> -> memref<10240x64xf32, #tpu.memory_space<vmem_shared>>
        tpu.wait_indirect_dma semaphore(%arg22 : memref<!tpu.dma_semaphore, #tpu.memory_space<semaphore_mem>>) src(%arg11 : memref<128x64xf32, #tpu.memory_space<vmem>>) dst(%dma_wait3A_157 : memref<10240x64xf32, #tpu.memory_space<vmem_shared>>)
        %add3A_158 = arith.constant 1 : i32
        %add3A_159 = arith.addi %add3A_58, %add3A_158 : i32
        %add3A_160 = arith.constant 5 : i32
        %add3A_161 = arith.addi %add3A_159, %add3A_160 : i32
        %lt3A_162 = arith.constant 160 : i32
        %lt3A_163 = arith.cmpi slt, %add3A_161, %lt3A_162 : i32
        %convert_element_type3A_164 = arith.extui %lt3A_163 : i1 to i32
        %cond3A_165 = arith.constant 0 : i32
        %cond3A_166 = arith.cmpi ne, %convert_element_type3A_164, %cond3A_165 : i32
        scf.if %cond3A_166 {
          %add3A_212 = arith.constant 1 : i32
          %add3A_213 = arith.addi %add3A_58, %add3A_212 : i32
          %add3A_214 = arith.constant 5 : i32
          %add3A_215 = arith.addi %add3A_213, %add3A_214 : i32
          %dma_start3A_216 = arith.constant 0 : i32
          %dma_start3A_217 = tpu.memref_slice %arg8[%add3A_215, %dma_start3A_216] : memref<160x128xi32, #tpu.memory_space<vmem>> -> memref<1x128xi32, #tpu.memory_space<vmem>>
          %dma_start3A_218 = tpu.memref_squeeze %dma_start3A_217 : memref<1x128xi32, #tpu.memory_space<vmem>> -> memref<128xi32, #tpu.memory_space<vmem>>
          %dma_start3A_219 = arith.constant 0 : i32
          %dma_start3A_220 = arith.constant 0 : i32
          %dma_start3A_221 = tpu.memref_slice %arg4[%dma_start3A_219, %dma_start3A_220] : memref<10240x64xf32, #tpu.memory_space<hbm>> -> memref<10240x64xf32, #tpu.memory_space<hbm>>
          tpu.enqueue_indirect_dma source(%dma_start3A_221 : memref<10240x64xf32, #tpu.memory_space<hbm>>) target(%arg11 : memref<128x64xf32, #tpu.memory_space<vmem>>) offsets(%dma_start3A_218 : memref<128xi32, #tpu.memory_space<vmem>>) semaphore(%arg17 : memref<!tpu.dma_semaphore, #tpu.memory_space<semaphore_mem>>)
        } else {
        }
        %dma_wait3A_167 = arith.constant 0 : i32
        %dma_wait3A_168 = tpu.memref_slice %arg9[%add3A_99, %dma_wait3A_167] : memref<160x128xi32, #tpu.memory_space<vmem>> -> memref<1x128xi32, #tpu.memory_space<vmem>>
        %dma_wait3A_169 = tpu.memref_squeeze %dma_wait3A_168 : memref<1x128xi32, #tpu.memory_space<vmem>> -> memref<128xi32, #tpu.memory_space<vmem>>
        %dma_wait3A_170 = arith.constant 0 : i32
        %dma_wait3A_171 = arith.constant 0 : i32
        %dma_wait3A_172 = tpu.memref_slice %arg15[%dma_wait3A_170, %dma_wait3A_171] : memref<10240x64xf32, #tpu.memory_space<vmem_shared>> -> memref<10240x64xf32, #tpu.memory_space<vmem_shared>>
        tpu.wait_indirect_dma semaphore(%arg23 : memref<!tpu.dma_semaphore, #tpu.memory_space<semaphore_mem>>) src(%arg12 : memref<128x64xf32, #tpu.memory_space<vmem>>) dst(%dma_wait3A_172 : memref<10240x64xf32, #tpu.memory_space<vmem_shared>>)
        %add3A_173 = arith.constant 2 : i32
        %add3A_174 = arith.addi %add3A_58, %add3A_173 : i32
        %add3A_175 = arith.constant 5 : i32
        %add3A_176 = arith.addi %add3A_174, %add3A_175 : i32
        %lt3A_177 = arith.constant 160 : i32
        %lt3A_178 = arith.cmpi slt, %add3A_176, %lt3A_177 : i32
        %convert_element_type3A_179 = arith.extui %lt3A_178 : i1 to i32
        %cond3A_180 = arith.constant 0 : i32
        %cond3A_181 = arith.cmpi ne, %convert_element_type3A_179, %cond3A_180 : i32
        scf.if %cond3A_181 {
          %add3A_212 = arith.constant 2 : i32
          %add3A_213 = arith.addi %add3A_58, %add3A_212 : i32
          %add3A_214 = arith.constant 5 : i32
          %add3A_215 = arith.addi %add3A_213, %add3A_214 : i32
          %dma_start3A_216 = arith.constant 0 : i32
          %dma_start3A_217 = tpu.memref_slice %arg8[%add3A_215, %dma_start3A_216] : memref<160x128xi32, #tpu.memory_space<vmem>> -> memref<1x128xi32, #tpu.memory_space<vmem>>
          %dma_start3A_218 = tpu.memref_squeeze %dma_start3A_217 : memref<1x128xi32, #tpu.memory_space<vmem>> -> memref<128xi32, #tpu.memory_space<vmem>>
          %dma_start3A_219 = arith.constant 0 : i32
          %dma_start3A_220 = arith.constant 0 : i32
          %dma_start3A_221 = tpu.memref_slice %arg4[%dma_start3A_219, %dma_start3A_220] : memref<10240x64xf32, #tpu.memory_space<hbm>> -> memref<10240x64xf32, #tpu.memory_space<hbm>>
          tpu.enqueue_indirect_dma source(%dma_start3A_221 : memref<10240x64xf32, #tpu.memory_space<hbm>>) target(%arg12 : memref<128x64xf32, #tpu.memory_space<vmem>>) offsets(%dma_start3A_218 : memref<128xi32, #tpu.memory_space<vmem>>) semaphore(%arg18 : memref<!tpu.dma_semaphore, #tpu.memory_space<semaphore_mem>>)
        } else {
        }
        %dma_wait3A_182 = arith.constant 0 : i32
        %dma_wait3A_183 = tpu.memref_slice %arg9[%add3A_115, %dma_wait3A_182] : memref<160x128xi32, #tpu.memory_space<vmem>> -> memref<1x128xi32, #tpu.memory_space<vmem>>
        %dma_wait3A_184 = tpu.memref_squeeze %dma_wait3A_183 : memref<1x128xi32, #tpu.memory_space<vmem>> -> memref<128xi32, #tpu.memory_space<vmem>>
        %dma_wait3A_185 = arith.constant 0 : i32
        %dma_wait3A_186 = arith.constant 0 : i32
        %dma_wait3A_187 = tpu.memref_slice %arg15[%dma_wait3A_185, %dma_wait3A_186] : memref<10240x64xf32, #tpu.memory_space<vmem_shared>> -> memref<10240x64xf32, #tpu.memory_space<vmem_shared>>
        tpu.wait_indirect_dma semaphore(%arg24 : memref<!tpu.dma_semaphore, #tpu.memory_space<semaphore_mem>>) src(%arg13 : memref<128x64xf32, #tpu.memory_space<vmem>>) dst(%dma_wait3A_187 : memref<10240x64xf32, #tpu.memory_space<vmem_shared>>)
        %add3A_188 = arith.constant 3 : i32
        %add3A_189 = arith.addi %add3A_58, %add3A_188 : i32
        %add3A_190 = arith.constant 5 : i32
        %add3A_191 = arith.addi %add3A_189, %add3A_190 : i32
        %lt3A_192 = arith.constant 160 : i32
        %lt3A_193 = arith.cmpi slt, %add3A_191, %lt3A_192 : i32
        %convert_element_type3A_194 = arith.extui %lt3A_193 : i1 to i32
        %cond3A_195 = arith.constant 0 : i32
        %cond3A_196 = arith.cmpi ne, %convert_element_type3A_194, %cond3A_195 : i32
        scf.if %cond3A_196 {
          %add3A_212 = arith.constant 3 : i32
          %add3A_213 = arith.addi %add3A_58, %add3A_212 : i32
          %add3A_214 = arith.constant 5 : i32
          %add3A_215 = arith.addi %add3A_213, %add3A_214 : i32
          %dma_start3A_216 = arith.constant 0 : i32
          %dma_start3A_217 = tpu.memref_slice %arg8[%add3A_215, %dma_start3A_216] : memref<160x128xi32, #tpu.memory_space<vmem>> -> memref<1x128xi32, #tpu.memory_space<vmem>>
          %dma_start3A_218 = tpu.memref_squeeze %dma_start3A_217 : memref<1x128xi32, #tpu.memory_space<vmem>> -> memref<128xi32, #tpu.memory_space<vmem>>
          %dma_start3A_219 = arith.constant 0 : i32
          %dma_start3A_220 = arith.constant 0 : i32
          %dma_start3A_221 = tpu.memref_slice %arg4[%dma_start3A_219, %dma_start3A_220] : memref<10240x64xf32, #tpu.memory_space<hbm>> -> memref<10240x64xf32, #tpu.memory_space<hbm>>
          tpu.enqueue_indirect_dma source(%dma_start3A_221 : memref<10240x64xf32, #tpu.memory_space<hbm>>) target(%arg13 : memref<128x64xf32, #tpu.memory_space<vmem>>) offsets(%dma_start3A_218 : memref<128xi32, #tpu.memory_space<vmem>>) semaphore(%arg19 : memref<!tpu.dma_semaphore, #tpu.memory_space<semaphore_mem>>)
        } else {
        }
        %dma_wait3A_197 = arith.constant 0 : i32
        %dma_wait3A_198 = tpu.memref_slice %arg9[%add3A_131, %dma_wait3A_197] : memref<160x128xi32, #tpu.memory_space<vmem>> -> memref<1x128xi32, #tpu.memory_space<vmem>>
        %dma_wait3A_199 = tpu.memref_squeeze %dma_wait3A_198 : memref<1x128xi32, #tpu.memory_space<vmem>> -> memref<128xi32, #tpu.memory_space<vmem>>
        %dma_wait3A_200 = arith.constant 0 : i32
        %dma_wait3A_201 = arith.constant 0 : i32
        %dma_wait3A_202 = tpu.memref_slice %arg15[%dma_wait3A_200, %dma_wait3A_201] : memref<10240x64xf32, #tpu.memory_space<vmem_shared>> -> memref<10240x64xf32, #tpu.memory_space<vmem_shared>>
        tpu.wait_indirect_dma semaphore(%arg25 : memref<!tpu.dma_semaphore, #tpu.memory_space<semaphore_mem>>) src(%arg14 : memref<128x64xf32, #tpu.memory_space<vmem>>) dst(%dma_wait3A_202 : memref<10240x64xf32, #tpu.memory_space<vmem_shared>>)
        %add3A_203 = arith.constant 4 : i32
        %add3A_204 = arith.addi %add3A_58, %add3A_203 : i32
        %add3A_205 = arith.constant 5 : i32
        %add3A_206 = arith.addi %add3A_204, %add3A_205 : i32
        %lt3A_207 = arith.constant 160 : i32
        %lt3A_208 = arith.cmpi slt, %add3A_206, %lt3A_207 : i32
        %convert_element_type3A_209 = arith.extui %lt3A_208 : i1 to i32
        %cond3A_210 = arith.constant 0 : i32
        %cond3A_211 = arith.cmpi ne, %convert_element_type3A_209, %cond3A_210 : i32
        scf.if %cond3A_211 {
          %add3A_212 = arith.constant 4 : i32
          %add3A_213 = arith.addi %add3A_58, %add3A_212 : i32
          %add3A_214 = arith.constant 5 : i32
          %add3A_215 = arith.addi %add3A_213, %add3A_214 : i32
          %dma_start3A_216 = arith.constant 0 : i32
          %dma_start3A_217 = tpu.memref_slice %arg8[%add3A_215, %dma_start3A_216] : memref<160x128xi32, #tpu.memory_space<vmem>> -> memref<1x128xi32, #tpu.memory_space<vmem>>
          %dma_start3A_218 = tpu.memref_squeeze %dma_start3A_217 : memref<1x128xi32, #tpu.memory_space<vmem>> -> memref<128xi32, #tpu.memory_space<vmem>>
          %dma_start3A_219 = arith.constant 0 : i32
          %dma_start3A_220 = arith.constant 0 : i32
          %dma_start3A_221 = tpu.memref_slice %arg4[%dma_start3A_219, %dma_start3A_220] : memref<10240x64xf32, #tpu.memory_space<hbm>> -> memref<10240x64xf32, #tpu.memory_space<hbm>>
          tpu.enqueue_indirect_dma source(%dma_start3A_221 : memref<10240x64xf32, #tpu.memory_space<hbm>>) target(%arg14 : memref<128x64xf32, #tpu.memory_space<vmem>>) offsets(%dma_start3A_218 : memref<128xi32, #tpu.memory_space<vmem>>) semaphore(%arg20 : memref<!tpu.dma_semaphore, #tpu.memory_space<semaphore_mem>>)
        } else {
        }
      }
      %scan3A_54 = arith.constant 32 : i32
    } else {
    }
    %eq3A_7 = arith.constant 1 : i32
    %eq3A_8 = arith.cmpi eq, %arg0, %eq3A_7 : i32
    %convert_element_type3A_9 = arith.extui %eq3A_8 : i1 to i32
    %cond3A_10 = arith.constant 0 : i32
    %cond3A_11 = arith.cmpi ne, %convert_element_type3A_9, %cond3A_10 : i32
    scf.if %cond3A_11 {
      %dma_start3A = arith.constant 0 : i32
      %dma_start3A_17 = arith.constant 0 : i32
      %dma_start3A_18 = tpu.memref_slice %arg8[%dma_start3A, %dma_start3A_17] : memref<160x128xi32, #tpu.memory_space<vmem>> -> memref<1x128xi32, #tpu.memory_space<vmem>>
      %dma_start3A_19 = tpu.memref_squeeze %dma_start3A_18 : memref<1x128xi32, #tpu.memory_space<vmem>> -> memref<128xi32, #tpu.memory_space<vmem>>
      %dma_start3A_20 = arith.constant 0 : i32
      %dma_start3A_21 = arith.constant 0 : i32
      %dma_start3A_22 = tpu.memref_slice %arg5[%dma_start3A_20, %dma_start3A_21] : memref<10240x64xf32, #tpu.memory_space<hbm>> -> memref<10240x64xf32, #tpu.memory_space<hbm>>
      tpu.enqueue_indirect_dma source(%dma_start3A_22 : memref<10240x64xf32, #tpu.memory_space<hbm>>) target(%arg10 : memref<128x64xf32, #tpu.memory_space<vmem>>) offsets(%dma_start3A_19 : memref<128xi32, #tpu.memory_space<vmem>>) semaphore(%arg16 : memref<!tpu.dma_semaphore, #tpu.memory_space<semaphore_mem>>)
      %dma_start3A_23 = arith.constant 1 : i32
      %dma_start3A_24 = arith.constant 0 : i32
      %dma_start3A_25 = tpu.memref_slice %arg8[%dma_start3A_23, %dma_start3A_24] : memref<160x128xi32, #tpu.memory_space<vmem>> -> memref<1x128xi32, #tpu.memory_space<vmem>>
      %dma_start3A_26 = tpu.memref_squeeze %dma_start3A_25 : memref<1x128xi32, #tpu.memory_space<vmem>> -> memref<128xi32, #tpu.memory_space<vmem>>
      %dma_start3A_27 = arith.constant 0 : i32
      %dma_start3A_28 = arith.constant 0 : i32
      %dma_start3A_29 = tpu.memref_slice %arg5[%dma_start3A_27, %dma_start3A_28] : memref<10240x64xf32, #tpu.memory_space<hbm>> -> memref<10240x64xf32, #tpu.memory_space<hbm>>
      tpu.enqueue_indirect_dma source(%dma_start3A_29 : memref<10240x64xf32, #tpu.memory_space<hbm>>) target(%arg11 : memref<128x64xf32, #tpu.memory_space<vmem>>) offsets(%dma_start3A_26 : memref<128xi32, #tpu.memory_space<vmem>>) semaphore(%arg17 : memref<!tpu.dma_semaphore, #tpu.memory_space<semaphore_mem>>)
      %dma_start3A_30 = arith.constant 2 : i32
      %dma_start3A_31 = arith.constant 0 : i32
      %dma_start3A_32 = tpu.memref_slice %arg8[%dma_start3A_30, %dma_start3A_31] : memref<160x128xi32, #tpu.memory_space<vmem>> -> memref<1x128xi32, #tpu.memory_space<vmem>>
      %dma_start3A_33 = tpu.memref_squeeze %dma_start3A_32 : memref<1x128xi32, #tpu.memory_space<vmem>> -> memref<128xi32, #tpu.memory_space<vmem>>
      %dma_start3A_34 = arith.constant 0 : i32
      %dma_start3A_35 = arith.constant 0 : i32
      %dma_start3A_36 = tpu.memref_slice %arg5[%dma_start3A_34, %dma_start3A_35] : memref<10240x64xf32, #tpu.memory_space<hbm>> -> memref<10240x64xf32, #tpu.memory_space<hbm>>
      tpu.enqueue_indirect_dma source(%dma_start3A_36 : memref<10240x64xf32, #tpu.memory_space<hbm>>) target(%arg12 : memref<128x64xf32, #tpu.memory_space<vmem>>) offsets(%dma_start3A_33 : memref<128xi32, #tpu.memory_space<vmem>>) semaphore(%arg18 : memref<!tpu.dma_semaphore, #tpu.memory_space<semaphore_mem>>)
      %dma_start3A_37 = arith.constant 3 : i32
      %dma_start3A_38 = arith.constant 0 : i32
      %dma_start3A_39 = tpu.memref_slice %arg8[%dma_start3A_37, %dma_start3A_38] : memref<160x128xi32, #tpu.memory_space<vmem>> -> memref<1x128xi32, #tpu.memory_space<vmem>>
      %dma_start3A_40 = tpu.memref_squeeze %dma_start3A_39 : memref<1x128xi32, #tpu.memory_space<vmem>> -> memref<128xi32, #tpu.memory_space<vmem>>
      %dma_start3A_41 = arith.constant 0 : i32
      %dma_start3A_42 = arith.constant 0 : i32
      %dma_start3A_43 = tpu.memref_slice %arg5[%dma_start3A_41, %dma_start3A_42] : memref<10240x64xf32, #tpu.memory_space<hbm>> -> memref<10240x64xf32, #tpu.memory_space<hbm>>
      tpu.enqueue_indirect_dma source(%dma_start3A_43 : memref<10240x64xf32, #tpu.memory_space<hbm>>) target(%arg13 : memref<128x64xf32, #tpu.memory_space<vmem>>) offsets(%dma_start3A_40 : memref<128xi32, #tpu.memory_space<vmem>>) semaphore(%arg19 : memref<!tpu.dma_semaphore, #tpu.memory_space<semaphore_mem>>)
      %dma_start3A_44 = arith.constant 4 : i32
      %dma_start3A_45 = arith.constant 0 : i32
      %dma_start3A_46 = tpu.memref_slice %arg8[%dma_start3A_44, %dma_start3A_45] : memref<160x128xi32, #tpu.memory_space<vmem>> -> memref<1x128xi32, #tpu.memory_space<vmem>>
      %dma_start3A_47 = tpu.memref_squeeze %dma_start3A_46 : memref<1x128xi32, #tpu.memory_space<vmem>> -> memref<128xi32, #tpu.memory_space<vmem>>
      %dma_start3A_48 = arith.constant 0 : i32
      %dma_start3A_49 = arith.constant 0 : i32
      %dma_start3A_50 = tpu.memref_slice %arg5[%dma_start3A_48, %dma_start3A_49] : memref<10240x64xf32, #tpu.memory_space<hbm>> -> memref<10240x64xf32, #tpu.memory_space<hbm>>
      tpu.enqueue_indirect_dma source(%dma_start3A_50 : memref<10240x64xf32, #tpu.memory_space<hbm>>) target(%arg14 : memref<128x64xf32, #tpu.memory_space<vmem>>) offsets(%dma_start3A_47 : memref<128xi32, #tpu.memory_space<vmem>>) semaphore(%arg20 : memref<!tpu.dma_semaphore, #tpu.memory_space<semaphore_mem>>)
      %scan3A = arith.constant 0 : i32
      %scan3A_51 = arith.constant 32 : i32
      %scan3A_52 = arith.addi %scan3A, %scan3A_51 : i32
      %scan3A_53 = arith.constant 1 : i32
      scf.for %scan3A_55 = %scan3A to %scan3A_52 step %scan3A_53  : i32 {
        %mul3A_56 = arith.constant 5 : i32
        %mul3A_57 = arith.muli %scan3A_55, %mul3A_56 : i32
        %add3A = arith.constant 0 : i32
        %add3A_58 = arith.addi %add3A, %mul3A_57 : i32
        %add3A_59 = arith.constant 0 : i32
        %add3A_60 = arith.addi %add3A_58, %add3A_59 : i32
        %dma_wait3A = arith.constant 0 : i32
        %dma_wait3A_61 = tpu.memref_slice %arg8[%add3A_60, %dma_wait3A] : memref<160x128xi32, #tpu.memory_space<vmem>> -> memref<1x128xi32, #tpu.memory_space<vmem>>
        %dma_wait3A_62 = tpu.memref_squeeze %dma_wait3A_61 : memref<1x128xi32, #tpu.memory_space<vmem>> -> memref<128xi32, #tpu.memory_space<vmem>>
        %dma_wait3A_63 = arith.constant 0 : i32
        %dma_wait3A_64 = arith.constant 0 : i32
        %dma_wait3A_65 = tpu.memref_slice %arg5[%dma_wait3A_63, %dma_wait3A_64] : memref<10240x64xf32, #tpu.memory_space<hbm>> -> memref<10240x64xf32, #tpu.memory_space<hbm>>
        tpu.wait_indirect_dma semaphore(%arg16 : memref<!tpu.dma_semaphore, #tpu.memory_space<semaphore_mem>>) src(%dma_wait3A_65 : memref<10240x64xf32, #tpu.memory_space<hbm>>) dst(%arg10 : memref<128x64xf32, #tpu.memory_space<vmem>>)
        %add3A_66 = arith.constant 0 : i32
        %add3A_67 = arith.addi %add3A_58, %add3A_66 : i32
        %dma_start3A_68 = arith.constant 0 : i32
        %dma_start3A_69 = tpu.memref_slice %arg9[%add3A_67, %dma_start3A_68] : memref<160x128xi32, #tpu.memory_space<vmem>> -> memref<1x128xi32, #tpu.memory_space<vmem>>
        %dma_start3A_70 = tpu.memref_squeeze %dma_start3A_69 : memref<1x128xi32, #tpu.memory_space<vmem>> -> memref<128xi32, #tpu.memory_space<vmem>>
        %dma_start3A_71 = arith.constant 0 : i32
        %dma_start3A_72 = arith.constant 0 : i32
        %dma_start3A_73 = tpu.memref_slice %arg15[%dma_start3A_71, %dma_start3A_72] : memref<10240x64xf32, #tpu.memory_space<vmem_shared>> -> memref<10240x64xf32, #tpu.memory_space<vmem_shared>>
        tpu.enqueue_indirect_dma source(%arg10 : memref<128x64xf32, #tpu.memory_space<vmem>>) target(%dma_start3A_73 : memref<10240x64xf32, #tpu.memory_space<vmem_shared>>) offsets(%dma_start3A_70 : memref<128xi32, #tpu.memory_space<vmem>>) semaphore(%arg21 : memref<!tpu.dma_semaphore, #tpu.memory_space<semaphore_mem>>) {add = true}
        %add3A_74 = arith.constant 1 : i32
        %add3A_75 = arith.addi %add3A_58, %add3A_74 : i32
        %dma_wait3A_76 = arith.constant 0 : i32
        %dma_wait3A_77 = tpu.memref_slice %arg8[%add3A_75, %dma_wait3A_76] : memref<160x128xi32, #tpu.memory_space<vmem>> -> memref<1x128xi32, #tpu.memory_space<vmem>>
        %dma_wait3A_78 = tpu.memref_squeeze %dma_wait3A_77 : memref<1x128xi32, #tpu.memory_space<vmem>> -> memref<128xi32, #tpu.memory_space<vmem>>
        %dma_wait3A_79 = arith.constant 0 : i32
        %dma_wait3A_80 = arith.constant 0 : i32
        %dma_wait3A_81 = tpu.memref_slice %arg5[%dma_wait3A_79, %dma_wait3A_80] : memref<10240x64xf32, #tpu.memory_space<hbm>> -> memref<10240x64xf32, #tpu.memory_space<hbm>>
        tpu.wait_indirect_dma semaphore(%arg17 : memref<!tpu.dma_semaphore, #tpu.memory_space<semaphore_mem>>) src(%dma_wait3A_81 : memref<10240x64xf32, #tpu.memory_space<hbm>>) dst(%arg11 : memref<128x64xf32, #tpu.memory_space<vmem>>)
        %add3A_82 = arith.constant 1 : i32
        %add3A_83 = arith.addi %add3A_58, %add3A_82 : i32
        %dma_start3A_84 = arith.constant 0 : i32
        %dma_start3A_85 = tpu.memref_slice %arg9[%add3A_83, %dma_start3A_84] : memref<160x128xi32, #tpu.memory_space<vmem>> -> memref<1x128xi32, #tpu.memory_space<vmem>>
        %dma_start3A_86 = tpu.memref_squeeze %dma_start3A_85 : memref<1x128xi32, #tpu.memory_space<vmem>> -> memref<128xi32, #tpu.memory_space<vmem>>
        %dma_start3A_87 = arith.constant 0 : i32
        %dma_start3A_88 = arith.constant 0 : i32
        %dma_start3A_89 = tpu.memref_slice %arg15[%dma_start3A_87, %dma_start3A_88] : memref<10240x64xf32, #tpu.memory_space<vmem_shared>> -> memref<10240x64xf32, #tpu.memory_space<vmem_shared>>
        tpu.enqueue_indirect_dma source(%arg11 : memref<128x64xf32, #tpu.memory_space<vmem>>) target(%dma_start3A_89 : memref<10240x64xf32, #tpu.memory_space<vmem_shared>>) offsets(%dma_start3A_86 : memref<128xi32, #tpu.memory_space<vmem>>) semaphore(%arg22 : memref<!tpu.dma_semaphore, #tpu.memory_space<semaphore_mem>>) {add = true}
        %add3A_90 = arith.constant 2 : i32
        %add3A_91 = arith.addi %add3A_58, %add3A_90 : i32
        %dma_wait3A_92 = arith.constant 0 : i32
        %dma_wait3A_93 = tpu.memref_slice %arg8[%add3A_91, %dma_wait3A_92] : memref<160x128xi32, #tpu.memory_space<vmem>> -> memref<1x128xi32, #tpu.memory_space<vmem>>
        %dma_wait3A_94 = tpu.memref_squeeze %dma_wait3A_93 : memref<1x128xi32, #tpu.memory_space<vmem>> -> memref<128xi32, #tpu.memory_space<vmem>>
        %dma_wait3A_95 = arith.constant 0 : i32
        %dma_wait3A_96 = arith.constant 0 : i32
        %dma_wait3A_97 = tpu.memref_slice %arg5[%dma_wait3A_95, %dma_wait3A_96] : memref<10240x64xf32, #tpu.memory_space<hbm>> -> memref<10240x64xf32, #tpu.memory_space<hbm>>
        tpu.wait_indirect_dma semaphore(%arg18 : memref<!tpu.dma_semaphore, #tpu.memory_space<semaphore_mem>>) src(%dma_wait3A_97 : memref<10240x64xf32, #tpu.memory_space<hbm>>) dst(%arg12 : memref<128x64xf32, #tpu.memory_space<vmem>>)
        %add3A_98 = arith.constant 2 : i32
        %add3A_99 = arith.addi %add3A_58, %add3A_98 : i32
        %dma_start3A_100 = arith.constant 0 : i32
        %dma_start3A_101 = tpu.memref_slice %arg9[%add3A_99, %dma_start3A_100] : memref<160x128xi32, #tpu.memory_space<vmem>> -> memref<1x128xi32, #tpu.memory_space<vmem>>
        %dma_start3A_102 = tpu.memref_squeeze %dma_start3A_101 : memref<1x128xi32, #tpu.memory_space<vmem>> -> memref<128xi32, #tpu.memory_space<vmem>>
        %dma_start3A_103 = arith.constant 0 : i32
        %dma_start3A_104 = arith.constant 0 : i32
        %dma_start3A_105 = tpu.memref_slice %arg15[%dma_start3A_103, %dma_start3A_104] : memref<10240x64xf32, #tpu.memory_space<vmem_shared>> -> memref<10240x64xf32, #tpu.memory_space<vmem_shared>>
        tpu.enqueue_indirect_dma source(%arg12 : memref<128x64xf32, #tpu.memory_space<vmem>>) target(%dma_start3A_105 : memref<10240x64xf32, #tpu.memory_space<vmem_shared>>) offsets(%dma_start3A_102 : memref<128xi32, #tpu.memory_space<vmem>>) semaphore(%arg23 : memref<!tpu.dma_semaphore, #tpu.memory_space<semaphore_mem>>) {add = true}
        %add3A_106 = arith.constant 3 : i32
        %add3A_107 = arith.addi %add3A_58, %add3A_106 : i32
        %dma_wait3A_108 = arith.constant 0 : i32
        %dma_wait3A_109 = tpu.memref_slice %arg8[%add3A_107, %dma_wait3A_108] : memref<160x128xi32, #tpu.memory_space<vmem>> -> memref<1x128xi32, #tpu.memory_space<vmem>>
        %dma_wait3A_110 = tpu.memref_squeeze %dma_wait3A_109 : memref<1x128xi32, #tpu.memory_space<vmem>> -> memref<128xi32, #tpu.memory_space<vmem>>
        %dma_wait3A_111 = arith.constant 0 : i32
        %dma_wait3A_112 = arith.constant 0 : i32
        %dma_wait3A_113 = tpu.memref_slice %arg5[%dma_wait3A_111, %dma_wait3A_112] : memref<10240x64xf32, #tpu.memory_space<hbm>> -> memref<10240x64xf32, #tpu.memory_space<hbm>>
        tpu.wait_indirect_dma semaphore(%arg19 : memref<!tpu.dma_semaphore, #tpu.memory_space<semaphore_mem>>) src(%dma_wait3A_113 : memref<10240x64xf32, #tpu.memory_space<hbm>>) dst(%arg13 : memref<128x64xf32, #tpu.memory_space<vmem>>)
        %add3A_114 = arith.constant 3 : i32
        %add3A_115 = arith.addi %add3A_58, %add3A_114 : i32
        %dma_start3A_116 = arith.constant 0 : i32
        %dma_start3A_117 = tpu.memref_slice %arg9[%add3A_115, %dma_start3A_116] : memref<160x128xi32, #tpu.memory_space<vmem>> -> memref<1x128xi32, #tpu.memory_space<vmem>>
        %dma_start3A_118 = tpu.memref_squeeze %dma_start3A_117 : memref<1x128xi32, #tpu.memory_space<vmem>> -> memref<128xi32, #tpu.memory_space<vmem>>
        %dma_start3A_119 = arith.constant 0 : i32
        %dma_start3A_120 = arith.constant 0 : i32
        %dma_start3A_121 = tpu.memref_slice %arg15[%dma_start3A_119, %dma_start3A_120] : memref<10240x64xf32, #tpu.memory_space<vmem_shared>> -> memref<10240x64xf32, #tpu.memory_space<vmem_shared>>
        tpu.enqueue_indirect_dma source(%arg13 : memref<128x64xf32, #tpu.memory_space<vmem>>) target(%dma_start3A_121 : memref<10240x64xf32, #tpu.memory_space<vmem_shared>>) offsets(%dma_start3A_118 : memref<128xi32, #tpu.memory_space<vmem>>) semaphore(%arg24 : memref<!tpu.dma_semaphore, #tpu.memory_space<semaphore_mem>>) {add = true}
        %add3A_122 = arith.constant 4 : i32
        %add3A_123 = arith.addi %add3A_58, %add3A_122 : i32
        %dma_wait3A_124 = arith.constant 0 : i32
        %dma_wait3A_125 = tpu.memref_slice %arg8[%add3A_123, %dma_wait3A_124] : memref<160x128xi32, #tpu.memory_space<vmem>> -> memref<1x128xi32, #tpu.memory_space<vmem>>
        %dma_wait3A_126 = tpu.memref_squeeze %dma_wait3A_125 : memref<1x128xi32, #tpu.memory_space<vmem>> -> memref<128xi32, #tpu.memory_space<vmem>>
        %dma_wait3A_127 = arith.constant 0 : i32
        %dma_wait3A_128 = arith.constant 0 : i32
        %dma_wait3A_129 = tpu.memref_slice %arg5[%dma_wait3A_127, %dma_wait3A_128] : memref<10240x64xf32, #tpu.memory_space<hbm>> -> memref<10240x64xf32, #tpu.memory_space<hbm>>
        tpu.wait_indirect_dma semaphore(%arg20 : memref<!tpu.dma_semaphore, #tpu.memory_space<semaphore_mem>>) src(%dma_wait3A_129 : memref<10240x64xf32, #tpu.memory_space<hbm>>) dst(%arg14 : memref<128x64xf32, #tpu.memory_space<vmem>>)
        %add3A_130 = arith.constant 4 : i32
        %add3A_131 = arith.addi %add3A_58, %add3A_130 : i32
        %dma_start3A_132 = arith.constant 0 : i32
        %dma_start3A_133 = tpu.memref_slice %arg9[%add3A_131, %dma_start3A_132] : memref<160x128xi32, #tpu.memory_space<vmem>> -> memref<1x128xi32, #tpu.memory_space<vmem>>
        %dma_start3A_134 = tpu.memref_squeeze %dma_start3A_133 : memref<1x128xi32, #tpu.memory_space<vmem>> -> memref<128xi32, #tpu.memory_space<vmem>>
        %dma_start3A_135 = arith.constant 0 : i32
        %dma_start3A_136 = arith.constant 0 : i32
        %dma_start3A_137 = tpu.memref_slice %arg15[%dma_start3A_135, %dma_start3A_136] : memref<10240x64xf32, #tpu.memory_space<vmem_shared>> -> memref<10240x64xf32, #tpu.memory_space<vmem_shared>>
        tpu.enqueue_indirect_dma source(%arg14 : memref<128x64xf32, #tpu.memory_space<vmem>>) target(%dma_start3A_137 : memref<10240x64xf32, #tpu.memory_space<vmem_shared>>) offsets(%dma_start3A_134 : memref<128xi32, #tpu.memory_space<vmem>>) semaphore(%arg25 : memref<!tpu.dma_semaphore, #tpu.memory_space<semaphore_mem>>) {add = true}
        %dma_wait3A_138 = arith.constant 0 : i32
        %dma_wait3A_139 = tpu.memref_slice %arg9[%add3A_67, %dma_wait3A_138] : memref<160x128xi32, #tpu.memory_space<vmem>> -> memref<1x128xi32, #tpu.memory_space<vmem>>
        %dma_wait3A_140 = tpu.memref_squeeze %dma_wait3A_139 : memref<1x128xi32, #tpu.memory_space<vmem>> -> memref<128xi32, #tpu.memory_space<vmem>>
        %dma_wait3A_141 = arith.constant 0 : i32
        %dma_wait3A_142 = arith.constant 0 : i32
        %dma_wait3A_143 = tpu.memref_slice %arg15[%dma_wait3A_141, %dma_wait3A_142] : memref<10240x64xf32, #tpu.memory_space<vmem_shared>> -> memref<10240x64xf32, #tpu.memory_space<vmem_shared>>
        tpu.wait_indirect_dma semaphore(%arg21 : memref<!tpu.dma_semaphore, #tpu.memory_space<semaphore_mem>>) src(%arg10 : memref<128x64xf32, #tpu.memory_space<vmem>>) dst(%dma_wait3A_143 : memref<10240x64xf32, #tpu.memory_space<vmem_shared>>)
        %add3A_144 = arith.constant 0 : i32
        %add3A_145 = arith.addi %add3A_58, %add3A_144 : i32
        %add3A_146 = arith.constant 5 : i32
        %add3A_147 = arith.addi %add3A_145, %add3A_146 : i32
        %lt3A = arith.constant 160 : i32
        %lt3A_148 = arith.cmpi slt, %add3A_147, %lt3A : i32
        %convert_element_type3A_149 = arith.extui %lt3A_148 : i1 to i32
        %cond3A_150 = arith.constant 0 : i32
        %cond3A_151 = arith.cmpi ne, %convert_element_type3A_149, %cond3A_150 : i32
        scf.if %cond3A_151 {
          %add3A_212 = arith.constant 0 : i32
          %add3A_213 = arith.addi %add3A_58, %add3A_212 : i32
          %add3A_214 = arith.constant 5 : i32
          %add3A_215 = arith.addi %add3A_213, %add3A_214 : i32
          %dma_start3A_216 = arith.constant 0 : i32
          %dma_start3A_217 = tpu.memref_slice %arg8[%add3A_215, %dma_start3A_216] : memref<160x128xi32, #tpu.memory_space<vmem>> -> memref<1x128xi32, #tpu.memory_space<vmem>>
          %dma_start3A_218 = tpu.memref_squeeze %dma_start3A_217 : memref<1x128xi32, #tpu.memory_space<vmem>> -> memref<128xi32, #tpu.memory_space<vmem>>
          %dma_start3A_219 = arith.constant 0 : i32
          %dma_start3A_220 = arith.constant 0 : i32
          %dma_start3A_221 = tpu.memref_slice %arg5[%dma_start3A_219, %dma_start3A_220] : memref<10240x64xf32, #tpu.memory_space<hbm>> -> memref<10240x64xf32, #tpu.memory_space<hbm>>
          tpu.enqueue_indirect_dma source(%dma_start3A_221 : memref<10240x64xf32, #tpu.memory_space<hbm>>) target(%arg10 : memref<128x64xf32, #tpu.memory_space<vmem>>) offsets(%dma_start3A_218 : memref<128xi32, #tpu.memory_space<vmem>>) semaphore(%arg16 : memref<!tpu.dma_semaphore, #tpu.memory_space<semaphore_mem>>)
        } else {
        }
        %dma_wait3A_152 = arith.constant 0 : i32
        %dma_wait3A_153 = tpu.memref_slice %arg9[%add3A_83, %dma_wait3A_152] : memref<160x128xi32, #tpu.memory_space<vmem>> -> memref<1x128xi32, #tpu.memory_space<vmem>>
        %dma_wait3A_154 = tpu.memref_squeeze %dma_wait3A_153 : memref<1x128xi32, #tpu.memory_space<vmem>> -> memref<128xi32, #tpu.memory_space<vmem>>
        %dma_wait3A_155 = arith.constant 0 : i32
        %dma_wait3A_156 = arith.constant 0 : i32
        %dma_wait3A_157 = tpu.memref_slice %arg15[%dma_wait3A_155, %dma_wait3A_156] : memref<10240x64xf32, #tpu.memory_space<vmem_shared>> -> memref<10240x64xf32, #tpu.memory_space<vmem_shared>>
        tpu.wait_indirect_dma semaphore(%arg22 : memref<!tpu.dma_semaphore, #tpu.memory_space<semaphore_mem>>) src(%arg11 : memref<128x64xf32, #tpu.memory_space<vmem>>) dst(%dma_wait3A_157 : memref<10240x64xf32, #tpu.memory_space<vmem_shared>>)
        %add3A_158 = arith.constant 1 : i32
        %add3A_159 = arith.addi %add3A_58, %add3A_158 : i32
        %add3A_160 = arith.constant 5 : i32
        %add3A_161 = arith.addi %add3A_159, %add3A_160 : i32
        %lt3A_162 = arith.constant 160 : i32
        %lt3A_163 = arith.cmpi slt, %add3A_161, %lt3A_162 : i32
        %convert_element_type3A_164 = arith.extui %lt3A_163 : i1 to i32
        %cond3A_165 = arith.constant 0 : i32
        %cond3A_166 = arith.cmpi ne, %convert_element_type3A_164, %cond3A_165 : i32
        scf.if %cond3A_166 {
          %add3A_212 = arith.constant 1 : i32
          %add3A_213 = arith.addi %add3A_58, %add3A_212 : i32
          %add3A_214 = arith.constant 5 : i32
          %add3A_215 = arith.addi %add3A_213, %add3A_214 : i32
          %dma_start3A_216 = arith.constant 0 : i32
          %dma_start3A_217 = tpu.memref_slice %arg8[%add3A_215, %dma_start3A_216] : memref<160x128xi32, #tpu.memory_space<vmem>> -> memref<1x128xi32, #tpu.memory_space<vmem>>
          %dma_start3A_218 = tpu.memref_squeeze %dma_start3A_217 : memref<1x128xi32, #tpu.memory_space<vmem>> -> memref<128xi32, #tpu.memory_space<vmem>>
          %dma_start3A_219 = arith.constant 0 : i32
          %dma_start3A_220 = arith.constant 0 : i32
          %dma_start3A_221 = tpu.memref_slice %arg5[%dma_start3A_219, %dma_start3A_220] : memref<10240x64xf32, #tpu.memory_space<hbm>> -> memref<10240x64xf32, #tpu.memory_space<hbm>>
          tpu.enqueue_indirect_dma source(%dma_start3A_221 : memref<10240x64xf32, #tpu.memory_space<hbm>>) target(%arg11 : memref<128x64xf32, #tpu.memory_space<vmem>>) offsets(%dma_start3A_218 : memref<128xi32, #tpu.memory_space<vmem>>) semaphore(%arg17 : memref<!tpu.dma_semaphore, #tpu.memory_space<semaphore_mem>>)
        } else {
        }
        %dma_wait3A_167 = arith.constant 0 : i32
        %dma_wait3A_168 = tpu.memref_slice %arg9[%add3A_99, %dma_wait3A_167] : memref<160x128xi32, #tpu.memory_space<vmem>> -> memref<1x128xi32, #tpu.memory_space<vmem>>
        %dma_wait3A_169 = tpu.memref_squeeze %dma_wait3A_168 : memref<1x128xi32, #tpu.memory_space<vmem>> -> memref<128xi32, #tpu.memory_space<vmem>>
        %dma_wait3A_170 = arith.constant 0 : i32
        %dma_wait3A_171 = arith.constant 0 : i32
        %dma_wait3A_172 = tpu.memref_slice %arg15[%dma_wait3A_170, %dma_wait3A_171] : memref<10240x64xf32, #tpu.memory_space<vmem_shared>> -> memref<10240x64xf32, #tpu.memory_space<vmem_shared>>
        tpu.wait_indirect_dma semaphore(%arg23 : memref<!tpu.dma_semaphore, #tpu.memory_space<semaphore_mem>>) src(%arg12 : memref<128x64xf32, #tpu.memory_space<vmem>>) dst(%dma_wait3A_172 : memref<10240x64xf32, #tpu.memory_space<vmem_shared>>)
        %add3A_173 = arith.constant 2 : i32
        %add3A_174 = arith.addi %add3A_58, %add3A_173 : i32
        %add3A_175 = arith.constant 5 : i32
        %add3A_176 = arith.addi %add3A_174, %add3A_175 : i32
        %lt3A_177 = arith.constant 160 : i32
        %lt3A_178 = arith.cmpi slt, %add3A_176, %lt3A_177 : i32
        %convert_element_type3A_179 = arith.extui %lt3A_178 : i1 to i32
        %cond3A_180 = arith.constant 0 : i32
        %cond3A_181 = arith.cmpi ne, %convert_element_type3A_179, %cond3A_180 : i32
        scf.if %cond3A_181 {
          %add3A_212 = arith.constant 2 : i32
          %add3A_213 = arith.addi %add3A_58, %add3A_212 : i32
          %add3A_214 = arith.constant 5 : i32
          %add3A_215 = arith.addi %add3A_213, %add3A_214 : i32
          %dma_start3A_216 = arith.constant 0 : i32
          %dma_start3A_217 = tpu.memref_slice %arg8[%add3A_215, %dma_start3A_216] : memref<160x128xi32, #tpu.memory_space<vmem>> -> memref<1x128xi32, #tpu.memory_space<vmem>>
          %dma_start3A_218 = tpu.memref_squeeze %dma_start3A_217 : memref<1x128xi32, #tpu.memory_space<vmem>> -> memref<128xi32, #tpu.memory_space<vmem>>
          %dma_start3A_219 = arith.constant 0 : i32
          %dma_start3A_220 = arith.constant 0 : i32
          %dma_start3A_221 = tpu.memref_slice %arg5[%dma_start3A_219, %dma_start3A_220] : memref<10240x64xf32, #tpu.memory_space<hbm>> -> memref<10240x64xf32, #tpu.memory_space<hbm>>
          tpu.enqueue_indirect_dma source(%dma_start3A_221 : memref<10240x64xf32, #tpu.memory_space<hbm>>) target(%arg12 : memref<128x64xf32, #tpu.memory_space<vmem>>) offsets(%dma_start3A_218 : memref<128xi32, #tpu.memory_space<vmem>>) semaphore(%arg18 : memref<!tpu.dma_semaphore, #tpu.memory_space<semaphore_mem>>)
        } else {
        }
        %dma_wait3A_182 = arith.constant 0 : i32
        %dma_wait3A_183 = tpu.memref_slice %arg9[%add3A_115, %dma_wait3A_182] : memref<160x128xi32, #tpu.memory_space<vmem>> -> memref<1x128xi32, #tpu.memory_space<vmem>>
        %dma_wait3A_184 = tpu.memref_squeeze %dma_wait3A_183 : memref<1x128xi32, #tpu.memory_space<vmem>> -> memref<128xi32, #tpu.memory_space<vmem>>
        %dma_wait3A_185 = arith.constant 0 : i32
        %dma_wait3A_186 = arith.constant 0 : i32
        %dma_wait3A_187 = tpu.memref_slice %arg15[%dma_wait3A_185, %dma_wait3A_186] : memref<10240x64xf32, #tpu.memory_space<vmem_shared>> -> memref<10240x64xf32, #tpu.memory_space<vmem_shared>>
        tpu.wait_indirect_dma semaphore(%arg24 : memref<!tpu.dma_semaphore, #tpu.memory_space<semaphore_mem>>) src(%arg13 : memref<128x64xf32, #tpu.memory_space<vmem>>) dst(%dma_wait3A_187 : memref<10240x64xf32, #tpu.memory_space<vmem_shared>>)
        %add3A_188 = arith.constant 3 : i32
        %add3A_189 = arith.addi %add3A_58, %add3A_188 : i32
        %add3A_190 = arith.constant 5 : i32
        %add3A_191 = arith.addi %add3A_189, %add3A_190 : i32
        %lt3A_192 = arith.constant 160 : i32
        %lt3A_193 = arith.cmpi slt, %add3A_191, %lt3A_192 : i32
        %convert_element_type3A_194 = arith.extui %lt3A_193 : i1 to i32
        %cond3A_195 = arith.constant 0 : i32
        %cond3A_196 = arith.cmpi ne, %convert_element_type3A_194, %cond3A_195 : i32
        scf.if %cond3A_196 {
          %add3A_212 = arith.constant 3 : i32
          %add3A_213 = arith.addi %add3A_58, %add3A_212 : i32
          %add3A_214 = arith.constant 5 : i32
          %add3A_215 = arith.addi %add3A_213, %add3A_214 : i32
          %dma_start3A_216 = arith.constant 0 : i32
          %dma_start3A_217 = tpu.memref_slice %arg8[%add3A_215, %dma_start3A_216] : memref<160x128xi32, #tpu.memory_space<vmem>> -> memref<1x128xi32, #tpu.memory_space<vmem>>
          %dma_start3A_218 = tpu.memref_squeeze %dma_start3A_217 : memref<1x128xi32, #tpu.memory_space<vmem>> -> memref<128xi32, #tpu.memory_space<vmem>>
          %dma_start3A_219 = arith.constant 0 : i32
          %dma_start3A_220 = arith.constant 0 : i32
          %dma_start3A_221 = tpu.memref_slice %arg5[%dma_start3A_219, %dma_start3A_220] : memref<10240x64xf32, #tpu.memory_space<hbm>> -> memref<10240x64xf32, #tpu.memory_space<hbm>>
          tpu.enqueue_indirect_dma source(%dma_start3A_221 : memref<10240x64xf32, #tpu.memory_space<hbm>>) target(%arg13 : memref<128x64xf32, #tpu.memory_space<vmem>>) offsets(%dma_start3A_218 : memref<128xi32, #tpu.memory_space<vmem>>) semaphore(%arg19 : memref<!tpu.dma_semaphore, #tpu.memory_space<semaphore_mem>>)
        } else {
        }
        %dma_wait3A_197 = arith.constant 0 : i32
        %dma_wait3A_198 = tpu.memref_slice %arg9[%add3A_131, %dma_wait3A_197] : memref<160x128xi32, #tpu.memory_space<vmem>> -> memref<1x128xi32, #tpu.memory_space<vmem>>
        %dma_wait3A_199 = tpu.memref_squeeze %dma_wait3A_198 : memref<1x128xi32, #tpu.memory_space<vmem>> -> memref<128xi32, #tpu.memory_space<vmem>>
        %dma_wait3A_200 = arith.constant 0 : i32
        %dma_wait3A_201 = arith.constant 0 : i32
        %dma_wait3A_202 = tpu.memref_slice %arg15[%dma_wait3A_200, %dma_wait3A_201] : memref<10240x64xf32, #tpu.memory_space<vmem_shared>> -> memref<10240x64xf32, #tpu.memory_space<vmem_shared>>
        tpu.wait_indirect_dma semaphore(%arg25 : memref<!tpu.dma_semaphore, #tpu.memory_space<semaphore_mem>>) src(%arg14 : memref<128x64xf32, #tpu.memory_space<vmem>>) dst(%dma_wait3A_202 : memref<10240x64xf32, #tpu.memory_space<vmem_shared>>)
        %add3A_203 = arith.constant 4 : i32
        %add3A_204 = arith.addi %add3A_58, %add3A_203 : i32
        %add3A_205 = arith.constant 5 : i32
        %add3A_206 = arith.addi %add3A_204, %add3A_205 : i32
        %lt3A_207 = arith.constant 160 : i32
        %lt3A_208 = arith.cmpi slt, %add3A_206, %lt3A_207 : i32
        %convert_element_type3A_209 = arith.extui %lt3A_208 : i1 to i32
        %cond3A_210 = arith.constant 0 : i32
        %cond3A_211 = arith.cmpi ne, %convert_element_type3A_209, %cond3A_210 : i32
        scf.if %cond3A_211 {
          %add3A_212 = arith.constant 4 : i32
          %add3A_213 = arith.addi %add3A_58, %add3A_212 : i32
          %add3A_214 = arith.constant 5 : i32
          %add3A_215 = arith.addi %add3A_213, %add3A_214 : i32
          %dma_start3A_216 = arith.constant 0 : i32
          %dma_start3A_217 = tpu.memref_slice %arg8[%add3A_215, %dma_start3A_216] : memref<160x128xi32, #tpu.memory_space<vmem>> -> memref<1x128xi32, #tpu.memory_space<vmem>>
          %dma_start3A_218 = tpu.memref_squeeze %dma_start3A_217 : memref<1x128xi32, #tpu.memory_space<vmem>> -> memref<128xi32, #tpu.memory_space<vmem>>
          %dma_start3A_219 = arith.constant 0 : i32
          %dma_start3A_220 = arith.constant 0 : i32
          %dma_start3A_221 = tpu.memref_slice %arg5[%dma_start3A_219, %dma_start3A_220] : memref<10240x64xf32, #tpu.memory_space<hbm>> -> memref<10240x64xf32, #tpu.memory_space<hbm>>
          tpu.enqueue_indirect_dma source(%dma_start3A_221 : memref<10240x64xf32, #tpu.memory_space<hbm>>) target(%arg14 : memref<128x64xf32, #tpu.memory_space<vmem>>) offsets(%dma_start3A_218 : memref<128xi32, #tpu.memory_space<vmem>>) semaphore(%arg20 : memref<!tpu.dma_semaphore, #tpu.memory_space<semaphore_mem>>)
        } else {
        }
      }
      %scan3A_54 = arith.constant 32 : i32
    } else {
    }
    %barrier3A_12 = arith.constant 0 : index
    tpu.barrier barrier_id(%barrier3A_12)
    %mul3A_13 = arith.constant 640 : i32
    %mul3A_14 = arith.muli %arg1, %mul3A_13 : i32
    %mul3A_15 = arith.constant 640 : i32
    %mul3A_16 = arith.muli %arg1, %mul3A_15 : i32
    "tpu.region"() ({
      %run_scoped3A = tpu.sem_alloc : memref<!tpu.dma_semaphore, #tpu.memory_space<semaphore_mem>>
      %dma_start3A = arith.constant 0 : i32
      %dma_start3A_17 = tpu.memref_slice %arg7[%arg0, %mul3A_16, %dma_start3A] : memref<2x10240x64xf32, #tpu.memory_space<hbm>> -> memref<1x640x64xf32, #tpu.memory_space<hbm>>
      %dma_start3A_18 = tpu.memref_squeeze %dma_start3A_17 : memref<1x640x64xf32, #tpu.memory_space<hbm>> -> memref<640x64xf32, #tpu.memory_space<hbm>>
      %dma_start3A_19 = arith.constant 0 : i32
      %dma_start3A_20 = tpu.memref_slice %arg15[%mul3A_14, %dma_start3A_19] : memref<10240x64xf32, #tpu.memory_space<vmem_shared>> -> memref<640x64xf32, #tpu.memory_space<vmem_shared>>
      tpu.enqueue_dma source(%dma_start3A_20 : memref<640x64xf32, #tpu.memory_space<vmem_shared>>) target(%dma_start3A_18 : memref<640x64xf32, #tpu.memory_space<hbm>>) target_semaphore(%run_scoped3A : memref<!tpu.dma_semaphore, #tpu.memory_space<semaphore_mem>>)
      %dma_wait3A = arith.constant 0 : i32
      %dma_wait3A_21 = tpu.memref_slice %arg7[%arg0, %mul3A_16, %dma_wait3A] : memref<2x10240x64xf32, #tpu.memory_space<hbm>> -> memref<1x640x64xf32, #tpu.memory_space<hbm>>
      %dma_wait3A_22 = tpu.memref_squeeze %dma_wait3A_21 : memref<1x640x64xf32, #tpu.memory_space<hbm>> -> memref<640x64xf32, #tpu.memory_space<hbm>>
      %dma_wait3A_23 = arith.constant 0 : i32
      %dma_wait3A_24 = tpu.memref_slice %arg15[%mul3A_14, %dma_wait3A_23] : memref<10240x64xf32, #tpu.memory_space<vmem_shared>> -> memref<640x64xf32, #tpu.memory_space<vmem_shared>>
      tpu.wait_dma2 semaphore(%run_scoped3A : memref<!tpu.dma_semaphore, #tpu.memory_space<semaphore_mem>>) src(%dma_wait3A_24 : memref<640x64xf32, #tpu.memory_space<vmem_shared>>) dst(%dma_wait3A_22 : memref<640x64xf32, #tpu.memory_space<hbm>>)
      tpu.yield
    }) : () -> ()
    return
  }
}

module attributes {stable_mosaic.version = 14 : i64} {
  func.func @_tc_prep_body(%arg0: memref<10000x128xf32, #tpu.memory_space<vmem>>, %arg1: memref<128x128xf32, #tpu.memory_space<vmem>>, %arg2: memref<1x128xf32, #tpu.memory_space<vmem>>, %arg3: memref<2x10240x16xf32, #tpu.memory_space<vmem>>, %arg4: memref<10240x64xf32, #tpu.memory_space<vmem>>, %arg5: memref<10240x64xf32, #tpu.memory_space<vmem>>, %arg6: memref<10240x1xf32, #tpu.memory_space<vmem>>) attributes {dimension_semantics = [], scalar_prefetch = 0 : i64, scratch_operands = 0 : i64, tpu.core_type = #tpu.core_type<tc>} {
    %get3A = arith.constant 0 : index
    %get3A_0 = arith.constant 0 : index
    %get3A_1 = vector.load %arg0[%get3A, %get3A_0] : memref<10000x128xf32, #tpu.memory_space<vmem>>, vector<10000x128xf32>
    %get3A_2 = arith.constant 0 : index
    %get3A_3 = arith.constant 0 : index
    %get3A_4 = vector.load %arg1[%get3A_2, %get3A_3] : memref<128x128xf32, #tpu.memory_space<vmem>>, vector<128x128xf32>
    %dot_general3A = arith.constant dense<0.000000e+00> : vector<10000x128xf32>
    %dot_general3A_5 = tpu.matmul %get3A_1, %get3A_4, %dot_general3A {dimension_numbers = #tpu.dot_dimension_numbers<[1], [0], [0], [1], [0, 0, 1, 1], [], []>, transpose_lhs_hint = false} : vector<10000x128xf32>, vector<128x128xf32>, vector<10000x128xf32> -> vector<10000x128xf32>
    %get3A_6 = arith.constant 0 : index
    %get3A_7 = arith.constant 0 : index
    %get3A_8 = vector.load %arg2[%get3A_6, %get3A_7] : memref<1x128xf32, #tpu.memory_space<vmem>>, vector<1x128xf32>
    %add3A = vector.broadcast %get3A_8 : vector<1x128xf32> to vector<10000x128xf32>
    %add3A_9 = arith.addf %dot_general3A_5, %add3A : vector<10000x128xf32>
    %max3A = arith.constant 0.000000e+00 : f32
    %max3A_10 = vector.broadcast %max3A : f32 to vector<10000x128xf32>
    %max3A_11 = arith.maximumf %add3A_9, %max3A_10 : vector<10000x128xf32>
    %get3A_12 = arith.constant 0 : index
    %get3A_13 = arith.constant 0 : index
    %get3A_14 = arith.constant 0 : index
    %get3A_15 = vector.load %arg3[%get3A_12, %get3A_13, %get3A_14] : memref<2x10240x16xf32, #tpu.memory_space<vmem>>, vector<1x10240x1xf32>
    %get3A_16 = vector.shape_cast %get3A_15 : vector<1x10240x1xf32> to vector<10240xf32>
    %get3A_17 = arith.constant 1 : index
    %get3A_18 = arith.constant 0 : index
    %get3A_19 = arith.constant 0 : index
    %get3A_20 = vector.load %arg3[%get3A_17, %get3A_18, %get3A_19] : memref<2x10240x16xf32, #tpu.memory_space<vmem>>, vector<1x10240x1xf32>
    %get3A_21 = vector.shape_cast %get3A_20 : vector<1x10240x1xf32> to vector<10240xf32>
    %add3A_22 = arith.addf %get3A_16, %get3A_21 : vector<10240xf32>
    %add3A_23 = arith.constant 1.000000e+00 : f32
    %add3A_24 = vector.broadcast %add3A_23 : f32 to vector<10240xf32>
    %add3A_25 = arith.addf %add3A_22, %add3A_24 : vector<10240xf32>
    %max3A_26 = arith.constant 1.000000e+00 : f32
    %max3A_27 = vector.broadcast %max3A_26 : f32 to vector<10240xf32>
    %max3A_28 = arith.maximumf %add3A_25, %max3A_27 : vector<10240xf32>
    %rsqrt3A = math.rsqrt %max3A_28 : vector<10240xf32>
    %broadcast_in_dim3A = vector.shape_cast %rsqrt3A : vector<10240xf32> to vector<10240x1xf32>
    %swap3A = arith.constant 0 : index
    %swap3A_29 = arith.constant 0 : index
    %swap3A_30 = vector.load %arg6[%swap3A, %swap3A_29] : memref<10240x1xf32, #tpu.memory_space<vmem>>, vector<10240x1xf32>
    tpu.vector_store %arg6[%swap3A, %swap3A_29], %broadcast_in_dim3A {strides = array<i32>} : memref<10240x1xf32, #tpu.memory_space<vmem>>, vector<10240x1xf32>,
    %slice3A = vector.extract_strided_slice %broadcast_in_dim3A {offsets = [0, 0], sizes = [10000, 1], strides = [1, 1]} : vector<10240x1xf32> to vector<10000x1xf32>
    %mul3A = vector.broadcast %slice3A : vector<10000x1xf32> to vector<10000x128xf32>
    %mul3A_31 = arith.mulf %max3A_11, %mul3A : vector<10000x128xf32>
    %slice3A_32 = vector.extract_strided_slice %mul3A_31 {offsets = [0, 0], sizes = [10000, 64], strides = [1, 1]} : vector<10000x128xf32> to vector<10000x64xf32>
    %swap3A_33 = arith.constant 0 : index
    %swap3A_34 = arith.constant 0 : index
    %swap3A_35 = vector.load %arg4[%swap3A_33, %swap3A_34] : memref<10240x64xf32, #tpu.memory_space<vmem>>, vector<10000x64xf32>
    tpu.vector_store %arg4[%swap3A_33, %swap3A_34], %slice3A_32 {strides = array<i32>} : memref<10240x64xf32, #tpu.memory_space<vmem>>, vector<10000x64xf32>,
    %broadcast_in_dim3A_36 = arith.constant 0.000000e+00 : f32
    %broadcast_in_dim3A_37 = vector.broadcast %broadcast_in_dim3A_36 : f32 to vector<240x64xf32>
    %swap3A_38 = arith.constant 10000 : index
    %swap3A_39 = arith.constant 0 : index
    %swap3A_40 = vector.load %arg4[%swap3A_38, %swap3A_39] : memref<10240x64xf32, #tpu.memory_space<vmem>>, vector<240x64xf32>
    tpu.vector_store %arg4[%swap3A_38, %swap3A_39], %broadcast_in_dim3A_37 {strides = array<i32>} : memref<10240x64xf32, #tpu.memory_space<vmem>>, vector<240x64xf32>,
    %slice3A_41 = vector.extract_strided_slice %mul3A_31 {offsets = [0, 64], sizes = [10000, 64], strides = [1, 1]} : vector<10000x128xf32> to vector<10000x64xf32>
    %swap3A_42 = arith.constant 0 : index
    %swap3A_43 = arith.constant 0 : index
    %swap3A_44 = vector.load %arg5[%swap3A_42, %swap3A_43] : memref<10240x64xf32, #tpu.memory_space<vmem>>, vector<10000x64xf32>
    tpu.vector_store %arg5[%swap3A_42, %swap3A_43], %slice3A_41 {strides = array<i32>} : memref<10240x64xf32, #tpu.memory_space<vmem>>, vector<10000x64xf32>,
    %broadcast_in_dim3A_45 = arith.constant 0.000000e+00 : f32
    %broadcast_in_dim3A_46 = vector.broadcast %broadcast_in_dim3A_45 : f32 to vector<240x64xf32>
    %swap3A_47 = arith.constant 10000 : index
    %swap3A_48 = arith.constant 0 : index
    %swap3A_49 = vector.load %arg5[%swap3A_47, %swap3A_48] : memref<10240x64xf32, #tpu.memory_space<vmem>>, vector<240x64xf32>
    tpu.vector_store %arg5[%swap3A_47, %swap3A_48], %broadcast_in_dim3A_46 {strides = array<i32>} : memref<10240x64xf32, #tpu.memory_space<vmem>>, vector<240x64xf32>,
    return
  }
}

module attributes {stable_mosaic.version = 14 : i64} {
  func.func @_tc_conv_body(%arg0: memref<2x10240x64xf32, #tpu.memory_space<vmem>>, %arg1: memref<10240x64xf32, #tpu.memory_space<vmem>>, %arg2: memref<10240x64xf32, #tpu.memory_space<vmem>>, %arg3: memref<10240x1xf32, #tpu.memory_space<vmem>>, %arg4: memref<128x128xf32, #tpu.memory_space<vmem>>, %arg5: memref<1x128xf32, #tpu.memory_space<vmem>>, %arg6: memref<1x128xf32, #tpu.memory_space<vmem>>, %arg7: memref<1x128xf32, #tpu.memory_space<vmem>>, %arg8: memref<10240x64xf32, #tpu.memory_space<vmem>>, %arg9: memref<10240x64xf32, #tpu.memory_space<vmem>>) attributes {dimension_semantics = [], scalar_prefetch = 0 : i64, scratch_operands = 0 : i64, tpu.core_type = #tpu.core_type<tc>} {
    %get3A = arith.constant 0 : index
    %get3A_0 = arith.constant 0 : index
    %get3A_1 = vector.load %arg3[%get3A, %get3A_0] : memref<10240x1xf32, #tpu.memory_space<vmem>>, vector<10240x1xf32>
    %get3A_2 = arith.constant 0 : index
    %get3A_3 = arith.constant 0 : index
    %get3A_4 = arith.constant 0 : index
    %get3A_5 = vector.load %arg0[%get3A_2, %get3A_3, %get3A_4] : memref<2x10240x64xf32, #tpu.memory_space<vmem>>, vector<1x10240x64xf32>
    %get3A_6 = vector.shape_cast %get3A_5 : vector<1x10240x64xf32> to vector<10240x64xf32>
    %get3A_7 = arith.constant 0 : index
    %get3A_8 = arith.constant 0 : index
    %get3A_9 = vector.load %arg1[%get3A_7, %get3A_8] : memref<10240x64xf32, #tpu.memory_space<vmem>>, vector<10240x64xf32>
    %add3A = arith.addf %get3A_6, %get3A_9 : vector<10240x64xf32>
    %get3A_10 = arith.constant 1 : index
    %get3A_11 = arith.constant 0 : index
    %get3A_12 = arith.constant 0 : index
    %get3A_13 = vector.load %arg0[%get3A_10, %get3A_11, %get3A_12] : memref<2x10240x64xf32, #tpu.memory_space<vmem>>, vector<1x10240x64xf32>
    %get3A_14 = vector.shape_cast %get3A_13 : vector<1x10240x64xf32> to vector<10240x64xf32>
    %get3A_15 = arith.constant 0 : index
    %get3A_16 = arith.constant 0 : index
    %get3A_17 = vector.load %arg2[%get3A_15, %get3A_16] : memref<10240x64xf32, #tpu.memory_space<vmem>>, vector<10240x64xf32>
    %add3A_18 = arith.addf %get3A_14, %get3A_17 : vector<10240x64xf32>
    %concatenate3A = tpu.concatenate %add3A, %add3A_18 in 1 : vector<10240x64xf32>, vector<10240x64xf32> -> vector<10240x128xf32>
    %slice3A = vector.extract_strided_slice %concatenate3A {offsets = [0, 0], sizes = [10000, 128], strides = [1, 1]} : vector<10240x128xf32> to vector<10000x128xf32>
    %slice3A_19 = vector.extract_strided_slice %get3A_1 {offsets = [0, 0], sizes = [10000, 1], strides = [1, 1]} : vector<10240x1xf32> to vector<10000x1xf32>
    %mul3A = vector.broadcast %slice3A_19 : vector<10000x1xf32> to vector<10000x128xf32>
    %mul3A_20 = arith.mulf %slice3A, %mul3A : vector<10000x128xf32>
    %get3A_21 = arith.constant 0 : index
    %get3A_22 = arith.constant 0 : index
    %get3A_23 = vector.load %arg4[%get3A_21, %get3A_22] : memref<128x128xf32, #tpu.memory_space<vmem>>, vector<128x128xf32>
    %dot_general3A = arith.constant dense<0.000000e+00> : vector<10000x128xf32>
    %dot_general3A_24 = tpu.matmul %mul3A_20, %get3A_23, %dot_general3A {dimension_numbers = #tpu.dot_dimension_numbers<[1], [0], [0], [1], [0, 0, 1, 1], [], []>, transpose_lhs_hint = false} : vector<10000x128xf32>, vector<128x128xf32>, vector<10000x128xf32> -> vector<10000x128xf32>
    %get3A_25 = arith.constant 0 : index
    %get3A_26 = arith.constant 0 : index
    %get3A_27 = vector.load %arg5[%get3A_25, %get3A_26] : memref<1x128xf32, #tpu.memory_space<vmem>>, vector<1x128xf32>
    %add3A_28 = vector.broadcast %get3A_27 : vector<1x128xf32> to vector<10000x128xf32>
    %add3A_29 = arith.addf %dot_general3A_24, %add3A_28 : vector<10000x128xf32>
    %reduce_sum3A = arith.constant dense<0.000000e+00> : vector<128xf32>
    %reduce_sum3A_30 = vector.multi_reduction <add>, %add3A_29, %reduce_sum3A [0] : vector<10000x128xf32> to vector<128xf32>
    %broadcast_in_dim3A = vector.shape_cast %reduce_sum3A_30 : vector<128xf32> to vector<1x128xf32>
    %div3A = arith.constant 1.000000e+04 : f32
    %div3A_31 = vector.broadcast %div3A : f32 to vector<1x128xf32>
    %div3A_32 = arith.divf %broadcast_in_dim3A, %div3A_31 : vector<1x128xf32>
    %sub3A = vector.broadcast %div3A_32 : vector<1x128xf32> to vector<10000x128xf32>
    %sub3A_33 = arith.subf %add3A_29, %sub3A : vector<10000x128xf32>
    %mul3A_34 = arith.mulf %sub3A_33, %sub3A_33 : vector<10000x128xf32>
    %reduce_sum3A_35 = arith.constant dense<0.000000e+00> : vector<128xf32>
    %reduce_sum3A_36 = vector.multi_reduction <add>, %mul3A_34, %reduce_sum3A_35 [0] : vector<10000x128xf32> to vector<128xf32>
    %broadcast_in_dim3A_37 = vector.shape_cast %reduce_sum3A_36 : vector<128xf32> to vector<1x128xf32>
    %div3A_38 = arith.constant 1.000000e+04 : f32
    %div3A_39 = vector.broadcast %div3A_38 : f32 to vector<1x128xf32>
    %div3A_40 = arith.divf %broadcast_in_dim3A_37, %div3A_39 : vector<1x128xf32>
    %add3A_41 = arith.constant 9.99999974E-6 : f32
    %add3A_42 = vector.broadcast %add3A_41 : f32 to vector<1x128xf32>
    %add3A_43 = arith.addf %div3A_40, %add3A_42 : vector<1x128xf32>
    %rsqrt3A = math.rsqrt %add3A_43 : vector<1x128xf32>
    %mul3A_44 = vector.broadcast %rsqrt3A : vector<1x128xf32> to vector<10000x128xf32>
    %mul3A_45 = arith.mulf %sub3A_33, %mul3A_44 : vector<10000x128xf32>
    %get3A_46 = arith.constant 0 : index
    %get3A_47 = arith.constant 0 : index
    %get3A_48 = vector.load %arg6[%get3A_46, %get3A_47] : memref<1x128xf32, #tpu.memory_space<vmem>>, vector<1x128xf32>
    %mul3A_49 = vector.broadcast %get3A_48 : vector<1x128xf32> to vector<10000x128xf32>
    %mul3A_50 = arith.mulf %mul3A_45, %mul3A_49 : vector<10000x128xf32>
    %get3A_51 = arith.constant 0 : index
    %get3A_52 = arith.constant 0 : index
    %get3A_53 = vector.load %arg7[%get3A_51, %get3A_52] : memref<1x128xf32, #tpu.memory_space<vmem>>, vector<1x128xf32>
    %add3A_54 = vector.broadcast %get3A_53 : vector<1x128xf32> to vector<10000x128xf32>
    %add3A_55 = arith.addf %mul3A_50, %add3A_54 : vector<10000x128xf32>
    %max3A = arith.constant 0.000000e+00 : f32
    %max3A_56 = vector.broadcast %max3A : f32 to vector<10000x128xf32>
    %max3A_57 = arith.maximumf %add3A_55, %max3A_56 : vector<10000x128xf32>
    %slice3A_58 = vector.extract_strided_slice %get3A_1 {offsets = [0, 0], sizes = [10000, 1], strides = [1, 1]} : vector<10240x1xf32> to vector<10000x1xf32>
    %mul3A_59 = vector.broadcast %slice3A_58 : vector<10000x1xf32> to vector<10000x128xf32>
    %mul3A_60 = arith.mulf %max3A_57, %mul3A_59 : vector<10000x128xf32>
    %slice3A_61 = vector.extract_strided_slice %mul3A_60 {offsets = [0, 0], sizes = [10000, 64], strides = [1, 1]} : vector<10000x128xf32> to vector<10000x64xf32>
    %swap3A = arith.constant 0 : index
    %swap3A_62 = arith.constant 0 : index
    %swap3A_63 = vector.load %arg8[%swap3A, %swap3A_62] : memref<10240x64xf32, #tpu.memory_space<vmem>>, vector<10000x64xf32>
    tpu.vector_store %arg8[%swap3A, %swap3A_62], %slice3A_61 {strides = array<i32>} : memref<10240x64xf32, #tpu.memory_space<vmem>>, vector<10000x64xf32>,
    %broadcast_in_dim3A_64 = arith.constant 0.000000e+00 : f32
    %broadcast_in_dim3A_65 = vector.broadcast %broadcast_in_dim3A_64 : f32 to vector<240x64xf32>
    %swap3A_66 = arith.constant 10000 : index
    %swap3A_67 = arith.constant 0 : index
    %swap3A_68 = vector.load %arg8[%swap3A_66, %swap3A_67] : memref<10240x64xf32, #tpu.memory_space<vmem>>, vector<240x64xf32>
    tpu.vector_store %arg8[%swap3A_66, %swap3A_67], %broadcast_in_dim3A_65 {strides = array<i32>} : memref<10240x64xf32, #tpu.memory_space<vmem>>, vector<240x64xf32>,
    %slice3A_69 = vector.extract_strided_slice %mul3A_60 {offsets = [0, 64], sizes = [10000, 64], strides = [1, 1]} : vector<10000x128xf32> to vector<10000x64xf32>
    %swap3A_70 = arith.constant 0 : index
    %swap3A_71 = arith.constant 0 : index
    %swap3A_72 = vector.load %arg9[%swap3A_70, %swap3A_71] : memref<10240x64xf32, #tpu.memory_space<vmem>>, vector<10000x64xf32>
    tpu.vector_store %arg9[%swap3A_70, %swap3A_71], %slice3A_69 {strides = array<i32>} : memref<10240x64xf32, #tpu.memory_space<vmem>>, vector<10000x64xf32>,
    %broadcast_in_dim3A_73 = arith.constant 0.000000e+00 : f32
    %broadcast_in_dim3A_74 = vector.broadcast %broadcast_in_dim3A_73 : f32 to vector<240x64xf32>
    %swap3A_75 = arith.constant 10000 : index
    %swap3A_76 = arith.constant 0 : index
    %swap3A_77 = vector.load %arg9[%swap3A_75, %swap3A_76] : memref<10240x64xf32, #tpu.memory_space<vmem>>, vector<240x64xf32>
    tpu.vector_store %arg9[%swap3A_75, %swap3A_76], %broadcast_in_dim3A_74 {strides = array<i32>} : memref<10240x64xf32, #tpu.memory_space<vmem>>, vector<240x64xf32>,
    return
  }
}

module attributes {stable_mosaic.version = 14 : i64} {
  func.func @_tc_final_body(%arg0: memref<2x10240x64xf32, #tpu.memory_space<vmem>>, %arg1: memref<10240x64xf32, #tpu.memory_space<vmem>>, %arg2: memref<10240x64xf32, #tpu.memory_space<vmem>>, %arg3: memref<10240x1xf32, #tpu.memory_space<vmem>>, %arg4: memref<128x128xf32, #tpu.memory_space<vmem>>, %arg5: memref<1x128xf32, #tpu.memory_space<vmem>>, %arg6: memref<1x10000xi32, #tpu.memory_space<vmem>>, %arg7: memref<128x128xf32, #tpu.memory_space<vmem>>, %arg8: memref<1x128xf32, #tpu.memory_space<vmem>>, %arg9: memref<128x10xf32, #tpu.memory_space<vmem>>, %arg10: memref<1x10xf32, #tpu.memory_space<vmem>>, %arg11: memref<16x10xf32, #tpu.memory_space<vmem>>) attributes {dimension_semantics = [], scalar_prefetch = 0 : i64, scratch_operands = 0 : i64, tpu.core_type = #tpu.core_type<tc>} {
    %get3A = arith.constant 0 : index
    %get3A_0 = arith.constant 0 : index
    %get3A_1 = vector.load %arg3[%get3A, %get3A_0] : memref<10240x1xf32, #tpu.memory_space<vmem>>, vector<10240x1xf32>
    %get3A_2 = arith.constant 0 : index
    %get3A_3 = arith.constant 0 : index
    %get3A_4 = arith.constant 0 : index
    %get3A_5 = vector.load %arg0[%get3A_2, %get3A_3, %get3A_4] : memref<2x10240x64xf32, #tpu.memory_space<vmem>>, vector<1x10240x64xf32>
    %get3A_6 = vector.shape_cast %get3A_5 : vector<1x10240x64xf32> to vector<10240x64xf32>
    %get3A_7 = arith.constant 0 : index
    %get3A_8 = arith.constant 0 : index
    %get3A_9 = vector.load %arg1[%get3A_7, %get3A_8] : memref<10240x64xf32, #tpu.memory_space<vmem>>, vector<10240x64xf32>
    %add3A = arith.addf %get3A_6, %get3A_9 : vector<10240x64xf32>
    %get3A_10 = arith.constant 1 : index
    %get3A_11 = arith.constant 0 : index
    %get3A_12 = arith.constant 0 : index
    %get3A_13 = vector.load %arg0[%get3A_10, %get3A_11, %get3A_12] : memref<2x10240x64xf32, #tpu.memory_space<vmem>>, vector<1x10240x64xf32>
    %get3A_14 = vector.shape_cast %get3A_13 : vector<1x10240x64xf32> to vector<10240x64xf32>
    %get3A_15 = arith.constant 0 : index
    %get3A_16 = arith.constant 0 : index
    %get3A_17 = vector.load %arg2[%get3A_15, %get3A_16] : memref<10240x64xf32, #tpu.memory_space<vmem>>, vector<10240x64xf32>
    %add3A_18 = arith.addf %get3A_14, %get3A_17 : vector<10240x64xf32>
    %concatenate3A = tpu.concatenate %add3A, %add3A_18 in 1 : vector<10240x64xf32>, vector<10240x64xf32> -> vector<10240x128xf32>
    %slice3A = vector.extract_strided_slice %concatenate3A {offsets = [0, 0], sizes = [10000, 128], strides = [1, 1]} : vector<10240x128xf32> to vector<10000x128xf32>
    %slice3A_19 = vector.extract_strided_slice %get3A_1 {offsets = [0, 0], sizes = [10000, 1], strides = [1, 1]} : vector<10240x1xf32> to vector<10000x1xf32>
    %mul3A = vector.broadcast %slice3A_19 : vector<10000x1xf32> to vector<10000x128xf32>
    %mul3A_20 = arith.mulf %slice3A, %mul3A : vector<10000x128xf32>
    %get3A_21 = arith.constant 0 : index
    %get3A_22 = arith.constant 0 : index
    %get3A_23 = vector.load %arg4[%get3A_21, %get3A_22] : memref<128x128xf32, #tpu.memory_space<vmem>>, vector<128x128xf32>
    %dot_general3A = arith.constant dense<0.000000e+00> : vector<10000x128xf32>
    %dot_general3A_24 = tpu.matmul %mul3A_20, %get3A_23, %dot_general3A {dimension_numbers = #tpu.dot_dimension_numbers<[1], [0], [0], [1], [0, 0, 1, 1], [], []>, transpose_lhs_hint = false} : vector<10000x128xf32>, vector<128x128xf32>, vector<10000x128xf32> -> vector<10000x128xf32>
    %get3A_25 = arith.constant 0 : index
    %get3A_26 = arith.constant 0 : index
    %get3A_27 = vector.load %arg5[%get3A_25, %get3A_26] : memref<1x128xf32, #tpu.memory_space<vmem>>, vector<1x128xf32>
    %add3A_28 = vector.broadcast %get3A_27 : vector<1x128xf32> to vector<10000x128xf32>
    %add3A_29 = arith.addf %dot_general3A_24, %add3A_28 : vector<10000x128xf32>
    %get3A_30 = arith.constant 0 : index
    %get3A_31 = arith.constant 0 : index
    %get3A_32 = vector.load %arg6[%get3A_30, %get3A_31] : memref<1x10000xi32, #tpu.memory_space<vmem>>, vector<1x10000xi32>
    %iota3A = tpu.iota {dimensions = array<i32: 0>} : vector<16x10000xi32>
    %eq3A = vector.broadcast %get3A_32 : vector<1x10000xi32> to vector<16x10000xi32>
    %eq3A_33 = arith.cmpi eq, %eq3A, %iota3A : vector<16x10000xi32>
    %jit3A = arith.constant 1.000000e+00 : f32
    %jit3A_34 = arith.constant 0.000000e+00 : f32
    %broadcast_in_dim3A = vector.broadcast %jit3A : f32 to vector<16x10000xf32>
    %broadcast_in_dim3A_35 = vector.broadcast %jit3A_34 : f32 to vector<16x10000xf32>
    %select_n3A = arith.select %eq3A_33, %broadcast_in_dim3A, %broadcast_in_dim3A_35 : vector<16x10000xi1>, vector<16x10000xf32>
    %dot_general3A_36 = arith.constant dense<0.000000e+00> : vector<16x128xf32>
    %dot_general3A_37 = tpu.matmul %select_n3A, %add3A_29, %dot_general3A_36 {dimension_numbers = #tpu.dot_dimension_numbers<[1], [0], [0], [1], [0, 0, 1, 1], [], []>, transpose_lhs_hint = false} : vector<16x10000xf32>, vector<10000x128xf32>, vector<16x128xf32> -> vector<16x128xf32>
    %reduce_sum3A = arith.constant dense<0.000000e+00> : vector<16xf32>
    %reduce_sum3A_38 = vector.multi_reduction <add>, %select_n3A, %reduce_sum3A [1] : vector<16x10000xf32> to vector<16xf32>
    %broadcast_in_dim3A_39 = vector.shape_cast %reduce_sum3A_38 : vector<16xf32> to vector<16x1xf32>
    %max3A = arith.constant 1.000000e+00 : f32
    %max3A_40 = vector.broadcast %max3A : f32 to vector<16x1xf32>
    %max3A_41 = arith.maximumf %broadcast_in_dim3A_39, %max3A_40 : vector<16x1xf32>
    %div3A = vector.broadcast %max3A_41 : vector<16x1xf32> to vector<16x128xf32>
    %div3A_42 = arith.divf %dot_general3A_37, %div3A : vector<16x128xf32>
    %get3A_43 = arith.constant 0 : index
    %get3A_44 = arith.constant 0 : index
    %get3A_45 = vector.load %arg7[%get3A_43, %get3A_44] : memref<128x128xf32, #tpu.memory_space<vmem>>, vector<128x128xf32>
    %dot_general3A_46 = arith.constant dense<0.000000e+00> : vector<16x128xf32>
    %dot_general3A_47 = tpu.matmul %div3A_42, %get3A_45, %dot_general3A_46 {dimension_numbers = #tpu.dot_dimension_numbers<[1], [0], [0], [1], [0, 0, 1, 1], [], []>, transpose_lhs_hint = false} : vector<16x128xf32>, vector<128x128xf32>, vector<16x128xf32> -> vector<16x128xf32>
    %get3A_48 = arith.constant 0 : index
    %get3A_49 = arith.constant 0 : index
    %get3A_50 = vector.load %arg8[%get3A_48, %get3A_49] : memref<1x128xf32, #tpu.memory_space<vmem>>, vector<1x128xf32>
    %add3A_51 = vector.broadcast %get3A_50 : vector<1x128xf32> to vector<16x128xf32>
    %add3A_52 = arith.addf %dot_general3A_47, %add3A_51 : vector<16x128xf32>
    %max3A_53 = arith.constant 0.000000e+00 : f32
    %max3A_54 = vector.broadcast %max3A_53 : f32 to vector<16x128xf32>
    %max3A_55 = arith.maximumf %add3A_52, %max3A_54 : vector<16x128xf32>
    %get3A_56 = arith.constant 0 : index
    %get3A_57 = arith.constant 0 : index
    %get3A_58 = vector.load %arg9[%get3A_56, %get3A_57] : memref<128x10xf32, #tpu.memory_space<vmem>>, vector<128x10xf32>
    %dot_general3A_59 = arith.constant dense<0.000000e+00> : vector<16x10xf32>
    %dot_general3A_60 = tpu.matmul %max3A_55, %get3A_58, %dot_general3A_59 {dimension_numbers = #tpu.dot_dimension_numbers<[1], [0], [0], [1], [0, 0, 1, 1], [], []>, transpose_lhs_hint = false} : vector<16x128xf32>, vector<128x10xf32>, vector<16x10xf32> -> vector<16x10xf32>
    %get3A_61 = arith.constant 0 : index
    %get3A_62 = arith.constant 0 : index
    %get3A_63 = vector.load %arg10[%get3A_61, %get3A_62] : memref<1x10xf32, #tpu.memory_space<vmem>>, vector<1x10xf32>
    %add3A_64 = vector.broadcast %get3A_63 : vector<1x10xf32> to vector<16x10xf32>
    %add3A_65 = arith.addf %dot_general3A_60, %add3A_64 : vector<16x10xf32>
    %swap3A = arith.constant 0 : index
    %swap3A_66 = arith.constant 0 : index
    %swap3A_67 = vector.load %arg11[%swap3A, %swap3A_66] : memref<16x10xf32, #tpu.memory_space<vmem>>, vector<16x10xf32>
    tpu.vector_store %arg11[%swap3A, %swap3A_66], %add3A_65 {strides = array<i32>} : memref<16x10xf32, #tpu.memory_space<vmem>>, vector<16x10xf32>,
    return
  }
}

</mosaic_0001>

<sc_bundles>
// kernel: _impl.10.cloned.1.call-start
scs
__scs_entry_jumppad:
0x0: {  	(pc) =	sbr.rel $0x88, $3  }
0x1: {  	(tag) =	ssettag $0x0;
	lr =	simm.s32 $0x1  }
0x2: {  	[smem:$0x3F8E] =	sst lr;
	_ =	strace $0xD0000000  }
0x3: {  	_ = 	snop  }
0x4: {  	_ = 	snop  }
0x5: {  	_ = 	snop  }
0x6: {  	_ = 	snop  }
0x7: {  	_ = 	snop  }
__scs_overlays_trampoline_lowered:
0x8: {  	[smem:$0x3F9D] =	sst s0  }
0x9: {  	[smem:$0x3F9E] =	sst s1  }
0xa: {  	[smem:$0x3F9F] =	sst s2  }
0xb: {  	[smem:$0x3FA0] =	sst s3  }
0xc: {  	[smem:$0x3FA1] =	sst s4  }
0xd: {  	[smem:$0x3FA2] =	sst s5  }
0xe: {  	[smem:$0x3FA3] =	sst s6  }
0xf: {  	[smem:$0x3FA4] =	sst s7  }
0x10: {  	[smem:$0x3FA5] =	sst s8  }
0x11: {  	[smem:$0x3FA6] =	sst s9;
	s0 =	simm.s32 @!p0 $0x0  }
0x12: {  	s1 =	sld [smem:$0x3F8C];
	s0 =	simm.s32 @p0 $0x1  }
0x13: {  	[smem:$0x3FA7] =	sst s0;
	s0 =	simm.s32 @!p1 $0x0  }
0x14: {  	s2 =	sld [smem:$0x3F8B];
	s0 =	simm.s32 @p1 $0x1  }
0x15: {  	[smem:$0x3FA8] =	sst s0;
	s0 =	simm.s32 @!p2 $0x0  }
0x16: {  	s3 =	sld [smem:$0x3FDB];
	s0 =	simm.s32 @p2 $0x1  }
0x17: {  	s4 =	simm.s32 $0x1BF5;
	[smem:$0x3FAA] =	sst s0  }
0x18: {  	s0 =	sld [smem:$0x3F8D];
	_ =	swait.ge [sflag:s4], $0x0  }
0x19: {  	s7 =	sld [smem:$0x3F8E]  }
0x1a: {  	s8 =	sadd.s32 $0xFFFFE003, lr  }
0x1b: {  	s9 =	sadd.s32 $0xFFFFFEF7, lr;
	s5 =	simm.s32 $0xFFFFFFFF;
	p2 =	slt.u32 s8, $0xFFFFF086  }
0x1c: {  	p1 =	slt.u32 s9, $0xF7A;
	s5 =	simm.s32 @!p2 $0x0  }
0x1d: {  	s5 =	simm.s32 @p1 $0x1;
	p0 =	seq.s32 s7, s2  }
0x1e: {  	s7 =	smul.u32 @!p0 $0xF7A, s2;
	p2 =	seq.s32 @!p0 s5, $0x0  }
0x1f: {  	s9 =	smul.u32 $0xF7A, s1;
	s8 =	simm.s32 @!p0 $0x1BF5;
	p2 =	por !p2, p0  }
0x20: {  	[sflag:s8] =	ssyncset.s32 @!p0 $0xFFFFF086;
	s6 =	sadd.s32 @!p0 s3, s7;
	s7 =	simm.s32 @!p0 $0x108  }
0x21: {  	s3 =	sadd.s32 s3, s9;
	s6 =	sadd.s32 @!p0 $0x88, s6;
	s7 =	simm.s32 @p2 $0x1082  }
0x22: {  	[simem:s7], [sflag:s8] =	dma.local @!p0 [hbm:s6], $0xF7A  }
0x23: {  	s9 =	sor.u32 $0xD0000000, s2;
	s6 =	simm.s32 $0x108;
	_ =	swait.ge @!p0 [sflag:s8], $0x0  }
0x24: {  	s3 =	sadd.s32 $0x88, s3;
	s6 =	simm.s32 @!p1 $0x1082;
	[sflag:s4] =	ssyncset.s32 $0xFFFFF086  }
0x25: {  	[simem:s6], [sflag:s4] =	dma.local [hbm:s3], $0xF7A  }
0x26: {  	[smem:$0x3F8E] =	sst s1;
	(tag) =	ssettag s2;
	_ =	strace s9  }
0x27: {  	s1 =	sld [smem:$0x3F9E]  }
0x28: {  	s2 =	sld [smem:$0x3F9F]  }
0x29: {  	s4 =	sld [smem:$0x3FA1]  }
0x2a: {  	p0 =	seq.s32 s5, $0x0;
	s5 =	sld [smem:$0x3FA2]  }
0x2b: {  	s6 =	sld [smem:$0x3FA3]  }
0x2c: {  	s7 =	sld [smem:$0x3FA4]  }
0x2d: {  	s3 =	simm.s32 $0x108;
	s8 =	sld [smem:$0x3FA5]  }
0x2e: {  	s3 =	simm.s32 @!p0 $0x1082;
	s9 =	sld [smem:$0x3FA6]  }
0x2f: {  	lr =	sadd.s32 s0, s3;
	s0 =	sld [smem:$0x3F9D]  }
0x30: {  	s3 =	sld [smem:$0x3FA0]  }
0x31: {  	[smem:$0x3FA9] =	sst s10  }
0x32: {  	s10 =	sld [smem:$0x3FA7];
	_ =	sdelay $0x3  }
0x33: {  	p0 =	seq.s32 s10, $0x1;
	s10 =	sld [smem:$0x3FA9];
	_ =	sdelay $0x3  }
0x34: {  	[smem:$0x3FA9] =	sst s10  }
0x35: {  	s10 =	sld [smem:$0x3FA8];
	_ =	sdelay $0x3  }
0x36: {  	p1 =	seq.s32 s10, $0x1;
	s10 =	sld [smem:$0x3FA9];
	_ =	sdelay $0x3  }
0x37: {  	[smem:$0x3FA9] =	sst s10  }
0x38: {  	s10 =	sld [smem:$0x3FAA]  }
0x39: {  	_ = 	snop;
	(pc) =	sbr.ind lr, $3  }
0x3a: {  	_ = 	snop  }
0x3b: {  	_ = 	snop  }
0x3c: {  	p2 =	seq.s32 s10, $0x1;
	s10 =	sld [smem:$0x3FA9]  }
0x3d: {  	_ =	shalt  }
0x3e: {  	_ =	shalt  }
0x3f: {  	_ =	shalt  }
0x40: {  	_ =	shalt  }
0x41: {  	_ =	shalt  }
0x42: {  	_ =	shalt  }
0x43: {  	_ =	shalt  }
0x44: {  	_ =	shalt  }
0x45: {  	_ =	shalt  }
0x46: {  	_ =	shalt  }
0x47: {  	_ =	shalt  }
0x48: {  	_ =	shalt  }
0x49: {  	_ =	shalt  }
0x4a: {  	_ =	shalt  }
0x4b: {  	_ =	shalt  }
0x4c: {  	_ =	shalt  }
0x4d: {  	_ =	shalt  }
0x4e: {  	_ =	shalt  }
0x4f: {  	_ =	shalt  }
0x50: {  	_ =	shalt  }
0x51: {  	_ =	shalt  }
0x52: {  	_ =	shalt  }
0x53: {  	_ =	shalt  }
0x54: {  	_ =	shalt  }
0x55: {  	_ =	shalt  }
0x56: {  	_ =	shalt  }
0x57: {  	_ =	shalt  }
0x58: {  	_ =	shalt  }
0x59: {  	_ =	shalt  }
0x5a: {  	_ =	shalt  }
0x5b: {  	_ =	shalt  }
0x5c: {  	_ =	shalt  }
0x5d: {  	_ =	shalt  }
0x5e: {  	_ =	shalt  }
0x5f: {  	_ =	shalt  }
0x60: {  	_ =	shalt  }
0x61: {  	_ =	shalt  }
0x62: {  	_ =	shalt  }
0x63: {  	_ =	shalt  }
0x64: {  	_ =	shalt  }
0x65: {  	_ =	shalt  }
0x66: {  	_ =	shalt  }
0x67: {  	_ =	shalt  }
0x68: {  	_ =	shalt  }
0x69: {  	_ =	shalt  }
0x6a: {  	_ =	shalt  }
0x6b: {  	_ =	shalt  }
0x6c: {  	_ =	shalt  }
0x6d: {  	_ =	shalt  }
0x6e: {  	_ =	shalt  }
0x6f: {  	_ =	shalt  }
0x70: {  	_ =	shalt  }
0x71: {  	_ =	shalt  }
0x72: {  	_ =	shalt  }
0x73: {  	_ =	shalt  }
0x74: {  	_ =	shalt  }
0x75: {  	_ =	shalt  }
0x76: {  	_ =	shalt  }
0x77: {  	_ =	shalt  }
0x78: {  	_ =	shalt  }
0x79: {  	_ =	shalt  }
0x7a: {  	_ =	shalt  }
0x7b: {  	_ =	shalt  }
0x7c: {  	_ =	shalt  }
0x7d: {  	_ =	shalt  }
0x7e: {  	_ =	shalt  }
0x7f: {  	_ =	shalt  }
0x80: {  	_ =	shalt  }
0x81: {  	_ =	shalt  }
0x82: {  	_ =	shalt  }
0x83: {  	_ =	shalt  }
0x84: {  	_ =	shalt  }
0x85: {  	_ =	shalt  }
0x86: {  	_ =	shalt  }
0x87: {  	_ =	shalt  }
.Lfunc_end0:
.L_simem_size_0:
called_computation_lowered:
.L_overlay_start_0:
0x88: {  	s2 =	sld [smem:$0x3FD9]  }
0x89: {  	s3 =	sld [smem:$0x3FFE];
	_ =	sdelay $0x1  }
0x8a: {  	s1 =	srdreg.scid  }
0x8b: {  	s0 =	sand.u32 $0x1, s1  }
0x8c: {  	s17 =	sshll.u32 s0, $0xA;
	s2 =	sadd.s32 s3, s2  }
0x8d: {  	s2 =	sadd.s32 s2, s17  }
0x8e: {  	[smem:$0x3FB5] =	sst s2  }
0x8f: {  	_ = 	snop  }
0x90: {  	s2 =	sld [smem:$0x3FD0];
	(tm) =	ssettm $0x1  }
0x91: {  	s18 =	sld [smem:$0x3FFB];
	_ =	sdelay $0x3  }
0x92: {  	_ =	strace s18  }
0x93: {  	s3 =	sld [smem:$0x3FFC];
	_ =	sdelay $0x3  }
0x94: {  	_ =	strace s3  }
0x95: {  	s3 =	sld [smem:$0x3FFD];
	_ =	sdelay $0x3  }
0x96: {  	_ =	strace s3  }
0x97: {  	_ =	strace $0x8FFFFFFF  }
0x98: {  	s19 =	sld [smem:$0x3FDB];
	_ =	sdelay $0x1  }
0x99: {  	s4 =	simm.s32 $_scs_section_size  }
0x9a: {  	s5 =	simm.s32 $_size__tile_overlayer_lowered;
	s6 =	simm.s32 $_tile_overlayer_lowered  }
0x9b: {  	s22 =	simm.s32 $0x1BFF;
	s21 =	sshll.u32 s6, $0x1;
	s3 =	sadd.s32 s4, s19  }
0x9c: {  	s7 =	simm.s32 $0x0;
	s20 =	sshll.u32 s5, $0x1;
	s5 =	sadd.s32 s21, s3  }
0x9d: {  	[timem:s7], [sflag:s22] =	dma.local [hbm:s5], s20  }
0x9e: {  	_ =	swait.ge [sflag:s22], s20  }
0x9f: {  	s4 =	ssub.s32 $0x0, s20;
	[sflag:s22] =	ssyncset.done $0x0  }
0xa0: {  	[sflag:s22] =	ssyncadd.s32 s4;
	_ =	sdelay $0x1  }
0xa1: {  	s23 =	simm.s32 $0x1B8B  }
0xa2: {  	_ =	swait.ge [sflag:s23], $0x1  }
0xa3: {  	[sflag:s23] =	ssyncset.done $0x0  }
0xa4: {  	s25 =	simm.s32 $0x1B8E;
	s24 =	sld [smem:$0x3FFE];
	[sflag:s23] =	ssyncadd.s32 $0xFFFFFFFF  }
0xa5: {  	s26 =	simm.s32 $execute0_lowered;
	[smem:$0x3FD2] =	sst s25  }
0xa6: {  	s5 =	sshll.u32 s26, $0x1;
	_ =	strace $0x80000046;
	[dreg:$0x1] =	wrdreg $0xFFFFFFFF  }
0xa7: {  	s28 =	simm.s32 $_size_execute0_lowered;
	s3 =	sadd.s32 s3, s5;
	[dreg:$0x0] =	wrdreg $0x0  }
0xa8: {  	s5 =	sshll.u32 s28, $0x1;
	[dreg:$0x2] =	wrdreg s3  }
0xa9: {  	[dreg:$0x3] =	wrdreg s5  }
0xaa: {  	[dreg:$0x4] =	wrdreg $0xC0  }
0xab: {  	_ =	task [dreg:s7], $0x5FFFF  }
0xac: {  	[dreg:$0x1] =	wrdreg $0xFFFFFFFF  }
0xad: {  	[dreg:$0x0] =	wrdreg $0x60  }
0xae: {  	[dreg:$0x2] =	wrdreg s24  }
0xaf: {  	[dreg:$0x3] =	wrdreg s2  }
0xb0: {  	[dreg:$0x4] =	wrdreg $0x30000  }
0xb1: {  	[dreg:$0x5] =	wrdreg $0x9  }
0xb2: {  	_ =	task.clear_ibuf [dreg:s7], $0x6FFFF;
	_ =	strace $0x90000046  }
0xb3: {  	s29 =	simm.s32 $0x9;
	_ =	strace $0x80000048  }
0xb4: {  	_ =	swait.ge [sflag:s29], $0x1  }
0xb5: {  	[sflag:s29] =	ssyncadd.s32 $0xFFFFFFFF  }
0xb6: {  	_ =	strace $0x90000048  }
0xb7: {  	_ =	sfence  }
0xb8: {  	s30 =	sld [smem:$0x0];
	_ =	sdelay $0x2  }
0xb9: {  	s31 =	sshll.u32 s1, $0xD;
	s1 =	sshrl.u32 s1, $0x2  }
0xba: {  	s3 =	sand.u32 $0x4000, s31;
	s1 =	sadd.s32 s1, s30  }
0xbb: {  	s0 =	sor.u32 s3, s0;
	s1 =	sshll.u32 s1, $0x11  }
0xbc: {  	s0 =	sor.u32 s1, s0  }
0xbd: {  	s0 =	sadd.s32 $0x8F2B, s0  }
0xbe: {  	[sflag:s0] =	ssyncadd.remote.s32 $0x1  }
0xbf: {  	_ =	sfence.sel $0xFFFF  }
0xc0: {  	[dreg:$0x0] =	wrdreg $0xFFFFFFFF;
	(pc) =	sbr.abs _section_cstart, $3  }
0xc1: {  	[dreg:$0x1] =	wrdreg $0xFFFFFFFF  }
0xc2: {  	_ =	task.clear_ibuf [dreg:s7], $0x2FFFF;
	_ =	strace $0x9FFFFFFF  }
0xc3: {  	(tm) =	ssettm $0x7FFFFFFF  }
tec
execute0_lowered:
.L_overlay_start_1:
0x0: {  	(tag) =	ssettag $0x1  }
0x1: {  	s6 =	rddreg [dreg:$0x0]  }
0x2: {  	s2 =	rddreg [dreg:$0x1]  }
0x3: {  	s0 =	srdreg.scid;
	s3 =	rddreg [dreg:$0x2]  }
0x4: {  	s1 =	stileid.u32;
	s4 =	simm.s32 $0x0;
	s12 =	simm.s32 $0x2800  }
0x5: {  	s13 =	simm.s32 $0x80;
	s5 =	sand.u32 $0x1, s0;
	s0 =	rddreg [dreg:$0x3]  }
0x6: {  	s14 =	simm.s32 $0x0;
	s8 =	smul.u32 $0x2800, s1;
	[smem:$0x7FF] =	sst s4  }
0x7: {  	s31 =	sshll.u32 s1, $0x6;
	s7 =	sshll.u32 s5, $0x4;
	s9 =	smul.u32 $0x28000, s5  }
0x8: {  	_ =	strace $0x80000047;
	s10 =	ssub.s32 $0x2, s5;
	s7 =	sor.u32 s1, s7  }
0x9: {  	s5 =	sadd.s32 $0xE200, s6;
	s7 =	smul.u32 $0x500, s7;
	s9 =	sadd.s32 s8, s9  }
0xa: {  	s30 =	sshrl.u32 s10, $0x1;
	s11 =	sadd.s32 s8, s3;
	s9 =	sshrl.u32 s9, $0x3  }
0xb: {  	s10 =	ssub.s32 s10, s30;
	s7 =	sadd.s32 s7, s6;
	s9 =	sadd.s32 s9, s6  }
0xc: {  	s6 =	sor.u32 $0x1C01, s31;
	s7 =	sadd.s32 $0x4200, s7;
	s8 =	sadd.s32 $0xE800, s9  }
0xd: {  	s9 =	smax.u32 s10, $0x1;
	s10 =	sshrl.u32 s11, $0x3;
	s11 =	simm.s32 $0x1  }
.LBB2_1:
0xe: {  	[spmem:s10], [sflag:s6] =	dma.local [hbm:s5], $0x500  }
0xf: {  	_ =	swait.ge [sflag:s11], $0x500  }
0x10: {  	[sflag:s11] =	ssyncset.done $0x0  }
0x11: {  	[sflag:s11] =	ssyncadd.s32 $0xFFFFFB00  }
0x12: {  	[tilespmem:s12], [sflag:$0x1] =	stream.linear.gather [hbm4b:s2+s4], $0x800, $0x38;
	[tilespmem:$0x5800] =	vst v63  }
0x13: {  	_ =	swait.ge [sflag:s11], $0x800  }
0x14: {  	[sflag:s11] =	ssyncset.done $0x0  }
0x15: {  	[sflag:s11] =	ssyncadd.s32 $0xFFFFF800  }
0x16: {  	[tilespmem:s4], [sflag:$0x1] =	stream.linear.gather [hbm4b:s7+s4], $0x2800, $0x38;
	[tilespmem:$0x5800] =	vst v63  }
0x17: {  	_ =	swait.ge [sflag:s11], $0x2800  }
0x18: {  	[sflag:s11] =	ssyncset.done $0x0  }
0x19: {  	[sflag:s11] =	ssyncadd.s32 $0xFFFFD800  }
0x1a: {  	s15 =	simm.s32 $0x0;
	[bflag:$0x0] =	sbarrier.arrive $0xFFFF  }
0x1b: {  	[spmem:s3] =	stream.indirect.scatter.add.f32 [tilespmem:s12], [sflag:$0x1], $0x10, s15, s13, $0xb8;
	[tilespmem:$0x5800] =	vst v63  }
0x1c: {  	_ =	swait.ge [sflag:s11], $0x800  }
0x1d: {  	s15 =	simm.s32 $0x200;
	[sflag:s11] =	ssyncset.done $0x0  }
.LBB2_2:
0x1e: {  	s16 =	sshra.s32 s15, $0x2;
	[sflag:s11] =	ssyncadd.s32 $0xFFFFF800;
	p0 =	sne.s32 s15, $0x9E00  }
0x1f: {  	[spmem:s3] =	stream.indirect.scatter.add.f32 [tilespmem:s12], [sflag:$0x1], $0x10, s16, s13, $0xb8;
	[tilespmem:$0x5800] =	vst v63  }
.Ltmp0:
0x20: {  	_ = 	snop;
	(pc) =	sbr.rel @p0 .LBB2_2-.Ltmp0, $4  }
0x21: {  	_ = 	snop  }
0x22: {  	s15 =	sadd.s32 $0x200, s15  }
0x23: {  	_ =	swait.ge [sflag:s11], $0x800  }
0x24: {  	[sflag:s11] =	ssyncset.done $0x0  }
0x25: {  	s14 =	sadd.s32 $0x1, s14  }
0x26: {  	[sflag:s11] =	ssyncadd.s32 $0xFFFFF800;
	p0 =	sne.s32 s14, s9  }
.Ltmp1:
0x27: {  	[bflag:$0x0] =	sbarrier.arrive $0xFFFF;
	(pc) =	sbr.rel @p0 .LBB2_1-.Ltmp1, $4  }
0x28: {  	[hbm:s8], [sflag:s6] =	dma.local [spmem:s10], $0x500  }
0x29: {  	_ =	swait.ge [sflag:s11], $0x500  }
0x2a: {  	[sflag:s11] =	ssyncset.done $0x0  }
0x2b: {  	[sflag:s11] =	ssyncadd.s32 $0xFFFFFB00  }
0x2c: {  	_ =	sfence.sel $0x180000  }
0x2d: {  	[bflag:$0x0] =	sbarrier.arrive $0xFFFF  }
0x2e: {  	p0 =	sne.s32 s1, $0x0;
	_ =	strace $0x90000047  }
0x2f: {  	s0 =	sadd.s32 @!p0 $0x100000, s0;
	[bflag:$0x2] =	sbarrier.arrive $0xFFFF  }
0x30: {  	[sflag:s0] =	ssyncadd.tile.s32 @!p0 $0x1;
	_ =	shalt  }
.Lfunc_end2:
_tile_overlayer_lowered:
.L_overlay_start_2:
0x31: {  	(tag) =	ssettag $0x2  }
0x32: {  	s0 =	rddreg [dreg:$0x0];
	s2 =	stileid.u32  }
0x33: {  	s1 =	rddreg [dreg:$0x1];
	p0 =	sne.s32 s2, $0x0  }
0x34: {  	s3 =	rddreg [dreg:$0x2];
	[bflag:$0x3] =	sbarrier.arrive $0xFFFF;
	s2 =	simm.s32 @!p0 $0x1C01  }
0x35: {  	[timem:s3], [sflag:s2] =	dma.local @!p0 [hbm:s0], s1  }
0x36: {  	s0 =	simm.s32 @!p0 $0x1  }
0x37: {  	_ =	swait.ge @!p0 [sflag:s0], s1  }
0x38: {  	s1 =	ssub.s32 @!p0 $0x0, s1;
	[sflag:s0] =	ssyncset.done @!p0 $0x0  }
0x39: {  	[sflag:s0] =	ssyncadd.s32 @!p0 s1  }
0x3a: {  	[bflag:$0x3] =	sbarrier.arrive $0xFFFF  }
0x3b: {  	_ =	shalt  }

// kernel: _impl.13.cloned.1.call-start
scs
__scs_entry_jumppad:
0x0: {  	(pc) =	sbr.rel $0x88, $3  }
0x1: {  	(tag) =	ssettag $0x0;
	lr =	simm.s32 $0x1  }
0x2: {  	[smem:$0x3F8E] =	sst lr;
	_ =	strace $0xD0000000  }
0x3: {  	_ = 	snop  }
0x4: {  	_ = 	snop  }
0x5: {  	_ = 	snop  }
0x6: {  	_ = 	snop  }
0x7: {  	_ = 	snop  }
__scs_overlays_trampoline_lowered:
0x8: {  	[smem:$0x3F9D] =	sst s0  }
0x9: {  	[smem:$0x3F9E] =	sst s1  }
0xa: {  	[smem:$0x3F9F] =	sst s2  }
0xb: {  	[smem:$0x3FA0] =	sst s3  }
0xc: {  	[smem:$0x3FA1] =	sst s4  }
0xd: {  	[smem:$0x3FA2] =	sst s5  }
0xe: {  	[smem:$0x3FA3] =	sst s6  }
0xf: {  	[smem:$0x3FA4] =	sst s7  }
0x10: {  	[smem:$0x3FA5] =	sst s8  }
0x11: {  	[smem:$0x3FA6] =	sst s9;
	s0 =	simm.s32 @!p0 $0x0  }
0x12: {  	s1 =	sld [smem:$0x3F8C];
	s0 =	simm.s32 @p0 $0x1  }
0x13: {  	[smem:$0x3FA7] =	sst s0;
	s0 =	simm.s32 @!p1 $0x0  }
0x14: {  	s2 =	sld [smem:$0x3F8B];
	s0 =	simm.s32 @p1 $0x1  }
0x15: {  	[smem:$0x3FA8] =	sst s0;
	s0 =	simm.s32 @!p2 $0x0  }
0x16: {  	s3 =	sld [smem:$0x3FDB];
	s0 =	simm.s32 @p2 $0x1  }
0x17: {  	s4 =	simm.s32 $0x1BF5;
	[smem:$0x3FAA] =	sst s0  }
0x18: {  	s0 =	sld [smem:$0x3F8D];
	_ =	swait.ge [sflag:s4], $0x0  }
0x19: {  	s7 =	sld [smem:$0x3F8E]  }
0x1a: {  	s8 =	sadd.s32 $0xFFFFE003, lr  }
0x1b: {  	s9 =	sadd.s32 $0xFFFFFEF7, lr;
	s5 =	simm.s32 $0xFFFFFFFF;
	p2 =	slt.u32 s8, $0xFFFFF086  }
0x1c: {  	p1 =	slt.u32 s9, $0xF7A;
	s5 =	simm.s32 @!p2 $0x0  }
0x1d: {  	s5 =	simm.s32 @p1 $0x1;
	p0 =	seq.s32 s7, s2  }
0x1e: {  	s7 =	smul.u32 @!p0 $0xF7A, s2;
	p2 =	seq.s32 @!p0 s5, $0x0  }
0x1f: {  	s9 =	smul.u32 $0xF7A, s1;
	s8 =	simm.s32 @!p0 $0x1BF5;
	p2 =	por !p2, p0  }
0x20: {  	[sflag:s8] =	ssyncset.s32 @!p0 $0xFFFFF086;
	s6 =	sadd.s32 @!p0 s3, s7;
	s7 =	simm.s32 @!p0 $0x108  }
0x21: {  	s3 =	sadd.s32 s3, s9;
	s6 =	sadd.s32 @!p0 $0x88, s6;
	s7 =	simm.s32 @p2 $0x1082  }
0x22: {  	[simem:s7], [sflag:s8] =	dma.local @!p0 [hbm:s6], $0xF7A  }
0x23: {  	s9 =	sor.u32 $0xD0000000, s2;
	s6 =	simm.s32 $0x108;
	_ =	swait.ge @!p0 [sflag:s8], $0x0  }
0x24: {  	s3 =	sadd.s32 $0x88, s3;
	s6 =	simm.s32 @!p1 $0x1082;
	[sflag:s4] =	ssyncset.s32 $0xFFFFF086  }
0x25: {  	[simem:s6], [sflag:s4] =	dma.local [hbm:s3], $0xF7A  }
0x26: {  	[smem:$0x3F8E] =	sst s1;
	(tag) =	ssettag s2;
	_ =	strace s9  }
0x27: {  	s1 =	sld [smem:$0x3F9E]  }
0x28: {  	s2 =	sld [smem:$0x3F9F]  }
0x29: {  	s4 =	sld [smem:$0x3FA1]  }
0x2a: {  	p0 =	seq.s32 s5, $0x0;
	s5 =	sld [smem:$0x3FA2]  }
0x2b: {  	s6 =	sld [smem:$0x3FA3]  }
0x2c: {  	s7 =	sld [smem:$0x3FA4]  }
0x2d: {  	s3 =	simm.s32 $0x108;
	s8 =	sld [smem:$0x3FA5]  }
0x2e: {  	s3 =	simm.s32 @!p0 $0x1082;
	s9 =	sld [smem:$0x3FA6]  }
0x2f: {  	lr =	sadd.s32 s0, s3;
	s0 =	sld [smem:$0x3F9D]  }
0x30: {  	s3 =	sld [smem:$0x3FA0]  }
0x31: {  	[smem:$0x3FA9] =	sst s10  }
0x32: {  	s10 =	sld [smem:$0x3FA7];
	_ =	sdelay $0x3  }
0x33: {  	p0 =	seq.s32 s10, $0x1;
	s10 =	sld [smem:$0x3FA9];
	_ =	sdelay $0x3  }
0x34: {  	[smem:$0x3FA9] =	sst s10  }
0x35: {  	s10 =	sld [smem:$0x3FA8];
	_ =	sdelay $0x3  }
0x36: {  	p1 =	seq.s32 s10, $0x1;
	s10 =	sld [smem:$0x3FA9];
	_ =	sdelay $0x3  }
0x37: {  	[smem:$0x3FA9] =	sst s10  }
0x38: {  	s10 =	sld [smem:$0x3FAA]  }
0x39: {  	_ = 	snop;
	(pc) =	sbr.ind lr, $3  }
0x3a: {  	_ = 	snop  }
0x3b: {  	_ = 	snop  }
0x3c: {  	p2 =	seq.s32 s10, $0x1;
	s10 =	sld [smem:$0x3FA9]  }
0x3d: {  	_ =	shalt  }
0x3e: {  	_ =	shalt  }
0x3f: {  	_ =	shalt  }
0x40: {  	_ =	shalt  }
0x41: {  	_ =	shalt  }
0x42: {  	_ =	shalt  }
0x43: {  	_ =	shalt  }
0x44: {  	_ =	shalt  }
0x45: {  	_ =	shalt  }
0x46: {  	_ =	shalt  }
0x47: {  	_ =	shalt  }
0x48: {  	_ =	shalt  }
0x49: {  	_ =	shalt  }
0x4a: {  	_ =	shalt  }
0x4b: {  	_ =	shalt  }
0x4c: {  	_ =	shalt  }
0x4d: {  	_ =	shalt  }
0x4e: {  	_ =	shalt  }
0x4f: {  	_ =	shalt  }
0x50: {  	_ =	shalt  }
0x51: {  	_ =	shalt  }
0x52: {  	_ =	shalt  }
0x53: {  	_ =	shalt  }
0x54: {  	_ =	shalt  }
0x55: {  	_ =	shalt  }
0x56: {  	_ =	shalt  }
0x57: {  	_ =	shalt  }
0x58: {  	_ =	shalt  }
0x59: {  	_ =	shalt  }
0x5a: {  	_ =	shalt  }
0x5b: {  	_ =	shalt  }
0x5c: {  	_ =	shalt  }
0x5d: {  	_ =	shalt  }
0x5e: {  	_ =	shalt  }
0x5f: {  	_ =	shalt  }
0x60: {  	_ =	shalt  }
0x61: {  	_ =	shalt  }
0x62: {  	_ =	shalt  }
0x63: {  	_ =	shalt  }
0x64: {  	_ =	shalt  }
0x65: {  	_ =	shalt  }
0x66: {  	_ =	shalt  }
0x67: {  	_ =	shalt  }
0x68: {  	_ =	shalt  }
0x69: {  	_ =	shalt  }
0x6a: {  	_ =	shalt  }
0x6b: {  	_ =	shalt  }
0x6c: {  	_ =	shalt  }
0x6d: {  	_ =	shalt  }
0x6e: {  	_ =	shalt  }
0x6f: {  	_ =	shalt  }
0x70: {  	_ =	shalt  }
0x71: {  	_ =	shalt  }
0x72: {  	_ =	shalt  }
0x73: {  	_ =	shalt  }
0x74: {  	_ =	shalt  }
0x75: {  	_ =	shalt  }
0x76: {  	_ =	shalt  }
0x77: {  	_ =	shalt  }
0x78: {  	_ =	shalt  }
0x79: {  	_ =	shalt  }
0x7a: {  	_ =	shalt  }
0x7b: {  	_ =	shalt  }
0x7c: {  	_ =	shalt  }
0x7d: {  	_ =	shalt  }
0x7e: {  	_ =	shalt  }
0x7f: {  	_ =	shalt  }
0x80: {  	_ =	shalt  }
0x81: {  	_ =	shalt  }
0x82: {  	_ =	shalt  }
0x83: {  	_ =	shalt  }
0x84: {  	_ =	shalt  }
0x85: {  	_ =	shalt  }
0x86: {  	_ =	shalt  }
0x87: {  	_ =	shalt  }
.Lfunc_end0:
.L_simem_size_0:
called_computation.1_lowered:
.L_overlay_start_0:
0x88: {  	s2 =	sld [smem:$0x3FD9]  }
0x89: {  	s3 =	sld [smem:$0x3FFE];
	_ =	sdelay $0x1  }
0x8a: {  	s1 =	srdreg.scid  }
0x8b: {  	s0 =	sand.u32 $0x1, s1  }
0x8c: {  	s16 =	sshll.u32 s0, $0xA;
	s2 =	sadd.s32 s3, s2  }
0x8d: {  	s2 =	sadd.s32 s2, s16  }
0x8e: {  	[smem:$0x3FB5] =	sst s2  }
0x8f: {  	_ = 	snop  }
0x90: {  	(tm) =	ssettm $0x1  }
0x91: {  	s17 =	sld [smem:$0x3FFB];
	_ =	sdelay $0x3  }
0x92: {  	_ =	strace s17  }
0x93: {  	s2 =	sld [smem:$0x3FFC];
	_ =	sdelay $0x3  }
0x94: {  	_ =	strace s2  }
0x95: {  	s2 =	sld [smem:$0x3FFD];
	_ =	sdelay $0x3  }
0x96: {  	_ =	strace s2  }
0x97: {  	_ =	strace $0x8FFFFFFF  }
0x98: {  	s18 =	sld [smem:$0x3FDB];
	_ =	sdelay $0x1  }
0x99: {  	s19 =	simm.s32 $_scs_section_size  }
0x9a: {  	s4 =	simm.s32 $_size__tile_overlayer_lowered;
	s5 =	simm.s32 $_tile_overlayer_lowered  }
0x9b: {  	s22 =	simm.s32 $0x1BFF;
	s21 =	sshll.u32 s5, $0x1;
	s2 =	sadd.s32 s19, s18  }
0x9c: {  	s6 =	simm.s32 $0x0;
	s20 =	sshll.u32 s4, $0x1;
	s4 =	sadd.s32 s21, s2  }
0x9d: {  	[timem:s6], [sflag:s22] =	dma.local [hbm:s4], s20  }
0x9e: {  	_ =	swait.ge [sflag:s22], s20  }
0x9f: {  	s3 =	ssub.s32 $0x0, s20;
	[sflag:s22] =	ssyncset.done $0x0  }
0xa0: {  	[sflag:s22] =	ssyncadd.s32 s3;
	_ =	sdelay $0x1  }
0xa1: {  	s23 =	simm.s32 $0x1B8B  }
0xa2: {  	_ =	swait.ge [sflag:s23], $0x1  }
0xa3: {  	[sflag:s23] =	ssyncset.done $0x0  }
0xa4: {  	s25 =	simm.s32 $0x1B8E;
	s24 =	sld [smem:$0x3FFE];
	[sflag:s23] =	ssyncadd.s32 $0xFFFFFFFF  }
0xa5: {  	s26 =	simm.s32 $execute0_lowered;
	[smem:$0x3FD2] =	sst s25  }
0xa6: {  	s4 =	sshll.u32 s26, $0x1;
	_ =	strace $0x80000049;
	[dreg:$0x1] =	wrdreg $0xFFFFFFFF  }
0xa7: {  	s28 =	simm.s32 $_size_execute0_lowered;
	s2 =	sadd.s32 s2, s4;
	[dreg:$0x0] =	wrdreg $0x0  }
0xa8: {  	s4 =	sshll.u32 s28, $0x1;
	[dreg:$0x2] =	wrdreg s2  }
0xa9: {  	[dreg:$0x3] =	wrdreg s4  }
0xaa: {  	[dreg:$0x4] =	wrdreg $0xC0  }
0xab: {  	_ =	task [dreg:s6], $0x5FFFF  }
0xac: {  	[dreg:$0x1] =	wrdreg $0xFFFFFFFF  }
0xad: {  	[dreg:$0x0] =	wrdreg $0x60  }
0xae: {  	[dreg:$0x2] =	wrdreg s24  }
0xaf: {  	[dreg:$0x3] =	wrdreg $0x140000  }
0xb0: {  	[dreg:$0x4] =	wrdreg $0x9  }
0xb1: {  	_ =	task.clear_ibuf [dreg:s6], $0x5FFFF;
	_ =	strace $0x90000049  }
0xb2: {  	s29 =	simm.s32 $0x9;
	_ =	strace $0x8000004B  }
0xb3: {  	_ =	swait.ge [sflag:s29], $0x1  }
0xb4: {  	[sflag:s29] =	ssyncadd.s32 $0xFFFFFFFF  }
0xb5: {  	_ =	strace $0x9000004B  }
0xb6: {  	_ =	sfence  }
0xb7: {  	s30 =	sld [smem:$0x0];
	_ =	sdelay $0x2  }
0xb8: {  	s31 =	sshll.u32 s1, $0xD;
	s1 =	sshrl.u32 s1, $0x2  }
0xb9: {  	s3 =	sand.u32 $0x4000, s31;
	s1 =	sadd.s32 s1, s30  }
0xba: {  	s0 =	sor.u32 s3, s0;
	s1 =	sshll.u32 s1, $0x11  }
0xbb: {  	s0 =	sor.u32 s1, s0  }
0xbc: {  	s0 =	sadd.s32 $0x8F2B, s0  }
0xbd: {  	[sflag:s0] =	ssyncadd.remote.s32 $0x1  }
0xbe: {  	_ =	sfence.sel $0xFFFF  }
0xbf: {  	[dreg:$0x0] =	wrdreg $0xFFFFFFFF;
	(pc) =	sbr.abs _section_cstart, $3  }
0xc0: {  	[dreg:$0x1] =	wrdreg $0xFFFFFFFF  }
0xc1: {  	_ =	task.clear_ibuf [dreg:s6], $0x2FFFF;
	_ =	strace $0x9FFFFFFF  }
0xc2: {  	(tm) =	ssettm $0x7FFFFFFF  }
0xc3: {  	_ =	shalt  }
tec
execute0_lowered:
.L_overlay_start_1:
0x0: {  	(tag) =	ssettag $0x1  }
0x1: {  	s0 =	rddreg [dreg:$0x0]  }
0x2: {  	s2 =	rddreg [dreg:$0x1]  }
0x3: {  	s3 =	stileid.u32;
	s4 =	srdreg.scid  }
0x4: {  	s5 =	simm.s32 $0x0;
	s15 =	simm.s32 $0x80;
	s16 =	simm.s32 $0xA000  }
0x5: {  	s17 =	simm.s32 $0xC000;
	s19 =	simm.s32 $0xE000;
	s21 =	simm.s32 $0x10000  }
0x6: {  	s23 =	simm.s32 $0x12000;
	s24 =	simm.s32 $0x1;
	s25 =	simm.s32 $0x2  }
0x7: {  	s28 =	simm.s32 $0x4;
	s29 =	simm.s32 $0x5;
	s30 =	simm.s32 $0x6  }
0x8: {  	s31 =	simm.s32 $0x7;
	s14 =	simm.s32 $0xA;
	s1 =	smul.u32 $0xA00, s3  }
0x9: {  	s22 =	simm.s32 $0x0;
	s10 =	sand.u32 $0x1, s4;
	s7 =	smul.u32 $0xA000, s3  }
0xa: {  	[smem:$0x7FF] =	sst s5;
	s4 =	sadd.s32 $0x5E800, s0;
	s5 =	sadd.s32 $0x4A800, s0  }
0xb: {  	s11 =	sshll.u32 s3, $0x6;
	s6 =	smul.u32 $0xA0000, s10;
	_ =	strace $0x8000004A  }
0xc: {  	s9 =	ssub.s32 $0x2, s10;
	p0 =	seq.s32 s10, $0x1;
	s1 =	sadd.s32 s1, s0  }
0xd: {  	s26 =	sshrl.u32 s9, $0x1;
	s13 =	sadd.s32 s7, s2;
	s8 =	sadd.s32 s7, s6  }
.Ltmp0:
0xe: {  	s6 =	sadd.s32 $0xE200, s0;
	s12 =	ssub.s32 s9, s26;
	(pc) =	sbr.rel .LBB2_1-.Ltmp0, $4  }
0xf: {  	s7 =	sor.u32 $0x1C0B, s11;
	s9 =	sadd.s32 $0x4200, s1;
	s26 =	simm.s32 $0x3  }
0x10: {  	s8 =	sshrl.u32 s8, $0x3;
	s11 =	smax.u32 s12, $0x1;
	s12 =	sshrl.u32 s13, $0x3  }
0x11: {  	s13 =	simm.s32 $0xB;
	s0 =	sadd.s32 s8, s0;
	s8 =	sadd.s32 $0x18800, s1  }
0x12: {  	s1 =	simm.s32 $0x9;
	s10 =	sadd.s32 $0x72800, s0;
	s0 =	simm.s32 $0x8  }
.LBB2_7:
0x13: {  	[tilespmem:s23], [sflag:$0x5] =	stream.indirect.gather [hbm4b:s5+s15], $0x40, s20, s15, $0xb8;
	[tilespmem:$0x1E000] =	vst v63  }
.LBB2_8:
0x14: {  	_ =	swait.ge [sflag:s24], $0x2000  }
0x15: {  	[sflag:s24] =	ssyncset.done $0x0  }
0x16: {  	s3 =	simm.s32 $0x9D80;
	[sflag:s24] =	ssyncadd.s32 $0xFFFFE000  }
0x17: {  	[spmem:s2] =	stream.indirect.scatter.add.f32 [tilespmem:s16], [sflag:$0x6], $0x40, s3, s15, $0xb8;
	[tilespmem:$0x1E000] =	vst v63  }
0x18: {  	_ =	swait.ge [sflag:s25], $0x2000  }
0x19: {  	[sflag:s25] =	ssyncset.done $0x0  }
0x1a: {  	s18 =	simm.s32 $0x9E00;
	[sflag:s25] =	ssyncadd.s32 $0xFFFFE000  }
0x1b: {  	[spmem:s2] =	stream.indirect.scatter.add.f32 [tilespmem:s17], [sflag:$0x7], $0x40, s18, s15, $0xb8;
	[tilespmem:$0x1E000] =	vst v63  }
0x1c: {  	_ =	swait.ge [sflag:s26], $0x2000  }
0x1d: {  	[sflag:s26] =	ssyncset.done $0x0  }
0x1e: {  	s20 =	simm.s32 $0x9E80;
	[sflag:s26] =	ssyncadd.s32 $0xFFFFE000  }
0x1f: {  	[spmem:s2] =	stream.indirect.scatter.add.f32 [tilespmem:s19], [sflag:$0x8], $0x40, s20, s15, $0xb8;
	[tilespmem:$0x1E000] =	vst v63  }
0x20: {  	_ =	swait.ge [sflag:s28], $0x2000  }
0x21: {  	[sflag:s28] =	ssyncset.done $0x0  }
0x22: {  	s18 =	simm.s32 $0x9F00;
	[sflag:s28] =	ssyncadd.s32 $0xFFFFE000  }
0x23: {  	[spmem:s2] =	stream.indirect.scatter.add.f32 [tilespmem:s21], [sflag:$0x9], $0x40, s18, s15, $0xb8;
	[tilespmem:$0x1E000] =	vst v63  }
0x24: {  	_ =	swait.ge [sflag:s29], $0x2000  }
0x25: {  	[sflag:s29] =	ssyncset.done $0x0  }
0x26: {  	s20 =	simm.s32 $0x9F80;
	[sflag:s29] =	ssyncadd.s32 $0xFFFFE000  }
0x27: {  	[spmem:s2] =	stream.indirect.scatter.add.f32 [tilespmem:s23], [sflag:$0xA], $0x40, s20, s15, $0xb8;
	[tilespmem:$0x1E000] =	vst v63  }
0x28: {  	_ =	swait.ge [sflag:s30], $0x2000  }
0x29: {  	[sflag:s30] =	ssyncset.done $0x0  }
0x2a: {  	[sflag:s30] =	ssyncadd.s32 $0xFFFFE000  }
0x2b: {  	_ =	swait.ge [sflag:s31], $0x2000  }
0x2c: {  	[sflag:s31] =	ssyncset.done $0x0  }
0x2d: {  	[sflag:s31] =	ssyncadd.s32 $0xFFFFE000  }
0x2e: {  	_ =	swait.ge [sflag:s0], $0x2000  }
0x2f: {  	[sflag:s0] =	ssyncset.done $0x0  }
0x30: {  	[sflag:s0] =	ssyncadd.s32 $0xFFFFE000  }
0x31: {  	_ =	swait.ge [sflag:s1], $0x2000  }
0x32: {  	[sflag:s1] =	ssyncset.done $0x0  }
0x33: {  	[sflag:s1] =	ssyncadd.s32 $0xFFFFE000  }
0x34: {  	_ =	swait.ge [sflag:s14], $0x2000  }
0x35: {  	s22 =	sadd.s32 $0x1, s22;
	[sflag:s14] =	ssyncset.done $0x0  }
0x36: {  	p1 =	sne.s32 s22, s11;
	[sflag:s14] =	ssyncadd.s32 $0xFFFFE000  }
.Ltmp1:
0x37: {  	[bflag:$0x0] =	sbarrier.arrive $0xFFFF;
	(pc) =	sbr.rel @!p1 .LBB2_9-.Ltmp1, $4  }
0x38: {  	[hbm:s10], [sflag:s7] =	dma.local [spmem:s12], $0x1400  }
0x39: {  	_ =	swait.ge [sflag:s13], $0x1400  }
0x3a: {  	[sflag:s13] =	ssyncset.done $0x0  }
0x3b: {  	[sflag:s13] =	ssyncadd.s32 $0xFFFFEC00  }
.LBB2_1:
0x3c: {  	[spmem:s12], [sflag:s7] =	dma.local [hbm:s6], $0x1400  }
0x3d: {  	_ =	swait.ge [sflag:s13], $0x1400  }
0x3e: {  	[sflag:s13] =	ssyncset.done $0x0  }
0x3f: {  	s3 =	simm.s32 $0x0;
	[sflag:s13] =	ssyncadd.s32 $0xFFFFEC00  }
0x40: {  	[tilespmem:s3], [sflag:$0xB] =	stream.linear.gather [hbm4b:s8+s3], $0x5000, $0x38;
	[tilespmem:$0x1E000] =	vst v63  }
0x41: {  	_ =	swait.ge [sflag:s13], $0x5000  }
0x42: {  	[sflag:s13] =	ssyncset.done $0x0  }
0x43: {  	s18 =	simm.s32 $0x5000;
	[sflag:s13] =	ssyncadd.s32 $0xFFFFB000  }
0x44: {  	[tilespmem:s18], [sflag:$0xB] =	stream.linear.gather [hbm4b:s9+s3], $0x5000, $0x38;
	[tilespmem:$0x1E000] =	vst v63  }
.Ltmp2:
0x45: {  	_ =	swait.ge [sflag:s13], $0x5000;
	(pc) =	sbr.rel @!p0 .LBB2_2-.Ltmp2, $3  }
0x46: {  	[sflag:s13] =	ssyncset.done $0x0  }
0x47: {  	[sflag:s13] =	ssyncadd.s32 $0xFFFFB000  }
0x48: {  	[bflag:$0x0] =	sbarrier.arrive $0xFFFF;
	_ =	sdelay $0x1  }
0x49: {  	s3 =	simm.s32 $0x0  }
0x4a: {  	[tilespmem:s16], [sflag:$0x1] =	stream.indirect.gather [hbm4b:s5+s15], $0x40, s3, s15, $0xb8;
	[tilespmem:$0x1E000] =	vst v63  }
0x4b: {  	_ = 	snop  }
0x4c: {  	[tilespmem:s17], [sflag:$0x2] =	stream.indirect.gather [hbm4b:s5+s15], $0x40, s15, s15, $0xb8;
	[tilespmem:$0x1E000] =	vst v63  }
0x4d: {  	s18 =	simm.s32 $0x100  }
0x4e: {  	[tilespmem:s19], [sflag:$0x3] =	stream.indirect.gather [hbm4b:s5+s15], $0x40, s18, s15, $0xb8;
	[tilespmem:$0x1E000] =	vst v63  }
0x4f: {  	s20 =	simm.s32 $0x180  }
0x50: {  	[tilespmem:s21], [sflag:$0x4] =	stream.indirect.gather [hbm4b:s5+s15], $0x40, s20, s15, $0xb8;
	[tilespmem:$0x1E000] =	vst v63  }
0x51: {  	s18 =	simm.s32 $0x200  }
0x52: {  	[tilespmem:s23], [sflag:$0x5] =	stream.indirect.gather [hbm4b:s5+s15], $0x40, s18, s15, $0xb8;
	[tilespmem:$0x1E000] =	vst v63  }
0x53: {  	_ =	swait.ge [sflag:s24], $0x2000  }
0x54: {  	[sflag:s24] =	ssyncset.done $0x0  }
0x55: {  	s20 =	simm.s32 $0x5000;
	[sflag:s24] =	ssyncadd.s32 $0xFFFFE000  }
0x56: {  	[spmem:s2] =	stream.indirect.scatter.add.f32 [tilespmem:s16], [sflag:$0x6], $0x40, s20, s15, $0xb8;
	[tilespmem:$0x1E000] =	vst v63  }
0x57: {  	_ =	swait.ge [sflag:s25], $0x2000  }
0x58: {  	[sflag:s25] =	ssyncset.done $0x0  }
0x59: {  	s18 =	simm.s32 $0x5080;
	[sflag:s25] =	ssyncadd.s32 $0xFFFFE000  }
0x5a: {  	[spmem:s2] =	stream.indirect.scatter.add.f32 [tilespmem:s17], [sflag:$0x7], $0x40, s18, s15, $0xb8;
	[tilespmem:$0x1E000] =	vst v63  }
0x5b: {  	_ =	swait.ge [sflag:s26], $0x2000  }
0x5c: {  	[sflag:s26] =	ssyncset.done $0x0  }
0x5d: {  	s20 =	simm.s32 $0x5100;
	[sflag:s26] =	ssyncadd.s32 $0xFFFFE000  }
0x5e: {  	[spmem:s2] =	stream.indirect.scatter.add.f32 [tilespmem:s19], [sflag:$0x8], $0x40, s20, s15, $0xb8;
	[tilespmem:$0x1E000] =	vst v63  }
0x5f: {  	_ =	swait.ge [sflag:s28], $0x2000  }
0x60: {  	[sflag:s28] =	ssyncset.done $0x0  }
0x61: {  	s18 =	simm.s32 $0x5180;
	[sflag:s28] =	ssyncadd.s32 $0xFFFFE000  }
0x62: {  	[spmem:s2] =	stream.indirect.scatter.add.f32 [tilespmem:s21], [sflag:$0x9], $0x40, s18, s15, $0xb8;
	[tilespmem:$0x1E000] =	vst v63  }
0x63: {  	_ =	swait.ge [sflag:s29], $0x2000  }
0x64: {  	[sflag:s29] =	ssyncset.done $0x0  }
0x65: {  	s20 =	simm.s32 $0x5200;
	[sflag:s29] =	ssyncadd.s32 $0xFFFFE000  }
0x66: {  	[spmem:s2] =	stream.indirect.scatter.add.f32 [tilespmem:s23], [sflag:$0xA], $0x40, s20, s15, $0xb8;
	[tilespmem:$0x1E000] =	vst v63  }
0x67: {  	_ =	swait.ge [sflag:s30], $0x2000  }
0x68: {  	[sflag:s30] =	ssyncset.done $0x0  }
0x69: {  	s18 =	simm.s32 $0x280;
	[sflag:s30] =	ssyncadd.s32 $0xFFFFE000  }
0x6a: {  	[tilespmem:s16], [sflag:$0x1] =	stream.indirect.gather [hbm4b:s5+s15], $0x40, s18, s15, $0xb8;
	[tilespmem:$0x1E000] =	vst v63  }
0x6b: {  	_ =	swait.ge [sflag:s31], $0x2000  }
0x6c: {  	[sflag:s31] =	ssyncset.done $0x0  }
0x6d: {  	s20 =	simm.s32 $0x300;
	[sflag:s31] =	ssyncadd.s32 $0xFFFFE000  }
0x6e: {  	[tilespmem:s17], [sflag:$0x2] =	stream.indirect.gather [hbm4b:s5+s15], $0x40, s20, s15, $0xb8;
	[tilespmem:$0x1E000] =	vst v63  }
0x6f: {  	_ =	swait.ge [sflag:s0], $0x2000  }
0x70: {  	[sflag:s0] =	ssyncset.done $0x0  }
0x71: {  	s18 =	simm.s32 $0x380;
	[sflag:s0] =	ssyncadd.s32 $0xFFFFE000  }
0x72: {  	[tilespmem:s19], [sflag:$0x3] =	stream.indirect.gather [hbm4b:s5+s15], $0x40, s18, s15, $0xb8;
	[tilespmem:$0x1E000] =	vst v63  }
0x73: {  	_ =	swait.ge [sflag:s1], $0x2000  }
0x74: {  	[sflag:s1] =	ssyncset.done $0x0  }
0x75: {  	s20 =	simm.s32 $0x400;
	[sflag:s1] =	ssyncadd.s32 $0xFFFFE000  }
0x76: {  	[tilespmem:s21], [sflag:$0x4] =	stream.indirect.gather [hbm4b:s5+s15], $0x40, s20, s15, $0xb8;
	[tilespmem:$0x1E000] =	vst v63  }
0x77: {  	_ =	swait.ge [sflag:s14], $0x2000  }
0x78: {  	[sflag:s14] =	ssyncset.done $0x0  }
0x79: {  	s18 =	simm.s32 $0xA00;
	s20 =	simm.s32 $0x480;
	[sflag:s14] =	ssyncadd.s32 $0xFFFFE000  }
.LBB2_6:
0x7a: {  	[tilespmem:s23], [sflag:$0x5] =	stream.indirect.gather [hbm4b:s5+s15], $0x40, s20, s15, $0xb8;
	[tilespmem:$0x1E000] =	vst v63  }
0x7b: {  	s3 =	smov.u32 s18  }
0x7c: {  	p1 =	sne.s32 s18, $0x12C00;
	s18 =	sadd.s32 $0xA00, s18;
	_ =	swait.ge [sflag:s24], $0x2000  }
0x7d: {  	s20 =	sshra.s32 s3, $0x2;
	[sflag:s24] =	ssyncset.done $0x0  }
0x7e: {  	s3 =	sadd.s32 $0x5000, s20;
	[sflag:s24] =	ssyncadd.s32 $0xFFFFE000  }
0x7f: {  	[spmem:s2] =	stream.indirect.scatter.add.f32 [tilespmem:s16], [sflag:$0x6], $0x40, s3, s15, $0xb8;
	[tilespmem:$0x1E000] =	vst v63  }
0x80: {  	_ =	swait.ge [sflag:s25], $0x2000  }
0x81: {  	[sflag:s25] =	ssyncset.done $0x0  }
0x82: {  	s3 =	sadd.s32 $0x5080, s20;
	[sflag:s25] =	ssyncadd.s32 $0xFFFFE000  }
0x83: {  	[spmem:s2] =	stream.indirect.scatter.add.f32 [tilespmem:s17], [sflag:$0x7], $0x40, s3, s15, $0xb8;
	[tilespmem:$0x1E000] =	vst v63  }
0x84: {  	_ =	swait.ge [sflag:s26], $0x2000  }
0x85: {  	[sflag:s26] =	ssyncset.done $0x0  }
0x86: {  	s3 =	sadd.s32 $0x5100, s20;
	[sflag:s26] =	ssyncadd.s32 $0xFFFFE000  }
0x87: {  	[spmem:s2] =	stream.indirect.scatter.add.f32 [tilespmem:s19], [sflag:$0x8], $0x40, s3, s15, $0xb8;
	[tilespmem:$0x1E000] =	vst v63  }
0x88: {  	_ =	swait.ge [sflag:s28], $0x2000  }
0x89: {  	[sflag:s28] =	ssyncset.done $0x0  }
0x8a: {  	s3 =	sadd.s32 $0x5180, s20;
	[sflag:s28] =	ssyncadd.s32 $0xFFFFE000  }
0x8b: {  	[spmem:s2] =	stream.indirect.scatter.add.f32 [tilespmem:s21], [sflag:$0x9], $0x40, s3, s15, $0xb8;
	[tilespmem:$0x1E000] =	vst v63  }
0x8c: {  	_ =	swait.ge [sflag:s29], $0x2000  }
0x8d: {  	[sflag:s29] =	ssyncset.done $0x0  }
0x8e: {  	s3 =	sadd.s32 $0x5200, s20;
	[sflag:s29] =	ssyncadd.s32 $0xFFFFE000  }
0x8f: {  	[spmem:s2] =	stream.indirect.scatter.add.f32 [tilespmem:s23], [sflag:$0xA], $0x40, s3, s15, $0xb8;
	[tilespmem:$0x1E000] =	vst v63  }
0x90: {  	_ =	swait.ge [sflag:s30], $0x2000  }
0x91: {  	[sflag:s30] =	ssyncset.done $0x0  }
0x92: {  	s3 =	sadd.s32 $0x280, s20;
	[sflag:s30] =	ssyncadd.s32 $0xFFFFE000  }
0x93: {  	[tilespmem:s16], [sflag:$0x1] =	stream.indirect.gather [hbm4b:s5+s15], $0x40, s3, s15, $0xb8;
	[tilespmem:$0x1E000] =	vst v63  }
0x94: {  	_ =	swait.ge [sflag:s31], $0x2000  }
0x95: {  	[sflag:s31] =	ssyncset.done $0x0  }
0x96: {  	s3 =	sadd.s32 $0x300, s20;
	[sflag:s31] =	ssyncadd.s32 $0xFFFFE000  }
0x97: {  	[tilespmem:s17], [sflag:$0x2] =	stream.indirect.gather [hbm4b:s5+s15], $0x40, s3, s15, $0xb8;
	[tilespmem:$0x1E000] =	vst v63  }
0x98: {  	_ =	swait.ge [sflag:s0], $0x2000  }
0x99: {  	[sflag:s0] =	ssyncset.done $0x0  }
0x9a: {  	s3 =	sadd.s32 $0x380, s20;
	[sflag:s0] =	ssyncadd.s32 $0xFFFFE000  }
0x9b: {  	[tilespmem:s19], [sflag:$0x3] =	stream.indirect.gather [hbm4b:s5+s15], $0x40, s3, s15, $0xb8;
	[tilespmem:$0x1E000] =	vst v63  }
0x9c: {  	_ =	swait.ge [sflag:s1], $0x2000  }
0x9d: {  	[sflag:s1] =	ssyncset.done $0x0  }
.Ltmp3:
0x9e: {  	s3 =	sadd.s32 $0x400, s20;
	[sflag:s1] =	ssyncadd.s32 $0xFFFFE000;
	(pc) =	sbr.rel @p1 .LBB2_6-.Ltmp3, $4  }
0x9f: {  	[tilespmem:s21], [sflag:$0x4] =	stream.indirect.gather [hbm4b:s5+s15], $0x40, s3, s15, $0xb8;
	[tilespmem:$0x1E000] =	vst v63  }
0xa0: {  	_ =	swait.ge [sflag:s14], $0x2000  }
0xa1: {  	[sflag:s14] =	ssyncset.done $0x0  }
0xa2: {  	s20 =	sadd.s32 $0x480, s20;
	[sflag:s14] =	ssyncadd.s32 $0xFFFFE000  }
.Ltmp4:
0xa3: {  	_ = 	snop;
	(pc) =	sbr.rel .LBB2_7-.Ltmp4, $1  }
0xa4: {  	_ =	sdelay $0x3  }
.LBB2_2:
0xa5: {  	s18 =	simm.s32 $0x0  }
0xa6: {  	[tilespmem:s16], [sflag:$0x1] =	stream.indirect.gather [hbm4b:s4+s15], $0x40, s18, s15, $0xb8;
	[tilespmem:$0x1E000] =	vst v63  }
0xa7: {  	_ = 	snop  }
0xa8: {  	[tilespmem:s17], [sflag:$0x2] =	stream.indirect.gather [hbm4b:s4+s15], $0x40, s15, s15, $0xb8;
	[tilespmem:$0x1E000] =	vst v63  }
0xa9: {  	s3 =	simm.s32 $0x100  }
0xaa: {  	[tilespmem:s19], [sflag:$0x3] =	stream.indirect.gather [hbm4b:s4+s15], $0x40, s3, s15, $0xb8;
	[tilespmem:$0x1E000] =	vst v63  }
0xab: {  	s20 =	simm.s32 $0x180  }
0xac: {  	[tilespmem:s21], [sflag:$0x4] =	stream.indirect.gather [hbm4b:s4+s15], $0x40, s20, s15, $0xb8;
	[tilespmem:$0x1E000] =	vst v63  }
0xad: {  	s18 =	simm.s32 $0x200  }
0xae: {  	[tilespmem:s23], [sflag:$0x5] =	stream.indirect.gather [hbm4b:s4+s15], $0x40, s18, s15, $0xb8;
	[tilespmem:$0x1E000] =	vst v63  }
0xaf: {  	_ =	swait.ge [sflag:s24], $0x2000  }
0xb0: {  	[sflag:s24] =	ssyncset.done $0x0  }
0xb1: {  	s20 =	simm.s32 $0x5000;
	[sflag:s24] =	ssyncadd.s32 $0xFFFFE000  }
0xb2: {  	[spmem:s2] =	stream.indirect.scatter.add.f32 [tilespmem:s16], [sflag:$0x6], $0x40, s20, s15, $0xb8;
	[tilespmem:$0x1E000] =	vst v63  }
0xb3: {  	_ =	swait.ge [sflag:s25], $0x2000  }
0xb4: {  	[sflag:s25] =	ssyncset.done $0x0  }
0xb5: {  	s3 =	simm.s32 $0x5080;
	[sflag:s25] =	ssyncadd.s32 $0xFFFFE000  }
0xb6: {  	[spmem:s2] =	stream.indirect.scatter.add.f32 [tilespmem:s17], [sflag:$0x7], $0x40, s3, s15, $0xb8;
	[tilespmem:$0x1E000] =	vst v63  }
0xb7: {  	_ =	swait.ge [sflag:s26], $0x2000  }
0xb8: {  	[sflag:s26] =	ssyncset.done $0x0  }
0xb9: {  	s20 =	simm.s32 $0x5100;
	[sflag:s26] =	ssyncadd.s32 $0xFFFFE000  }
0xba: {  	[spmem:s2] =	stream.indirect.scatter.add.f32 [tilespmem:s19], [sflag:$0x8], $0x40, s20, s15, $0xb8;
	[tilespmem:$0x1E000] =	vst v63  }
0xbb: {  	_ =	swait.ge [sflag:s28], $0x2000  }
0xbc: {  	[sflag:s28] =	ssyncset.done $0x0  }
0xbd: {  	s3 =	simm.s32 $0x5180;
	[sflag:s28] =	ssyncadd.s32 $0xFFFFE000  }
0xbe: {  	[spmem:s2] =	stream.indirect.scatter.add.f32 [tilespmem:s21], [sflag:$0x9], $0x40, s3, s15, $0xb8;
	[tilespmem:$0x1E000] =	vst v63  }
0xbf: {  	_ =	swait.ge [sflag:s29], $0x2000  }
0xc0: {  	[sflag:s29] =	ssyncset.done $0x0  }
0xc1: {  	s20 =	simm.s32 $0x5200;
	[sflag:s29] =	ssyncadd.s32 $0xFFFFE000  }
0xc2: {  	[spmem:s2] =	stream.indirect.scatter.add.f32 [tilespmem:s23], [sflag:$0xA], $0x40, s20, s15, $0xb8;
	[tilespmem:$0x1E000] =	vst v63  }
0xc3: {  	_ =	swait.ge [sflag:s30], $0x2000  }
0xc4: {  	[sflag:s30] =	ssyncset.done $0x0  }
0xc5: {  	s3 =	simm.s32 $0x280;
	[sflag:s30] =	ssyncadd.s32 $0xFFFFE000  }
0xc6: {  	[tilespmem:s16], [sflag:$0x1] =	stream.indirect.gather [hbm4b:s4+s15], $0x40, s3, s15, $0xb8;
	[tilespmem:$0x1E000] =	vst v63  }
0xc7: {  	_ =	swait.ge [sflag:s31], $0x2000  }
0xc8: {  	[sflag:s31] =	ssyncset.done $0x0  }
0xc9: {  	s20 =	simm.s32 $0x300;
	[sflag:s31] =	ssyncadd.s32 $0xFFFFE000  }
0xca: {  	[tilespmem:s17], [sflag:$0x2] =	stream.indirect.gather [hbm4b:s4+s15], $0x40, s20, s15, $0xb8;
	[tilespmem:$0x1E000] =	vst v63  }
0xcb: {  	_ =	swait.ge [sflag:s0], $0x2000  }
0xcc: {  	[sflag:s0] =	ssyncset.done $0x0  }
0xcd: {  	s3 =	simm.s32 $0x380;
	[sflag:s0] =	ssyncadd.s32 $0xFFFFE000  }
0xce: {  	[tilespmem:s19], [sflag:$0x3] =	stream.indirect.gather [hbm4b:s4+s15], $0x40, s3, s15, $0xb8;
	[tilespmem:$0x1E000] =	vst v63  }
0xcf: {  	_ =	swait.ge [sflag:s1], $0x2000  }
0xd0: {  	[sflag:s1] =	ssyncset.done $0x0  }
0xd1: {  	s20 =	simm.s32 $0x400;
	[sflag:s1] =	ssyncadd.s32 $0xFFFFE000  }
0xd2: {  	[tilespmem:s21], [sflag:$0x4] =	stream.indirect.gather [hbm4b:s4+s15], $0x40, s20, s15, $0xb8;
	[tilespmem:$0x1E000] =	vst v63  }
0xd3: {  	_ =	swait.ge [sflag:s14], $0x2000  }
0xd4: {  	[sflag:s14] =	ssyncset.done $0x0  }
0xd5: {  	s18 =	simm.s32 $0xA00;
	s20 =	simm.s32 $0x480;
	[sflag:s14] =	ssyncadd.s32 $0xFFFFE000  }
.LBB2_3:
0xd6: {  	[tilespmem:s23], [sflag:$0x5] =	stream.indirect.gather [hbm4b:s4+s15], $0x40, s20, s15, $0xb8;
	[tilespmem:$0x1E000] =	vst v63  }
0xd7: {  	s20 =	smov.u32 s18  }
0xd8: {  	p1 =	seq.s32 s18, $0x12C00;
	s18 =	sadd.s32 $0xA00, s18;
	_ =	swait.ge [sflag:s24], $0x2000  }
0xd9: {  	s20 =	sshra.s32 s20, $0x2;
	[sflag:s24] =	ssyncset.done $0x0  }
0xda: {  	s3 =	sadd.s32 $0x5000, s20;
	[sflag:s24] =	ssyncadd.s32 $0xFFFFE000  }
0xdb: {  	[spmem:s2] =	stream.indirect.scatter.add.f32 [tilespmem:s16], [sflag:$0x6], $0x40, s3, s15, $0xb8;
	[tilespmem:$0x1E000] =	vst v63  }
0xdc: {  	_ =	swait.ge [sflag:s25], $0x2000  }
0xdd: {  	[sflag:s25] =	ssyncset.done $0x0  }
0xde: {  	s3 =	sadd.s32 $0x5080, s20;
	[sflag:s25] =	ssyncadd.s32 $0xFFFFE000  }
0xdf: {  	[spmem:s2] =	stream.indirect.scatter.add.f32 [tilespmem:s17], [sflag:$0x7], $0x40, s3, s15, $0xb8;
	[tilespmem:$0x1E000] =	vst v63  }
0xe0: {  	_ =	swait.ge [sflag:s26], $0x2000  }
0xe1: {  	[sflag:s26] =	ssyncset.done $0x0  }
0xe2: {  	s3 =	sadd.s32 $0x5100, s20;
	[sflag:s26] =	ssyncadd.s32 $0xFFFFE000  }
0xe3: {  	[spmem:s2] =	stream.indirect.scatter.add.f32 [tilespmem:s19], [sflag:$0x8], $0x40, s3, s15, $0xb8;
	[tilespmem:$0x1E000] =	vst v63  }
0xe4: {  	_ =	swait.ge [sflag:s28], $0x2000  }
0xe5: {  	[sflag:s28] =	ssyncset.done $0x0  }
0xe6: {  	s3 =	sadd.s32 $0x5180, s20;
	[sflag:s28] =	ssyncadd.s32 $0xFFFFE000  }
0xe7: {  	[spmem:s2] =	stream.indirect.scatter.add.f32 [tilespmem:s21], [sflag:$0x9], $0x40, s3, s15, $0xb8;
	[tilespmem:$0x1E000] =	vst v63  }
0xe8: {  	_ =	swait.ge [sflag:s29], $0x2000  }
0xe9: {  	[sflag:s29] =	ssyncset.done $0x0  }
0xea: {  	s3 =	sadd.s32 $0x5200, s20;
	[sflag:s29] =	ssyncadd.s32 $0xFFFFE000  }
0xeb: {  	[spmem:s2] =	stream.indirect.scatter.add.f32 [tilespmem:s23], [sflag:$0xA], $0x40, s3, s15, $0xb8;
	[tilespmem:$0x1E000] =	vst v63  }
0xec: {  	_ =	swait.ge [sflag:s30], $0x2000  }
0xed: {  	[sflag:s30] =	ssyncset.done $0x0  }
0xee: {  	s3 =	sadd.s32 $0x280, s20;
	[sflag:s30] =	ssyncadd.s32 $0xFFFFE000  }
0xef: {  	[tilespmem:s16], [sflag:$0x1] =	stream.indirect.gather [hbm4b:s4+s15], $0x40, s3, s15, $0xb8;
	[tilespmem:$0x1E000] =	vst v63  }
0xf0: {  	_ =	swait.ge [sflag:s31], $0x2000  }
0xf1: {  	[sflag:s31] =	ssyncset.done $0x0  }
0xf2: {  	s3 =	sadd.s32 $0x300, s20;
	[sflag:s31] =	ssyncadd.s32 $0xFFFFE000  }
0xf3: {  	[tilespmem:s17], [sflag:$0x2] =	stream.indirect.gather [hbm4b:s4+s15], $0x40, s3, s15, $0xb8;
	[tilespmem:$0x1E000] =	vst v63  }
0xf4: {  	_ =	swait.ge [sflag:s0], $0x2000  }
0xf5: {  	[sflag:s0] =	ssyncset.done $0x0  }
0xf6: {  	s3 =	sadd.s32 $0x380, s20;
	[sflag:s0] =	ssyncadd.s32 $0xFFFFE000  }
0xf7: {  	[tilespmem:s19], [sflag:$0x3] =	stream.indirect.gather [hbm4b:s4+s15], $0x40, s3, s15, $0xb8;
	[tilespmem:$0x1E000] =	vst v63  }
0xf8: {  	_ =	swait.ge [sflag:s1], $0x2000  }
0xf9: {  	[sflag:s1] =	ssyncset.done $0x0  }
.Ltmp5:
0xfa: {  	s3 =	sadd.s32 $0x400, s20;
	[sflag:s1] =	ssyncadd.s32 $0xFFFFE000;
	(pc) =	sbr.rel @!p1 .LBB2_3-.Ltmp5, $4  }
0xfb: {  	[tilespmem:s21], [sflag:$0x4] =	stream.indirect.gather [hbm4b:s4+s15], $0x40, s3, s15, $0xb8;
	[tilespmem:$0x1E000] =	vst v63  }
0xfc: {  	_ =	swait.ge [sflag:s14], $0x2000  }
0xfd: {  	[sflag:s14] =	ssyncset.done $0x0  }
0xfe: {  	s20 =	sadd.s32 $0x480, s20;
	[sflag:s14] =	ssyncadd.s32 $0xFFFFE000  }
.Ltmp6:
0xff: {  	(pc) =	sbr.rel .LBB2_8-.Ltmp6, $2  }
0x100: {  	_ =	sdelay $0x2  }
0x101: {  	[tilespmem:s23], [sflag:$0x5] =	stream.indirect.gather [hbm4b:s4+s15], $0x40, s20, s15, $0xb8;
	[tilespmem:$0x1E000] =	vst v63  }
.LBB2_9:
0x102: {  	_ =	sfence.sel $0x180000  }
0x103: {  	[bflag:$0x0] =	sbarrier.arrive $0xFFFF  }
0x104: {  	_ =	strace $0x9000004A  }
0x105: {  	s0 =	stileid.u32;
	[bflag:$0x2] =	sbarrier.arrive $0xFFFF  }
0x106: {  	p0 =	sne.s32 s0, $0x0;
	s0 =	rddreg [dreg:$0x2]  }
0x107: {  	s0 =	sadd.s32 @!p0 $0x100000, s0  }
0x108: {  	[sflag:s0] =	ssyncadd.tile.s32 @!p0 $0x1;
	_ =	shalt  }
.Lfunc_end2:
_tile_overlayer_lowered:
.L_overlay_start_2:
0x109: {  	(tag) =	ssettag $0x2  }
0x10a: {  	s0 =	rddreg [dreg:$0x0];
	s2 =	stileid.u32  }
0x10b: {  	s1 =	rddreg [dreg:$0x1];
	p0 =	sne.s32 s2, $0x0  }
0x10c: {  	s3 =	rddreg [dreg:$0x2];
	[bflag:$0x3] =	sbarrier.arrive $0xFFFF;
	s2 =	simm.s32 @!p0 $0x1C0B  }
0x10d: {  	[timem:s3], [sflag:s2] =	dma.local @!p0 [hbm:s0], s1  }
0x10e: {  	s0 =	simm.s32 @!p0 $0xB  }
0x10f: {  	_ =	swait.ge @!p0 [sflag:s0], s1  }
0x110: {  	s1 =	ssub.s32 @!p0 $0x0, s1;
	[sflag:s0] =	ssyncset.done @!p0 $0x0  }
0x111: {  	[sflag:s0] =	ssyncadd.s32 @!p0 s1  }
0x112: {  	[bflag:$0x3] =	sbarrier.arrive $0xFFFF  }
0x113: {  	_ =	shalt  }

// kernel: _impl.16.cloned.1.call-start
scs
__scs_entry_jumppad:
0x0: {  	(pc) =	sbr.rel $0x88, $3  }
0x1: {  	(tag) =	ssettag $0x0;
	lr =	simm.s32 $0x1  }
0x2: {  	[smem:$0x3F8E] =	sst lr;
	_ =	strace $0xD0000000  }
0x3: {  	_ = 	snop  }
0x4: {  	_ = 	snop  }
0x5: {  	_ = 	snop  }
0x6: {  	_ = 	snop  }
0x7: {  	_ = 	snop  }
__scs_overlays_trampoline_lowered:
0x8: {  	[smem:$0x3F9D] =	sst s0  }
0x9: {  	[smem:$0x3F9E] =	sst s1  }
0xa: {  	[smem:$0x3F9F] =	sst s2  }
0xb: {  	[smem:$0x3FA0] =	sst s3  }
0xc: {  	[smem:$0x3FA1] =	sst s4  }
0xd: {  	[smem:$0x3FA2] =	sst s5  }
0xe: {  	[smem:$0x3FA3] =	sst s6  }
0xf: {  	[smem:$0x3FA4] =	sst s7  }
0x10: {  	[smem:$0x3FA5] =	sst s8  }
0x11: {  	[smem:$0x3FA6] =	sst s9;
	s0 =	simm.s32 @!p0 $0x0  }
0x12: {  	s1 =	sld [smem:$0x3F8C];
	s0 =	simm.s32 @p0 $0x1  }
0x13: {  	[smem:$0x3FA7] =	sst s0;
	s0 =	simm.s32 @!p1 $0x0  }
0x14: {  	s2 =	sld [smem:$0x3F8B];
	s0 =	simm.s32 @p1 $0x1  }
0x15: {  	[smem:$0x3FA8] =	sst s0;
	s0 =	simm.s32 @!p2 $0x0  }
0x16: {  	s3 =	sld [smem:$0x3FDB];
	s0 =	simm.s32 @p2 $0x1  }
0x17: {  	s4 =	simm.s32 $0x1BF5;
	[smem:$0x3FAA] =	sst s0  }
0x18: {  	s0 =	sld [smem:$0x3F8D];
	_ =	swait.ge [sflag:s4], $0x0  }
0x19: {  	s7 =	sld [smem:$0x3F8E]  }
0x1a: {  	s8 =	sadd.s32 $0xFFFFE003, lr  }
0x1b: {  	s9 =	sadd.s32 $0xFFFFFEF7, lr;
	s5 =	simm.s32 $0xFFFFFFFF;
	p2 =	slt.u32 s8, $0xFFFFF086  }
0x1c: {  	p1 =	slt.u32 s9, $0xF7A;
	s5 =	simm.s32 @!p2 $0x0  }
0x1d: {  	s5 =	simm.s32 @p1 $0x1;
	p0 =	seq.s32 s7, s2  }
0x1e: {  	s7 =	smul.u32 @!p0 $0xF7A, s2;
	p2 =	seq.s32 @!p0 s5, $0x0  }
0x1f: {  	s9 =	smul.u32 $0xF7A, s1;
	s8 =	simm.s32 @!p0 $0x1BF5;
	p2 =	por !p2, p0  }
0x20: {  	[sflag:s8] =	ssyncset.s32 @!p0 $0xFFFFF086;
	s6 =	sadd.s32 @!p0 s3, s7;
	s7 =	simm.s32 @!p0 $0x108  }
0x21: {  	s3 =	sadd.s32 s3, s9;
	s6 =	sadd.s32 @!p0 $0x88, s6;
	s7 =	simm.s32 @p2 $0x1082  }
0x22: {  	[simem:s7], [sflag:s8] =	dma.local @!p0 [hbm:s6], $0xF7A  }
0x23: {  	s9 =	sor.u32 $0xD0000000, s2;
	s6 =	simm.s32 $0x108;
	_ =	swait.ge @!p0 [sflag:s8], $0x0  }
0x24: {  	s3 =	sadd.s32 $0x88, s3;
	s6 =	simm.s32 @!p1 $0x1082;
	[sflag:s4] =	ssyncset.s32 $0xFFFFF086  }
0x25: {  	[simem:s6], [sflag:s4] =	dma.local [hbm:s3], $0xF7A  }
0x26: {  	[smem:$0x3F8E] =	sst s1;
	(tag) =	ssettag s2;
	_ =	strace s9  }
0x27: {  	s1 =	sld [smem:$0x3F9E]  }
0x28: {  	s2 =	sld [smem:$0x3F9F]  }
0x29: {  	s4 =	sld [smem:$0x3FA1]  }
0x2a: {  	p0 =	seq.s32 s5, $0x0;
	s5 =	sld [smem:$0x3FA2]  }
0x2b: {  	s6 =	sld [smem:$0x3FA3]  }
0x2c: {  	s7 =	sld [smem:$0x3FA4]  }
0x2d: {  	s3 =	simm.s32 $0x108;
	s8 =	sld [smem:$0x3FA5]  }
0x2e: {  	s3 =	simm.s32 @!p0 $0x1082;
	s9 =	sld [smem:$0x3FA6]  }
0x2f: {  	lr =	sadd.s32 s0, s3;
	s0 =	sld [smem:$0x3F9D]  }
0x30: {  	s3 =	sld [smem:$0x3FA0]  }
0x31: {  	[smem:$0x3FA9] =	sst s10  }
0x32: {  	s10 =	sld [smem:$0x3FA7];
	_ =	sdelay $0x3  }
0x33: {  	p0 =	seq.s32 s10, $0x1;
	s10 =	sld [smem:$0x3FA9];
	_ =	sdelay $0x3  }
0x34: {  	[smem:$0x3FA9] =	sst s10  }
0x35: {  	s10 =	sld [smem:$0x3FA8];
	_ =	sdelay $0x3  }
0x36: {  	p1 =	seq.s32 s10, $0x1;
	s10 =	sld [smem:$0x3FA9];
	_ =	sdelay $0x3  }
0x37: {  	[smem:$0x3FA9] =	sst s10  }
0x38: {  	s10 =	sld [smem:$0x3FAA]  }
0x39: {  	_ = 	snop;
	(pc) =	sbr.ind lr, $3  }
0x3a: {  	_ = 	snop  }
0x3b: {  	_ = 	snop  }
0x3c: {  	p2 =	seq.s32 s10, $0x1;
	s10 =	sld [smem:$0x3FA9]  }
0x3d: {  	_ =	shalt  }
0x3e: {  	_ =	shalt  }
0x3f: {  	_ =	shalt  }
0x40: {  	_ =	shalt  }
0x41: {  	_ =	shalt  }
0x42: {  	_ =	shalt  }
0x43: {  	_ =	shalt  }
0x44: {  	_ =	shalt  }
0x45: {  	_ =	shalt  }
0x46: {  	_ =	shalt  }
0x47: {  	_ =	shalt  }
0x48: {  	_ =	shalt  }
0x49: {  	_ =	shalt  }
0x4a: {  	_ =	shalt  }
0x4b: {  	_ =	shalt  }
0x4c: {  	_ =	shalt  }
0x4d: {  	_ =	shalt  }
0x4e: {  	_ =	shalt  }
0x4f: {  	_ =	shalt  }
0x50: {  	_ =	shalt  }
0x51: {  	_ =	shalt  }
0x52: {  	_ =	shalt  }
0x53: {  	_ =	shalt  }
0x54: {  	_ =	shalt  }
0x55: {  	_ =	shalt  }
0x56: {  	_ =	shalt  }
0x57: {  	_ =	shalt  }
0x58: {  	_ =	shalt  }
0x59: {  	_ =	shalt  }
0x5a: {  	_ =	shalt  }
0x5b: {  	_ =	shalt  }
0x5c: {  	_ =	shalt  }
0x5d: {  	_ =	shalt  }
0x5e: {  	_ =	shalt  }
0x5f: {  	_ =	shalt  }
0x60: {  	_ =	shalt  }
0x61: {  	_ =	shalt  }
0x62: {  	_ =	shalt  }
0x63: {  	_ =	shalt  }
0x64: {  	_ =	shalt  }
0x65: {  	_ =	shalt  }
0x66: {  	_ =	shalt  }
0x67: {  	_ =	shalt  }
0x68: {  	_ =	shalt  }
0x69: {  	_ =	shalt  }
0x6a: {  	_ =	shalt  }
0x6b: {  	_ =	shalt  }
0x6c: {  	_ =	shalt  }
0x6d: {  	_ =	shalt  }
0x6e: {  	_ =	shalt  }
0x6f: {  	_ =	shalt  }
0x70: {  	_ =	shalt  }
0x71: {  	_ =	shalt  }
0x72: {  	_ =	shalt  }
0x73: {  	_ =	shalt  }
0x74: {  	_ =	shalt  }
0x75: {  	_ =	shalt  }
0x76: {  	_ =	shalt  }
0x77: {  	_ =	shalt  }
0x78: {  	_ =	shalt  }
0x79: {  	_ =	shalt  }
0x7a: {  	_ =	shalt  }
0x7b: {  	_ =	shalt  }
0x7c: {  	_ =	shalt  }
0x7d: {  	_ =	shalt  }
0x7e: {  	_ =	shalt  }
0x7f: {  	_ =	shalt  }
0x80: {  	_ =	shalt  }
0x81: {  	_ =	shalt  }
0x82: {  	_ =	shalt  }
0x83: {  	_ =	shalt  }
0x84: {  	_ =	shalt  }
0x85: {  	_ =	shalt  }
0x86: {  	_ =	shalt  }
0x87: {  	_ =	shalt  }
.Lfunc_end0:
.L_simem_size_0:
called_computation.2_lowered:
.L_overlay_start_0:
0x88: {  	s2 =	sld [smem:$0x3FD9]  }
0x89: {  	s3 =	sld [smem:$0x3FFE];
	_ =	sdelay $0x1  }
0x8a: {  	s1 =	srdreg.scid  }
0x8b: {  	s0 =	sand.u32 $0x1, s1  }
0x8c: {  	s16 =	sshll.u32 s0, $0xA;
	s2 =	sadd.s32 s3, s2  }
0x8d: {  	s2 =	sadd.s32 s2, s16  }
0x8e: {  	[smem:$0x3FB5] =	sst s2  }
0x8f: {  	_ = 	snop  }
0x90: {  	(tm) =	ssettm $0x1  }
0x91: {  	s17 =	sld [smem:$0x3FFB];
	_ =	sdelay $0x3  }
0x92: {  	_ =	strace s17  }
0x93: {  	s2 =	sld [smem:$0x3FFC];
	_ =	sdelay $0x3  }
0x94: {  	_ =	strace s2  }
0x95: {  	s2 =	sld [smem:$0x3FFD];
	_ =	sdelay $0x3  }
0x96: {  	_ =	strace s2  }
0x97: {  	_ =	strace $0x8FFFFFFF  }
0x98: {  	s18 =	sld [smem:$0x3FDB];
	_ =	sdelay $0x1  }
0x99: {  	s19 =	simm.s32 $_scs_section_size  }
0x9a: {  	s4 =	simm.s32 $_size__tile_overlayer_lowered;
	s5 =	simm.s32 $_tile_overlayer_lowered  }
0x9b: {  	s22 =	simm.s32 $0x1BFF;
	s21 =	sshll.u32 s5, $0x1;
	s2 =	sadd.s32 s19, s18  }
0x9c: {  	s6 =	simm.s32 $0x0;
	s20 =	sshll.u32 s4, $0x1;
	s4 =	sadd.s32 s21, s2  }
0x9d: {  	[timem:s6], [sflag:s22] =	dma.local [hbm:s4], s20  }
0x9e: {  	_ =	swait.ge [sflag:s22], s20  }
0x9f: {  	s3 =	ssub.s32 $0x0, s20;
	[sflag:s22] =	ssyncset.done $0x0  }
0xa0: {  	[sflag:s22] =	ssyncadd.s32 s3;
	_ =	sdelay $0x1  }
0xa1: {  	s23 =	simm.s32 $0x1B8B  }
0xa2: {  	_ =	swait.ge [sflag:s23], $0x1  }
0xa3: {  	[sflag:s23] =	ssyncset.done $0x0  }
0xa4: {  	s25 =	simm.s32 $0x1B8E;
	s24 =	sld [smem:$0x3FFE];
	[sflag:s23] =	ssyncadd.s32 $0xFFFFFFFF  }
0xa5: {  	s26 =	simm.s32 $execute0_lowered;
	[smem:$0x3FD2] =	sst s25  }
0xa6: {  	s4 =	sshll.u32 s26, $0x1;
	_ =	strace $0x8000004C;
	[dreg:$0x1] =	wrdreg $0xFFFFFFFF  }
0xa7: {  	s28 =	simm.s32 $_size_execute0_lowered;
	s2 =	sadd.s32 s2, s4;
	[dreg:$0x0] =	wrdreg $0x0  }
0xa8: {  	s4 =	sshll.u32 s28, $0x1;
	[dreg:$0x2] =	wrdreg s2  }
0xa9: {  	[dreg:$0x3] =	wrdreg s4  }
0xaa: {  	[dreg:$0x4] =	wrdreg $0xC0  }
0xab: {  	_ =	task [dreg:s6], $0x5FFFF  }
0xac: {  	[dreg:$0x1] =	wrdreg $0xFFFFFFFF  }
0xad: {  	[dreg:$0x0] =	wrdreg $0x60  }
0xae: {  	[dreg:$0x2] =	wrdreg s24  }
0xaf: {  	[dreg:$0x3] =	wrdreg $0x140000  }
0xb0: {  	[dreg:$0x4] =	wrdreg $0x9  }
0xb1: {  	_ =	task.clear_ibuf [dreg:s6], $0x5FFFF;
	_ =	strace $0x9000004C  }
0xb2: {  	s29 =	simm.s32 $0x9;
	_ =	strace $0x8000004E  }
0xb3: {  	_ =	swait.ge [sflag:s29], $0x1  }
0xb4: {  	[sflag:s29] =	ssyncadd.s32 $0xFFFFFFFF  }
0xb5: {  	_ =	strace $0x9000004E  }
0xb6: {  	_ =	sfence  }
0xb7: {  	s30 =	sld [smem:$0x0];
	_ =	sdelay $0x2  }
0xb8: {  	s31 =	sshll.u32 s1, $0xD;
	s1 =	sshrl.u32 s1, $0x2  }
0xb9: {  	s3 =	sand.u32 $0x4000, s31;
	s1 =	sadd.s32 s1, s30  }
0xba: {  	s0 =	sor.u32 s3, s0;
	s1 =	sshll.u32 s1, $0x11  }
0xbb: {  	s0 =	sor.u32 s1, s0  }
0xbc: {  	s0 =	sadd.s32 $0x8F2B, s0  }
0xbd: {  	[sflag:s0] =	ssyncadd.remote.s32 $0x1  }
0xbe: {  	_ =	sfence.sel $0xFFFF  }
0xbf: {  	[dreg:$0x0] =	wrdreg $0xFFFFFFFF;
	(pc) =	sbr.abs _section_cstart, $3  }
0xc0: {  	[dreg:$0x1] =	wrdreg $0xFFFFFFFF  }
0xc1: {  	_ =	task.clear_ibuf [dreg:s6], $0x2FFFF;
	_ =	strace $0x9FFFFFFF  }
0xc2: {  	(tm) =	ssettm $0x7FFFFFFF  }
0xc3: {  	_ =	shalt  }
tec
execute0_lowered:
.L_overlay_start_1:
0x0: {  	(tag) =	ssettag $0x1  }
0x1: {  	s0 =	rddreg [dreg:$0x0]  }
0x2: {  	s2 =	rddreg [dreg:$0x1]  }
0x3: {  	s3 =	stileid.u32;
	s4 =	srdreg.scid  }
0x4: {  	s5 =	simm.s32 $0x0;
	s15 =	simm.s32 $0x80;
	s16 =	simm.s32 $0xA000  }
0x5: {  	s17 =	simm.s32 $0xC000;
	s19 =	simm.s32 $0xE000;
	s21 =	simm.s32 $0x10000  }
0x6: {  	s23 =	simm.s32 $0x12000;
	s24 =	simm.s32 $0x1;
	s25 =	simm.s32 $0x2  }
0x7: {  	s28 =	simm.s32 $0x4;
	s29 =	simm.s32 $0x5;
	s30 =	simm.s32 $0x6  }
0x8: {  	s31 =	simm.s32 $0x7;
	s14 =	simm.s32 $0xA;
	s1 =	smul.u32 $0xA00, s3  }
0x9: {  	s22 =	simm.s32 $0x0;
	s10 =	sand.u32 $0x1, s4;
	s7 =	smul.u32 $0xA000, s3  }
0xa: {  	[smem:$0x7FF] =	sst s5;
	s4 =	sadd.s32 $0x5E800, s0;
	s5 =	sadd.s32 $0x4A800, s0  }
0xb: {  	s11 =	sshll.u32 s3, $0x6;
	s6 =	smul.u32 $0xA0000, s10;
	_ =	strace $0x8000004D  }
0xc: {  	s9 =	ssub.s32 $0x2, s10;
	p0 =	seq.s32 s10, $0x1;
	s1 =	sadd.s32 s1, s0  }
0xd: {  	s26 =	sshrl.u32 s9, $0x1;
	s13 =	sadd.s32 s7, s2;
	s8 =	sadd.s32 s7, s6  }
.Ltmp0:
0xe: {  	s6 =	sadd.s32 $0xE200, s0;
	s12 =	ssub.s32 s9, s26;
	(pc) =	sbr.rel .LBB2_1-.Ltmp0, $4  }
0xf: {  	s7 =	sor.u32 $0x1C0B, s11;
	s9 =	sadd.s32 $0x4200, s1;
	s26 =	simm.s32 $0x3  }
0x10: {  	s8 =	sshrl.u32 s8, $0x3;
	s11 =	smax.u32 s12, $0x1;
	s12 =	sshrl.u32 s13, $0x3  }
0x11: {  	s13 =	simm.s32 $0xB;
	s0 =	sadd.s32 s8, s0;
	s8 =	sadd.s32 $0x18800, s1  }
0x12: {  	s1 =	simm.s32 $0x9;
	s10 =	sadd.s32 $0x72800, s0;
	s0 =	simm.s32 $0x8  }
.LBB2_7:
0x13: {  	[tilespmem:s23], [sflag:$0x5] =	stream.indirect.gather [hbm4b:s5+s15], $0x40, s20, s15, $0xb8;
	[tilespmem:$0x1E000] =	vst v63  }
.LBB2_8:
0x14: {  	_ =	swait.ge [sflag:s24], $0x2000  }
0x15: {  	[sflag:s24] =	ssyncset.done $0x0  }
0x16: {  	s3 =	simm.s32 $0x9D80;
	[sflag:s24] =	ssyncadd.s32 $0xFFFFE000  }
0x17: {  	[spmem:s2] =	stream.indirect.scatter.add.f32 [tilespmem:s16], [sflag:$0x6], $0x40, s3, s15, $0xb8;
	[tilespmem:$0x1E000] =	vst v63  }
0x18: {  	_ =	swait.ge [sflag:s25], $0x2000  }
0x19: {  	[sflag:s25] =	ssyncset.done $0x0  }
0x1a: {  	s18 =	simm.s32 $0x9E00;
	[sflag:s25] =	ssyncadd.s32 $0xFFFFE000  }
0x1b: {  	[spmem:s2] =	stream.indirect.scatter.add.f32 [tilespmem:s17], [sflag:$0x7], $0x40, s18, s15, $0xb8;
	[tilespmem:$0x1E000] =	vst v63  }
0x1c: {  	_ =	swait.ge [sflag:s26], $0x2000  }
0x1d: {  	[sflag:s26] =	ssyncset.done $0x0  }
0x1e: {  	s20 =	simm.s32 $0x9E80;
	[sflag:s26] =	ssyncadd.s32 $0xFFFFE000  }
0x1f: {  	[spmem:s2] =	stream.indirect.scatter.add.f32 [tilespmem:s19], [sflag:$0x8], $0x40, s20, s15, $0xb8;
	[tilespmem:$0x1E000] =	vst v63  }
0x20: {  	_ =	swait.ge [sflag:s28], $0x2000  }
0x21: {  	[sflag:s28] =	ssyncset.done $0x0  }
0x22: {  	s18 =	simm.s32 $0x9F00;
	[sflag:s28] =	ssyncadd.s32 $0xFFFFE000  }
0x23: {  	[spmem:s2] =	stream.indirect.scatter.add.f32 [tilespmem:s21], [sflag:$0x9], $0x40, s18, s15, $0xb8;
	[tilespmem:$0x1E000] =	vst v63  }
0x24: {  	_ =	swait.ge [sflag:s29], $0x2000  }
0x25: {  	[sflag:s29] =	ssyncset.done $0x0  }
0x26: {  	s20 =	simm.s32 $0x9F80;
	[sflag:s29] =	ssyncadd.s32 $0xFFFFE000  }
0x27: {  	[spmem:s2] =	stream.indirect.scatter.add.f32 [tilespmem:s23], [sflag:$0xA], $0x40, s20, s15, $0xb8;
	[tilespmem:$0x1E000] =	vst v63  }
0x28: {  	_ =	swait.ge [sflag:s30], $0x2000  }
0x29: {  	[sflag:s30] =	ssyncset.done $0x0  }
0x2a: {  	[sflag:s30] =	ssyncadd.s32 $0xFFFFE000  }
0x2b: {  	_ =	swait.ge [sflag:s31], $0x2000  }
0x2c: {  	[sflag:s31] =	ssyncset.done $0x0  }
0x2d: {  	[sflag:s31] =	ssyncadd.s32 $0xFFFFE000  }
0x2e: {  	_ =	swait.ge [sflag:s0], $0x2000  }
0x2f: {  	[sflag:s0] =	ssyncset.done $0x0  }
0x30: {  	[sflag:s0] =	ssyncadd.s32 $0xFFFFE000  }
0x31: {  	_ =	swait.ge [sflag:s1], $0x2000  }
0x32: {  	[sflag:s1] =	ssyncset.done $0x0  }
0x33: {  	[sflag:s1] =	ssyncadd.s32 $0xFFFFE000  }
0x34: {  	_ =	swait.ge [sflag:s14], $0x2000  }
0x35: {  	s22 =	sadd.s32 $0x1, s22;
	[sflag:s14] =	ssyncset.done $0x0  }
0x36: {  	p1 =	sne.s32 s22, s11;
	[sflag:s14] =	ssyncadd.s32 $0xFFFFE000  }
.Ltmp1:
0x37: {  	[bflag:$0x0] =	sbarrier.arrive $0xFFFF;
	(pc) =	sbr.rel @!p1 .LBB2_9-.Ltmp1, $4  }
0x38: {  	[hbm:s10], [sflag:s7] =	dma.local [spmem:s12], $0x1400  }
0x39: {  	_ =	swait.ge [sflag:s13], $0x1400  }
0x3a: {  	[sflag:s13] =	ssyncset.done $0x0  }
0x3b: {  	[sflag:s13] =	ssyncadd.s32 $0xFFFFEC00  }
.LBB2_1:
0x3c: {  	[spmem:s12], [sflag:s7] =	dma.local [hbm:s6], $0x1400  }
0x3d: {  	_ =	swait.ge [sflag:s13], $0x1400  }
0x3e: {  	[sflag:s13] =	ssyncset.done $0x0  }
0x3f: {  	s3 =	simm.s32 $0x0;
	[sflag:s13] =	ssyncadd.s32 $0xFFFFEC00  }
0x40: {  	[tilespmem:s3], [sflag:$0xB] =	stream.linear.gather [hbm4b:s8+s3], $0x5000, $0x38;
	[tilespmem:$0x1E000] =	vst v63  }
0x41: {  	_ =	swait.ge [sflag:s13], $0x5000  }
0x42: {  	[sflag:s13] =	ssyncset.done $0x0  }
0x43: {  	s18 =	simm.s32 $0x5000;
	[sflag:s13] =	ssyncadd.s32 $0xFFFFB000  }
0x44: {  	[tilespmem:s18], [sflag:$0xB] =	stream.linear.gather [hbm4b:s9+s3], $0x5000, $0x38;
	[tilespmem:$0x1E000] =	vst v63  }
.Ltmp2:
0x45: {  	_ =	swait.ge [sflag:s13], $0x5000;
	(pc) =	sbr.rel @!p0 .LBB2_2-.Ltmp2, $3  }
0x46: {  	[sflag:s13] =	ssyncset.done $0x0  }
0x47: {  	[sflag:s13] =	ssyncadd.s32 $0xFFFFB000  }
0x48: {  	[bflag:$0x0] =	sbarrier.arrive $0xFFFF;
	_ =	sdelay $0x1  }
0x49: {  	s3 =	simm.s32 $0x0  }
0x4a: {  	[tilespmem:s16], [sflag:$0x1] =	stream.indirect.gather [hbm4b:s5+s15], $0x40, s3, s15, $0xb8;
	[tilespmem:$0x1E000] =	vst v63  }
0x4b: {  	_ = 	snop  }
0x4c: {  	[tilespmem:s17], [sflag:$0x2] =	stream.indirect.gather [hbm4b:s5+s15], $0x40, s15, s15, $0xb8;
	[tilespmem:$0x1E000] =	vst v63  }
0x4d: {  	s18 =	simm.s32 $0x100  }
0x4e: {  	[tilespmem:s19], [sflag:$0x3] =	stream.indirect.gather [hbm4b:s5+s15], $0x40, s18, s15, $0xb8;
	[tilespmem:$0x1E000] =	vst v63  }
0x4f: {  	s20 =	simm.s32 $0x180  }
0x50: {  	[tilespmem:s21], [sflag:$0x4] =	stream.indirect.gather [hbm4b:s5+s15], $0x40, s20, s15, $0xb8;
	[tilespmem:$0x1E000] =	vst v63  }
0x51: {  	s18 =	simm.s32 $0x200  }
0x52: {  	[tilespmem:s23], [sflag:$0x5] =	stream.indirect.gather [hbm4b:s5+s15], $0x40, s18, s15, $0xb8;
	[tilespmem:$0x1E000] =	vst v63  }
0x53: {  	_ =	swait.ge [sflag:s24], $0x2000  }
0x54: {  	[sflag:s24] =	ssyncset.done $0x0  }
0x55: {  	s20 =	simm.s32 $0x5000;
	[sflag:s24] =	ssyncadd.s32 $0xFFFFE000  }
0x56: {  	[spmem:s2] =	stream.indirect.scatter.add.f32 [tilespmem:s16], [sflag:$0x6], $0x40, s20, s15, $0xb8;
	[tilespmem:$0x1E000] =	vst v63  }
0x57: {  	_ =	swait.ge [sflag:s25], $0x2000  }
0x58: {  	[sflag:s25] =	ssyncset.done $0x0  }
0x59: {  	s18 =	simm.s32 $0x5080;
	[sflag:s25] =	ssyncadd.s32 $0xFFFFE000  }
0x5a: {  	[spmem:s2] =	stream.indirect.scatter.add.f32 [tilespmem:s17], [sflag:$0x7], $0x40, s18, s15, $0xb8;
	[tilespmem:$0x1E000] =	vst v63  }
0x5b: {  	_ =	swait.ge [sflag:s26], $0x2000  }
0x5c: {  	[sflag:s26] =	ssyncset.done $0x0  }
0x5d: {  	s20 =	simm.s32 $0x5100;
	[sflag:s26] =	ssyncadd.s32 $0xFFFFE000  }
0x5e: {  	[spmem:s2] =	stream.indirect.scatter.add.f32 [tilespmem:s19], [sflag:$0x8], $0x40, s20, s15, $0xb8;
	[tilespmem:$0x1E000] =	vst v63  }
0x5f: {  	_ =	swait.ge [sflag:s28], $0x2000  }
0x60: {  	[sflag:s28] =	ssyncset.done $0x0  }
0x61: {  	s18 =	simm.s32 $0x5180;
	[sflag:s28] =	ssyncadd.s32 $0xFFFFE000  }
0x62: {  	[spmem:s2] =	stream.indirect.scatter.add.f32 [tilespmem:s21], [sflag:$0x9], $0x40, s18, s15, $0xb8;
	[tilespmem:$0x1E000] =	vst v63  }
0x63: {  	_ =	swait.ge [sflag:s29], $0x2000  }
0x64: {  	[sflag:s29] =	ssyncset.done $0x0  }
0x65: {  	s20 =	simm.s32 $0x5200;
	[sflag:s29] =	ssyncadd.s32 $0xFFFFE000  }
0x66: {  	[spmem:s2] =	stream.indirect.scatter.add.f32 [tilespmem:s23], [sflag:$0xA], $0x40, s20, s15, $0xb8;
	[tilespmem:$0x1E000] =	vst v63  }
0x67: {  	_ =	swait.ge [sflag:s30], $0x2000  }
0x68: {  	[sflag:s30] =	ssyncset.done $0x0  }
0x69: {  	s18 =	simm.s32 $0x280;
	[sflag:s30] =	ssyncadd.s32 $0xFFFFE000  }
0x6a: {  	[tilespmem:s16], [sflag:$0x1] =	stream.indirect.gather [hbm4b:s5+s15], $0x40, s18, s15, $0xb8;
	[tilespmem:$0x1E000] =	vst v63  }
0x6b: {  	_ =	swait.ge [sflag:s31], $0x2000  }
0x6c: {  	[sflag:s31] =	ssyncset.done $0x0  }
0x6d: {  	s20 =	simm.s32 $0x300;
	[sflag:s31] =	ssyncadd.s32 $0xFFFFE000  }
0x6e: {  	[tilespmem:s17], [sflag:$0x2] =	stream.indirect.gather [hbm4b:s5+s15], $0x40, s20, s15, $0xb8;
	[tilespmem:$0x1E000] =	vst v63  }
0x6f: {  	_ =	swait.ge [sflag:s0], $0x2000  }
0x70: {  	[sflag:s0] =	ssyncset.done $0x0  }
0x71: {  	s18 =	simm.s32 $0x380;
	[sflag:s0] =	ssyncadd.s32 $0xFFFFE000  }
0x72: {  	[tilespmem:s19], [sflag:$0x3] =	stream.indirect.gather [hbm4b:s5+s15], $0x40, s18, s15, $0xb8;
	[tilespmem:$0x1E000] =	vst v63  }
0x73: {  	_ =	swait.ge [sflag:s1], $0x2000  }
0x74: {  	[sflag:s1] =	ssyncset.done $0x0  }
0x75: {  	s20 =	simm.s32 $0x400;
	[sflag:s1] =	ssyncadd.s32 $0xFFFFE000  }
0x76: {  	[tilespmem:s21], [sflag:$0x4] =	stream.indirect.gather [hbm4b:s5+s15], $0x40, s20, s15, $0xb8;
	[tilespmem:$0x1E000] =	vst v63  }
0x77: {  	_ =	swait.ge [sflag:s14], $0x2000  }
0x78: {  	[sflag:s14] =	ssyncset.done $0x0  }
0x79: {  	s18 =	simm.s32 $0xA00;
	s20 =	simm.s32 $0x480;
	[sflag:s14] =	ssyncadd.s32 $0xFFFFE000  }
.LBB2_6:
0x7a: {  	[tilespmem:s23], [sflag:$0x5] =	stream.indirect.gather [hbm4b:s5+s15], $0x40, s20, s15, $0xb8;
	[tilespmem:$0x1E000] =	vst v63  }
0x7b: {  	s3 =	smov.u32 s18  }
0x7c: {  	p1 =	sne.s32 s18, $0x12C00;
	s18 =	sadd.s32 $0xA00, s18;
	_ =	swait.ge [sflag:s24], $0x2000  }
0x7d: {  	s20 =	sshra.s32 s3, $0x2;
	[sflag:s24] =	ssyncset.done $0x0  }
0x7e: {  	s3 =	sadd.s32 $0x5000, s20;
	[sflag:s24] =	ssyncadd.s32 $0xFFFFE000  }
0x7f: {  	[spmem:s2] =	stream.indirect.scatter.add.f32 [tilespmem:s16], [sflag:$0x6], $0x40, s3, s15, $0xb8;
	[tilespmem:$0x1E000] =	vst v63  }
0x80: {  	_ =	swait.ge [sflag:s25], $0x2000  }
0x81: {  	[sflag:s25] =	ssyncset.done $0x0  }
0x82: {  	s3 =	sadd.s32 $0x5080, s20;
	[sflag:s25] =	ssyncadd.s32 $0xFFFFE000  }
0x83: {  	[spmem:s2] =	stream.indirect.scatter.add.f32 [tilespmem:s17], [sflag:$0x7], $0x40, s3, s15, $0xb8;
	[tilespmem:$0x1E000] =	vst v63  }
0x84: {  	_ =	swait.ge [sflag:s26], $0x2000  }
0x85: {  	[sflag:s26] =	ssyncset.done $0x0  }
0x86: {  	s3 =	sadd.s32 $0x5100, s20;
	[sflag:s26] =	ssyncadd.s32 $0xFFFFE000  }
0x87: {  	[spmem:s2] =	stream.indirect.scatter.add.f32 [tilespmem:s19], [sflag:$0x8], $0x40, s3, s15, $0xb8;
	[tilespmem:$0x1E000] =	vst v63  }
0x88: {  	_ =	swait.ge [sflag:s28], $0x2000  }
0x89: {  	[sflag:s28] =	ssyncset.done $0x0  }
0x8a: {  	s3 =	sadd.s32 $0x5180, s20;
	[sflag:s28] =	ssyncadd.s32 $0xFFFFE000  }
0x8b: {  	[spmem:s2] =	stream.indirect.scatter.add.f32 [tilespmem:s21], [sflag:$0x9], $0x40, s3, s15, $0xb8;
	[tilespmem:$0x1E000] =	vst v63  }
0x8c: {  	_ =	swait.ge [sflag:s29], $0x2000  }
0x8d: {  	[sflag:s29] =	ssyncset.done $0x0  }
0x8e: {  	s3 =	sadd.s32 $0x5200, s20;
	[sflag:s29] =	ssyncadd.s32 $0xFFFFE000  }
0x8f: {  	[spmem:s2] =	stream.indirect.scatter.add.f32 [tilespmem:s23], [sflag:$0xA], $0x40, s3, s15, $0xb8;
	[tilespmem:$0x1E000] =	vst v63  }
0x90: {  	_ =	swait.ge [sflag:s30], $0x2000  }
0x91: {  	[sflag:s30] =	ssyncset.done $0x0  }
0x92: {  	s3 =	sadd.s32 $0x280, s20;
	[sflag:s30] =	ssyncadd.s32 $0xFFFFE000  }
0x93: {  	[tilespmem:s16], [sflag:$0x1] =	stream.indirect.gather [hbm4b:s5+s15], $0x40, s3, s15, $0xb8;
	[tilespmem:$0x1E000] =	vst v63  }
0x94: {  	_ =	swait.ge [sflag:s31], $0x2000  }
0x95: {  	[sflag:s31] =	ssyncset.done $0x0  }
0x96: {  	s3 =	sadd.s32 $0x300, s20;
	[sflag:s31] =	ssyncadd.s32 $0xFFFFE000  }
0x97: {  	[tilespmem:s17], [sflag:$0x2] =	stream.indirect.gather [hbm4b:s5+s15], $0x40, s3, s15, $0xb8;
	[tilespmem:$0x1E000] =	vst v63  }
0x98: {  	_ =	swait.ge [sflag:s0], $0x2000  }
0x99: {  	[sflag:s0] =	ssyncset.done $0x0  }
0x9a: {  	s3 =	sadd.s32 $0x380, s20;
	[sflag:s0] =	ssyncadd.s32 $0xFFFFE000  }
0x9b: {  	[tilespmem:s19], [sflag:$0x3] =	stream.indirect.gather [hbm4b:s5+s15], $0x40, s3, s15, $0xb8;
	[tilespmem:$0x1E000] =	vst v63  }
0x9c: {  	_ =	swait.ge [sflag:s1], $0x2000  }
0x9d: {  	[sflag:s1] =	ssyncset.done $0x0  }
.Ltmp3:
0x9e: {  	s3 =	sadd.s32 $0x400, s20;
	[sflag:s1] =	ssyncadd.s32 $0xFFFFE000;
	(pc) =	sbr.rel @p1 .LBB2_6-.Ltmp3, $4  }
0x9f: {  	[tilespmem:s21], [sflag:$0x4] =	stream.indirect.gather [hbm4b:s5+s15], $0x40, s3, s15, $0xb8;
	[tilespmem:$0x1E000] =	vst v63  }
0xa0: {  	_ =	swait.ge [sflag:s14], $0x2000  }
0xa1: {  	[sflag:s14] =	ssyncset.done $0x0  }
0xa2: {  	s20 =	sadd.s32 $0x480, s20;
	[sflag:s14] =	ssyncadd.s32 $0xFFFFE000  }
.Ltmp4:
0xa3: {  	_ = 	snop;
	(pc) =	sbr.rel .LBB2_7-.Ltmp4, $1  }
0xa4: {  	_ =	sdelay $0x3  }
.LBB2_2:
0xa5: {  	s18 =	simm.s32 $0x0  }
0xa6: {  	[tilespmem:s16], [sflag:$0x1] =	stream.indirect.gather [hbm4b:s4+s15], $0x40, s18, s15, $0xb8;
	[tilespmem:$0x1E000] =	vst v63  }
0xa7: {  	_ = 	snop  }
0xa8: {  	[tilespmem:s17], [sflag:$0x2] =	stream.indirect.gather [hbm4b:s4+s15], $0x40, s15, s15, $0xb8;
	[tilespmem:$0x1E000] =	vst v63  }
0xa9: {  	s3 =	simm.s32 $0x100  }
0xaa: {  	[tilespmem:s19], [sflag:$0x3] =	stream.indirect.gather [hbm4b:s4+s15], $0x40, s3, s15, $0xb8;
	[tilespmem:$0x1E000] =	vst v63  }
0xab: {  	s20 =	simm.s32 $0x180  }
0xac: {  	[tilespmem:s21], [sflag:$0x4] =	stream.indirect.gather [hbm4b:s4+s15], $0x40, s20, s15, $0xb8;
	[tilespmem:$0x1E000] =	vst v63  }
0xad: {  	s18 =	simm.s32 $0x200  }
0xae: {  	[tilespmem:s23], [sflag:$0x5] =	stream.indirect.gather [hbm4b:s4+s15], $0x40, s18, s15, $0xb8;
	[tilespmem:$0x1E000] =	vst v63  }
0xaf: {  	_ =	swait.ge [sflag:s24], $0x2000  }
0xb0: {  	[sflag:s24] =	ssyncset.done $0x0  }
0xb1: {  	s20 =	simm.s32 $0x5000;
	[sflag:s24] =	ssyncadd.s32 $0xFFFFE000  }
0xb2: {  	[spmem:s2] =	stream.indirect.scatter.add.f32 [tilespmem:s16], [sflag:$0x6], $0x40, s20, s15, $0xb8;
	[tilespmem:$0x1E000] =	vst v63  }
0xb3: {  	_ =	swait.ge [sflag:s25], $0x2000  }
0xb4: {  	[sflag:s25] =	ssyncset.done $0x0  }
0xb5: {  	s3 =	simm.s32 $0x5080;
	[sflag:s25] =	ssyncadd.s32 $0xFFFFE000  }
0xb6: {  	[spmem:s2] =	stream.indirect.scatter.add.f32 [tilespmem:s17], [sflag:$0x7], $0x40, s3, s15, $0xb8;
	[tilespmem:$0x1E000] =	vst v63  }
0xb7: {  	_ =	swait.ge [sflag:s26], $0x2000  }
0xb8: {  	[sflag:s26] =	ssyncset.done $0x0  }
0xb9: {  	s20 =	simm.s32 $0x5100;
	[sflag:s26] =	ssyncadd.s32 $0xFFFFE000  }
0xba: {  	[spmem:s2] =	stream.indirect.scatter.add.f32 [tilespmem:s19], [sflag:$0x8], $0x40, s20, s15, $0xb8;
	[tilespmem:$0x1E000] =	vst v63  }
0xbb: {  	_ =	swait.ge [sflag:s28], $0x2000  }
0xbc: {  	[sflag:s28] =	ssyncset.done $0x0  }
0xbd: {  	s3 =	simm.s32 $0x5180;
	[sflag:s28] =	ssyncadd.s32 $0xFFFFE000  }
0xbe: {  	[spmem:s2] =	stream.indirect.scatter.add.f32 [tilespmem:s21], [sflag:$0x9], $0x40, s3, s15, $0xb8;
	[tilespmem:$0x1E000] =	vst v63  }
0xbf: {  	_ =	swait.ge [sflag:s29], $0x2000  }
0xc0: {  	[sflag:s29] =	ssyncset.done $0x0  }
0xc1: {  	s20 =	simm.s32 $0x5200;
	[sflag:s29] =	ssyncadd.s32 $0xFFFFE000  }
0xc2: {  	[spmem:s2] =	stream.indirect.scatter.add.f32 [tilespmem:s23], [sflag:$0xA], $0x40, s20, s15, $0xb8;
	[tilespmem:$0x1E000] =	vst v63  }
0xc3: {  	_ =	swait.ge [sflag:s30], $0x2000  }
0xc4: {  	[sflag:s30] =	ssyncset.done $0x0  }
0xc5: {  	s3 =	simm.s32 $0x280;
	[sflag:s30] =	ssyncadd.s32 $0xFFFFE000  }
0xc6: {  	[tilespmem:s16], [sflag:$0x1] =	stream.indirect.gather [hbm4b:s4+s15], $0x40, s3, s15, $0xb8;
	[tilespmem:$0x1E000] =	vst v63  }
0xc7: {  	_ =	swait.ge [sflag:s31], $0x2000  }
0xc8: {  	[sflag:s31] =	ssyncset.done $0x0  }
0xc9: {  	s20 =	simm.s32 $0x300;
	[sflag:s31] =	ssyncadd.s32 $0xFFFFE000  }
0xca: {  	[tilespmem:s17], [sflag:$0x2] =	stream.indirect.gather [hbm4b:s4+s15], $0x40, s20, s15, $0xb8;
	[tilespmem:$0x1E000] =	vst v63  }
0xcb: {  	_ =	swait.ge [sflag:s0], $0x2000  }
0xcc: {  	[sflag:s0] =	ssyncset.done $0x0  }
0xcd: {  	s3 =	simm.s32 $0x380;
	[sflag:s0] =	ssyncadd.s32 $0xFFFFE000  }
0xce: {  	[tilespmem:s19], [sflag:$0x3] =	stream.indirect.gather [hbm4b:s4+s15], $0x40, s3, s15, $0xb8;
	[tilespmem:$0x1E000] =	vst v63  }
0xcf: {  	_ =	swait.ge [sflag:s1], $0x2000  }
0xd0: {  	[sflag:s1] =	ssyncset.done $0x0  }
0xd1: {  	s20 =	simm.s32 $0x400;
	[sflag:s1] =	ssyncadd.s32 $0xFFFFE000  }
0xd2: {  	[tilespmem:s21], [sflag:$0x4] =	stream.indirect.gather [hbm4b:s4+s15], $0x40, s20, s15, $0xb8;
	[tilespmem:$0x1E000] =	vst v63  }
0xd3: {  	_ =	swait.ge [sflag:s14], $0x2000  }
0xd4: {  	[sflag:s14] =	ssyncset.done $0x0  }
0xd5: {  	s18 =	simm.s32 $0xA00;
	s20 =	simm.s32 $0x480;
	[sflag:s14] =	ssyncadd.s32 $0xFFFFE000  }
.LBB2_3:
0xd6: {  	[tilespmem:s23], [sflag:$0x5] =	stream.indirect.gather [hbm4b:s4+s15], $0x40, s20, s15, $0xb8;
	[tilespmem:$0x1E000] =	vst v63  }
0xd7: {  	s20 =	smov.u32 s18  }
0xd8: {  	p1 =	seq.s32 s18, $0x12C00;
	s18 =	sadd.s32 $0xA00, s18;
	_ =	swait.ge [sflag:s24], $0x2000  }
0xd9: {  	s20 =	sshra.s32 s20, $0x2;
	[sflag:s24] =	ssyncset.done $0x0  }
0xda: {  	s3 =	sadd.s32 $0x5000, s20;
	[sflag:s24] =	ssyncadd.s32 $0xFFFFE000  }
0xdb: {  	[spmem:s2] =	stream.indirect.scatter.add.f32 [tilespmem:s16], [sflag:$0x6], $0x40, s3, s15, $0xb8;
	[tilespmem:$0x1E000] =	vst v63  }
0xdc: {  	_ =	swait.ge [sflag:s25], $0x2000  }
0xdd: {  	[sflag:s25] =	ssyncset.done $0x0  }
0xde: {  	s3 =	sadd.s32 $0x5080, s20;
	[sflag:s25] =	ssyncadd.s32 $0xFFFFE000  }
0xdf: {  	[spmem:s2] =	stream.indirect.scatter.add.f32 [tilespmem:s17], [sflag:$0x7], $0x40, s3, s15, $0xb8;
	[tilespmem:$0x1E000] =	vst v63  }
0xe0: {  	_ =	swait.ge [sflag:s26], $0x2000  }
0xe1: {  	[sflag:s26] =	ssyncset.done $0x0  }
0xe2: {  	s3 =	sadd.s32 $0x5100, s20;
	[sflag:s26] =	ssyncadd.s32 $0xFFFFE000  }
0xe3: {  	[spmem:s2] =	stream.indirect.scatter.add.f32 [tilespmem:s19], [sflag:$0x8], $0x40, s3, s15, $0xb8;
	[tilespmem:$0x1E000] =	vst v63  }
0xe4: {  	_ =	swait.ge [sflag:s28], $0x2000  }
0xe5: {  	[sflag:s28] =	ssyncset.done $0x0  }
0xe6: {  	s3 =	sadd.s32 $0x5180, s20;
	[sflag:s28] =	ssyncadd.s32 $0xFFFFE000  }
0xe7: {  	[spmem:s2] =	stream.indirect.scatter.add.f32 [tilespmem:s21], [sflag:$0x9], $0x40, s3, s15, $0xb8;
	[tilespmem:$0x1E000] =	vst v63  }
0xe8: {  	_ =	swait.ge [sflag:s29], $0x2000  }
0xe9: {  	[sflag:s29] =	ssyncset.done $0x0  }
0xea: {  	s3 =	sadd.s32 $0x5200, s20;
	[sflag:s29] =	ssyncadd.s32 $0xFFFFE000  }
0xeb: {  	[spmem:s2] =	stream.indirect.scatter.add.f32 [tilespmem:s23], [sflag:$0xA], $0x40, s3, s15, $0xb8;
	[tilespmem:$0x1E000] =	vst v63  }
0xec: {  	_ =	swait.ge [sflag:s30], $0x2000  }
0xed: {  	[sflag:s30] =	ssyncset.done $0x0  }
0xee: {  	s3 =	sadd.s32 $0x280, s20;
	[sflag:s30] =	ssyncadd.s32 $0xFFFFE000  }
0xef: {  	[tilespmem:s16], [sflag:$0x1] =	stream.indirect.gather [hbm4b:s4+s15], $0x40, s3, s15, $0xb8;
	[tilespmem:$0x1E000] =	vst v63  }
0xf0: {  	_ =	swait.ge [sflag:s31], $0x2000  }
0xf1: {  	[sflag:s31] =	ssyncset.done $0x0  }
0xf2: {  	s3 =	sadd.s32 $0x300, s20;
	[sflag:s31] =	ssyncadd.s32 $0xFFFFE000  }
0xf3: {  	[tilespmem:s17], [sflag:$0x2] =	stream.indirect.gather [hbm4b:s4+s15], $0x40, s3, s15, $0xb8;
	[tilespmem:$0x1E000] =	vst v63  }
0xf4: {  	_ =	swait.ge [sflag:s0], $0x2000  }
0xf5: {  	[sflag:s0] =	ssyncset.done $0x0  }
0xf6: {  	s3 =	sadd.s32 $0x380, s20;
	[sflag:s0] =	ssyncadd.s32 $0xFFFFE000  }
0xf7: {  	[tilespmem:s19], [sflag:$0x3] =	stream.indirect.gather [hbm4b:s4+s15], $0x40, s3, s15, $0xb8;
	[tilespmem:$0x1E000] =	vst v63  }
0xf8: {  	_ =	swait.ge [sflag:s1], $0x2000  }
0xf9: {  	[sflag:s1] =	ssyncset.done $0x0  }
.Ltmp5:
0xfa: {  	s3 =	sadd.s32 $0x400, s20;
	[sflag:s1] =	ssyncadd.s32 $0xFFFFE000;
	(pc) =	sbr.rel @!p1 .LBB2_3-.Ltmp5, $4  }
0xfb: {  	[tilespmem:s21], [sflag:$0x4] =	stream.indirect.gather [hbm4b:s4+s15], $0x40, s3, s15, $0xb8;
	[tilespmem:$0x1E000] =	vst v63  }
0xfc: {  	_ =	swait.ge [sflag:s14], $0x2000  }
0xfd: {  	[sflag:s14] =	ssyncset.done $0x0  }
0xfe: {  	s20 =	sadd.s32 $0x480, s20;
	[sflag:s14] =	ssyncadd.s32 $0xFFFFE000  }
.Ltmp6:
0xff: {  	(pc) =	sbr.rel .LBB2_8-.Ltmp6, $2  }
0x100: {  	_ =	sdelay $0x2  }
0x101: {  	[tilespmem:s23], [sflag:$0x5] =	stream.indirect.gather [hbm4b:s4+s15], $0x40, s20, s15, $0xb8;
	[tilespmem:$0x1E000] =	vst v63  }
.LBB2_9:
0x102: {  	_ =	sfence.sel $0x180000  }
0x103: {  	[bflag:$0x0] =	sbarrier.arrive $0xFFFF  }
0x104: {  	_ =	strace $0x9000004D  }
0x105: {  	s0 =	stileid.u32;
	[bflag:$0x2] =	sbarrier.arrive $0xFFFF  }
0x106: {  	p0 =	sne.s32 s0, $0x0;
	s0 =	rddreg [dreg:$0x2]  }
0x107: {  	s0 =	sadd.s32 @!p0 $0x100000, s0  }
0x108: {  	[sflag:s0] =	ssyncadd.tile.s32 @!p0 $0x1;
	_ =	shalt  }
.Lfunc_end2:
_tile_overlayer_lowered:
.L_overlay_start_2:
0x109: {  	(tag) =	ssettag $0x2  }
0x10a: {  	s0 =	rddreg [dreg:$0x0];
	s2 =	stileid.u32  }
0x10b: {  	s1 =	rddreg [dreg:$0x1];
	p0 =	sne.s32 s2, $0x0  }
0x10c: {  	s3 =	rddreg [dreg:$0x2];
	[bflag:$0x3] =	sbarrier.arrive $0xFFFF;
	s2 =	simm.s32 @!p0 $0x1C0B  }
0x10d: {  	[timem:s3], [sflag:s2] =	dma.local @!p0 [hbm:s0], s1  }
0x10e: {  	s0 =	simm.s32 @!p0 $0xB  }
0x10f: {  	_ =	swait.ge @!p0 [sflag:s0], s1  }
0x110: {  	s1 =	ssub.s32 @!p0 $0x0, s1;
	[sflag:s0] =	ssyncset.done @!p0 $0x0  }
0x111: {  	[sflag:s0] =	ssyncadd.s32 @!p0 s1  }
0x112: {  	[bflag:$0x3] =	sbarrier.arrive $0xFFFF  }
0x113: {  	_ =	shalt  }

// kernel: _impl.19.cloned.1.call-start
scs
__scs_entry_jumppad:
0x0: {  	(pc) =	sbr.rel $0x88, $3  }
0x1: {  	(tag) =	ssettag $0x0;
	lr =	simm.s32 $0x1  }
0x2: {  	[smem:$0x3F8E] =	sst lr;
	_ =	strace $0xD0000000  }
0x3: {  	_ = 	snop  }
0x4: {  	_ = 	snop  }
0x5: {  	_ = 	snop  }
0x6: {  	_ = 	snop  }
0x7: {  	_ = 	snop  }
__scs_overlays_trampoline_lowered:
0x8: {  	[smem:$0x3F9D] =	sst s0  }
0x9: {  	[smem:$0x3F9E] =	sst s1  }
0xa: {  	[smem:$0x3F9F] =	sst s2  }
0xb: {  	[smem:$0x3FA0] =	sst s3  }
0xc: {  	[smem:$0x3FA1] =	sst s4  }
0xd: {  	[smem:$0x3FA2] =	sst s5  }
0xe: {  	[smem:$0x3FA3] =	sst s6  }
0xf: {  	[smem:$0x3FA4] =	sst s7  }
0x10: {  	[smem:$0x3FA5] =	sst s8  }
0x11: {  	[smem:$0x3FA6] =	sst s9;
	s0 =	simm.s32 @!p0 $0x0  }
0x12: {  	s1 =	sld [smem:$0x3F8C];
	s0 =	simm.s32 @p0 $0x1  }
0x13: {  	[smem:$0x3FA7] =	sst s0;
	s0 =	simm.s32 @!p1 $0x0  }
0x14: {  	s2 =	sld [smem:$0x3F8B];
	s0 =	simm.s32 @p1 $0x1  }
0x15: {  	[smem:$0x3FA8] =	sst s0;
	s0 =	simm.s32 @!p2 $0x0  }
0x16: {  	s3 =	sld [smem:$0x3FDB];
	s0 =	simm.s32 @p2 $0x1  }
0x17: {  	s4 =	simm.s32 $0x1BF5;
	[smem:$0x3FAA] =	sst s0  }
0x18: {  	s0 =	sld [smem:$0x3F8D];
	_ =	swait.ge [sflag:s4], $0x0  }
0x19: {  	s7 =	sld [smem:$0x3F8E]  }
0x1a: {  	s8 =	sadd.s32 $0xFFFFE003, lr  }
0x1b: {  	s9 =	sadd.s32 $0xFFFFFEF7, lr;
	s5 =	simm.s32 $0xFFFFFFFF;
	p2 =	slt.u32 s8, $0xFFFFF086  }
0x1c: {  	p1 =	slt.u32 s9, $0xF7A;
	s5 =	simm.s32 @!p2 $0x0  }
0x1d: {  	s5 =	simm.s32 @p1 $0x1;
	p0 =	seq.s32 s7, s2  }
0x1e: {  	s7 =	smul.u32 @!p0 $0xF7A, s2;
	p2 =	seq.s32 @!p0 s5, $0x0  }
0x1f: {  	s9 =	smul.u32 $0xF7A, s1;
	s8 =	simm.s32 @!p0 $0x1BF5;
	p2 =	por !p2, p0  }
0x20: {  	[sflag:s8] =	ssyncset.s32 @!p0 $0xFFFFF086;
	s6 =	sadd.s32 @!p0 s3, s7;
	s7 =	simm.s32 @!p0 $0x108  }
0x21: {  	s3 =	sadd.s32 s3, s9;
	s6 =	sadd.s32 @!p0 $0x88, s6;
	s7 =	simm.s32 @p2 $0x1082  }
0x22: {  	[simem:s7], [sflag:s8] =	dma.local @!p0 [hbm:s6], $0xF7A  }
0x23: {  	s9 =	sor.u32 $0xD0000000, s2;
	s6 =	simm.s32 $0x108;
	_ =	swait.ge @!p0 [sflag:s8], $0x0  }
0x24: {  	s3 =	sadd.s32 $0x88, s3;
	s6 =	simm.s32 @!p1 $0x1082;
	[sflag:s4] =	ssyncset.s32 $0xFFFFF086  }
0x25: {  	[simem:s6], [sflag:s4] =	dma.local [hbm:s3], $0xF7A  }
0x26: {  	[smem:$0x3F8E] =	sst s1;
	(tag) =	ssettag s2;
	_ =	strace s9  }
0x27: {  	s1 =	sld [smem:$0x3F9E]  }
0x28: {  	s2 =	sld [smem:$0x3F9F]  }
0x29: {  	s4 =	sld [smem:$0x3FA1]  }
0x2a: {  	p0 =	seq.s32 s5, $0x0;
	s5 =	sld [smem:$0x3FA2]  }
0x2b: {  	s6 =	sld [smem:$0x3FA3]  }
0x2c: {  	s7 =	sld [smem:$0x3FA4]  }
0x2d: {  	s3 =	simm.s32 $0x108;
	s8 =	sld [smem:$0x3FA5]  }
0x2e: {  	s3 =	simm.s32 @!p0 $0x1082;
	s9 =	sld [smem:$0x3FA6]  }
0x2f: {  	lr =	sadd.s32 s0, s3;
	s0 =	sld [smem:$0x3F9D]  }
0x30: {  	s3 =	sld [smem:$0x3FA0]  }
0x31: {  	[smem:$0x3FA9] =	sst s10  }
0x32: {  	s10 =	sld [smem:$0x3FA7];
	_ =	sdelay $0x3  }
0x33: {  	p0 =	seq.s32 s10, $0x1;
	s10 =	sld [smem:$0x3FA9];
	_ =	sdelay $0x3  }
0x34: {  	[smem:$0x3FA9] =	sst s10  }
0x35: {  	s10 =	sld [smem:$0x3FA8];
	_ =	sdelay $0x3  }
0x36: {  	p1 =	seq.s32 s10, $0x1;
	s10 =	sld [smem:$0x3FA9];
	_ =	sdelay $0x3  }
0x37: {  	[smem:$0x3FA9] =	sst s10  }
0x38: {  	s10 =	sld [smem:$0x3FAA]  }
0x39: {  	_ = 	snop;
	(pc) =	sbr.ind lr, $3  }
0x3a: {  	_ = 	snop  }
0x3b: {  	_ = 	snop  }
0x3c: {  	p2 =	seq.s32 s10, $0x1;
	s10 =	sld [smem:$0x3FA9]  }
0x3d: {  	_ =	shalt  }
0x3e: {  	_ =	shalt  }
0x3f: {  	_ =	shalt  }
0x40: {  	_ =	shalt  }
0x41: {  	_ =	shalt  }
0x42: {  	_ =	shalt  }
0x43: {  	_ =	shalt  }
0x44: {  	_ =	shalt  }
0x45: {  	_ =	shalt  }
0x46: {  	_ =	shalt  }
0x47: {  	_ =	shalt  }
0x48: {  	_ =	shalt  }
0x49: {  	_ =	shalt  }
0x4a: {  	_ =	shalt  }
0x4b: {  	_ =	shalt  }
0x4c: {  	_ =	shalt  }
0x4d: {  	_ =	shalt  }
0x4e: {  	_ =	shalt  }
0x4f: {  	_ =	shalt  }
0x50: {  	_ =	shalt  }
0x51: {  	_ =	shalt  }
0x52: {  	_ =	shalt  }
0x53: {  	_ =	shalt  }
0x54: {  	_ =	shalt  }
0x55: {  	_ =	shalt  }
0x56: {  	_ =	shalt  }
0x57: {  	_ =	shalt  }
0x58: {  	_ =	shalt  }
0x59: {  	_ =	shalt  }
0x5a: {  	_ =	shalt  }
0x5b: {  	_ =	shalt  }
0x5c: {  	_ =	shalt  }
0x5d: {  	_ =	shalt  }
0x5e: {  	_ =	shalt  }
0x5f: {  	_ =	shalt  }
0x60: {  	_ =	shalt  }
0x61: {  	_ =	shalt  }
0x62: {  	_ =	shalt  }
0x63: {  	_ =	shalt  }
0x64: {  	_ =	shalt  }
0x65: {  	_ =	shalt  }
0x66: {  	_ =	shalt  }
0x67: {  	_ =	shalt  }
0x68: {  	_ =	shalt  }
0x69: {  	_ =	shalt  }
0x6a: {  	_ =	shalt  }
0x6b: {  	_ =	shalt  }
0x6c: {  	_ =	shalt  }
0x6d: {  	_ =	shalt  }
0x6e: {  	_ =	shalt  }
0x6f: {  	_ =	shalt  }
0x70: {  	_ =	shalt  }
0x71: {  	_ =	shalt  }
0x72: {  	_ =	shalt  }
0x73: {  	_ =	shalt  }
0x74: {  	_ =	shalt  }
0x75: {  	_ =	shalt  }
0x76: {  	_ =	shalt  }
0x77: {  	_ =	shalt  }
0x78: {  	_ =	shalt  }
0x79: {  	_ =	shalt  }
0x7a: {  	_ =	shalt  }
0x7b: {  	_ =	shalt  }
0x7c: {  	_ =	shalt  }
0x7d: {  	_ =	shalt  }
0x7e: {  	_ =	shalt  }
0x7f: {  	_ =	shalt  }
0x80: {  	_ =	shalt  }
0x81: {  	_ =	shalt  }
0x82: {  	_ =	shalt  }
0x83: {  	_ =	shalt  }
0x84: {  	_ =	shalt  }
0x85: {  	_ =	shalt  }
0x86: {  	_ =	shalt  }
0x87: {  	_ =	shalt  }
.Lfunc_end0:
.L_simem_size_0:
called_computation.3_lowered:
.L_overlay_start_0:
0x88: {  	s2 =	sld [smem:$0x3FD9]  }
0x89: {  	s3 =	sld [smem:$0x3FFE];
	_ =	sdelay $0x1  }
0x8a: {  	s1 =	srdreg.scid  }
0x8b: {  	s0 =	sand.u32 $0x1, s1  }
0x8c: {  	s16 =	sshll.u32 s0, $0xA;
	s2 =	sadd.s32 s3, s2  }
0x8d: {  	s2 =	sadd.s32 s2, s16  }
0x8e: {  	[smem:$0x3FB5] =	sst s2  }
0x8f: {  	_ = 	snop  }
0x90: {  	(tm) =	ssettm $0x1  }
0x91: {  	s17 =	sld [smem:$0x3FFB];
	_ =	sdelay $0x3  }
0x92: {  	_ =	strace s17  }
0x93: {  	s2 =	sld [smem:$0x3FFC];
	_ =	sdelay $0x3  }
0x94: {  	_ =	strace s2  }
0x95: {  	s2 =	sld [smem:$0x3FFD];
	_ =	sdelay $0x3  }
0x96: {  	_ =	strace s2  }
0x97: {  	_ =	strace $0x8FFFFFFF  }
0x98: {  	s18 =	sld [smem:$0x3FDB];
	_ =	sdelay $0x1  }
0x99: {  	s19 =	simm.s32 $_scs_section_size  }
0x9a: {  	s4 =	simm.s32 $_size__tile_overlayer_lowered;
	s5 =	simm.s32 $_tile_overlayer_lowered  }
0x9b: {  	s22 =	simm.s32 $0x1BFF;
	s21 =	sshll.u32 s5, $0x1;
	s2 =	sadd.s32 s19, s18  }
0x9c: {  	s6 =	simm.s32 $0x0;
	s20 =	sshll.u32 s4, $0x1;
	s4 =	sadd.s32 s21, s2  }
0x9d: {  	[timem:s6], [sflag:s22] =	dma.local [hbm:s4], s20  }
0x9e: {  	_ =	swait.ge [sflag:s22], s20  }
0x9f: {  	s3 =	ssub.s32 $0x0, s20;
	[sflag:s22] =	ssyncset.done $0x0  }
0xa0: {  	[sflag:s22] =	ssyncadd.s32 s3;
	_ =	sdelay $0x1  }
0xa1: {  	s23 =	simm.s32 $0x1B8B  }
0xa2: {  	_ =	swait.ge [sflag:s23], $0x1  }
0xa3: {  	[sflag:s23] =	ssyncset.done $0x0  }
0xa4: {  	s25 =	simm.s32 $0x1B8E;
	s24 =	sld [smem:$0x3FFE];
	[sflag:s23] =	ssyncadd.s32 $0xFFFFFFFF  }
0xa5: {  	s26 =	simm.s32 $execute0_lowered;
	[smem:$0x3FD2] =	sst s25  }
0xa6: {  	s4 =	sshll.u32 s26, $0x1;
	_ =	strace $0x8000004F;
	[dreg:$0x1] =	wrdreg $0xFFFFFFFF  }
0xa7: {  	s28 =	simm.s32 $_size_execute0_lowered;
	s2 =	sadd.s32 s2, s4;
	[dreg:$0x0] =	wrdreg $0x0  }
0xa8: {  	s4 =	sshll.u32 s28, $0x1;
	[dreg:$0x2] =	wrdreg s2  }
0xa9: {  	[dreg:$0x3] =	wrdreg s4  }
0xaa: {  	[dreg:$0x4] =	wrdreg $0xC0  }
0xab: {  	_ =	task [dreg:s6], $0x5FFFF  }
0xac: {  	[dreg:$0x1] =	wrdreg $0xFFFFFFFF  }
0xad: {  	[dreg:$0x0] =	wrdreg $0x60  }
0xae: {  	[dreg:$0x2] =	wrdreg s24  }
0xaf: {  	[dreg:$0x3] =	wrdreg $0x140000  }
0xb0: {  	[dreg:$0x4] =	wrdreg $0x9  }
0xb1: {  	_ =	task.clear_ibuf [dreg:s6], $0x5FFFF;
	_ =	strace $0x9000004F  }
0xb2: {  	s29 =	simm.s32 $0x9;
	_ =	strace $0x80000051  }
0xb3: {  	_ =	swait.ge [sflag:s29], $0x1  }
0xb4: {  	[sflag:s29] =	ssyncadd.s32 $0xFFFFFFFF  }
0xb5: {  	_ =	strace $0x90000051  }
0xb6: {  	_ =	sfence  }
0xb7: {  	s30 =	sld [smem:$0x0];
	_ =	sdelay $0x2  }
0xb8: {  	s31 =	sshll.u32 s1, $0xD;
	s1 =	sshrl.u32 s1, $0x2  }
0xb9: {  	s3 =	sand.u32 $0x4000, s31;
	s1 =	sadd.s32 s1, s30  }
0xba: {  	s0 =	sor.u32 s3, s0;
	s1 =	sshll.u32 s1, $0x11  }
0xbb: {  	s0 =	sor.u32 s1, s0  }
0xbc: {  	s0 =	sadd.s32 $0x8F2B, s0  }
0xbd: {  	[sflag:s0] =	ssyncadd.remote.s32 $0x1  }
0xbe: {  	_ =	sfence.sel $0xFFFF  }
0xbf: {  	[dreg:$0x0] =	wrdreg $0xFFFFFFFF;
	(pc) =	sbr.abs _section_cstart, $3  }
0xc0: {  	[dreg:$0x1] =	wrdreg $0xFFFFFFFF  }
0xc1: {  	_ =	task.clear_ibuf [dreg:s6], $0x2FFFF;
	_ =	strace $0x9FFFFFFF  }
0xc2: {  	(tm) =	ssettm $0x7FFFFFFF  }
0xc3: {  	_ =	shalt  }
tec
execute0_lowered:
.L_overlay_start_1:
0x0: {  	(tag) =	ssettag $0x1  }
0x1: {  	s0 =	rddreg [dreg:$0x0]  }
0x2: {  	s2 =	rddreg [dreg:$0x1]  }
0x3: {  	s3 =	stileid.u32;
	s4 =	srdreg.scid  }
0x4: {  	s5 =	simm.s32 $0x0;
	s15 =	simm.s32 $0x80;
	s16 =	simm.s32 $0xA000  }
0x5: {  	s17 =	simm.s32 $0xC000;
	s19 =	simm.s32 $0xE000;
	s21 =	simm.s32 $0x10000  }
0x6: {  	s23 =	simm.s32 $0x12000;
	s24 =	simm.s32 $0x1;
	s25 =	simm.s32 $0x2  }
0x7: {  	s28 =	simm.s32 $0x4;
	s29 =	simm.s32 $0x5;
	s30 =	simm.s32 $0x6  }
0x8: {  	s31 =	simm.s32 $0x7;
	s14 =	simm.s32 $0xA;
	s1 =	smul.u32 $0xA00, s3  }
0x9: {  	s22 =	simm.s32 $0x0;
	s10 =	sand.u32 $0x1, s4;
	s7 =	smul.u32 $0xA000, s3  }
0xa: {  	[smem:$0x7FF] =	sst s5;
	s4 =	sadd.s32 $0x5E800, s0;
	s5 =	sadd.s32 $0x4A800, s0  }
0xb: {  	s11 =	sshll.u32 s3, $0x6;
	s6 =	smul.u32 $0xA0000, s10;
	_ =	strace $0x80000050  }
0xc: {  	s9 =	ssub.s32 $0x2, s10;
	p0 =	seq.s32 s10, $0x1;
	s1 =	sadd.s32 s1, s0  }
0xd: {  	s26 =	sshrl.u32 s9, $0x1;
	s13 =	sadd.s32 s7, s2;
	s8 =	sadd.s32 s7, s6  }
.Ltmp0:
0xe: {  	s6 =	sadd.s32 $0xE200, s0;
	s12 =	ssub.s32 s9, s26;
	(pc) =	sbr.rel .LBB2_1-.Ltmp0, $4  }
0xf: {  	s7 =	sor.u32 $0x1C0B, s11;
	s9 =	sadd.s32 $0x4200, s1;
	s26 =	simm.s32 $0x3  }
0x10: {  	s8 =	sshrl.u32 s8, $0x3;
	s11 =	smax.u32 s12, $0x1;
	s12 =	sshrl.u32 s13, $0x3  }
0x11: {  	s13 =	simm.s32 $0xB;
	s0 =	sadd.s32 s8, s0;
	s8 =	sadd.s32 $0x18800, s1  }
0x12: {  	s1 =	simm.s32 $0x9;
	s10 =	sadd.s32 $0x72800, s0;
	s0 =	simm.s32 $0x8  }
.LBB2_7:
0x13: {  	[tilespmem:s23], [sflag:$0x5] =	stream.indirect.gather [hbm4b:s5+s15], $0x40, s20, s15, $0xb8;
	[tilespmem:$0x1E000] =	vst v63  }
.LBB2_8:
0x14: {  	_ =	swait.ge [sflag:s24], $0x2000  }
0x15: {  	[sflag:s24] =	ssyncset.done $0x0  }
0x16: {  	s3 =	simm.s32 $0x9D80;
	[sflag:s24] =	ssyncadd.s32 $0xFFFFE000  }
0x17: {  	[spmem:s2] =	stream.indirect.scatter.add.f32 [tilespmem:s16], [sflag:$0x6], $0x40, s3, s15, $0xb8;
	[tilespmem:$0x1E000] =	vst v63  }
0x18: {  	_ =	swait.ge [sflag:s25], $0x2000  }
0x19: {  	[sflag:s25] =	ssyncset.done $0x0  }
0x1a: {  	s18 =	simm.s32 $0x9E00;
	[sflag:s25] =	ssyncadd.s32 $0xFFFFE000  }
0x1b: {  	[spmem:s2] =	stream.indirect.scatter.add.f32 [tilespmem:s17], [sflag:$0x7], $0x40, s18, s15, $0xb8;
	[tilespmem:$0x1E000] =	vst v63  }
0x1c: {  	_ =	swait.ge [sflag:s26], $0x2000  }
0x1d: {  	[sflag:s26] =	ssyncset.done $0x0  }
0x1e: {  	s20 =	simm.s32 $0x9E80;
	[sflag:s26] =	ssyncadd.s32 $0xFFFFE000  }
0x1f: {  	[spmem:s2] =	stream.indirect.scatter.add.f32 [tilespmem:s19], [sflag:$0x8], $0x40, s20, s15, $0xb8;
	[tilespmem:$0x1E000] =	vst v63  }
0x20: {  	_ =	swait.ge [sflag:s28], $0x2000  }
0x21: {  	[sflag:s28] =	ssyncset.done $0x0  }
0x22: {  	s18 =	simm.s32 $0x9F00;
	[sflag:s28] =	ssyncadd.s32 $0xFFFFE000  }
0x23: {  	[spmem:s2] =	stream.indirect.scatter.add.f32 [tilespmem:s21], [sflag:$0x9], $0x40, s18, s15, $0xb8;
	[tilespmem:$0x1E000] =	vst v63  }
0x24: {  	_ =	swait.ge [sflag:s29], $0x2000  }
0x25: {  	[sflag:s29] =	ssyncset.done $0x0  }
0x26: {  	s20 =	simm.s32 $0x9F80;
	[sflag:s29] =	ssyncadd.s32 $0xFFFFE000  }
0x27: {  	[spmem:s2] =	stream.indirect.scatter.add.f32 [tilespmem:s23], [sflag:$0xA], $0x40, s20, s15, $0xb8;
	[tilespmem:$0x1E000] =	vst v63  }
0x28: {  	_ =	swait.ge [sflag:s30], $0x2000  }
0x29: {  	[sflag:s30] =	ssyncset.done $0x0  }
0x2a: {  	[sflag:s30] =	ssyncadd.s32 $0xFFFFE000  }
0x2b: {  	_ =	swait.ge [sflag:s31], $0x2000  }
0x2c: {  	[sflag:s31] =	ssyncset.done $0x0  }
0x2d: {  	[sflag:s31] =	ssyncadd.s32 $0xFFFFE000  }
0x2e: {  	_ =	swait.ge [sflag:s0], $0x2000  }
0x2f: {  	[sflag:s0] =	ssyncset.done $0x0  }
0x30: {  	[sflag:s0] =	ssyncadd.s32 $0xFFFFE000  }
0x31: {  	_ =	swait.ge [sflag:s1], $0x2000  }
0x32: {  	[sflag:s1] =	ssyncset.done $0x0  }
0x33: {  	[sflag:s1] =	ssyncadd.s32 $0xFFFFE000  }
0x34: {  	_ =	swait.ge [sflag:s14], $0x2000  }
0x35: {  	s22 =	sadd.s32 $0x1, s22;
	[sflag:s14] =	ssyncset.done $0x0  }
0x36: {  	p1 =	sne.s32 s22, s11;
	[sflag:s14] =	ssyncadd.s32 $0xFFFFE000  }
.Ltmp1:
0x37: {  	[bflag:$0x0] =	sbarrier.arrive $0xFFFF;
	(pc) =	sbr.rel @!p1 .LBB2_9-.Ltmp1, $4  }
0x38: {  	[hbm:s10], [sflag:s7] =	dma.local [spmem:s12], $0x1400  }
0x39: {  	_ =	swait.ge [sflag:s13], $0x1400  }
0x3a: {  	[sflag:s13] =	ssyncset.done $0x0  }
0x3b: {  	[sflag:s13] =	ssyncadd.s32 $0xFFFFEC00  }
.LBB2_1:
0x3c: {  	[spmem:s12], [sflag:s7] =	dma.local [hbm:s6], $0x1400  }
0x3d: {  	_ =	swait.ge [sflag:s13], $0x1400  }
0x3e: {  	[sflag:s13] =	ssyncset.done $0x0  }
0x3f: {  	s3 =	simm.s32 $0x0;
	[sflag:s13] =	ssyncadd.s32 $0xFFFFEC00  }
0x40: {  	[tilespmem:s3], [sflag:$0xB] =	stream.linear.gather [hbm4b:s8+s3], $0x5000, $0x38;
	[tilespmem:$0x1E000] =	vst v63  }
0x41: {  	_ =	swait.ge [sflag:s13], $0x5000  }
0x42: {  	[sflag:s13] =	ssyncset.done $0x0  }
0x43: {  	s18 =	simm.s32 $0x5000;
	[sflag:s13] =	ssyncadd.s32 $0xFFFFB000  }
0x44: {  	[tilespmem:s18], [sflag:$0xB] =	stream.linear.gather [hbm4b:s9+s3], $0x5000, $0x38;
	[tilespmem:$0x1E000] =	vst v63  }
.Ltmp2:
0x45: {  	_ =	swait.ge [sflag:s13], $0x5000;
	(pc) =	sbr.rel @!p0 .LBB2_2-.Ltmp2, $3  }
0x46: {  	[sflag:s13] =	ssyncset.done $0x0  }
0x47: {  	[sflag:s13] =	ssyncadd.s32 $0xFFFFB000  }
0x48: {  	[bflag:$0x0] =	sbarrier.arrive $0xFFFF;
	_ =	sdelay $0x1  }
0x49: {  	s3 =	simm.s32 $0x0  }
0x4a: {  	[tilespmem:s16], [sflag:$0x1] =	stream.indirect.gather [hbm4b:s5+s15], $0x40, s3, s15, $0xb8;
	[tilespmem:$0x1E000] =	vst v63  }
0x4b: {  	_ = 	snop  }
0x4c: {  	[tilespmem:s17], [sflag:$0x2] =	stream.indirect.gather [hbm4b:s5+s15], $0x40, s15, s15, $0xb8;
	[tilespmem:$0x1E000] =	vst v63  }
0x4d: {  	s18 =	simm.s32 $0x100  }
0x4e: {  	[tilespmem:s19], [sflag:$0x3] =	stream.indirect.gather [hbm4b:s5+s15], $0x40, s18, s15, $0xb8;
	[tilespmem:$0x1E000] =	vst v63  }
0x4f: {  	s20 =	simm.s32 $0x180  }
0x50: {  	[tilespmem:s21], [sflag:$0x4] =	stream.indirect.gather [hbm4b:s5+s15], $0x40, s20, s15, $0xb8;
	[tilespmem:$0x1E000] =	vst v63  }
0x51: {  	s18 =	simm.s32 $0x200  }
0x52: {  	[tilespmem:s23], [sflag:$0x5] =	stream.indirect.gather [hbm4b:s5+s15], $0x40, s18, s15, $0xb8;
	[tilespmem:$0x1E000] =	vst v63  }
0x53: {  	_ =	swait.ge [sflag:s24], $0x2000  }
0x54: {  	[sflag:s24] =	ssyncset.done $0x0  }
0x55: {  	s20 =	simm.s32 $0x5000;
	[sflag:s24] =	ssyncadd.s32 $0xFFFFE000  }
0x56: {  	[spmem:s2] =	stream.indirect.scatter.add.f32 [tilespmem:s16], [sflag:$0x6], $0x40, s20, s15, $0xb8;
	[tilespmem:$0x1E000] =	vst v63  }
0x57: {  	_ =	swait.ge [sflag:s25], $0x2000  }
0x58: {  	[sflag:s25] =	ssyncset.done $0x0  }
0x59: {  	s18 =	simm.s32 $0x5080;
	[sflag:s25] =	ssyncadd.s32 $0xFFFFE000  }
0x5a: {  	[spmem:s2] =	stream.indirect.scatter.add.f32 [tilespmem:s17], [sflag:$0x7], $0x40, s18, s15, $0xb8;
	[tilespmem:$0x1E000] =	vst v63  }
0x5b: {  	_ =	swait.ge [sflag:s26], $0x2000  }
0x5c: {  	[sflag:s26] =	ssyncset.done $0x0  }
0x5d: {  	s20 =	simm.s32 $0x5100;
	[sflag:s26] =	ssyncadd.s32 $0xFFFFE000  }
0x5e: {  	[spmem:s2] =	stream.indirect.scatter.add.f32 [tilespmem:s19], [sflag:$0x8], $0x40, s20, s15, $0xb8;
	[tilespmem:$0x1E000] =	vst v63  }
0x5f: {  	_ =	swait.ge [sflag:s28], $0x2000  }
0x60: {  	[sflag:s28] =	ssyncset.done $0x0  }
0x61: {  	s18 =	simm.s32 $0x5180;
	[sflag:s28] =	ssyncadd.s32 $0xFFFFE000  }
0x62: {  	[spmem:s2] =	stream.indirect.scatter.add.f32 [tilespmem:s21], [sflag:$0x9], $0x40, s18, s15, $0xb8;
	[tilespmem:$0x1E000] =	vst v63  }
0x63: {  	_ =	swait.ge [sflag:s29], $0x2000  }
0x64: {  	[sflag:s29] =	ssyncset.done $0x0  }
0x65: {  	s20 =	simm.s32 $0x5200;
	[sflag:s29] =	ssyncadd.s32 $0xFFFFE000  }
0x66: {  	[spmem:s2] =	stream.indirect.scatter.add.f32 [tilespmem:s23], [sflag:$0xA], $0x40, s20, s15, $0xb8;
	[tilespmem:$0x1E000] =	vst v63  }
0x67: {  	_ =	swait.ge [sflag:s30], $0x2000  }
0x68: {  	[sflag:s30] =	ssyncset.done $0x0  }
0x69: {  	s18 =	simm.s32 $0x280;
	[sflag:s30] =	ssyncadd.s32 $0xFFFFE000  }
0x6a: {  	[tilespmem:s16], [sflag:$0x1] =	stream.indirect.gather [hbm4b:s5+s15], $0x40, s18, s15, $0xb8;
	[tilespmem:$0x1E000] =	vst v63  }
0x6b: {  	_ =	swait.ge [sflag:s31], $0x2000  }
0x6c: {  	[sflag:s31] =	ssyncset.done $0x0  }
0x6d: {  	s20 =	simm.s32 $0x300;
	[sflag:s31] =	ssyncadd.s32 $0xFFFFE000  }
0x6e: {  	[tilespmem:s17], [sflag:$0x2] =	stream.indirect.gather [hbm4b:s5+s15], $0x40, s20, s15, $0xb8;
	[tilespmem:$0x1E000] =	vst v63  }
0x6f: {  	_ =	swait.ge [sflag:s0], $0x2000  }
0x70: {  	[sflag:s0] =	ssyncset.done $0x0  }
0x71: {  	s18 =	simm.s32 $0x380;
	[sflag:s0] =	ssyncadd.s32 $0xFFFFE000  }
0x72: {  	[tilespmem:s19], [sflag:$0x3] =	stream.indirect.gather [hbm4b:s5+s15], $0x40, s18, s15, $0xb8;
	[tilespmem:$0x1E000] =	vst v63  }
0x73: {  	_ =	swait.ge [sflag:s1], $0x2000  }
0x74: {  	[sflag:s1] =	ssyncset.done $0x0  }
0x75: {  	s20 =	simm.s32 $0x400;
	[sflag:s1] =	ssyncadd.s32 $0xFFFFE000  }
0x76: {  	[tilespmem:s21], [sflag:$0x4] =	stream.indirect.gather [hbm4b:s5+s15], $0x40, s20, s15, $0xb8;
	[tilespmem:$0x1E000] =	vst v63  }
0x77: {  	_ =	swait.ge [sflag:s14], $0x2000  }
0x78: {  	[sflag:s14] =	ssyncset.done $0x0  }
0x79: {  	s18 =	simm.s32 $0xA00;
	s20 =	simm.s32 $0x480;
	[sflag:s14] =	ssyncadd.s32 $0xFFFFE000  }
.LBB2_6:
0x7a: {  	[tilespmem:s23], [sflag:$0x5] =	stream.indirect.gather [hbm4b:s5+s15], $0x40, s20, s15, $0xb8;
	[tilespmem:$0x1E000] =	vst v63  }
0x7b: {  	s3 =	smov.u32 s18  }
0x7c: {  	p1 =	sne.s32 s18, $0x12C00;
	s18 =	sadd.s32 $0xA00, s18;
	_ =	swait.ge [sflag:s24], $0x2000  }
0x7d: {  	s20 =	sshra.s32 s3, $0x2;
	[sflag:s24] =	ssyncset.done $0x0  }
0x7e: {  	s3 =	sadd.s32 $0x5000, s20;
	[sflag:s24] =	ssyncadd.s32 $0xFFFFE000  }
0x7f: {  	[spmem:s2] =	stream.indirect.scatter.add.f32 [tilespmem:s16], [sflag:$0x6], $0x40, s3, s15, $0xb8;
	[tilespmem:$0x1E000] =	vst v63  }
0x80: {  	_ =	swait.ge [sflag:s25], $0x2000  }
0x81: {  	[sflag:s25] =	ssyncset.done $0x0  }
0x82: {  	s3 =	sadd.s32 $0x5080, s20;
	[sflag:s25] =	ssyncadd.s32 $0xFFFFE000  }
0x83: {  	[spmem:s2] =	stream.indirect.scatter.add.f32 [tilespmem:s17], [sflag:$0x7], $0x40, s3, s15, $0xb8;
	[tilespmem:$0x1E000] =	vst v63  }
0x84: {  	_ =	swait.ge [sflag:s26], $0x2000  }
0x85: {  	[sflag:s26] =	ssyncset.done $0x0  }
0x86: {  	s3 =	sadd.s32 $0x5100, s20;
	[sflag:s26] =	ssyncadd.s32 $0xFFFFE000  }
0x87: {  	[spmem:s2] =	stream.indirect.scatter.add.f32 [tilespmem:s19], [sflag:$0x8], $0x40, s3, s15, $0xb8;
	[tilespmem:$0x1E000] =	vst v63  }
0x88: {  	_ =	swait.ge [sflag:s28], $0x2000  }
0x89: {  	[sflag:s28] =	ssyncset.done $0x0  }
0x8a: {  	s3 =	sadd.s32 $0x5180, s20;
	[sflag:s28] =	ssyncadd.s32 $0xFFFFE000  }
0x8b: {  	[spmem:s2] =	stream.indirect.scatter.add.f32 [tilespmem:s21], [sflag:$0x9], $0x40, s3, s15, $0xb8;
	[tilespmem:$0x1E000] =	vst v63  }
0x8c: {  	_ =	swait.ge [sflag:s29], $0x2000  }
0x8d: {  	[sflag:s29] =	ssyncset.done $0x0  }
0x8e: {  	s3 =	sadd.s32 $0x5200, s20;
	[sflag:s29] =	ssyncadd.s32 $0xFFFFE000  }
0x8f: {  	[spmem:s2] =	stream.indirect.scatter.add.f32 [tilespmem:s23], [sflag:$0xA], $0x40, s3, s15, $0xb8;
	[tilespmem:$0x1E000] =	vst v63  }
0x90: {  	_ =	swait.ge [sflag:s30], $0x2000  }
0x91: {  	[sflag:s30] =	ssyncset.done $0x0  }
0x92: {  	s3 =	sadd.s32 $0x280, s20;
	[sflag:s30] =	ssyncadd.s32 $0xFFFFE000  }
0x93: {  	[tilespmem:s16], [sflag:$0x1] =	stream.indirect.gather [hbm4b:s5+s15], $0x40, s3, s15, $0xb8;
	[tilespmem:$0x1E000] =	vst v63  }
0x94: {  	_ =	swait.ge [sflag:s31], $0x2000  }
0x95: {  	[sflag:s31] =	ssyncset.done $0x0  }
0x96: {  	s3 =	sadd.s32 $0x300, s20;
	[sflag:s31] =	ssyncadd.s32 $0xFFFFE000  }
0x97: {  	[tilespmem:s17], [sflag:$0x2] =	stream.indirect.gather [hbm4b:s5+s15], $0x40, s3, s15, $0xb8;
	[tilespmem:$0x1E000] =	vst v63  }
0x98: {  	_ =	swait.ge [sflag:s0], $0x2000  }
0x99: {  	[sflag:s0] =	ssyncset.done $0x0  }
0x9a: {  	s3 =	sadd.s32 $0x380, s20;
	[sflag:s0] =	ssyncadd.s32 $0xFFFFE000  }
0x9b: {  	[tilespmem:s19], [sflag:$0x3] =	stream.indirect.gather [hbm4b:s5+s15], $0x40, s3, s15, $0xb8;
	[tilespmem:$0x1E000] =	vst v63  }
0x9c: {  	_ =	swait.ge [sflag:s1], $0x2000  }
0x9d: {  	[sflag:s1] =	ssyncset.done $0x0  }
.Ltmp3:
0x9e: {  	s3 =	sadd.s32 $0x400, s20;
	[sflag:s1] =	ssyncadd.s32 $0xFFFFE000;
	(pc) =	sbr.rel @p1 .LBB2_6-.Ltmp3, $4  }
0x9f: {  	[tilespmem:s21], [sflag:$0x4] =	stream.indirect.gather [hbm4b:s5+s15], $0x40, s3, s15, $0xb8;
	[tilespmem:$0x1E000] =	vst v63  }
0xa0: {  	_ =	swait.ge [sflag:s14], $0x2000  }
0xa1: {  	[sflag:s14] =	ssyncset.done $0x0  }
0xa2: {  	s20 =	sadd.s32 $0x480, s20;
	[sflag:s14] =	ssyncadd.s32 $0xFFFFE000  }
.Ltmp4:
0xa3: {  	_ = 	snop;
	(pc) =	sbr.rel .LBB2_7-.Ltmp4, $1  }
0xa4: {  	_ =	sdelay $0x3  }
.LBB2_2:
0xa5: {  	s18 =	simm.s32 $0x0  }
0xa6: {  	[tilespmem:s16], [sflag:$0x1] =	stream.indirect.gather [hbm4b:s4+s15], $0x40, s18, s15, $0xb8;
	[tilespmem:$0x1E000] =	vst v63  }
0xa7: {  	_ = 	snop  }
0xa8: {  	[tilespmem:s17], [sflag:$0x2] =	stream.indirect.gather [hbm4b:s4+s15], $0x40, s15, s15, $0xb8;
	[tilespmem:$0x1E000] =	vst v63  }
0xa9: {  	s3 =	simm.s32 $0x100  }
0xaa: {  	[tilespmem:s19], [sflag:$0x3] =	stream.indirect.gather [hbm4b:s4+s15], $0x40, s3, s15, $0xb8;
	[tilespmem:$0x1E000] =	vst v63  }
0xab: {  	s20 =	simm.s32 $0x180  }
0xac: {  	[tilespmem:s21], [sflag:$0x4] =	stream.indirect.gather [hbm4b:s4+s15], $0x40, s20, s15, $0xb8;
	[tilespmem:$0x1E000] =	vst v63  }
0xad: {  	s18 =	simm.s32 $0x200  }
0xae: {  	[tilespmem:s23], [sflag:$0x5] =	stream.indirect.gather [hbm4b:s4+s15], $0x40, s18, s15, $0xb8;
	[tilespmem:$0x1E000] =	vst v63  }
0xaf: {  	_ =	swait.ge [sflag:s24], $0x2000  }
0xb0: {  	[sflag:s24] =	ssyncset.done $0x0  }
0xb1: {  	s20 =	simm.s32 $0x5000;
	[sflag:s24] =	ssyncadd.s32 $0xFFFFE000  }
0xb2: {  	[spmem:s2] =	stream.indirect.scatter.add.f32 [tilespmem:s16], [sflag:$0x6], $0x40, s20, s15, $0xb8;
	[tilespmem:$0x1E000] =	vst v63  }
0xb3: {  	_ =	swait.ge [sflag:s25], $0x2000  }
0xb4: {  	[sflag:s25] =	ssyncset.done $0x0  }
0xb5: {  	s3 =	simm.s32 $0x5080;
	[sflag:s25] =	ssyncadd.s32 $0xFFFFE000  }
0xb6: {  	[spmem:s2] =	stream.indirect.scatter.add.f32 [tilespmem:s17], [sflag:$0x7], $0x40, s3, s15, $0xb8;
	[tilespmem:$0x1E000] =	vst v63  }
0xb7: {  	_ =	swait.ge [sflag:s26], $0x2000  }
0xb8: {  	[sflag:s26] =	ssyncset.done $0x0  }
0xb9: {  	s20 =	simm.s32 $0x5100;
	[sflag:s26] =	ssyncadd.s32 $0xFFFFE000  }
0xba: {  	[spmem:s2] =	stream.indirect.scatter.add.f32 [tilespmem:s19], [sflag:$0x8], $0x40, s20, s15, $0xb8;
	[tilespmem:$0x1E000] =	vst v63  }
0xbb: {  	_ =	swait.ge [sflag:s28], $0x2000  }
0xbc: {  	[sflag:s28] =	ssyncset.done $0x0  }
0xbd: {  	s3 =	simm.s32 $0x5180;
	[sflag:s28] =	ssyncadd.s32 $0xFFFFE000  }
0xbe: {  	[spmem:s2] =	stream.indirect.scatter.add.f32 [tilespmem:s21], [sflag:$0x9], $0x40, s3, s15, $0xb8;
	[tilespmem:$0x1E000] =	vst v63  }
0xbf: {  	_ =	swait.ge [sflag:s29], $0x2000  }
0xc0: {  	[sflag:s29] =	ssyncset.done $0x0  }
0xc1: {  	s20 =	simm.s32 $0x5200;
	[sflag:s29] =	ssyncadd.s32 $0xFFFFE000  }
0xc2: {  	[spmem:s2] =	stream.indirect.scatter.add.f32 [tilespmem:s23], [sflag:$0xA], $0x40, s20, s15, $0xb8;
	[tilespmem:$0x1E000] =	vst v63  }
0xc3: {  	_ =	swait.ge [sflag:s30], $0x2000  }
0xc4: {  	[sflag:s30] =	ssyncset.done $0x0  }
0xc5: {  	s3 =	simm.s32 $0x280;
	[sflag:s30] =	ssyncadd.s32 $0xFFFFE000  }
0xc6: {  	[tilespmem:s16], [sflag:$0x1] =	stream.indirect.gather [hbm4b:s4+s15], $0x40, s3, s15, $0xb8;
	[tilespmem:$0x1E000] =	vst v63  }
0xc7: {  	_ =	swait.ge [sflag:s31], $0x2000  }
0xc8: {  	[sflag:s31] =	ssyncset.done $0x0  }
0xc9: {  	s20 =	simm.s32 $0x300;
	[sflag:s31] =	ssyncadd.s32 $0xFFFFE000  }
0xca: {  	[tilespmem:s17], [sflag:$0x2] =	stream.indirect.gather [hbm4b:s4+s15], $0x40, s20, s15, $0xb8;
	[tilespmem:$0x1E000] =	vst v63  }
0xcb: {  	_ =	swait.ge [sflag:s0], $0x2000  }
0xcc: {  	[sflag:s0] =	ssyncset.done $0x0  }
0xcd: {  	s3 =	simm.s32 $0x380;
	[sflag:s0] =	ssyncadd.s32 $0xFFFFE000  }
0xce: {  	[tilespmem:s19], [sflag:$0x3] =	stream.indirect.gather [hbm4b:s4+s15], $0x40, s3, s15, $0xb8;
	[tilespmem:$0x1E000] =	vst v63  }
0xcf: {  	_ =	swait.ge [sflag:s1], $0x2000  }
0xd0: {  	[sflag:s1] =	ssyncset.done $0x0  }
0xd1: {  	s20 =	simm.s32 $0x400;
	[sflag:s1] =	ssyncadd.s32 $0xFFFFE000  }
0xd2: {  	[tilespmem:s21], [sflag:$0x4] =	stream.indirect.gather [hbm4b:s4+s15], $0x40, s20, s15, $0xb8;
	[tilespmem:$0x1E000] =	vst v63  }
0xd3: {  	_ =	swait.ge [sflag:s14], $0x2000  }
0xd4: {  	[sflag:s14] =	ssyncset.done $0x0  }
0xd5: {  	s18 =	simm.s32 $0xA00;
	s20 =	simm.s32 $0x480;
	[sflag:s14] =	ssyncadd.s32 $0xFFFFE000  }
.LBB2_3:
0xd6: {  	[tilespmem:s23], [sflag:$0x5] =	stream.indirect.gather [hbm4b:s4+s15], $0x40, s20, s15, $0xb8;
	[tilespmem:$0x1E000] =	vst v63  }
0xd7: {  	s20 =	smov.u32 s18  }
0xd8: {  	p1 =	seq.s32 s18, $0x12C00;
	s18 =	sadd.s32 $0xA00, s18;
	_ =	swait.ge [sflag:s24], $0x2000  }
0xd9: {  	s20 =	sshra.s32 s20, $0x2;
	[sflag:s24] =	ssyncset.done $0x0  }
0xda: {  	s3 =	sadd.s32 $0x5000, s20;
	[sflag:s24] =	ssyncadd.s32 $0xFFFFE000  }
0xdb: {  	[spmem:s2] =	stream.indirect.scatter.add.f32 [tilespmem:s16], [sflag:$0x6], $0x40, s3, s15, $0xb8;
	[tilespmem:$0x1E000] =	vst v63  }
0xdc: {  	_ =	swait.ge [sflag:s25], $0x2000  }
0xdd: {  	[sflag:s25] =	ssyncset.done $0x0  }
0xde: {  	s3 =	sadd.s32 $0x5080, s20;
	[sflag:s25] =	ssyncadd.s32 $0xFFFFE000  }
0xdf: {  	[spmem:s2] =	stream.indirect.scatter.add.f32 [tilespmem:s17], [sflag:$0x7], $0x40, s3, s15, $0xb8;
	[tilespmem:$0x1E000] =	vst v63  }
0xe0: {  	_ =	swait.ge [sflag:s26], $0x2000  }
0xe1: {  	[sflag:s26] =	ssyncset.done $0x0  }
0xe2: {  	s3 =	sadd.s32 $0x5100, s20;
	[sflag:s26] =	ssyncadd.s32 $0xFFFFE000  }
0xe3: {  	[spmem:s2] =	stream.indirect.scatter.add.f32 [tilespmem:s19], [sflag:$0x8], $0x40, s3, s15, $0xb8;
	[tilespmem:$0x1E000] =	vst v63  }
0xe4: {  	_ =	swait.ge [sflag:s28], $0x2000  }
0xe5: {  	[sflag:s28] =	ssyncset.done $0x0  }
0xe6: {  	s3 =	sadd.s32 $0x5180, s20;
	[sflag:s28] =	ssyncadd.s32 $0xFFFFE000  }
0xe7: {  	[spmem:s2] =	stream.indirect.scatter.add.f32 [tilespmem:s21], [sflag:$0x9], $0x40, s3, s15, $0xb8;
	[tilespmem:$0x1E000] =	vst v63  }
0xe8: {  	_ =	swait.ge [sflag:s29], $0x2000  }
0xe9: {  	[sflag:s29] =	ssyncset.done $0x0  }
0xea: {  	s3 =	sadd.s32 $0x5200, s20;
	[sflag:s29] =	ssyncadd.s32 $0xFFFFE000  }
0xeb: {  	[spmem:s2] =	stream.indirect.scatter.add.f32 [tilespmem:s23], [sflag:$0xA], $0x40, s3, s15, $0xb8;
	[tilespmem:$0x1E000] =	vst v63  }
0xec: {  	_ =	swait.ge [sflag:s30], $0x2000  }
0xed: {  	[sflag:s30] =	ssyncset.done $0x0  }
0xee: {  	s3 =	sadd.s32 $0x280, s20;
	[sflag:s30] =	ssyncadd.s32 $0xFFFFE000  }
0xef: {  	[tilespmem:s16], [sflag:$0x1] =	stream.indirect.gather [hbm4b:s4+s15], $0x40, s3, s15, $0xb8;
	[tilespmem:$0x1E000] =	vst v63  }
0xf0: {  	_ =	swait.ge [sflag:s31], $0x2000  }
0xf1: {  	[sflag:s31] =	ssyncset.done $0x0  }
0xf2: {  	s3 =	sadd.s32 $0x300, s20;
	[sflag:s31] =	ssyncadd.s32 $0xFFFFE000  }
0xf3: {  	[tilespmem:s17], [sflag:$0x2] =	stream.indirect.gather [hbm4b:s4+s15], $0x40, s3, s15, $0xb8;
	[tilespmem:$0x1E000] =	vst v63  }
0xf4: {  	_ =	swait.ge [sflag:s0], $0x2000  }
0xf5: {  	[sflag:s0] =	ssyncset.done $0x0  }
0xf6: {  	s3 =	sadd.s32 $0x380, s20;
	[sflag:s0] =	ssyncadd.s32 $0xFFFFE000  }
0xf7: {  	[tilespmem:s19], [sflag:$0x3] =	stream.indirect.gather [hbm4b:s4+s15], $0x40, s3, s15, $0xb8;
	[tilespmem:$0x1E000] =	vst v63  }
0xf8: {  	_ =	swait.ge [sflag:s1], $0x2000  }
0xf9: {  	[sflag:s1] =	ssyncset.done $0x0  }
.Ltmp5:
0xfa: {  	s3 =	sadd.s32 $0x400, s20;
	[sflag:s1] =	ssyncadd.s32 $0xFFFFE000;
	(pc) =	sbr.rel @!p1 .LBB2_3-.Ltmp5, $4  }
0xfb: {  	[tilespmem:s21], [sflag:$0x4] =	stream.indirect.gather [hbm4b:s4+s15], $0x40, s3, s15, $0xb8;
	[tilespmem:$0x1E000] =	vst v63  }
0xfc: {  	_ =	swait.ge [sflag:s14], $0x2000  }
0xfd: {  	[sflag:s14] =	ssyncset.done $0x0  }
0xfe: {  	s20 =	sadd.s32 $0x480, s20;
	[sflag:s14] =	ssyncadd.s32 $0xFFFFE000  }
.Ltmp6:
0xff: {  	(pc) =	sbr.rel .LBB2_8-.Ltmp6, $2  }
0x100: {  	_ =	sdelay $0x2  }
0x101: {  	[tilespmem:s23], [sflag:$0x5] =	stream.indirect.gather [hbm4b:s4+s15], $0x40, s20, s15, $0xb8;
	[tilespmem:$0x1E000] =	vst v63  }
.LBB2_9:
0x102: {  	_ =	sfence.sel $0x180000  }
0x103: {  	[bflag:$0x0] =	sbarrier.arrive $0xFFFF  }
0x104: {  	_ =	strace $0x90000050  }
0x105: {  	s0 =	stileid.u32;
	[bflag:$0x2] =	sbarrier.arrive $0xFFFF  }
0x106: {  	p0 =	sne.s32 s0, $0x0;
	s0 =	rddreg [dreg:$0x2]  }
0x107: {  	s0 =	sadd.s32 @!p0 $0x100000, s0  }
0x108: {  	[sflag:s0] =	ssyncadd.tile.s32 @!p0 $0x1;
	_ =	shalt  }
.Lfunc_end2:
_tile_overlayer_lowered:
.L_overlay_start_2:
0x109: {  	(tag) =	ssettag $0x2  }
0x10a: {  	s0 =	rddreg [dreg:$0x0];
	s2 =	stileid.u32  }
0x10b: {  	s1 =	rddreg [dreg:$0x1];
	p0 =	sne.s32 s2, $0x0  }
0x10c: {  	s3 =	rddreg [dreg:$0x2];
	[bflag:$0x3] =	sbarrier.arrive $0xFFFF;
	s2 =	simm.s32 @!p0 $0x1C0B  }
0x10d: {  	[timem:s3], [sflag:s2] =	dma.local @!p0 [hbm:s0], s1  }
0x10e: {  	s0 =	simm.s32 @!p0 $0xB  }
0x10f: {  	_ =	swait.ge @!p0 [sflag:s0], s1  }
0x110: {  	s1 =	ssub.s32 @!p0 $0x0, s1;
	[sflag:s0] =	ssyncset.done @!p0 $0x0  }
0x111: {  	[sflag:s0] =	ssyncadd.s32 @!p0 s1  }
0x112: {  	[bflag:$0x3] =	sbarrier.arrive $0xFFFF  }
0x113: {  	_ =	shalt  }

</sc_bundles>
